<compile_context>
chip_gen: v7x
topology: tpu7x:2x2x1
jax: 0.10.2.dev20260603
libtpu: 0.0.44.dev20260713+nightly
codegen_flags: <defaults>
</compile_context>

<pallas_src>
import jax
import jax.numpy as jnp
from jax import lax
from jax.experimental import pallas as pl
from jax.experimental.pallas import tpu as pltpu
from jax.experimental.pallas import tpu_sc as plsc

_BATCH = 16384
_D = 32
_NC = 2
_NS = 16
_NW = _NC * _NS
_BPW = _BATCH // _NW
_G = 4
_NG = _BPW // _G
_NB = 2
_L = 16


def _body(uidx_hbm, iidx_hbm, utab_hbm, itab_hbm, out_hbm,
          uidx_v, iidx_v, ucols_v, icols_v, out_v, sem):
    c = lax.axis_index("c")
    s = lax.axis_index("s")
    wid = s * _NC + c
    base = wid * _BPW

    pltpu.sync_copy(uidx_hbm.at[pl.ds(base, _BPW)], uidx_v.at[pl.ds(0, _BPW)])
    pltpu.sync_copy(iidx_hbm.at[pl.ds(base, _BPW)], iidx_v.at[pl.ds(0, _BPW)])

    lanes = lax.iota(jnp.int32, _L)

    def fire(g, parity):
        u16 = uidx_v[pl.ds(g * _G, _L)]
        i16 = iidx_v[pl.ds(g * _G, _L)]
        for rr in range(_G):
            cu = (u16[rr] // 128) * 128
            ci = (i16[rr] // 128) * 128
            for b in range(_D // 8):
                pltpu.async_copy(
                    utab_hbm.at[pl.ds(8 * b, 8),
                                pl.ds(pl.multiple_of(cu, 128), 128)],
                    ucols_v.at[parity, rr, pl.ds(8 * b, 8)], sem)
                pltpu.async_copy(
                    itab_hbm.at[pl.ds(8 * b, 8),
                                pl.ds(pl.multiple_of(ci, 128), 128)],
                    icols_v.at[parity, rr, pl.ds(8 * b, 8)], sem)

    def group(g, parity):
        @pl.when(g < _NG - (_NB - 1))
        def _():
            fire(g + _NB - 1, (parity + _NB - 1) % _NB)
        pltpu.make_async_copy(
            utab_hbm.at[pl.ds(0, _G * _D), pl.ds(0, 128)],
            ucols_v.at[parity], sem).wait()
        pltpu.make_async_copy(
            itab_hbm.at[pl.ds(0, _G * _D), pl.ds(0, 128)],
            icols_v.at[parity], sem).wait()
        u16 = uidx_v[pl.ds(g * _G, _L)]
        i16 = iidx_v[pl.ds(g * _G, _L)]
        rowsel = lanes & (_G - 1)
        acc = jnp.zeros((_L,), jnp.float32)
        for d in range(_D):
            dsel = jnp.full((_L,), d, jnp.int32)
            u = plsc.load_gather(ucols_v.at[parity], [rowsel, dsel, u16 & 127])
            v = plsc.load_gather(icols_v.at[parity], [rowsel, dsel, i16 & 127])
            acc = acc + u * v
        plsc.store_scatter(out_v, [g * _G + lanes], acc, mask=lanes < _G)

    for p in range(_NB - 1):
        fire(p, p)

    def block(b, carry):
        for p in range(_NB):
            group(b * _NB + p, p)
        return carry

    lax.fori_loop(0, _NG // _NB, block, 0)
    pltpu.sync_copy(out_v, out_hbm.at[pl.ds(base, _BPW)])


@jax.jit
def kernel(user_indices, item_indices, user_table, item_table):
    uidx = user_indices.astype(jnp.int32)
    iidx = item_indices.astype(jnp.int32)
    mesh = plsc.VectorSubcoreMesh(core_axis_name="c", subcore_axis_name="s")
    f = pl.kernel(
        _body,
        out_type=jax.ShapeDtypeStruct((_BATCH,), jnp.float32),
        mesh=mesh,
        compiler_params=pltpu.CompilerParams(
            needs_layout_passes=False, use_tc_tiling_on_sc=True),
        scratch_types=[
            pltpu.VMEM((_BPW + _L,), jnp.int32),
            pltpu.VMEM((_BPW + _L,), jnp.int32),
            pltpu.VMEM((_NB, _G, _D, 128), jnp.float32),
            pltpu.VMEM((_NB, _G, _D, 128), jnp.float32),
            pltpu.VMEM((_BPW,), jnp.float32),
            pltpu.SemaphoreType.DMA,
        ],
    )
    return f(uidx, iidx, user_table.T, item_table.T)

# --- scband reference (transcript-rebuilt; emitter-appended) ---
"""Pipeline reference for scband-matrix-factorization-73770358276227 (READ-ONLY COPY).

The authoritative reference and input builder live on the scoring server;
editing this copy changes nothing except your own understanding.
"""

import jax, jax.numpy as jnp
import numpy as np

NUM_USERS = 1000000
NUM_ITEMS = 1000000
EMBED_DIM = 32
BATCH = 16384

def setup_inputs(seed: int = 0) -> dict:
    key = jax.random.key(seed)
    k1, k2, k3, k4 = jax.random.split(key, 4)
    user_indices = jax.random.randint(k1, (BATCH,), 0, NUM_USERS, dtype=jnp.int64) if jax.config.jax_enable_x64 else jax.random.randint(k1, (BATCH,), 0, NUM_USERS, dtype=jnp.int32)
    item_indices = jax.random.randint(k2, (BATCH,), 0, NUM_ITEMS, dtype=jnp.int32)
    user_table = jax.random.uniform(k3, (NUM_USERS, EMBED_DIM), dtype=jnp.float32, minval=0.0, maxval=0.05)
    item_table = jax.random.uniform(k4, (NUM_ITEMS, EMBED_DIM), dtype=jnp.float32, minval=0.0, maxval=0.05)
    return {"user_indices": user_indices, "item_indices": item_indices, "user_table": user_table, "item_table": item_table}

def reference(user_indices, item_indices, user_table, item_table):
    user_vector = jnp.take(user_table, user_indices, axis=0)
    item_vector = jnp.take(item_table, item_indices, axis=0)
    rating = (user_vector * item_vector).sum(axis=1)
    return rating

if __name__ == "__main__":
    import jax
    _d = setup_inputs()
    print(jax.jit(kernel)(*tuple(_d.values())))

</pallas_src>

<mosaic_0001>
#map = affine_map<(d0, d1) -> (0)>
#map1 = affine_map<(d0, d1) -> (0, 0)>
module attributes {stable_mosaic.version = 14 : i64} {
  func.func @_body(%arg0: i32, %arg1: i32, %arg2: memref<16384xi32, #tpu.memory_space<hbm>>, %arg3: memref<16384xi32, #tpu.memory_space<hbm>>, %arg4: memref<32x1000000xf32, #tpu.memory_space<hbm>>, %arg5: memref<32x1000000xf32, #tpu.memory_space<hbm>>, %arg6: memref<16384xf32, #tpu.memory_space<hbm>>, %arg7: memref<528xi32, #tpu.memory_space<vmem>>, %arg8: memref<528xi32, #tpu.memory_space<vmem>>, %arg9: memref<2x4x32x128xf32, #tpu.memory_space<vmem>>, %arg10: memref<2x4x32x128xf32, #tpu.memory_space<vmem>>, %arg11: memref<512xf32, #tpu.memory_space<vmem>>, %arg12: memref<!tpu.dma_semaphore, #tpu.memory_space<semaphore_mem>>) attributes {dimension_semantics = [#tpu.dimension_semantics<core_parallel>, #tpu.dimension_semantics<subcore_parallel>], iteration_bounds = array<i64: 2, 16>, scalar_prefetch = 0 : i64, scratch_operands = 6 : i64, tpu.core_type = #tpu.core_type<sc_vector_subcore>, window_params = [{transform_indices = #map}, {transform_indices = #map}, {transform_indices = #map1}, {transform_indices = #map1}, {transform_indices = #map}]} {
    %mul3A = arith.constant 2 : i32
    %mul3A_0 = arith.muli %arg1, %mul3A : i32
    %add3A = arith.addi %mul3A_0, %arg0 : i32
    %mul3A_1 = arith.constant 512 : i32
    %mul3A_2 = arith.muli %add3A, %mul3A_1 : i32
    "tpu.region"() ({
      %run_scoped3A = tpu.sem_alloc : memref<!tpu.dma_semaphore, #tpu.memory_space<semaphore_mem>>
      %dma_start3A_703 = arith.constant 0 : i32
      %dma_start3A_704 = tpu.memref_slice %arg7[%dma_start3A_703] : memref<528xi32, #tpu.memory_space<vmem>> -> memref<512xi32, #tpu.memory_space<vmem>>
      %dma_start3A_705 = tpu.memref_slice %arg2[%mul3A_2] : memref<16384xi32, #tpu.memory_space<hbm>> -> memref<512xi32, #tpu.memory_space<hbm>>
      %dma_start3A_706 = arith.constant 0 : i32
      %dma_start3A_707 = tpu.memref_slice %arg7[%dma_start3A_706] : memref<528xi32, #tpu.memory_space<vmem>> -> memref<512xi32, #tpu.memory_space<vmem>>
      %dma_start3A_708 = tpu.memref_slice %arg2[%mul3A_2] : memref<16384xi32, #tpu.memory_space<hbm>> -> memref<512xi32, #tpu.memory_space<hbm>>
      tpu.enqueue_dma source(%dma_start3A_708 : memref<512xi32, #tpu.memory_space<hbm>>) target(%dma_start3A_707 : memref<512xi32, #tpu.memory_space<vmem>>) target_semaphore(%run_scoped3A : memref<!tpu.dma_semaphore, #tpu.memory_space<semaphore_mem>>)
      %dma_wait3A = arith.constant 0 : i32
      %dma_wait3A_709 = tpu.memref_slice %arg7[%dma_wait3A] : memref<528xi32, #tpu.memory_space<vmem>> -> memref<512xi32, #tpu.memory_space<vmem>>
      %dma_wait3A_710 = tpu.memref_slice %arg2[%mul3A_2] : memref<16384xi32, #tpu.memory_space<hbm>> -> memref<512xi32, #tpu.memory_space<hbm>>
      %dma_wait3A_711 = arith.constant 0 : i32
      %dma_wait3A_712 = tpu.memref_slice %arg7[%dma_wait3A_711] : memref<528xi32, #tpu.memory_space<vmem>> -> memref<512xi32, #tpu.memory_space<vmem>>
      %dma_wait3A_713 = tpu.memref_slice %arg2[%mul3A_2] : memref<16384xi32, #tpu.memory_space<hbm>> -> memref<512xi32, #tpu.memory_space<hbm>>
      tpu.wait_dma2 semaphore(%run_scoped3A : memref<!tpu.dma_semaphore, #tpu.memory_space<semaphore_mem>>) src(%dma_wait3A_713 : memref<512xi32, #tpu.memory_space<hbm>>) dst(%dma_wait3A_712 : memref<512xi32, #tpu.memory_space<vmem>>)
      tpu.yield
    }) : () -> ()
    "tpu.region"() ({
      %run_scoped3A = tpu.sem_alloc : memref<!tpu.dma_semaphore, #tpu.memory_space<semaphore_mem>>
      %dma_start3A_703 = arith.constant 0 : i32
      %dma_start3A_704 = tpu.memref_slice %arg8[%dma_start3A_703] : memref<528xi32, #tpu.memory_space<vmem>> -> memref<512xi32, #tpu.memory_space<vmem>>
      %dma_start3A_705 = tpu.memref_slice %arg3[%mul3A_2] : memref<16384xi32, #tpu.memory_space<hbm>> -> memref<512xi32, #tpu.memory_space<hbm>>
      %dma_start3A_706 = arith.constant 0 : i32
      %dma_start3A_707 = tpu.memref_slice %arg8[%dma_start3A_706] : memref<528xi32, #tpu.memory_space<vmem>> -> memref<512xi32, #tpu.memory_space<vmem>>
      %dma_start3A_708 = tpu.memref_slice %arg3[%mul3A_2] : memref<16384xi32, #tpu.memory_space<hbm>> -> memref<512xi32, #tpu.memory_space<hbm>>
      tpu.enqueue_dma source(%dma_start3A_708 : memref<512xi32, #tpu.memory_space<hbm>>) target(%dma_start3A_707 : memref<512xi32, #tpu.memory_space<vmem>>) target_semaphore(%run_scoped3A : memref<!tpu.dma_semaphore, #tpu.memory_space<semaphore_mem>>)
      %dma_wait3A = arith.constant 0 : i32
      %dma_wait3A_709 = tpu.memref_slice %arg8[%dma_wait3A] : memref<528xi32, #tpu.memory_space<vmem>> -> memref<512xi32, #tpu.memory_space<vmem>>
      %dma_wait3A_710 = tpu.memref_slice %arg3[%mul3A_2] : memref<16384xi32, #tpu.memory_space<hbm>> -> memref<512xi32, #tpu.memory_space<hbm>>
      %dma_wait3A_711 = arith.constant 0 : i32
      %dma_wait3A_712 = tpu.memref_slice %arg8[%dma_wait3A_711] : memref<528xi32, #tpu.memory_space<vmem>> -> memref<512xi32, #tpu.memory_space<vmem>>
      %dma_wait3A_713 = tpu.memref_slice %arg3[%mul3A_2] : memref<16384xi32, #tpu.memory_space<hbm>> -> memref<512xi32, #tpu.memory_space<hbm>>
      tpu.wait_dma2 semaphore(%run_scoped3A : memref<!tpu.dma_semaphore, #tpu.memory_space<semaphore_mem>>) src(%dma_wait3A_713 : memref<512xi32, #tpu.memory_space<hbm>>) dst(%dma_wait3A_712 : memref<512xi32, #tpu.memory_space<vmem>>)
      tpu.yield
    }) : () -> ()
    %iota3A = tpu.iota {dimensions = array<i32: 0>} : vector<16xi32>
    %get3A = arith.constant 0 : index
    %get3A_3 = tpu.vector_load %arg7[%get3A] {strides = array<i32>} : memref<528xi32, #tpu.memory_space<vmem>>, vector<16xi32>,
    %get3A_4 = arith.constant 0 : index
    %get3A_5 = tpu.vector_load %arg8[%get3A_4] {strides = array<i32>} : memref<528xi32, #tpu.memory_space<vmem>>, vector<16xi32>,
    %slice3A = vector.extract_strided_slice %get3A_3 {offsets = [0], sizes = [1], strides = [1]} : vector<16xi32> to vector<1xi32>
    %squeeze3A = vector.extract %slice3A[0] : i32 from vector<1xi32>
    %jit3A = arith.constant 128 : i32
    %div3A = arith.divsi %squeeze3A, %jit3A : i32
    %sign3A = arith.constant 0 : i32
    %sign3A_6 = arith.cmpi sgt, %squeeze3A, %sign3A : i32
    %sign3A_7 = arith.extui %sign3A_6 : i1 to i32
    %sign3A_8 = arith.constant 0 : i32
    %sign3A_9 = arith.cmpi slt, %squeeze3A, %sign3A_8 : i32
    %sign3A_10 = arith.extui %sign3A_9 : i1 to i32
    %sign3A_11 = arith.subi %sign3A_7, %sign3A_10 : i32
    %sign3A_12 = arith.constant 0 : i32
    %sign3A_13 = arith.cmpi sgt, %jit3A, %sign3A_12 : i32
    %sign3A_14 = arith.extui %sign3A_13 : i1 to i32
    %sign3A_15 = arith.constant 0 : i32
    %sign3A_16 = arith.cmpi slt, %jit3A, %sign3A_15 : i32
    %sign3A_17 = arith.extui %sign3A_16 : i1 to i32
    %sign3A_18 = arith.subi %sign3A_14, %sign3A_17 : i32
    %ne3A = arith.cmpi ne, %sign3A_11, %sign3A_18 : i32
    %rem3A = arith.remsi %squeeze3A, %jit3A : i32
    %ne3A_19 = arith.constant 0 : i32
    %ne3A_20 = arith.cmpi ne, %rem3A, %ne3A_19 : i32
    %and3A = arith.andi %ne3A, %ne3A_20 : i1
    %sub3A = arith.constant 1 : i32
    %sub3A_21 = arith.subi %div3A, %sub3A : i32
    %select_n3A = arith.select %and3A, %sub3A_21, %div3A : i32
    %mul3A_22 = arith.constant 128 : i32
    %mul3A_23 = arith.muli %select_n3A, %mul3A_22 : i32
    %slice3A_24 = vector.extract_strided_slice %get3A_5 {offsets = [0], sizes = [1], strides = [1]} : vector<16xi32> to vector<1xi32>
    %squeeze3A_25 = vector.extract %slice3A_24[0] : i32 from vector<1xi32>
    %jit3A_26 = arith.constant 128 : i32
    %div3A_27 = arith.divsi %squeeze3A_25, %jit3A_26 : i32
    %sign3A_28 = arith.constant 0 : i32
    %sign3A_29 = arith.cmpi sgt, %squeeze3A_25, %sign3A_28 : i32
    %sign3A_30 = arith.extui %sign3A_29 : i1 to i32
    %sign3A_31 = arith.constant 0 : i32
    %sign3A_32 = arith.cmpi slt, %squeeze3A_25, %sign3A_31 : i32
    %sign3A_33 = arith.extui %sign3A_32 : i1 to i32
    %sign3A_34 = arith.subi %sign3A_30, %sign3A_33 : i32
    %sign3A_35 = arith.constant 0 : i32
    %sign3A_36 = arith.cmpi sgt, %jit3A_26, %sign3A_35 : i32
    %sign3A_37 = arith.extui %sign3A_36 : i1 to i32
    %sign3A_38 = arith.constant 0 : i32
    %sign3A_39 = arith.cmpi slt, %jit3A_26, %sign3A_38 : i32
    %sign3A_40 = arith.extui %sign3A_39 : i1 to i32
    %sign3A_41 = arith.subi %sign3A_37, %sign3A_40 : i32
    %ne3A_42 = arith.cmpi ne, %sign3A_34, %sign3A_41 : i32
    %rem3A_43 = arith.remsi %squeeze3A_25, %jit3A_26 : i32
    %ne3A_44 = arith.constant 0 : i32
    %ne3A_45 = arith.cmpi ne, %rem3A_43, %ne3A_44 : i32
    %and3A_46 = arith.andi %ne3A_42, %ne3A_45 : i1
    %sub3A_47 = arith.constant 1 : i32
    %sub3A_48 = arith.subi %div3A_27, %sub3A_47 : i32
    %select_n3A_49 = arith.select %and3A_46, %sub3A_48, %div3A_27 : i32
    %mul3A_50 = arith.constant 128 : i32
    %mul3A_51 = arith.muli %select_n3A_49, %mul3A_50 : i32
    %multiple_of3A = tpu.assume_multiple %mul3A_23, 128 : i32
    %dma_start3A = arith.constant 0 : i32
    %dma_start3A_52 = arith.constant 0 : i32
    %dma_start3A_53 = arith.constant 0 : i32
    %dma_start3A_54 = arith.constant 0 : i32
    %dma_start3A_55 = tpu.memref_slice %arg9[%dma_start3A, %dma_start3A_52, %dma_start3A_53, %dma_start3A_54] : memref<2x4x32x128xf32, #tpu.memory_space<vmem>> -> memref<1x1x8x128xf32, #tpu.memory_space<vmem>>
    %dma_start3A_56 = tpu.memref_squeeze %dma_start3A_55 : memref<1x1x8x128xf32, #tpu.memory_space<vmem>> -> memref<8x128xf32, #tpu.memory_space<vmem>>
    %dma_start3A_57 = arith.constant 0 : i32
    %dma_start3A_58 = tpu.memref_slice %arg4[%dma_start3A_57, %multiple_of3A] : memref<32x1000000xf32, #tpu.memory_space<hbm>> -> memref<8x128xf32, #tpu.memory_space<hbm>>
    %dma_start3A_59 = arith.constant 0 : i32
    %dma_start3A_60 = arith.constant 0 : i32
    %dma_start3A_61 = tpu.memref_slice %arg9[%dma_start3A, %dma_start3A_52, %dma_start3A_59, %dma_start3A_60] : memref<2x4x32x128xf32, #tpu.memory_space<vmem>> -> memref<1x1x8x128xf32, #tpu.memory_space<vmem>>
    %dma_start3A_62 = tpu.memref_squeeze %dma_start3A_61 : memref<1x1x8x128xf32, #tpu.memory_space<vmem>> -> memref<8x128xf32, #tpu.memory_space<vmem>>
    %dma_start3A_63 = arith.constant 0 : i32
    %dma_start3A_64 = tpu.memref_slice %arg4[%dma_start3A_63, %multiple_of3A] : memref<32x1000000xf32, #tpu.memory_space<hbm>> -> memref<8x128xf32, #tpu.memory_space<hbm>>
    tpu.enqueue_dma source(%dma_start3A_64 : memref<8x128xf32, #tpu.memory_space<hbm>>) target(%dma_start3A_62 : memref<8x128xf32, #tpu.memory_space<vmem>>) target_semaphore(%arg12 : memref<!tpu.dma_semaphore, #tpu.memory_space<semaphore_mem>>)
    %multiple_of3A_65 = tpu.assume_multiple %mul3A_51, 128 : i32
    %dma_start3A_66 = arith.constant 0 : i32
    %dma_start3A_67 = arith.constant 0 : i32
    %dma_start3A_68 = arith.constant 0 : i32
    %dma_start3A_69 = arith.constant 0 : i32
    %dma_start3A_70 = tpu.memref_slice %arg10[%dma_start3A_66, %dma_start3A_67, %dma_start3A_68, %dma_start3A_69] : memref<2x4x32x128xf32, #tpu.memory_space<vmem>> -> memref<1x1x8x128xf32, #tpu.memory_space<vmem>>
    %dma_start3A_71 = tpu.memref_squeeze %dma_start3A_70 : memref<1x1x8x128xf32, #tpu.memory_space<vmem>> -> memref<8x128xf32, #tpu.memory_space<vmem>>
    %dma_start3A_72 = arith.constant 0 : i32
    %dma_start3A_73 = tpu.memref_slice %arg5[%dma_start3A_72, %multiple_of3A_65] : memref<32x1000000xf32, #tpu.memory_space<hbm>> -> memref<8x128xf32, #tpu.memory_space<hbm>>
    %dma_start3A_74 = arith.constant 0 : i32
    %dma_start3A_75 = arith.constant 0 : i32
    %dma_start3A_76 = tpu.memref_slice %arg10[%dma_start3A_66, %dma_start3A_67, %dma_start3A_74, %dma_start3A_75] : memref<2x4x32x128xf32, #tpu.memory_space<vmem>> -> memref<1x1x8x128xf32, #tpu.memory_space<vmem>>
    %dma_start3A_77 = tpu.memref_squeeze %dma_start3A_76 : memref<1x1x8x128xf32, #tpu.memory_space<vmem>> -> memref<8x128xf32, #tpu.memory_space<vmem>>
    %dma_start3A_78 = arith.constant 0 : i32
    %dma_start3A_79 = tpu.memref_slice %arg5[%dma_start3A_78, %multiple_of3A_65] : memref<32x1000000xf32, #tpu.memory_space<hbm>> -> memref<8x128xf32, #tpu.memory_space<hbm>>
    tpu.enqueue_dma source(%dma_start3A_79 : memref<8x128xf32, #tpu.memory_space<hbm>>) target(%dma_start3A_77 : memref<8x128xf32, #tpu.memory_space<vmem>>) target_semaphore(%arg12 : memref<!tpu.dma_semaphore, #tpu.memory_space<semaphore_mem>>)
    %multiple_of3A_80 = tpu.assume_multiple %mul3A_23, 128 : i32
    %dma_start3A_81 = arith.constant 0 : i32
    %dma_start3A_82 = arith.constant 0 : i32
    %dma_start3A_83 = arith.constant 8 : i32
    %dma_start3A_84 = arith.constant 0 : i32
    %dma_start3A_85 = tpu.memref_slice %arg9[%dma_start3A_81, %dma_start3A_82, %dma_start3A_83, %dma_start3A_84] : memref<2x4x32x128xf32, #tpu.memory_space<vmem>> -> memref<1x1x8x128xf32, #tpu.memory_space<vmem>>
    %dma_start3A_86 = tpu.memref_squeeze %dma_start3A_85 : memref<1x1x8x128xf32, #tpu.memory_space<vmem>> -> memref<8x128xf32, #tpu.memory_space<vmem>>
    %dma_start3A_87 = arith.constant 8 : i32
    %dma_start3A_88 = tpu.memref_slice %arg4[%dma_start3A_87, %multiple_of3A_80] : memref<32x1000000xf32, #tpu.memory_space<hbm>> -> memref<8x128xf32, #tpu.memory_space<hbm>>
    %dma_start3A_89 = arith.constant 8 : i32
    %dma_start3A_90 = arith.constant 0 : i32
    %dma_start3A_91 = tpu.memref_slice %arg9[%dma_start3A_81, %dma_start3A_82, %dma_start3A_89, %dma_start3A_90] : memref<2x4x32x128xf32, #tpu.memory_space<vmem>> -> memref<1x1x8x128xf32, #tpu.memory_space<vmem>>
    %dma_start3A_92 = tpu.memref_squeeze %dma_start3A_91 : memref<1x1x8x128xf32, #tpu.memory_space<vmem>> -> memref<8x128xf32, #tpu.memory_space<vmem>>
    %dma_start3A_93 = arith.constant 8 : i32
    %dma_start3A_94 = tpu.memref_slice %arg4[%dma_start3A_93, %multiple_of3A_80] : memref<32x1000000xf32, #tpu.memory_space<hbm>> -> memref<8x128xf32, #tpu.memory_space<hbm>>
    tpu.enqueue_dma source(%dma_start3A_94 : memref<8x128xf32, #tpu.memory_space<hbm>>) target(%dma_start3A_92 : memref<8x128xf32, #tpu.memory_space<vmem>>) target_semaphore(%arg12 : memref<!tpu.dma_semaphore, #tpu.memory_space<semaphore_mem>>)
    %multiple_of3A_95 = tpu.assume_multiple %mul3A_51, 128 : i32
    %dma_start3A_96 = arith.constant 0 : i32
    %dma_start3A_97 = arith.constant 0 : i32
    %dma_start3A_98 = arith.constant 8 : i32
    %dma_start3A_99 = arith.constant 0 : i32
    %dma_start3A_100 = tpu.memref_slice %arg10[%dma_start3A_96, %dma_start3A_97, %dma_start3A_98, %dma_start3A_99] : memref<2x4x32x128xf32, #tpu.memory_space<vmem>> -> memref<1x1x8x128xf32, #tpu.memory_space<vmem>>
    %dma_start3A_101 = tpu.memref_squeeze %dma_start3A_100 : memref<1x1x8x128xf32, #tpu.memory_space<vmem>> -> memref<8x128xf32, #tpu.memory_space<vmem>>
    %dma_start3A_102 = arith.constant 8 : i32
    %dma_start3A_103 = tpu.memref_slice %arg5[%dma_start3A_102, %multiple_of3A_95] : memref<32x1000000xf32, #tpu.memory_space<hbm>> -> memref<8x128xf32, #tpu.memory_space<hbm>>
    %dma_start3A_104 = arith.constant 8 : i32
    %dma_start3A_105 = arith.constant 0 : i32
    %dma_start3A_106 = tpu.memref_slice %arg10[%dma_start3A_96, %dma_start3A_97, %dma_start3A_104, %dma_start3A_105] : memref<2x4x32x128xf32, #tpu.memory_space<vmem>> -> memref<1x1x8x128xf32, #tpu.memory_space<vmem>>
    %dma_start3A_107 = tpu.memref_squeeze %dma_start3A_106 : memref<1x1x8x128xf32, #tpu.memory_space<vmem>> -> memref<8x128xf32, #tpu.memory_space<vmem>>
    %dma_start3A_108 = arith.constant 8 : i32
    %dma_start3A_109 = tpu.memref_slice %arg5[%dma_start3A_108, %multiple_of3A_95] : memref<32x1000000xf32, #tpu.memory_space<hbm>> -> memref<8x128xf32, #tpu.memory_space<hbm>>
    tpu.enqueue_dma source(%dma_start3A_109 : memref<8x128xf32, #tpu.memory_space<hbm>>) target(%dma_start3A_107 : memref<8x128xf32, #tpu.memory_space<vmem>>) target_semaphore(%arg12 : memref<!tpu.dma_semaphore, #tpu.memory_space<semaphore_mem>>)
    %multiple_of3A_110 = tpu.assume_multiple %mul3A_23, 128 : i32
    %dma_start3A_111 = arith.constant 0 : i32
    %dma_start3A_112 = arith.constant 0 : i32
    %dma_start3A_113 = arith.constant 16 : i32
    %dma_start3A_114 = arith.constant 0 : i32
    %dma_start3A_115 = tpu.memref_slice %arg9[%dma_start3A_111, %dma_start3A_112, %dma_start3A_113, %dma_start3A_114] : memref<2x4x32x128xf32, #tpu.memory_space<vmem>> -> memref<1x1x8x128xf32, #tpu.memory_space<vmem>>
    %dma_start3A_116 = tpu.memref_squeeze %dma_start3A_115 : memref<1x1x8x128xf32, #tpu.memory_space<vmem>> -> memref<8x128xf32, #tpu.memory_space<vmem>>
    %dma_start3A_117 = arith.constant 16 : i32
    %dma_start3A_118 = tpu.memref_slice %arg4[%dma_start3A_117, %multiple_of3A_110] : memref<32x1000000xf32, #tpu.memory_space<hbm>> -> memref<8x128xf32, #tpu.memory_space<hbm>>
    %dma_start3A_119 = arith.constant 16 : i32
    %dma_start3A_120 = arith.constant 0 : i32
    %dma_start3A_121 = tpu.memref_slice %arg9[%dma_start3A_111, %dma_start3A_112, %dma_start3A_119, %dma_start3A_120] : memref<2x4x32x128xf32, #tpu.memory_space<vmem>> -> memref<1x1x8x128xf32, #tpu.memory_space<vmem>>
    %dma_start3A_122 = tpu.memref_squeeze %dma_start3A_121 : memref<1x1x8x128xf32, #tpu.memory_space<vmem>> -> memref<8x128xf32, #tpu.memory_space<vmem>>
    %dma_start3A_123 = arith.constant 16 : i32
    %dma_start3A_124 = tpu.memref_slice %arg4[%dma_start3A_123, %multiple_of3A_110] : memref<32x1000000xf32, #tpu.memory_space<hbm>> -> memref<8x128xf32, #tpu.memory_space<hbm>>
    tpu.enqueue_dma source(%dma_start3A_124 : memref<8x128xf32, #tpu.memory_space<hbm>>) target(%dma_start3A_122 : memref<8x128xf32, #tpu.memory_space<vmem>>) target_semaphore(%arg12 : memref<!tpu.dma_semaphore, #tpu.memory_space<semaphore_mem>>)
    %multiple_of3A_125 = tpu.assume_multiple %mul3A_51, 128 : i32
    %dma_start3A_126 = arith.constant 0 : i32
    %dma_start3A_127 = arith.constant 0 : i32
    %dma_start3A_128 = arith.constant 16 : i32
    %dma_start3A_129 = arith.constant 0 : i32
    %dma_start3A_130 = tpu.memref_slice %arg10[%dma_start3A_126, %dma_start3A_127, %dma_start3A_128, %dma_start3A_129] : memref<2x4x32x128xf32, #tpu.memory_space<vmem>> -> memref<1x1x8x128xf32, #tpu.memory_space<vmem>>
    %dma_start3A_131 = tpu.memref_squeeze %dma_start3A_130 : memref<1x1x8x128xf32, #tpu.memory_space<vmem>> -> memref<8x128xf32, #tpu.memory_space<vmem>>
    %dma_start3A_132 = arith.constant 16 : i32
    %dma_start3A_133 = tpu.memref_slice %arg5[%dma_start3A_132, %multiple_of3A_125] : memref<32x1000000xf32, #tpu.memory_space<hbm>> -> memref<8x128xf32, #tpu.memory_space<hbm>>
    %dma_start3A_134 = arith.constant 16 : i32
    %dma_start3A_135 = arith.constant 0 : i32
    %dma_start3A_136 = tpu.memref_slice %arg10[%dma_start3A_126, %dma_start3A_127, %dma_start3A_134, %dma_start3A_135] : memref<2x4x32x128xf32, #tpu.memory_space<vmem>> -> memref<1x1x8x128xf32, #tpu.memory_space<vmem>>
    %dma_start3A_137 = tpu.memref_squeeze %dma_start3A_136 : memref<1x1x8x128xf32, #tpu.memory_space<vmem>> -> memref<8x128xf32, #tpu.memory_space<vmem>>
    %dma_start3A_138 = arith.constant 16 : i32
    %dma_start3A_139 = tpu.memref_slice %arg5[%dma_start3A_138, %multiple_of3A_125] : memref<32x1000000xf32, #tpu.memory_space<hbm>> -> memref<8x128xf32, #tpu.memory_space<hbm>>
    tpu.enqueue_dma source(%dma_start3A_139 : memref<8x128xf32, #tpu.memory_space<hbm>>) target(%dma_start3A_137 : memref<8x128xf32, #tpu.memory_space<vmem>>) target_semaphore(%arg12 : memref<!tpu.dma_semaphore, #tpu.memory_space<semaphore_mem>>)
    %multiple_of3A_140 = tpu.assume_multiple %mul3A_23, 128 : i32
    %dma_start3A_141 = arith.constant 0 : i32
    %dma_start3A_142 = arith.constant 0 : i32
    %dma_start3A_143 = arith.constant 24 : i32
    %dma_start3A_144 = arith.constant 0 : i32
    %dma_start3A_145 = tpu.memref_slice %arg9[%dma_start3A_141, %dma_start3A_142, %dma_start3A_143, %dma_start3A_144] : memref<2x4x32x128xf32, #tpu.memory_space<vmem>> -> memref<1x1x8x128xf32, #tpu.memory_space<vmem>>
    %dma_start3A_146 = tpu.memref_squeeze %dma_start3A_145 : memref<1x1x8x128xf32, #tpu.memory_space<vmem>> -> memref<8x128xf32, #tpu.memory_space<vmem>>
    %dma_start3A_147 = arith.constant 24 : i32
    %dma_start3A_148 = tpu.memref_slice %arg4[%dma_start3A_147, %multiple_of3A_140] : memref<32x1000000xf32, #tpu.memory_space<hbm>> -> memref<8x128xf32, #tpu.memory_space<hbm>>
    %dma_start3A_149 = arith.constant 24 : i32
    %dma_start3A_150 = arith.constant 0 : i32
    %dma_start3A_151 = tpu.memref_slice %arg9[%dma_start3A_141, %dma_start3A_142, %dma_start3A_149, %dma_start3A_150] : memref<2x4x32x128xf32, #tpu.memory_space<vmem>> -> memref<1x1x8x128xf32, #tpu.memory_space<vmem>>
    %dma_start3A_152 = tpu.memref_squeeze %dma_start3A_151 : memref<1x1x8x128xf32, #tpu.memory_space<vmem>> -> memref<8x128xf32, #tpu.memory_space<vmem>>
    %dma_start3A_153 = arith.constant 24 : i32
    %dma_start3A_154 = tpu.memref_slice %arg4[%dma_start3A_153, %multiple_of3A_140] : memref<32x1000000xf32, #tpu.memory_space<hbm>> -> memref<8x128xf32, #tpu.memory_space<hbm>>
    tpu.enqueue_dma source(%dma_start3A_154 : memref<8x128xf32, #tpu.memory_space<hbm>>) target(%dma_start3A_152 : memref<8x128xf32, #tpu.memory_space<vmem>>) target_semaphore(%arg12 : memref<!tpu.dma_semaphore, #tpu.memory_space<semaphore_mem>>)
    %multiple_of3A_155 = tpu.assume_multiple %mul3A_51, 128 : i32
    %dma_start3A_156 = arith.constant 0 : i32
    %dma_start3A_157 = arith.constant 0 : i32
    %dma_start3A_158 = arith.constant 24 : i32
    %dma_start3A_159 = arith.constant 0 : i32
    %dma_start3A_160 = tpu.memref_slice %arg10[%dma_start3A_156, %dma_start3A_157, %dma_start3A_158, %dma_start3A_159] : memref<2x4x32x128xf32, #tpu.memory_space<vmem>> -> memref<1x1x8x128xf32, #tpu.memory_space<vmem>>
    %dma_start3A_161 = tpu.memref_squeeze %dma_start3A_160 : memref<1x1x8x128xf32, #tpu.memory_space<vmem>> -> memref<8x128xf32, #tpu.memory_space<vmem>>
    %dma_start3A_162 = arith.constant 24 : i32
    %dma_start3A_163 = tpu.memref_slice %arg5[%dma_start3A_162, %multiple_of3A_155] : memref<32x1000000xf32, #tpu.memory_space<hbm>> -> memref<8x128xf32, #tpu.memory_space<hbm>>
    %dma_start3A_164 = arith.constant 24 : i32
    %dma_start3A_165 = arith.constant 0 : i32
    %dma_start3A_166 = tpu.memref_slice %arg10[%dma_start3A_156, %dma_start3A_157, %dma_start3A_164, %dma_start3A_165] : memref<2x4x32x128xf32, #tpu.memory_space<vmem>> -> memref<1x1x8x128xf32, #tpu.memory_space<vmem>>
    %dma_start3A_167 = tpu.memref_squeeze %dma_start3A_166 : memref<1x1x8x128xf32, #tpu.memory_space<vmem>> -> memref<8x128xf32, #tpu.memory_space<vmem>>
    %dma_start3A_168 = arith.constant 24 : i32
    %dma_start3A_169 = tpu.memref_slice %arg5[%dma_start3A_168, %multiple_of3A_155] : memref<32x1000000xf32, #tpu.memory_space<hbm>> -> memref<8x128xf32, #tpu.memory_space<hbm>>
    tpu.enqueue_dma source(%dma_start3A_169 : memref<8x128xf32, #tpu.memory_space<hbm>>) target(%dma_start3A_167 : memref<8x128xf32, #tpu.memory_space<vmem>>) target_semaphore(%arg12 : memref<!tpu.dma_semaphore, #tpu.memory_space<semaphore_mem>>)
    %slice3A_170 = vector.extract_strided_slice %get3A_3 {offsets = [1], sizes = [1], strides = [1]} : vector<16xi32> to vector<1xi32>
    %squeeze3A_171 = vector.extract %slice3A_170[0] : i32 from vector<1xi32>
    %jit3A_172 = arith.constant 128 : i32
    %div3A_173 = arith.divsi %squeeze3A_171, %jit3A_172 : i32
    %sign3A_174 = arith.constant 0 : i32
    %sign3A_175 = arith.cmpi sgt, %squeeze3A_171, %sign3A_174 : i32
    %sign3A_176 = arith.extui %sign3A_175 : i1 to i32
    %sign3A_177 = arith.constant 0 : i32
    %sign3A_178 = arith.cmpi slt, %squeeze3A_171, %sign3A_177 : i32
    %sign3A_179 = arith.extui %sign3A_178 : i1 to i32
    %sign3A_180 = arith.subi %sign3A_176, %sign3A_179 : i32
    %sign3A_181 = arith.constant 0 : i32
    %sign3A_182 = arith.cmpi sgt, %jit3A_172, %sign3A_181 : i32
    %sign3A_183 = arith.extui %sign3A_182 : i1 to i32
    %sign3A_184 = arith.constant 0 : i32
    %sign3A_185 = arith.cmpi slt, %jit3A_172, %sign3A_184 : i32
    %sign3A_186 = arith.extui %sign3A_185 : i1 to i32
    %sign3A_187 = arith.subi %sign3A_183, %sign3A_186 : i32
    %ne3A_188 = arith.cmpi ne, %sign3A_180, %sign3A_187 : i32
    %rem3A_189 = arith.remsi %squeeze3A_171, %jit3A_172 : i32
    %ne3A_190 = arith.constant 0 : i32
    %ne3A_191 = arith.cmpi ne, %rem3A_189, %ne3A_190 : i32
    %and3A_192 = arith.andi %ne3A_188, %ne3A_191 : i1
    %sub3A_193 = arith.constant 1 : i32
    %sub3A_194 = arith.subi %div3A_173, %sub3A_193 : i32
    %select_n3A_195 = arith.select %and3A_192, %sub3A_194, %div3A_173 : i32
    %mul3A_196 = arith.constant 128 : i32
    %mul3A_197 = arith.muli %select_n3A_195, %mul3A_196 : i32
    %slice3A_198 = vector.extract_strided_slice %get3A_5 {offsets = [1], sizes = [1], strides = [1]} : vector<16xi32> to vector<1xi32>
    %squeeze3A_199 = vector.extract %slice3A_198[0] : i32 from vector<1xi32>
    %jit3A_200 = arith.constant 128 : i32
    %div3A_201 = arith.divsi %squeeze3A_199, %jit3A_200 : i32
    %sign3A_202 = arith.constant 0 : i32
    %sign3A_203 = arith.cmpi sgt, %squeeze3A_199, %sign3A_202 : i32
    %sign3A_204 = arith.extui %sign3A_203 : i1 to i32
    %sign3A_205 = arith.constant 0 : i32
    %sign3A_206 = arith.cmpi slt, %squeeze3A_199, %sign3A_205 : i32
    %sign3A_207 = arith.extui %sign3A_206 : i1 to i32
    %sign3A_208 = arith.subi %sign3A_204, %sign3A_207 : i32
    %sign3A_209 = arith.constant 0 : i32
    %sign3A_210 = arith.cmpi sgt, %jit3A_200, %sign3A_209 : i32
    %sign3A_211 = arith.extui %sign3A_210 : i1 to i32
    %sign3A_212 = arith.constant 0 : i32
    %sign3A_213 = arith.cmpi slt, %jit3A_200, %sign3A_212 : i32
    %sign3A_214 = arith.extui %sign3A_213 : i1 to i32
    %sign3A_215 = arith.subi %sign3A_211, %sign3A_214 : i32
    %ne3A_216 = arith.cmpi ne, %sign3A_208, %sign3A_215 : i32
    %rem3A_217 = arith.remsi %squeeze3A_199, %jit3A_200 : i32
    %ne3A_218 = arith.constant 0 : i32
    %ne3A_219 = arith.cmpi ne, %rem3A_217, %ne3A_218 : i32
    %and3A_220 = arith.andi %ne3A_216, %ne3A_219 : i1
    %sub3A_221 = arith.constant 1 : i32
    %sub3A_222 = arith.subi %div3A_201, %sub3A_221 : i32
    %select_n3A_223 = arith.select %and3A_220, %sub3A_222, %div3A_201 : i32
    %mul3A_224 = arith.constant 128 : i32
    %mul3A_225 = arith.muli %select_n3A_223, %mul3A_224 : i32
    %multiple_of3A_226 = tpu.assume_multiple %mul3A_197, 128 : i32
    %dma_start3A_227 = arith.constant 0 : i32
    %dma_start3A_228 = arith.constant 1 : i32
    %dma_start3A_229 = arith.constant 0 : i32
    %dma_start3A_230 = arith.constant 0 : i32
    %dma_start3A_231 = tpu.memref_slice %arg9[%dma_start3A_227, %dma_start3A_228, %dma_start3A_229, %dma_start3A_230] : memref<2x4x32x128xf32, #tpu.memory_space<vmem>> -> memref<1x1x8x128xf32, #tpu.memory_space<vmem>>
    %dma_start3A_232 = tpu.memref_squeeze %dma_start3A_231 : memref<1x1x8x128xf32, #tpu.memory_space<vmem>> -> memref<8x128xf32, #tpu.memory_space<vmem>>
    %dma_start3A_233 = arith.constant 0 : i32
    %dma_start3A_234 = tpu.memref_slice %arg4[%dma_start3A_233, %multiple_of3A_226] : memref<32x1000000xf32, #tpu.memory_space<hbm>> -> memref<8x128xf32, #tpu.memory_space<hbm>>
    %dma_start3A_235 = arith.constant 0 : i32
    %dma_start3A_236 = arith.constant 0 : i32
    %dma_start3A_237 = tpu.memref_slice %arg9[%dma_start3A_227, %dma_start3A_228, %dma_start3A_235, %dma_start3A_236] : memref<2x4x32x128xf32, #tpu.memory_space<vmem>> -> memref<1x1x8x128xf32, #tpu.memory_space<vmem>>
    %dma_start3A_238 = tpu.memref_squeeze %dma_start3A_237 : memref<1x1x8x128xf32, #tpu.memory_space<vmem>> -> memref<8x128xf32, #tpu.memory_space<vmem>>
    %dma_start3A_239 = arith.constant 0 : i32
    %dma_start3A_240 = tpu.memref_slice %arg4[%dma_start3A_239, %multiple_of3A_226] : memref<32x1000000xf32, #tpu.memory_space<hbm>> -> memref<8x128xf32, #tpu.memory_space<hbm>>
    tpu.enqueue_dma source(%dma_start3A_240 : memref<8x128xf32, #tpu.memory_space<hbm>>) target(%dma_start3A_238 : memref<8x128xf32, #tpu.memory_space<vmem>>) target_semaphore(%arg12 : memref<!tpu.dma_semaphore, #tpu.memory_space<semaphore_mem>>)
    %multiple_of3A_241 = tpu.assume_multiple %mul3A_225, 128 : i32
    %dma_start3A_242 = arith.constant 0 : i32
    %dma_start3A_243 = arith.constant 1 : i32
    %dma_start3A_244 = arith.constant 0 : i32
    %dma_start3A_245 = arith.constant 0 : i32
    %dma_start3A_246 = tpu.memref_slice %arg10[%dma_start3A_242, %dma_start3A_243, %dma_start3A_244, %dma_start3A_245] : memref<2x4x32x128xf32, #tpu.memory_space<vmem>> -> memref<1x1x8x128xf32, #tpu.memory_space<vmem>>
    %dma_start3A_247 = tpu.memref_squeeze %dma_start3A_246 : memref<1x1x8x128xf32, #tpu.memory_space<vmem>> -> memref<8x128xf32, #tpu.memory_space<vmem>>
    %dma_start3A_248 = arith.constant 0 : i32
    %dma_start3A_249 = tpu.memref_slice %arg5[%dma_start3A_248, %multiple_of3A_241] : memref<32x1000000xf32, #tpu.memory_space<hbm>> -> memref<8x128xf32, #tpu.memory_space<hbm>>
    %dma_start3A_250 = arith.constant 0 : i32
    %dma_start3A_251 = arith.constant 0 : i32
    %dma_start3A_252 = tpu.memref_slice %arg10[%dma_start3A_242, %dma_start3A_243, %dma_start3A_250, %dma_start3A_251] : memref<2x4x32x128xf32, #tpu.memory_space<vmem>> -> memref<1x1x8x128xf32, #tpu.memory_space<vmem>>
    %dma_start3A_253 = tpu.memref_squeeze %dma_start3A_252 : memref<1x1x8x128xf32, #tpu.memory_space<vmem>> -> memref<8x128xf32, #tpu.memory_space<vmem>>
    %dma_start3A_254 = arith.constant 0 : i32
    %dma_start3A_255 = tpu.memref_slice %arg5[%dma_start3A_254, %multiple_of3A_241] : memref<32x1000000xf32, #tpu.memory_space<hbm>> -> memref<8x128xf32, #tpu.memory_space<hbm>>
    tpu.enqueue_dma source(%dma_start3A_255 : memref<8x128xf32, #tpu.memory_space<hbm>>) target(%dma_start3A_253 : memref<8x128xf32, #tpu.memory_space<vmem>>) target_semaphore(%arg12 : memref<!tpu.dma_semaphore, #tpu.memory_space<semaphore_mem>>)
    %multiple_of3A_256 = tpu.assume_multiple %mul3A_197, 128 : i32
    %dma_start3A_257 = arith.constant 0 : i32
    %dma_start3A_258 = arith.constant 1 : i32
    %dma_start3A_259 = arith.constant 8 : i32
    %dma_start3A_260 = arith.constant 0 : i32
    %dma_start3A_261 = tpu.memref_slice %arg9[%dma_start3A_257, %dma_start3A_258, %dma_start3A_259, %dma_start3A_260] : memref<2x4x32x128xf32, #tpu.memory_space<vmem>> -> memref<1x1x8x128xf32, #tpu.memory_space<vmem>>
    %dma_start3A_262 = tpu.memref_squeeze %dma_start3A_261 : memref<1x1x8x128xf32, #tpu.memory_space<vmem>> -> memref<8x128xf32, #tpu.memory_space<vmem>>
    %dma_start3A_263 = arith.constant 8 : i32
    %dma_start3A_264 = tpu.memref_slice %arg4[%dma_start3A_263, %multiple_of3A_256] : memref<32x1000000xf32, #tpu.memory_space<hbm>> -> memref<8x128xf32, #tpu.memory_space<hbm>>
    %dma_start3A_265 = arith.constant 8 : i32
    %dma_start3A_266 = arith.constant 0 : i32
    %dma_start3A_267 = tpu.memref_slice %arg9[%dma_start3A_257, %dma_start3A_258, %dma_start3A_265, %dma_start3A_266] : memref<2x4x32x128xf32, #tpu.memory_space<vmem>> -> memref<1x1x8x128xf32, #tpu.memory_space<vmem>>
    %dma_start3A_268 = tpu.memref_squeeze %dma_start3A_267 : memref<1x1x8x128xf32, #tpu.memory_space<vmem>> -> memref<8x128xf32, #tpu.memory_space<vmem>>
    %dma_start3A_269 = arith.constant 8 : i32
    %dma_start3A_270 = tpu.memref_slice %arg4[%dma_start3A_269, %multiple_of3A_256] : memref<32x1000000xf32, #tpu.memory_space<hbm>> -> memref<8x128xf32, #tpu.memory_space<hbm>>
    tpu.enqueue_dma source(%dma_start3A_270 : memref<8x128xf32, #tpu.memory_space<hbm>>) target(%dma_start3A_268 : memref<8x128xf32, #tpu.memory_space<vmem>>) target_semaphore(%arg12 : memref<!tpu.dma_semaphore, #tpu.memory_space<semaphore_mem>>)
    %multiple_of3A_271 = tpu.assume_multiple %mul3A_225, 128 : i32
    %dma_start3A_272 = arith.constant 0 : i32
    %dma_start3A_273 = arith.constant 1 : i32
    %dma_start3A_274 = arith.constant 8 : i32
    %dma_start3A_275 = arith.constant 0 : i32
    %dma_start3A_276 = tpu.memref_slice %arg10[%dma_start3A_272, %dma_start3A_273, %dma_start3A_274, %dma_start3A_275] : memref<2x4x32x128xf32, #tpu.memory_space<vmem>> -> memref<1x1x8x128xf32, #tpu.memory_space<vmem>>
    %dma_start3A_277 = tpu.memref_squeeze %dma_start3A_276 : memref<1x1x8x128xf32, #tpu.memory_space<vmem>> -> memref<8x128xf32, #tpu.memory_space<vmem>>
    %dma_start3A_278 = arith.constant 8 : i32
    %dma_start3A_279 = tpu.memref_slice %arg5[%dma_start3A_278, %multiple_of3A_271] : memref<32x1000000xf32, #tpu.memory_space<hbm>> -> memref<8x128xf32, #tpu.memory_space<hbm>>
    %dma_start3A_280 = arith.constant 8 : i32
    %dma_start3A_281 = arith.constant 0 : i32
    %dma_start3A_282 = tpu.memref_slice %arg10[%dma_start3A_272, %dma_start3A_273, %dma_start3A_280, %dma_start3A_281] : memref<2x4x32x128xf32, #tpu.memory_space<vmem>> -> memref<1x1x8x128xf32, #tpu.memory_space<vmem>>
    %dma_start3A_283 = tpu.memref_squeeze %dma_start3A_282 : memref<1x1x8x128xf32, #tpu.memory_space<vmem>> -> memref<8x128xf32, #tpu.memory_space<vmem>>
    %dma_start3A_284 = arith.constant 8 : i32
    %dma_start3A_285 = tpu.memref_slice %arg5[%dma_start3A_284, %multiple_of3A_271] : memref<32x1000000xf32, #tpu.memory_space<hbm>> -> memref<8x128xf32, #tpu.memory_space<hbm>>
    tpu.enqueue_dma source(%dma_start3A_285 : memref<8x128xf32, #tpu.memory_space<hbm>>) target(%dma_start3A_283 : memref<8x128xf32, #tpu.memory_space<vmem>>) target_semaphore(%arg12 : memref<!tpu.dma_semaphore, #tpu.memory_space<semaphore_mem>>)
    %multiple_of3A_286 = tpu.assume_multiple %mul3A_197, 128 : i32
    %dma_start3A_287 = arith.constant 0 : i32
    %dma_start3A_288 = arith.constant 1 : i32
    %dma_start3A_289 = arith.constant 16 : i32
    %dma_start3A_290 = arith.constant 0 : i32
    %dma_start3A_291 = tpu.memref_slice %arg9[%dma_start3A_287, %dma_start3A_288, %dma_start3A_289, %dma_start3A_290] : memref<2x4x32x128xf32, #tpu.memory_space<vmem>> -> memref<1x1x8x128xf32, #tpu.memory_space<vmem>>
    %dma_start3A_292 = tpu.memref_squeeze %dma_start3A_291 : memref<1x1x8x128xf32, #tpu.memory_space<vmem>> -> memref<8x128xf32, #tpu.memory_space<vmem>>
    %dma_start3A_293 = arith.constant 16 : i32
    %dma_start3A_294 = tpu.memref_slice %arg4[%dma_start3A_293, %multiple_of3A_286] : memref<32x1000000xf32, #tpu.memory_space<hbm>> -> memref<8x128xf32, #tpu.memory_space<hbm>>
    %dma_start3A_295 = arith.constant 16 : i32
    %dma_start3A_296 = arith.constant 0 : i32
    %dma_start3A_297 = tpu.memref_slice %arg9[%dma_start3A_287, %dma_start3A_288, %dma_start3A_295, %dma_start3A_296] : memref<2x4x32x128xf32, #tpu.memory_space<vmem>> -> memref<1x1x8x128xf32, #tpu.memory_space<vmem>>
    %dma_start3A_298 = tpu.memref_squeeze %dma_start3A_297 : memref<1x1x8x128xf32, #tpu.memory_space<vmem>> -> memref<8x128xf32, #tpu.memory_space<vmem>>
    %dma_start3A_299 = arith.constant 16 : i32
    %dma_start3A_300 = tpu.memref_slice %arg4[%dma_start3A_299, %multiple_of3A_286] : memref<32x1000000xf32, #tpu.memory_space<hbm>> -> memref<8x128xf32, #tpu.memory_space<hbm>>
    tpu.enqueue_dma source(%dma_start3A_300 : memref<8x128xf32, #tpu.memory_space<hbm>>) target(%dma_start3A_298 : memref<8x128xf32, #tpu.memory_space<vmem>>) target_semaphore(%arg12 : memref<!tpu.dma_semaphore, #tpu.memory_space<semaphore_mem>>)
    %multiple_of3A_301 = tpu.assume_multiple %mul3A_225, 128 : i32
    %dma_start3A_302 = arith.constant 0 : i32
    %dma_start3A_303 = arith.constant 1 : i32
    %dma_start3A_304 = arith.constant 16 : i32
    %dma_start3A_305 = arith.constant 0 : i32
    %dma_start3A_306 = tpu.memref_slice %arg10[%dma_start3A_302, %dma_start3A_303, %dma_start3A_304, %dma_start3A_305] : memref<2x4x32x128xf32, #tpu.memory_space<vmem>> -> memref<1x1x8x128xf32, #tpu.memory_space<vmem>>
    %dma_start3A_307 = tpu.memref_squeeze %dma_start3A_306 : memref<1x1x8x128xf32, #tpu.memory_space<vmem>> -> memref<8x128xf32, #tpu.memory_space<vmem>>
    %dma_start3A_308 = arith.constant 16 : i32
    %dma_start3A_309 = tpu.memref_slice %arg5[%dma_start3A_308, %multiple_of3A_301] : memref<32x1000000xf32, #tpu.memory_space<hbm>> -> memref<8x128xf32, #tpu.memory_space<hbm>>
    %dma_start3A_310 = arith.constant 16 : i32
    %dma_start3A_311 = arith.constant 0 : i32
    %dma_start3A_312 = tpu.memref_slice %arg10[%dma_start3A_302, %dma_start3A_303, %dma_start3A_310, %dma_start3A_311] : memref<2x4x32x128xf32, #tpu.memory_space<vmem>> -> memref<1x1x8x128xf32, #tpu.memory_space<vmem>>
    %dma_start3A_313 = tpu.memref_squeeze %dma_start3A_312 : memref<1x1x8x128xf32, #tpu.memory_space<vmem>> -> memref<8x128xf32, #tpu.memory_space<vmem>>
    %dma_start3A_314 = arith.constant 16 : i32
    %dma_start3A_315 = tpu.memref_slice %arg5[%dma_start3A_314, %multiple_of3A_301] : memref<32x1000000xf32, #tpu.memory_space<hbm>> -> memref<8x128xf32, #tpu.memory_space<hbm>>
    tpu.enqueue_dma source(%dma_start3A_315 : memref<8x128xf32, #tpu.memory_space<hbm>>) target(%dma_start3A_313 : memref<8x128xf32, #tpu.memory_space<vmem>>) target_semaphore(%arg12 : memref<!tpu.dma_semaphore, #tpu.memory_space<semaphore_mem>>)
    %multiple_of3A_316 = tpu.assume_multiple %mul3A_197, 128 : i32
    %dma_start3A_317 = arith.constant 0 : i32
    %dma_start3A_318 = arith.constant 1 : i32
    %dma_start3A_319 = arith.constant 24 : i32
    %dma_start3A_320 = arith.constant 0 : i32
    %dma_start3A_321 = tpu.memref_slice %arg9[%dma_start3A_317, %dma_start3A_318, %dma_start3A_319, %dma_start3A_320] : memref<2x4x32x128xf32, #tpu.memory_space<vmem>> -> memref<1x1x8x128xf32, #tpu.memory_space<vmem>>
    %dma_start3A_322 = tpu.memref_squeeze %dma_start3A_321 : memref<1x1x8x128xf32, #tpu.memory_space<vmem>> -> memref<8x128xf32, #tpu.memory_space<vmem>>
    %dma_start3A_323 = arith.constant 24 : i32
    %dma_start3A_324 = tpu.memref_slice %arg4[%dma_start3A_323, %multiple_of3A_316] : memref<32x1000000xf32, #tpu.memory_space<hbm>> -> memref<8x128xf32, #tpu.memory_space<hbm>>
    %dma_start3A_325 = arith.constant 24 : i32
    %dma_start3A_326 = arith.constant 0 : i32
    %dma_start3A_327 = tpu.memref_slice %arg9[%dma_start3A_317, %dma_start3A_318, %dma_start3A_325, %dma_start3A_326] : memref<2x4x32x128xf32, #tpu.memory_space<vmem>> -> memref<1x1x8x128xf32, #tpu.memory_space<vmem>>
    %dma_start3A_328 = tpu.memref_squeeze %dma_start3A_327 : memref<1x1x8x128xf32, #tpu.memory_space<vmem>> -> memref<8x128xf32, #tpu.memory_space<vmem>>
    %dma_start3A_329 = arith.constant 24 : i32
    %dma_start3A_330 = tpu.memref_slice %arg4[%dma_start3A_329, %multiple_of3A_316] : memref<32x1000000xf32, #tpu.memory_space<hbm>> -> memref<8x128xf32, #tpu.memory_space<hbm>>
    tpu.enqueue_dma source(%dma_start3A_330 : memref<8x128xf32, #tpu.memory_space<hbm>>) target(%dma_start3A_328 : memref<8x128xf32, #tpu.memory_space<vmem>>) target_semaphore(%arg12 : memref<!tpu.dma_semaphore, #tpu.memory_space<semaphore_mem>>)
    %multiple_of3A_331 = tpu.assume_multiple %mul3A_225, 128 : i32
    %dma_start3A_332 = arith.constant 0 : i32
    %dma_start3A_333 = arith.constant 1 : i32
    %dma_start3A_334 = arith.constant 24 : i32
    %dma_start3A_335 = arith.constant 0 : i32
    %dma_start3A_336 = tpu.memref_slice %arg10[%dma_start3A_332, %dma_start3A_333, %dma_start3A_334, %dma_start3A_335] : memref<2x4x32x128xf32, #tpu.memory_space<vmem>> -> memref<1x1x8x128xf32, #tpu.memory_space<vmem>>
    %dma_start3A_337 = tpu.memref_squeeze %dma_start3A_336 : memref<1x1x8x128xf32, #tpu.memory_space<vmem>> -> memref<8x128xf32, #tpu.memory_space<vmem>>
    %dma_start3A_338 = arith.constant 24 : i32
    %dma_start3A_339 = tpu.memref_slice %arg5[%dma_start3A_338, %multiple_of3A_331] : memref<32x1000000xf32, #tpu.memory_space<hbm>> -> memref<8x128xf32, #tpu.memory_space<hbm>>
    %dma_start3A_340 = arith.constant 24 : i32
    %dma_start3A_341 = arith.constant 0 : i32
    %dma_start3A_342 = tpu.memref_slice %arg10[%dma_start3A_332, %dma_start3A_333, %dma_start3A_340, %dma_start3A_341] : memref<2x4x32x128xf32, #tpu.memory_space<vmem>> -> memref<1x1x8x128xf32, #tpu.memory_space<vmem>>
    %dma_start3A_343 = tpu.memref_squeeze %dma_start3A_342 : memref<1x1x8x128xf32, #tpu.memory_space<vmem>> -> memref<8x128xf32, #tpu.memory_space<vmem>>
    %dma_start3A_344 = arith.constant 24 : i32
    %dma_start3A_345 = tpu.memref_slice %arg5[%dma_start3A_344, %multiple_of3A_331] : memref<32x1000000xf32, #tpu.memory_space<hbm>> -> memref<8x128xf32, #tpu.memory_space<hbm>>
    tpu.enqueue_dma source(%dma_start3A_345 : memref<8x128xf32, #tpu.memory_space<hbm>>) target(%dma_start3A_343 : memref<8x128xf32, #tpu.memory_space<vmem>>) target_semaphore(%arg12 : memref<!tpu.dma_semaphore, #tpu.memory_space<semaphore_mem>>)
    %slice3A_346 = vector.extract_strided_slice %get3A_3 {offsets = [2], sizes = [1], strides = [1]} : vector<16xi32> to vector<1xi32>
    %squeeze3A_347 = vector.extract %slice3A_346[0] : i32 from vector<1xi32>
    %jit3A_348 = arith.constant 128 : i32
    %div3A_349 = arith.divsi %squeeze3A_347, %jit3A_348 : i32
    %sign3A_350 = arith.constant 0 : i32
    %sign3A_351 = arith.cmpi sgt, %squeeze3A_347, %sign3A_350 : i32
    %sign3A_352 = arith.extui %sign3A_351 : i1 to i32
    %sign3A_353 = arith.constant 0 : i32
    %sign3A_354 = arith.cmpi slt, %squeeze3A_347, %sign3A_353 : i32
    %sign3A_355 = arith.extui %sign3A_354 : i1 to i32
    %sign3A_356 = arith.subi %sign3A_352, %sign3A_355 : i32
    %sign3A_357 = arith.constant 0 : i32
    %sign3A_358 = arith.cmpi sgt, %jit3A_348, %sign3A_357 : i32
    %sign3A_359 = arith.extui %sign3A_358 : i1 to i32
    %sign3A_360 = arith.constant 0 : i32
    %sign3A_361 = arith.cmpi slt, %jit3A_348, %sign3A_360 : i32
    %sign3A_362 = arith.extui %sign3A_361 : i1 to i32
    %sign3A_363 = arith.subi %sign3A_359, %sign3A_362 : i32
    %ne3A_364 = arith.cmpi ne, %sign3A_356, %sign3A_363 : i32
    %rem3A_365 = arith.remsi %squeeze3A_347, %jit3A_348 : i32
    %ne3A_366 = arith.constant 0 : i32
    %ne3A_367 = arith.cmpi ne, %rem3A_365, %ne3A_366 : i32
    %and3A_368 = arith.andi %ne3A_364, %ne3A_367 : i1
    %sub3A_369 = arith.constant 1 : i32
    %sub3A_370 = arith.subi %div3A_349, %sub3A_369 : i32
    %select_n3A_371 = arith.select %and3A_368, %sub3A_370, %div3A_349 : i32
    %mul3A_372 = arith.constant 128 : i32
    %mul3A_373 = arith.muli %select_n3A_371, %mul3A_372 : i32
    %slice3A_374 = vector.extract_strided_slice %get3A_5 {offsets = [2], sizes = [1], strides = [1]} : vector<16xi32> to vector<1xi32>
    %squeeze3A_375 = vector.extract %slice3A_374[0] : i32 from vector<1xi32>
    %jit3A_376 = arith.constant 128 : i32
    %div3A_377 = arith.divsi %squeeze3A_375, %jit3A_376 : i32
    %sign3A_378 = arith.constant 0 : i32
    %sign3A_379 = arith.cmpi sgt, %squeeze3A_375, %sign3A_378 : i32
    %sign3A_380 = arith.extui %sign3A_379 : i1 to i32
    %sign3A_381 = arith.constant 0 : i32
    %sign3A_382 = arith.cmpi slt, %squeeze3A_375, %sign3A_381 : i32
    %sign3A_383 = arith.extui %sign3A_382 : i1 to i32
    %sign3A_384 = arith.subi %sign3A_380, %sign3A_383 : i32
    %sign3A_385 = arith.constant 0 : i32
    %sign3A_386 = arith.cmpi sgt, %jit3A_376, %sign3A_385 : i32
    %sign3A_387 = arith.extui %sign3A_386 : i1 to i32
    %sign3A_388 = arith.constant 0 : i32
    %sign3A_389 = arith.cmpi slt, %jit3A_376, %sign3A_388 : i32
    %sign3A_390 = arith.extui %sign3A_389 : i1 to i32
    %sign3A_391 = arith.subi %sign3A_387, %sign3A_390 : i32
    %ne3A_392 = arith.cmpi ne, %sign3A_384, %sign3A_391 : i32
    %rem3A_393 = arith.remsi %squeeze3A_375, %jit3A_376 : i32
    %ne3A_394 = arith.constant 0 : i32
    %ne3A_395 = arith.cmpi ne, %rem3A_393, %ne3A_394 : i32
    %and3A_396 = arith.andi %ne3A_392, %ne3A_395 : i1
    %sub3A_397 = arith.constant 1 : i32
    %sub3A_398 = arith.subi %div3A_377, %sub3A_397 : i32
    %select_n3A_399 = arith.select %and3A_396, %sub3A_398, %div3A_377 : i32
    %mul3A_400 = arith.constant 128 : i32
    %mul3A_401 = arith.muli %select_n3A_399, %mul3A_400 : i32
    %multiple_of3A_402 = tpu.assume_multiple %mul3A_373, 128 : i32
    %dma_start3A_403 = arith.constant 0 : i32
    %dma_start3A_404 = arith.constant 2 : i32
    %dma_start3A_405 = arith.constant 0 : i32
    %dma_start3A_406 = arith.constant 0 : i32
    %dma_start3A_407 = tpu.memref_slice %arg9[%dma_start3A_403, %dma_start3A_404, %dma_start3A_405, %dma_start3A_406] : memref<2x4x32x128xf32, #tpu.memory_space<vmem>> -> memref<1x1x8x128xf32, #tpu.memory_space<vmem>>
    %dma_start3A_408 = tpu.memref_squeeze %dma_start3A_407 : memref<1x1x8x128xf32, #tpu.memory_space<vmem>> -> memref<8x128xf32, #tpu.memory_space<vmem>>
    %dma_start3A_409 = arith.constant 0 : i32
    %dma_start3A_410 = tpu.memref_slice %arg4[%dma_start3A_409, %multiple_of3A_402] : memref<32x1000000xf32, #tpu.memory_space<hbm>> -> memref<8x128xf32, #tpu.memory_space<hbm>>
    %dma_start3A_411 = arith.constant 0 : i32
    %dma_start3A_412 = arith.constant 0 : i32
    %dma_start3A_413 = tpu.memref_slice %arg9[%dma_start3A_403, %dma_start3A_404, %dma_start3A_411, %dma_start3A_412] : memref<2x4x32x128xf32, #tpu.memory_space<vmem>> -> memref<1x1x8x128xf32, #tpu.memory_space<vmem>>
    %dma_start3A_414 = tpu.memref_squeeze %dma_start3A_413 : memref<1x1x8x128xf32, #tpu.memory_space<vmem>> -> memref<8x128xf32, #tpu.memory_space<vmem>>
    %dma_start3A_415 = arith.constant 0 : i32
    %dma_start3A_416 = tpu.memref_slice %arg4[%dma_start3A_415, %multiple_of3A_402] : memref<32x1000000xf32, #tpu.memory_space<hbm>> -> memref<8x128xf32, #tpu.memory_space<hbm>>
    tpu.enqueue_dma source(%dma_start3A_416 : memref<8x128xf32, #tpu.memory_space<hbm>>) target(%dma_start3A_414 : memref<8x128xf32, #tpu.memory_space<vmem>>) target_semaphore(%arg12 : memref<!tpu.dma_semaphore, #tpu.memory_space<semaphore_mem>>)
    %multiple_of3A_417 = tpu.assume_multiple %mul3A_401, 128 : i32
    %dma_start3A_418 = arith.constant 0 : i32
    %dma_start3A_419 = arith.constant 2 : i32
    %dma_start3A_420 = arith.constant 0 : i32
    %dma_start3A_421 = arith.constant 0 : i32
    %dma_start3A_422 = tpu.memref_slice %arg10[%dma_start3A_418, %dma_start3A_419, %dma_start3A_420, %dma_start3A_421] : memref<2x4x32x128xf32, #tpu.memory_space<vmem>> -> memref<1x1x8x128xf32, #tpu.memory_space<vmem>>
    %dma_start3A_423 = tpu.memref_squeeze %dma_start3A_422 : memref<1x1x8x128xf32, #tpu.memory_space<vmem>> -> memref<8x128xf32, #tpu.memory_space<vmem>>
    %dma_start3A_424 = arith.constant 0 : i32
    %dma_start3A_425 = tpu.memref_slice %arg5[%dma_start3A_424, %multiple_of3A_417] : memref<32x1000000xf32, #tpu.memory_space<hbm>> -> memref<8x128xf32, #tpu.memory_space<hbm>>
    %dma_start3A_426 = arith.constant 0 : i32
    %dma_start3A_427 = arith.constant 0 : i32
    %dma_start3A_428 = tpu.memref_slice %arg10[%dma_start3A_418, %dma_start3A_419, %dma_start3A_426, %dma_start3A_427] : memref<2x4x32x128xf32, #tpu.memory_space<vmem>> -> memref<1x1x8x128xf32, #tpu.memory_space<vmem>>
    %dma_start3A_429 = tpu.memref_squeeze %dma_start3A_428 : memref<1x1x8x128xf32, #tpu.memory_space<vmem>> -> memref<8x128xf32, #tpu.memory_space<vmem>>
    %dma_start3A_430 = arith.constant 0 : i32
    %dma_start3A_431 = tpu.memref_slice %arg5[%dma_start3A_430, %multiple_of3A_417] : memref<32x1000000xf32, #tpu.memory_space<hbm>> -> memref<8x128xf32, #tpu.memory_space<hbm>>
    tpu.enqueue_dma source(%dma_start3A_431 : memref<8x128xf32, #tpu.memory_space<hbm>>) target(%dma_start3A_429 : memref<8x128xf32, #tpu.memory_space<vmem>>) target_semaphore(%arg12 : memref<!tpu.dma_semaphore, #tpu.memory_space<semaphore_mem>>)
    %multiple_of3A_432 = tpu.assume_multiple %mul3A_373, 128 : i32
    %dma_start3A_433 = arith.constant 0 : i32
    %dma_start3A_434 = arith.constant 2 : i32
    %dma_start3A_435 = arith.constant 8 : i32
    %dma_start3A_436 = arith.constant 0 : i32
    %dma_start3A_437 = tpu.memref_slice %arg9[%dma_start3A_433, %dma_start3A_434, %dma_start3A_435, %dma_start3A_436] : memref<2x4x32x128xf32, #tpu.memory_space<vmem>> -> memref<1x1x8x128xf32, #tpu.memory_space<vmem>>
    %dma_start3A_438 = tpu.memref_squeeze %dma_start3A_437 : memref<1x1x8x128xf32, #tpu.memory_space<vmem>> -> memref<8x128xf32, #tpu.memory_space<vmem>>
    %dma_start3A_439 = arith.constant 8 : i32
    %dma_start3A_440 = tpu.memref_slice %arg4[%dma_start3A_439, %multiple_of3A_432] : memref<32x1000000xf32, #tpu.memory_space<hbm>> -> memref<8x128xf32, #tpu.memory_space<hbm>>
    %dma_start3A_441 = arith.constant 8 : i32
    %dma_start3A_442 = arith.constant 0 : i32
    %dma_start3A_443 = tpu.memref_slice %arg9[%dma_start3A_433, %dma_start3A_434, %dma_start3A_441, %dma_start3A_442] : memref<2x4x32x128xf32, #tpu.memory_space<vmem>> -> memref<1x1x8x128xf32, #tpu.memory_space<vmem>>
    %dma_start3A_444 = tpu.memref_squeeze %dma_start3A_443 : memref<1x1x8x128xf32, #tpu.memory_space<vmem>> -> memref<8x128xf32, #tpu.memory_space<vmem>>
    %dma_start3A_445 = arith.constant 8 : i32
    %dma_start3A_446 = tpu.memref_slice %arg4[%dma_start3A_445, %multiple_of3A_432] : memref<32x1000000xf32, #tpu.memory_space<hbm>> -> memref<8x128xf32, #tpu.memory_space<hbm>>
    tpu.enqueue_dma source(%dma_start3A_446 : memref<8x128xf32, #tpu.memory_space<hbm>>) target(%dma_start3A_444 : memref<8x128xf32, #tpu.memory_space<vmem>>) target_semaphore(%arg12 : memref<!tpu.dma_semaphore, #tpu.memory_space<semaphore_mem>>)
    %multiple_of3A_447 = tpu.assume_multiple %mul3A_401, 128 : i32
    %dma_start3A_448 = arith.constant 0 : i32
    %dma_start3A_449 = arith.constant 2 : i32
    %dma_start3A_450 = arith.constant 8 : i32
    %dma_start3A_451 = arith.constant 0 : i32
    %dma_start3A_452 = tpu.memref_slice %arg10[%dma_start3A_448, %dma_start3A_449, %dma_start3A_450, %dma_start3A_451] : memref<2x4x32x128xf32, #tpu.memory_space<vmem>> -> memref<1x1x8x128xf32, #tpu.memory_space<vmem>>
    %dma_start3A_453 = tpu.memref_squeeze %dma_start3A_452 : memref<1x1x8x128xf32, #tpu.memory_space<vmem>> -> memref<8x128xf32, #tpu.memory_space<vmem>>
    %dma_start3A_454 = arith.constant 8 : i32
    %dma_start3A_455 = tpu.memref_slice %arg5[%dma_start3A_454, %multiple_of3A_447] : memref<32x1000000xf32, #tpu.memory_space<hbm>> -> memref<8x128xf32, #tpu.memory_space<hbm>>
    %dma_start3A_456 = arith.constant 8 : i32
    %dma_start3A_457 = arith.constant 0 : i32
    %dma_start3A_458 = tpu.memref_slice %arg10[%dma_start3A_448, %dma_start3A_449, %dma_start3A_456, %dma_start3A_457] : memref<2x4x32x128xf32, #tpu.memory_space<vmem>> -> memref<1x1x8x128xf32, #tpu.memory_space<vmem>>
    %dma_start3A_459 = tpu.memref_squeeze %dma_start3A_458 : memref<1x1x8x128xf32, #tpu.memory_space<vmem>> -> memref<8x128xf32, #tpu.memory_space<vmem>>
    %dma_start3A_460 = arith.constant 8 : i32
    %dma_start3A_461 = tpu.memref_slice %arg5[%dma_start3A_460, %multiple_of3A_447] : memref<32x1000000xf32, #tpu.memory_space<hbm>> -> memref<8x128xf32, #tpu.memory_space<hbm>>
    tpu.enqueue_dma source(%dma_start3A_461 : memref<8x128xf32, #tpu.memory_space<hbm>>) target(%dma_start3A_459 : memref<8x128xf32, #tpu.memory_space<vmem>>) target_semaphore(%arg12 : memref<!tpu.dma_semaphore, #tpu.memory_space<semaphore_mem>>)
    %multiple_of3A_462 = tpu.assume_multiple %mul3A_373, 128 : i32
    %dma_start3A_463 = arith.constant 0 : i32
    %dma_start3A_464 = arith.constant 2 : i32
    %dma_start3A_465 = arith.constant 16 : i32
    %dma_start3A_466 = arith.constant 0 : i32
    %dma_start3A_467 = tpu.memref_slice %arg9[%dma_start3A_463, %dma_start3A_464, %dma_start3A_465, %dma_start3A_466] : memref<2x4x32x128xf32, #tpu.memory_space<vmem>> -> memref<1x1x8x128xf32, #tpu.memory_space<vmem>>
    %dma_start3A_468 = tpu.memref_squeeze %dma_start3A_467 : memref<1x1x8x128xf32, #tpu.memory_space<vmem>> -> memref<8x128xf32, #tpu.memory_space<vmem>>
    %dma_start3A_469 = arith.constant 16 : i32
    %dma_start3A_470 = tpu.memref_slice %arg4[%dma_start3A_469, %multiple_of3A_462] : memref<32x1000000xf32, #tpu.memory_space<hbm>> -> memref<8x128xf32, #tpu.memory_space<hbm>>
    %dma_start3A_471 = arith.constant 16 : i32
    %dma_start3A_472 = arith.constant 0 : i32
    %dma_start3A_473 = tpu.memref_slice %arg9[%dma_start3A_463, %dma_start3A_464, %dma_start3A_471, %dma_start3A_472] : memref<2x4x32x128xf32, #tpu.memory_space<vmem>> -> memref<1x1x8x128xf32, #tpu.memory_space<vmem>>
    %dma_start3A_474 = tpu.memref_squeeze %dma_start3A_473 : memref<1x1x8x128xf32, #tpu.memory_space<vmem>> -> memref<8x128xf32, #tpu.memory_space<vmem>>
    %dma_start3A_475 = arith.constant 16 : i32
    %dma_start3A_476 = tpu.memref_slice %arg4[%dma_start3A_475, %multiple_of3A_462] : memref<32x1000000xf32, #tpu.memory_space<hbm>> -> memref<8x128xf32, #tpu.memory_space<hbm>>
    tpu.enqueue_dma source(%dma_start3A_476 : memref<8x128xf32, #tpu.memory_space<hbm>>) target(%dma_start3A_474 : memref<8x128xf32, #tpu.memory_space<vmem>>) target_semaphore(%arg12 : memref<!tpu.dma_semaphore, #tpu.memory_space<semaphore_mem>>)
    %multiple_of3A_477 = tpu.assume_multiple %mul3A_401, 128 : i32
    %dma_start3A_478 = arith.constant 0 : i32
    %dma_start3A_479 = arith.constant 2 : i32
    %dma_start3A_480 = arith.constant 16 : i32
    %dma_start3A_481 = arith.constant 0 : i32
    %dma_start3A_482 = tpu.memref_slice %arg10[%dma_start3A_478, %dma_start3A_479, %dma_start3A_480, %dma_start3A_481] : memref<2x4x32x128xf32, #tpu.memory_space<vmem>> -> memref<1x1x8x128xf32, #tpu.memory_space<vmem>>
    %dma_start3A_483 = tpu.memref_squeeze %dma_start3A_482 : memref<1x1x8x128xf32, #tpu.memory_space<vmem>> -> memref<8x128xf32, #tpu.memory_space<vmem>>
    %dma_start3A_484 = arith.constant 16 : i32
    %dma_start3A_485 = tpu.memref_slice %arg5[%dma_start3A_484, %multiple_of3A_477] : memref<32x1000000xf32, #tpu.memory_space<hbm>> -> memref<8x128xf32, #tpu.memory_space<hbm>>
    %dma_start3A_486 = arith.constant 16 : i32
    %dma_start3A_487 = arith.constant 0 : i32
    %dma_start3A_488 = tpu.memref_slice %arg10[%dma_start3A_478, %dma_start3A_479, %dma_start3A_486, %dma_start3A_487] : memref<2x4x32x128xf32, #tpu.memory_space<vmem>> -> memref<1x1x8x128xf32, #tpu.memory_space<vmem>>
    %dma_start3A_489 = tpu.memref_squeeze %dma_start3A_488 : memref<1x1x8x128xf32, #tpu.memory_space<vmem>> -> memref<8x128xf32, #tpu.memory_space<vmem>>
    %dma_start3A_490 = arith.constant 16 : i32
    %dma_start3A_491 = tpu.memref_slice %arg5[%dma_start3A_490, %multiple_of3A_477] : memref<32x1000000xf32, #tpu.memory_space<hbm>> -> memref<8x128xf32, #tpu.memory_space<hbm>>
    tpu.enqueue_dma source(%dma_start3A_491 : memref<8x128xf32, #tpu.memory_space<hbm>>) target(%dma_start3A_489 : memref<8x128xf32, #tpu.memory_space<vmem>>) target_semaphore(%arg12 : memref<!tpu.dma_semaphore, #tpu.memory_space<semaphore_mem>>)
    %multiple_of3A_492 = tpu.assume_multiple %mul3A_373, 128 : i32
    %dma_start3A_493 = arith.constant 0 : i32
    %dma_start3A_494 = arith.constant 2 : i32
    %dma_start3A_495 = arith.constant 24 : i32
    %dma_start3A_496 = arith.constant 0 : i32
    %dma_start3A_497 = tpu.memref_slice %arg9[%dma_start3A_493, %dma_start3A_494, %dma_start3A_495, %dma_start3A_496] : memref<2x4x32x128xf32, #tpu.memory_space<vmem>> -> memref<1x1x8x128xf32, #tpu.memory_space<vmem>>
    %dma_start3A_498 = tpu.memref_squeeze %dma_start3A_497 : memref<1x1x8x128xf32, #tpu.memory_space<vmem>> -> memref<8x128xf32, #tpu.memory_space<vmem>>
    %dma_start3A_499 = arith.constant 24 : i32
    %dma_start3A_500 = tpu.memref_slice %arg4[%dma_start3A_499, %multiple_of3A_492] : memref<32x1000000xf32, #tpu.memory_space<hbm>> -> memref<8x128xf32, #tpu.memory_space<hbm>>
    %dma_start3A_501 = arith.constant 24 : i32
    %dma_start3A_502 = arith.constant 0 : i32
    %dma_start3A_503 = tpu.memref_slice %arg9[%dma_start3A_493, %dma_start3A_494, %dma_start3A_501, %dma_start3A_502] : memref<2x4x32x128xf32, #tpu.memory_space<vmem>> -> memref<1x1x8x128xf32, #tpu.memory_space<vmem>>
    %dma_start3A_504 = tpu.memref_squeeze %dma_start3A_503 : memref<1x1x8x128xf32, #tpu.memory_space<vmem>> -> memref<8x128xf32, #tpu.memory_space<vmem>>
    %dma_start3A_505 = arith.constant 24 : i32
    %dma_start3A_506 = tpu.memref_slice %arg4[%dma_start3A_505, %multiple_of3A_492] : memref<32x1000000xf32, #tpu.memory_space<hbm>> -> memref<8x128xf32, #tpu.memory_space<hbm>>
    tpu.enqueue_dma source(%dma_start3A_506 : memref<8x128xf32, #tpu.memory_space<hbm>>) target(%dma_start3A_504 : memref<8x128xf32, #tpu.memory_space<vmem>>) target_semaphore(%arg12 : memref<!tpu.dma_semaphore, #tpu.memory_space<semaphore_mem>>)
    %multiple_of3A_507 = tpu.assume_multiple %mul3A_401, 128 : i32
    %dma_start3A_508 = arith.constant 0 : i32
    %dma_start3A_509 = arith.constant 2 : i32
    %dma_start3A_510 = arith.constant 24 : i32
    %dma_start3A_511 = arith.constant 0 : i32
    %dma_start3A_512 = tpu.memref_slice %arg10[%dma_start3A_508, %dma_start3A_509, %dma_start3A_510, %dma_start3A_511] : memref<2x4x32x128xf32, #tpu.memory_space<vmem>> -> memref<1x1x8x128xf32, #tpu.memory_space<vmem>>
    %dma_start3A_513 = tpu.memref_squeeze %dma_start3A_512 : memref<1x1x8x128xf32, #tpu.memory_space<vmem>> -> memref<8x128xf32, #tpu.memory_space<vmem>>
    %dma_start3A_514 = arith.constant 24 : i32
    %dma_start3A_515 = tpu.memref_slice %arg5[%dma_start3A_514, %multiple_of3A_507] : memref<32x1000000xf32, #tpu.memory_space<hbm>> -> memref<8x128xf32, #tpu.memory_space<hbm>>
    %dma_start3A_516 = arith.constant 24 : i32
    %dma_start3A_517 = arith.constant 0 : i32
    %dma_start3A_518 = tpu.memref_slice %arg10[%dma_start3A_508, %dma_start3A_509, %dma_start3A_516, %dma_start3A_517] : memref<2x4x32x128xf32, #tpu.memory_space<vmem>> -> memref<1x1x8x128xf32, #tpu.memory_space<vmem>>
    %dma_start3A_519 = tpu.memref_squeeze %dma_start3A_518 : memref<1x1x8x128xf32, #tpu.memory_space<vmem>> -> memref<8x128xf32, #tpu.memory_space<vmem>>
    %dma_start3A_520 = arith.constant 24 : i32
    %dma_start3A_521 = tpu.memref_slice %arg5[%dma_start3A_520, %multiple_of3A_507] : memref<32x1000000xf32, #tpu.memory_space<hbm>> -> memref<8x128xf32, #tpu.memory_space<hbm>>
    tpu.enqueue_dma source(%dma_start3A_521 : memref<8x128xf32, #tpu.memory_space<hbm>>) target(%dma_start3A_519 : memref<8x128xf32, #tpu.memory_space<vmem>>) target_semaphore(%arg12 : memref<!tpu.dma_semaphore, #tpu.memory_space<semaphore_mem>>)
    %slice3A_522 = vector.extract_strided_slice %get3A_3 {offsets = [3], sizes = [1], strides = [1]} : vector<16xi32> to vector<1xi32>
    %squeeze3A_523 = vector.extract %slice3A_522[0] : i32 from vector<1xi32>
    %jit3A_524 = arith.constant 128 : i32
    %div3A_525 = arith.divsi %squeeze3A_523, %jit3A_524 : i32
    %sign3A_526 = arith.constant 0 : i32
    %sign3A_527 = arith.cmpi sgt, %squeeze3A_523, %sign3A_526 : i32
    %sign3A_528 = arith.extui %sign3A_527 : i1 to i32
    %sign3A_529 = arith.constant 0 : i32
    %sign3A_530 = arith.cmpi slt, %squeeze3A_523, %sign3A_529 : i32
    %sign3A_531 = arith.extui %sign3A_530 : i1 to i32
    %sign3A_532 = arith.subi %sign3A_528, %sign3A_531 : i32
    %sign3A_533 = arith.constant 0 : i32
    %sign3A_534 = arith.cmpi sgt, %jit3A_524, %sign3A_533 : i32
    %sign3A_535 = arith.extui %sign3A_534 : i1 to i32
    %sign3A_536 = arith.constant 0 : i32
    %sign3A_537 = arith.cmpi slt, %jit3A_524, %sign3A_536 : i32
    %sign3A_538 = arith.extui %sign3A_537 : i1 to i32
    %sign3A_539 = arith.subi %sign3A_535, %sign3A_538 : i32
    %ne3A_540 = arith.cmpi ne, %sign3A_532, %sign3A_539 : i32
    %rem3A_541 = arith.remsi %squeeze3A_523, %jit3A_524 : i32
    %ne3A_542 = arith.constant 0 : i32
    %ne3A_543 = arith.cmpi ne, %rem3A_541, %ne3A_542 : i32
    %and3A_544 = arith.andi %ne3A_540, %ne3A_543 : i1
    %sub3A_545 = arith.constant 1 : i32
    %sub3A_546 = arith.subi %div3A_525, %sub3A_545 : i32
    %select_n3A_547 = arith.select %and3A_544, %sub3A_546, %div3A_525 : i32
    %mul3A_548 = arith.constant 128 : i32
    %mul3A_549 = arith.muli %select_n3A_547, %mul3A_548 : i32
    %slice3A_550 = vector.extract_strided_slice %get3A_5 {offsets = [3], sizes = [1], strides = [1]} : vector<16xi32> to vector<1xi32>
    %squeeze3A_551 = vector.extract %slice3A_550[0] : i32 from vector<1xi32>
    %jit3A_552 = arith.constant 128 : i32
    %div3A_553 = arith.divsi %squeeze3A_551, %jit3A_552 : i32
    %sign3A_554 = arith.constant 0 : i32
    %sign3A_555 = arith.cmpi sgt, %squeeze3A_551, %sign3A_554 : i32
    %sign3A_556 = arith.extui %sign3A_555 : i1 to i32
    %sign3A_557 = arith.constant 0 : i32
    %sign3A_558 = arith.cmpi slt, %squeeze3A_551, %sign3A_557 : i32
    %sign3A_559 = arith.extui %sign3A_558 : i1 to i32
    %sign3A_560 = arith.subi %sign3A_556, %sign3A_559 : i32
    %sign3A_561 = arith.constant 0 : i32
    %sign3A_562 = arith.cmpi sgt, %jit3A_552, %sign3A_561 : i32
    %sign3A_563 = arith.extui %sign3A_562 : i1 to i32
    %sign3A_564 = arith.constant 0 : i32
    %sign3A_565 = arith.cmpi slt, %jit3A_552, %sign3A_564 : i32
    %sign3A_566 = arith.extui %sign3A_565 : i1 to i32
    %sign3A_567 = arith.subi %sign3A_563, %sign3A_566 : i32
    %ne3A_568 = arith.cmpi ne, %sign3A_560, %sign3A_567 : i32
    %rem3A_569 = arith.remsi %squeeze3A_551, %jit3A_552 : i32
    %ne3A_570 = arith.constant 0 : i32
    %ne3A_571 = arith.cmpi ne, %rem3A_569, %ne3A_570 : i32
    %and3A_572 = arith.andi %ne3A_568, %ne3A_571 : i1
    %sub3A_573 = arith.constant 1 : i32
    %sub3A_574 = arith.subi %div3A_553, %sub3A_573 : i32
    %select_n3A_575 = arith.select %and3A_572, %sub3A_574, %div3A_553 : i32
    %mul3A_576 = arith.constant 128 : i32
    %mul3A_577 = arith.muli %select_n3A_575, %mul3A_576 : i32
    %multiple_of3A_578 = tpu.assume_multiple %mul3A_549, 128 : i32
    %dma_start3A_579 = arith.constant 0 : i32
    %dma_start3A_580 = arith.constant 3 : i32
    %dma_start3A_581 = arith.constant 0 : i32
    %dma_start3A_582 = arith.constant 0 : i32
    %dma_start3A_583 = tpu.memref_slice %arg9[%dma_start3A_579, %dma_start3A_580, %dma_start3A_581, %dma_start3A_582] : memref<2x4x32x128xf32, #tpu.memory_space<vmem>> -> memref<1x1x8x128xf32, #tpu.memory_space<vmem>>
    %dma_start3A_584 = tpu.memref_squeeze %dma_start3A_583 : memref<1x1x8x128xf32, #tpu.memory_space<vmem>> -> memref<8x128xf32, #tpu.memory_space<vmem>>
    %dma_start3A_585 = arith.constant 0 : i32
    %dma_start3A_586 = tpu.memref_slice %arg4[%dma_start3A_585, %multiple_of3A_578] : memref<32x1000000xf32, #tpu.memory_space<hbm>> -> memref<8x128xf32, #tpu.memory_space<hbm>>
    %dma_start3A_587 = arith.constant 0 : i32
    %dma_start3A_588 = arith.constant 0 : i32
    %dma_start3A_589 = tpu.memref_slice %arg9[%dma_start3A_579, %dma_start3A_580, %dma_start3A_587, %dma_start3A_588] : memref<2x4x32x128xf32, #tpu.memory_space<vmem>> -> memref<1x1x8x128xf32, #tpu.memory_space<vmem>>
    %dma_start3A_590 = tpu.memref_squeeze %dma_start3A_589 : memref<1x1x8x128xf32, #tpu.memory_space<vmem>> -> memref<8x128xf32, #tpu.memory_space<vmem>>
    %dma_start3A_591 = arith.constant 0 : i32
    %dma_start3A_592 = tpu.memref_slice %arg4[%dma_start3A_591, %multiple_of3A_578] : memref<32x1000000xf32, #tpu.memory_space<hbm>> -> memref<8x128xf32, #tpu.memory_space<hbm>>
    tpu.enqueue_dma source(%dma_start3A_592 : memref<8x128xf32, #tpu.memory_space<hbm>>) target(%dma_start3A_590 : memref<8x128xf32, #tpu.memory_space<vmem>>) target_semaphore(%arg12 : memref<!tpu.dma_semaphore, #tpu.memory_space<semaphore_mem>>)
    %multiple_of3A_593 = tpu.assume_multiple %mul3A_577, 128 : i32
    %dma_start3A_594 = arith.constant 0 : i32
    %dma_start3A_595 = arith.constant 3 : i32
    %dma_start3A_596 = arith.constant 0 : i32
    %dma_start3A_597 = arith.constant 0 : i32
    %dma_start3A_598 = tpu.memref_slice %arg10[%dma_start3A_594, %dma_start3A_595, %dma_start3A_596, %dma_start3A_597] : memref<2x4x32x128xf32, #tpu.memory_space<vmem>> -> memref<1x1x8x128xf32, #tpu.memory_space<vmem>>
    %dma_start3A_599 = tpu.memref_squeeze %dma_start3A_598 : memref<1x1x8x128xf32, #tpu.memory_space<vmem>> -> memref<8x128xf32, #tpu.memory_space<vmem>>
    %dma_start3A_600 = arith.constant 0 : i32
    %dma_start3A_601 = tpu.memref_slice %arg5[%dma_start3A_600, %multiple_of3A_593] : memref<32x1000000xf32, #tpu.memory_space<hbm>> -> memref<8x128xf32, #tpu.memory_space<hbm>>
    %dma_start3A_602 = arith.constant 0 : i32
    %dma_start3A_603 = arith.constant 0 : i32
    %dma_start3A_604 = tpu.memref_slice %arg10[%dma_start3A_594, %dma_start3A_595, %dma_start3A_602, %dma_start3A_603] : memref<2x4x32x128xf32, #tpu.memory_space<vmem>> -> memref<1x1x8x128xf32, #tpu.memory_space<vmem>>
    %dma_start3A_605 = tpu.memref_squeeze %dma_start3A_604 : memref<1x1x8x128xf32, #tpu.memory_space<vmem>> -> memref<8x128xf32, #tpu.memory_space<vmem>>
    %dma_start3A_606 = arith.constant 0 : i32
    %dma_start3A_607 = tpu.memref_slice %arg5[%dma_start3A_606, %multiple_of3A_593] : memref<32x1000000xf32, #tpu.memory_space<hbm>> -> memref<8x128xf32, #tpu.memory_space<hbm>>
    tpu.enqueue_dma source(%dma_start3A_607 : memref<8x128xf32, #tpu.memory_space<hbm>>) target(%dma_start3A_605 : memref<8x128xf32, #tpu.memory_space<vmem>>) target_semaphore(%arg12 : memref<!tpu.dma_semaphore, #tpu.memory_space<semaphore_mem>>)
    %multiple_of3A_608 = tpu.assume_multiple %mul3A_549, 128 : i32
    %dma_start3A_609 = arith.constant 0 : i32
    %dma_start3A_610 = arith.constant 3 : i32
    %dma_start3A_611 = arith.constant 8 : i32
    %dma_start3A_612 = arith.constant 0 : i32
    %dma_start3A_613 = tpu.memref_slice %arg9[%dma_start3A_609, %dma_start3A_610, %dma_start3A_611, %dma_start3A_612] : memref<2x4x32x128xf32, #tpu.memory_space<vmem>> -> memref<1x1x8x128xf32, #tpu.memory_space<vmem>>
    %dma_start3A_614 = tpu.memref_squeeze %dma_start3A_613 : memref<1x1x8x128xf32, #tpu.memory_space<vmem>> -> memref<8x128xf32, #tpu.memory_space<vmem>>
    %dma_start3A_615 = arith.constant 8 : i32
    %dma_start3A_616 = tpu.memref_slice %arg4[%dma_start3A_615, %multiple_of3A_608] : memref<32x1000000xf32, #tpu.memory_space<hbm>> -> memref<8x128xf32, #tpu.memory_space<hbm>>
    %dma_start3A_617 = arith.constant 8 : i32
    %dma_start3A_618 = arith.constant 0 : i32
    %dma_start3A_619 = tpu.memref_slice %arg9[%dma_start3A_609, %dma_start3A_610, %dma_start3A_617, %dma_start3A_618] : memref<2x4x32x128xf32, #tpu.memory_space<vmem>> -> memref<1x1x8x128xf32, #tpu.memory_space<vmem>>
    %dma_start3A_620 = tpu.memref_squeeze %dma_start3A_619 : memref<1x1x8x128xf32, #tpu.memory_space<vmem>> -> memref<8x128xf32, #tpu.memory_space<vmem>>
    %dma_start3A_621 = arith.constant 8 : i32
    %dma_start3A_622 = tpu.memref_slice %arg4[%dma_start3A_621, %multiple_of3A_608] : memref<32x1000000xf32, #tpu.memory_space<hbm>> -> memref<8x128xf32, #tpu.memory_space<hbm>>
    tpu.enqueue_dma source(%dma_start3A_622 : memref<8x128xf32, #tpu.memory_space<hbm>>) target(%dma_start3A_620 : memref<8x128xf32, #tpu.memory_space<vmem>>) target_semaphore(%arg12 : memref<!tpu.dma_semaphore, #tpu.memory_space<semaphore_mem>>)
    %multiple_of3A_623 = tpu.assume_multiple %mul3A_577, 128 : i32
    %dma_start3A_624 = arith.constant 0 : i32
    %dma_start3A_625 = arith.constant 3 : i32
    %dma_start3A_626 = arith.constant 8 : i32
    %dma_start3A_627 = arith.constant 0 : i32
    %dma_start3A_628 = tpu.memref_slice %arg10[%dma_start3A_624, %dma_start3A_625, %dma_start3A_626, %dma_start3A_627] : memref<2x4x32x128xf32, #tpu.memory_space<vmem>> -> memref<1x1x8x128xf32, #tpu.memory_space<vmem>>
    %dma_start3A_629 = tpu.memref_squeeze %dma_start3A_628 : memref<1x1x8x128xf32, #tpu.memory_space<vmem>> -> memref<8x128xf32, #tpu.memory_space<vmem>>
    %dma_start3A_630 = arith.constant 8 : i32
    %dma_start3A_631 = tpu.memref_slice %arg5[%dma_start3A_630, %multiple_of3A_623] : memref<32x1000000xf32, #tpu.memory_space<hbm>> -> memref<8x128xf32, #tpu.memory_space<hbm>>
    %dma_start3A_632 = arith.constant 8 : i32
    %dma_start3A_633 = arith.constant 0 : i32
    %dma_start3A_634 = tpu.memref_slice %arg10[%dma_start3A_624, %dma_start3A_625, %dma_start3A_632, %dma_start3A_633] : memref<2x4x32x128xf32, #tpu.memory_space<vmem>> -> memref<1x1x8x128xf32, #tpu.memory_space<vmem>>
    %dma_start3A_635 = tpu.memref_squeeze %dma_start3A_634 : memref<1x1x8x128xf32, #tpu.memory_space<vmem>> -> memref<8x128xf32, #tpu.memory_space<vmem>>
    %dma_start3A_636 = arith.constant 8 : i32
    %dma_start3A_637 = tpu.memref_slice %arg5[%dma_start3A_636, %multiple_of3A_623] : memref<32x1000000xf32, #tpu.memory_space<hbm>> -> memref<8x128xf32, #tpu.memory_space<hbm>>
    tpu.enqueue_dma source(%dma_start3A_637 : memref<8x128xf32, #tpu.memory_space<hbm>>) target(%dma_start3A_635 : memref<8x128xf32, #tpu.memory_space<vmem>>) target_semaphore(%arg12 : memref<!tpu.dma_semaphore, #tpu.memory_space<semaphore_mem>>)
    %multiple_of3A_638 = tpu.assume_multiple %mul3A_549, 128 : i32
    %dma_start3A_639 = arith.constant 0 : i32
    %dma_start3A_640 = arith.constant 3 : i32
    %dma_start3A_641 = arith.constant 16 : i32
    %dma_start3A_642 = arith.constant 0 : i32
    %dma_start3A_643 = tpu.memref_slice %arg9[%dma_start3A_639, %dma_start3A_640, %dma_start3A_641, %dma_start3A_642] : memref<2x4x32x128xf32, #tpu.memory_space<vmem>> -> memref<1x1x8x128xf32, #tpu.memory_space<vmem>>
    %dma_start3A_644 = tpu.memref_squeeze %dma_start3A_643 : memref<1x1x8x128xf32, #tpu.memory_space<vmem>> -> memref<8x128xf32, #tpu.memory_space<vmem>>
    %dma_start3A_645 = arith.constant 16 : i32
    %dma_start3A_646 = tpu.memref_slice %arg4[%dma_start3A_645, %multiple_of3A_638] : memref<32x1000000xf32, #tpu.memory_space<hbm>> -> memref<8x128xf32, #tpu.memory_space<hbm>>
    %dma_start3A_647 = arith.constant 16 : i32
    %dma_start3A_648 = arith.constant 0 : i32
    %dma_start3A_649 = tpu.memref_slice %arg9[%dma_start3A_639, %dma_start3A_640, %dma_start3A_647, %dma_start3A_648] : memref<2x4x32x128xf32, #tpu.memory_space<vmem>> -> memref<1x1x8x128xf32, #tpu.memory_space<vmem>>
    %dma_start3A_650 = tpu.memref_squeeze %dma_start3A_649 : memref<1x1x8x128xf32, #tpu.memory_space<vmem>> -> memref<8x128xf32, #tpu.memory_space<vmem>>
    %dma_start3A_651 = arith.constant 16 : i32
    %dma_start3A_652 = tpu.memref_slice %arg4[%dma_start3A_651, %multiple_of3A_638] : memref<32x1000000xf32, #tpu.memory_space<hbm>> -> memref<8x128xf32, #tpu.memory_space<hbm>>
    tpu.enqueue_dma source(%dma_start3A_652 : memref<8x128xf32, #tpu.memory_space<hbm>>) target(%dma_start3A_650 : memref<8x128xf32, #tpu.memory_space<vmem>>) target_semaphore(%arg12 : memref<!tpu.dma_semaphore, #tpu.memory_space<semaphore_mem>>)
    %multiple_of3A_653 = tpu.assume_multiple %mul3A_577, 128 : i32
    %dma_start3A_654 = arith.constant 0 : i32
    %dma_start3A_655 = arith.constant 3 : i32
    %dma_start3A_656 = arith.constant 16 : i32
    %dma_start3A_657 = arith.constant 0 : i32
    %dma_start3A_658 = tpu.memref_slice %arg10[%dma_start3A_654, %dma_start3A_655, %dma_start3A_656, %dma_start3A_657] : memref<2x4x32x128xf32, #tpu.memory_space<vmem>> -> memref<1x1x8x128xf32, #tpu.memory_space<vmem>>
    %dma_start3A_659 = tpu.memref_squeeze %dma_start3A_658 : memref<1x1x8x128xf32, #tpu.memory_space<vmem>> -> memref<8x128xf32, #tpu.memory_space<vmem>>
    %dma_start3A_660 = arith.constant 16 : i32
    %dma_start3A_661 = tpu.memref_slice %arg5[%dma_start3A_660, %multiple_of3A_653] : memref<32x1000000xf32, #tpu.memory_space<hbm>> -> memref<8x128xf32, #tpu.memory_space<hbm>>
    %dma_start3A_662 = arith.constant 16 : i32
    %dma_start3A_663 = arith.constant 0 : i32
    %dma_start3A_664 = tpu.memref_slice %arg10[%dma_start3A_654, %dma_start3A_655, %dma_start3A_662, %dma_start3A_663] : memref<2x4x32x128xf32, #tpu.memory_space<vmem>> -> memref<1x1x8x128xf32, #tpu.memory_space<vmem>>
    %dma_start3A_665 = tpu.memref_squeeze %dma_start3A_664 : memref<1x1x8x128xf32, #tpu.memory_space<vmem>> -> memref<8x128xf32, #tpu.memory_space<vmem>>
    %dma_start3A_666 = arith.constant 16 : i32
    %dma_start3A_667 = tpu.memref_slice %arg5[%dma_start3A_666, %multiple_of3A_653] : memref<32x1000000xf32, #tpu.memory_space<hbm>> -> memref<8x128xf32, #tpu.memory_space<hbm>>
    tpu.enqueue_dma source(%dma_start3A_667 : memref<8x128xf32, #tpu.memory_space<hbm>>) target(%dma_start3A_665 : memref<8x128xf32, #tpu.memory_space<vmem>>) target_semaphore(%arg12 : memref<!tpu.dma_semaphore, #tpu.memory_space<semaphore_mem>>)
    %multiple_of3A_668 = tpu.assume_multiple %mul3A_549, 128 : i32
    %dma_start3A_669 = arith.constant 0 : i32
    %dma_start3A_670 = arith.constant 3 : i32
    %dma_start3A_671 = arith.constant 24 : i32
    %dma_start3A_672 = arith.constant 0 : i32
    %dma_start3A_673 = tpu.memref_slice %arg9[%dma_start3A_669, %dma_start3A_670, %dma_start3A_671, %dma_start3A_672] : memref<2x4x32x128xf32, #tpu.memory_space<vmem>> -> memref<1x1x8x128xf32, #tpu.memory_space<vmem>>
    %dma_start3A_674 = tpu.memref_squeeze %dma_start3A_673 : memref<1x1x8x128xf32, #tpu.memory_space<vmem>> -> memref<8x128xf32, #tpu.memory_space<vmem>>
    %dma_start3A_675 = arith.constant 24 : i32
    %dma_start3A_676 = tpu.memref_slice %arg4[%dma_start3A_675, %multiple_of3A_668] : memref<32x1000000xf32, #tpu.memory_space<hbm>> -> memref<8x128xf32, #tpu.memory_space<hbm>>
    %dma_start3A_677 = arith.constant 24 : i32
    %dma_start3A_678 = arith.constant 0 : i32
    %dma_start3A_679 = tpu.memref_slice %arg9[%dma_start3A_669, %dma_start3A_670, %dma_start3A_677, %dma_start3A_678] : memref<2x4x32x128xf32, #tpu.memory_space<vmem>> -> memref<1x1x8x128xf32, #tpu.memory_space<vmem>>
    %dma_start3A_680 = tpu.memref_squeeze %dma_start3A_679 : memref<1x1x8x128xf32, #tpu.memory_space<vmem>> -> memref<8x128xf32, #tpu.memory_space<vmem>>
    %dma_start3A_681 = arith.constant 24 : i32
    %dma_start3A_682 = tpu.memref_slice %arg4[%dma_start3A_681, %multiple_of3A_668] : memref<32x1000000xf32, #tpu.memory_space<hbm>> -> memref<8x128xf32, #tpu.memory_space<hbm>>
    tpu.enqueue_dma source(%dma_start3A_682 : memref<8x128xf32, #tpu.memory_space<hbm>>) target(%dma_start3A_680 : memref<8x128xf32, #tpu.memory_space<vmem>>) target_semaphore(%arg12 : memref<!tpu.dma_semaphore, #tpu.memory_space<semaphore_mem>>)
    %multiple_of3A_683 = tpu.assume_multiple %mul3A_577, 128 : i32
    %dma_start3A_684 = arith.constant 0 : i32
    %dma_start3A_685 = arith.constant 3 : i32
    %dma_start3A_686 = arith.constant 24 : i32
    %dma_start3A_687 = arith.constant 0 : i32
    %dma_start3A_688 = tpu.memref_slice %arg10[%dma_start3A_684, %dma_start3A_685, %dma_start3A_686, %dma_start3A_687] : memref<2x4x32x128xf32, #tpu.memory_space<vmem>> -> memref<1x1x8x128xf32, #tpu.memory_space<vmem>>
    %dma_start3A_689 = tpu.memref_squeeze %dma_start3A_688 : memref<1x1x8x128xf32, #tpu.memory_space<vmem>> -> memref<8x128xf32, #tpu.memory_space<vmem>>
    %dma_start3A_690 = arith.constant 24 : i32
    %dma_start3A_691 = tpu.memref_slice %arg5[%dma_start3A_690, %multiple_of3A_683] : memref<32x1000000xf32, #tpu.memory_space<hbm>> -> memref<8x128xf32, #tpu.memory_space<hbm>>
    %dma_start3A_692 = arith.constant 24 : i32
    %dma_start3A_693 = arith.constant 0 : i32
    %dma_start3A_694 = tpu.memref_slice %arg10[%dma_start3A_684, %dma_start3A_685, %dma_start3A_692, %dma_start3A_693] : memref<2x4x32x128xf32, #tpu.memory_space<vmem>> -> memref<1x1x8x128xf32, #tpu.memory_space<vmem>>
    %dma_start3A_695 = tpu.memref_squeeze %dma_start3A_694 : memref<1x1x8x128xf32, #tpu.memory_space<vmem>> -> memref<8x128xf32, #tpu.memory_space<vmem>>
    %dma_start3A_696 = arith.constant 24 : i32
    %dma_start3A_697 = tpu.memref_slice %arg5[%dma_start3A_696, %multiple_of3A_683] : memref<32x1000000xf32, #tpu.memory_space<hbm>> -> memref<8x128xf32, #tpu.memory_space<hbm>>
    tpu.enqueue_dma source(%dma_start3A_697 : memref<8x128xf32, #tpu.memory_space<hbm>>) target(%dma_start3A_695 : memref<8x128xf32, #tpu.memory_space<vmem>>) target_semaphore(%arg12 : memref<!tpu.dma_semaphore, #tpu.memory_space<semaphore_mem>>)
    %scan3A = arith.constant 0 : i32
    %scan3A_698 = arith.constant 0 : i32
    %scan3A_699 = arith.constant 64 : i32
    %scan3A_700 = arith.addi %scan3A_698, %scan3A_699 : i32
    %scan3A_701 = arith.constant 1 : i32
    scf.for %scan3A_703 = %scan3A_698 to %scan3A_700 step %scan3A_701  : i32 {
      %mul3A_704 = arith.constant 2 : i32
      %mul3A_705 = arith.muli %scan3A_703, %mul3A_704 : i32
      %add3A_706 = arith.constant 0 : i32
      %add3A_707 = arith.addi %mul3A_705, %add3A_706 : i32
      %lt3A = arith.constant 127 : i32
      %lt3A_708 = arith.cmpi slt, %add3A_707, %lt3A : i32
      %convert_element_type3A = arith.extui %lt3A_708 : i1 to i32
      %cond3A = arith.constant 0 : i32
      %cond3A_709 = arith.cmpi ne, %convert_element_type3A, %cond3A : i32
      scf.if %cond3A_709 {
        %add3A_2360 = arith.constant 2 : i32
        %add3A_2361 = arith.addi %add3A_707, %add3A_2360 : i32
        %sub3A_2362 = arith.constant 1 : i32
        %sub3A_2363 = arith.subi %add3A_2361, %sub3A_2362 : i32
        %mul3A_2364 = arith.constant 4 : i32
        %mul3A_2365 = arith.muli %sub3A_2363, %mul3A_2364 : i32
        %get3A_2366 = arith.index_cast %mul3A_2365 : i32 to index
        %get3A_2367 = tpu.vector_load %arg7[%get3A_2366] {strides = array<i32>} : memref<528xi32, #tpu.memory_space<vmem>>, vector<16xi32>,
        %mul3A_2368 = arith.constant 4 : i32
        %mul3A_2369 = arith.muli %sub3A_2363, %mul3A_2368 : i32
        %get3A_2370 = arith.index_cast %mul3A_2369 : i32 to index
        %get3A_2371 = tpu.vector_load %arg8[%get3A_2370] {strides = array<i32>} : memref<528xi32, #tpu.memory_space<vmem>>, vector<16xi32>,
        %slice3A_2372 = vector.extract_strided_slice %get3A_2367 {offsets = [0], sizes = [1], strides = [1]} : vector<16xi32> to vector<1xi32>
        %squeeze3A_2373 = vector.extract %slice3A_2372[0] : i32 from vector<1xi32>
        %jit3A_2374 = arith.constant 128 : i32
        %div3A_2375 = arith.divsi %squeeze3A_2373, %jit3A_2374 : i32
        %sign3A_2376 = arith.constant 0 : i32
        %sign3A_2377 = arith.cmpi sgt, %squeeze3A_2373, %sign3A_2376 : i32
        %sign3A_2378 = arith.extui %sign3A_2377 : i1 to i32
        %sign3A_2379 = arith.constant 0 : i32
        %sign3A_2380 = arith.cmpi slt, %squeeze3A_2373, %sign3A_2379 : i32
        %sign3A_2381 = arith.extui %sign3A_2380 : i1 to i32
        %sign3A_2382 = arith.subi %sign3A_2378, %sign3A_2381 : i32
        %sign3A_2383 = arith.constant 0 : i32
        %sign3A_2384 = arith.cmpi sgt, %jit3A_2374, %sign3A_2383 : i32
        %sign3A_2385 = arith.extui %sign3A_2384 : i1 to i32
        %sign3A_2386 = arith.constant 0 : i32
        %sign3A_2387 = arith.cmpi slt, %jit3A_2374, %sign3A_2386 : i32
        %sign3A_2388 = arith.extui %sign3A_2387 : i1 to i32
        %sign3A_2389 = arith.subi %sign3A_2385, %sign3A_2388 : i32
        %ne3A_2390 = arith.cmpi ne, %sign3A_2382, %sign3A_2389 : i32
        %rem3A_2391 = arith.remsi %squeeze3A_2373, %jit3A_2374 : i32
        %ne3A_2392 = arith.constant 0 : i32
        %ne3A_2393 = arith.cmpi ne, %rem3A_2391, %ne3A_2392 : i32
        %and3A_2394 = arith.andi %ne3A_2390, %ne3A_2393 : i1
        %sub3A_2395 = arith.constant 1 : i32
        %sub3A_2396 = arith.subi %div3A_2375, %sub3A_2395 : i32
        %select_n3A_2397 = arith.select %and3A_2394, %sub3A_2396, %div3A_2375 : i32
        %mul3A_2398 = arith.constant 128 : i32
        %mul3A_2399 = arith.muli %select_n3A_2397, %mul3A_2398 : i32
        %slice3A_2400 = vector.extract_strided_slice %get3A_2371 {offsets = [0], sizes = [1], strides = [1]} : vector<16xi32> to vector<1xi32>
        %squeeze3A_2401 = vector.extract %slice3A_2400[0] : i32 from vector<1xi32>
        %jit3A_2402 = arith.constant 128 : i32
        %div3A_2403 = arith.divsi %squeeze3A_2401, %jit3A_2402 : i32
        %sign3A_2404 = arith.constant 0 : i32
        %sign3A_2405 = arith.cmpi sgt, %squeeze3A_2401, %sign3A_2404 : i32
        %sign3A_2406 = arith.extui %sign3A_2405 : i1 to i32
        %sign3A_2407 = arith.constant 0 : i32
        %sign3A_2408 = arith.cmpi slt, %squeeze3A_2401, %sign3A_2407 : i32
        %sign3A_2409 = arith.extui %sign3A_2408 : i1 to i32
        %sign3A_2410 = arith.subi %sign3A_2406, %sign3A_2409 : i32
        %sign3A_2411 = arith.constant 0 : i32
        %sign3A_2412 = arith.cmpi sgt, %jit3A_2402, %sign3A_2411 : i32
        %sign3A_2413 = arith.extui %sign3A_2412 : i1 to i32
        %sign3A_2414 = arith.constant 0 : i32
        %sign3A_2415 = arith.cmpi slt, %jit3A_2402, %sign3A_2414 : i32
        %sign3A_2416 = arith.extui %sign3A_2415 : i1 to i32
        %sign3A_2417 = arith.subi %sign3A_2413, %sign3A_2416 : i32
        %ne3A_2418 = arith.cmpi ne, %sign3A_2410, %sign3A_2417 : i32
        %rem3A_2419 = arith.remsi %squeeze3A_2401, %jit3A_2402 : i32
        %ne3A_2420 = arith.constant 0 : i32
        %ne3A_2421 = arith.cmpi ne, %rem3A_2419, %ne3A_2420 : i32
        %and3A_2422 = arith.andi %ne3A_2418, %ne3A_2421 : i1
        %sub3A_2423 = arith.constant 1 : i32
        %sub3A_2424 = arith.subi %div3A_2403, %sub3A_2423 : i32
        %select_n3A_2425 = arith.select %and3A_2422, %sub3A_2424, %div3A_2403 : i32
        %mul3A_2426 = arith.constant 128 : i32
        %mul3A_2427 = arith.muli %select_n3A_2425, %mul3A_2426 : i32
        %multiple_of3A_2428 = tpu.assume_multiple %mul3A_2399, 128 : i32
        %dma_start3A_2429 = arith.constant 1 : i32
        %dma_start3A_2430 = arith.constant 0 : i32
        %dma_start3A_2431 = arith.constant 0 : i32
        %dma_start3A_2432 = arith.constant 0 : i32
        %dma_start3A_2433 = tpu.memref_slice %arg9[%dma_start3A_2429, %dma_start3A_2430, %dma_start3A_2431, %dma_start3A_2432] : memref<2x4x32x128xf32, #tpu.memory_space<vmem>> -> memref<1x1x8x128xf32, #tpu.memory_space<vmem>>
        %dma_start3A_2434 = tpu.memref_squeeze %dma_start3A_2433 : memref<1x1x8x128xf32, #tpu.memory_space<vmem>> -> memref<8x128xf32, #tpu.memory_space<vmem>>
        %dma_start3A_2435 = arith.constant 0 : i32
        %dma_start3A_2436 = tpu.memref_slice %arg4[%dma_start3A_2435, %multiple_of3A_2428] : memref<32x1000000xf32, #tpu.memory_space<hbm>> -> memref<8x128xf32, #tpu.memory_space<hbm>>
        %dma_start3A_2437 = arith.constant 0 : i32
        %dma_start3A_2438 = arith.constant 0 : i32
        %dma_start3A_2439 = tpu.memref_slice %arg9[%dma_start3A_2429, %dma_start3A_2430, %dma_start3A_2437, %dma_start3A_2438] : memref<2x4x32x128xf32, #tpu.memory_space<vmem>> -> memref<1x1x8x128xf32, #tpu.memory_space<vmem>>
        %dma_start3A_2440 = tpu.memref_squeeze %dma_start3A_2439 : memref<1x1x8x128xf32, #tpu.memory_space<vmem>> -> memref<8x128xf32, #tpu.memory_space<vmem>>
        %dma_start3A_2441 = arith.constant 0 : i32
        %dma_start3A_2442 = tpu.memref_slice %arg4[%dma_start3A_2441, %multiple_of3A_2428] : memref<32x1000000xf32, #tpu.memory_space<hbm>> -> memref<8x128xf32, #tpu.memory_space<hbm>>
        tpu.enqueue_dma source(%dma_start3A_2442 : memref<8x128xf32, #tpu.memory_space<hbm>>) target(%dma_start3A_2440 : memref<8x128xf32, #tpu.memory_space<vmem>>) target_semaphore(%arg12 : memref<!tpu.dma_semaphore, #tpu.memory_space<semaphore_mem>>)
        %multiple_of3A_2443 = tpu.assume_multiple %mul3A_2427, 128 : i32
        %dma_start3A_2444 = arith.constant 1 : i32
        %dma_start3A_2445 = arith.constant 0 : i32
        %dma_start3A_2446 = arith.constant 0 : i32
        %dma_start3A_2447 = arith.constant 0 : i32
        %dma_start3A_2448 = tpu.memref_slice %arg10[%dma_start3A_2444, %dma_start3A_2445, %dma_start3A_2446, %dma_start3A_2447] : memref<2x4x32x128xf32, #tpu.memory_space<vmem>> -> memref<1x1x8x128xf32, #tpu.memory_space<vmem>>
        %dma_start3A_2449 = tpu.memref_squeeze %dma_start3A_2448 : memref<1x1x8x128xf32, #tpu.memory_space<vmem>> -> memref<8x128xf32, #tpu.memory_space<vmem>>
        %dma_start3A_2450 = arith.constant 0 : i32
        %dma_start3A_2451 = tpu.memref_slice %arg5[%dma_start3A_2450, %multiple_of3A_2443] : memref<32x1000000xf32, #tpu.memory_space<hbm>> -> memref<8x128xf32, #tpu.memory_space<hbm>>
        %dma_start3A_2452 = arith.constant 0 : i32
        %dma_start3A_2453 = arith.constant 0 : i32
        %dma_start3A_2454 = tpu.memref_slice %arg10[%dma_start3A_2444, %dma_start3A_2445, %dma_start3A_2452, %dma_start3A_2453] : memref<2x4x32x128xf32, #tpu.memory_space<vmem>> -> memref<1x1x8x128xf32, #tpu.memory_space<vmem>>
        %dma_start3A_2455 = tpu.memref_squeeze %dma_start3A_2454 : memref<1x1x8x128xf32, #tpu.memory_space<vmem>> -> memref<8x128xf32, #tpu.memory_space<vmem>>
        %dma_start3A_2456 = arith.constant 0 : i32
        %dma_start3A_2457 = tpu.memref_slice %arg5[%dma_start3A_2456, %multiple_of3A_2443] : memref<32x1000000xf32, #tpu.memory_space<hbm>> -> memref<8x128xf32, #tpu.memory_space<hbm>>
        tpu.enqueue_dma source(%dma_start3A_2457 : memref<8x128xf32, #tpu.memory_space<hbm>>) target(%dma_start3A_2455 : memref<8x128xf32, #tpu.memory_space<vmem>>) target_semaphore(%arg12 : memref<!tpu.dma_semaphore, #tpu.memory_space<semaphore_mem>>)
        %multiple_of3A_2458 = tpu.assume_multiple %mul3A_2399, 128 : i32
        %dma_start3A_2459 = arith.constant 1 : i32
        %dma_start3A_2460 = arith.constant 0 : i32
        %dma_start3A_2461 = arith.constant 8 : i32
        %dma_start3A_2462 = arith.constant 0 : i32
        %dma_start3A_2463 = tpu.memref_slice %arg9[%dma_start3A_2459, %dma_start3A_2460, %dma_start3A_2461, %dma_start3A_2462] : memref<2x4x32x128xf32, #tpu.memory_space<vmem>> -> memref<1x1x8x128xf32, #tpu.memory_space<vmem>>
        %dma_start3A_2464 = tpu.memref_squeeze %dma_start3A_2463 : memref<1x1x8x128xf32, #tpu.memory_space<vmem>> -> memref<8x128xf32, #tpu.memory_space<vmem>>
        %dma_start3A_2465 = arith.constant 8 : i32
        %dma_start3A_2466 = tpu.memref_slice %arg4[%dma_start3A_2465, %multiple_of3A_2458] : memref<32x1000000xf32, #tpu.memory_space<hbm>> -> memref<8x128xf32, #tpu.memory_space<hbm>>
        %dma_start3A_2467 = arith.constant 8 : i32
        %dma_start3A_2468 = arith.constant 0 : i32
        %dma_start3A_2469 = tpu.memref_slice %arg9[%dma_start3A_2459, %dma_start3A_2460, %dma_start3A_2467, %dma_start3A_2468] : memref<2x4x32x128xf32, #tpu.memory_space<vmem>> -> memref<1x1x8x128xf32, #tpu.memory_space<vmem>>
        %dma_start3A_2470 = tpu.memref_squeeze %dma_start3A_2469 : memref<1x1x8x128xf32, #tpu.memory_space<vmem>> -> memref<8x128xf32, #tpu.memory_space<vmem>>
        %dma_start3A_2471 = arith.constant 8 : i32
        %dma_start3A_2472 = tpu.memref_slice %arg4[%dma_start3A_2471, %multiple_of3A_2458] : memref<32x1000000xf32, #tpu.memory_space<hbm>> -> memref<8x128xf32, #tpu.memory_space<hbm>>
        tpu.enqueue_dma source(%dma_start3A_2472 : memref<8x128xf32, #tpu.memory_space<hbm>>) target(%dma_start3A_2470 : memref<8x128xf32, #tpu.memory_space<vmem>>) target_semaphore(%arg12 : memref<!tpu.dma_semaphore, #tpu.memory_space<semaphore_mem>>)
        %multiple_of3A_2473 = tpu.assume_multiple %mul3A_2427, 128 : i32
        %dma_start3A_2474 = arith.constant 1 : i32
        %dma_start3A_2475 = arith.constant 0 : i32
        %dma_start3A_2476 = arith.constant 8 : i32
        %dma_start3A_2477 = arith.constant 0 : i32
        %dma_start3A_2478 = tpu.memref_slice %arg10[%dma_start3A_2474, %dma_start3A_2475, %dma_start3A_2476, %dma_start3A_2477] : memref<2x4x32x128xf32, #tpu.memory_space<vmem>> -> memref<1x1x8x128xf32, #tpu.memory_space<vmem>>
        %dma_start3A_2479 = tpu.memref_squeeze %dma_start3A_2478 : memref<1x1x8x128xf32, #tpu.memory_space<vmem>> -> memref<8x128xf32, #tpu.memory_space<vmem>>
        %dma_start3A_2480 = arith.constant 8 : i32
        %dma_start3A_2481 = tpu.memref_slice %arg5[%dma_start3A_2480, %multiple_of3A_2473] : memref<32x1000000xf32, #tpu.memory_space<hbm>> -> memref<8x128xf32, #tpu.memory_space<hbm>>
        %dma_start3A_2482 = arith.constant 8 : i32
        %dma_start3A_2483 = arith.constant 0 : i32
        %dma_start3A_2484 = tpu.memref_slice %arg10[%dma_start3A_2474, %dma_start3A_2475, %dma_start3A_2482, %dma_start3A_2483] : memref<2x4x32x128xf32, #tpu.memory_space<vmem>> -> memref<1x1x8x128xf32, #tpu.memory_space<vmem>>
        %dma_start3A_2485 = tpu.memref_squeeze %dma_start3A_2484 : memref<1x1x8x128xf32, #tpu.memory_space<vmem>> -> memref<8x128xf32, #tpu.memory_space<vmem>>
        %dma_start3A_2486 = arith.constant 8 : i32
        %dma_start3A_2487 = tpu.memref_slice %arg5[%dma_start3A_2486, %multiple_of3A_2473] : memref<32x1000000xf32, #tpu.memory_space<hbm>> -> memref<8x128xf32, #tpu.memory_space<hbm>>
        tpu.enqueue_dma source(%dma_start3A_2487 : memref<8x128xf32, #tpu.memory_space<hbm>>) target(%dma_start3A_2485 : memref<8x128xf32, #tpu.memory_space<vmem>>) target_semaphore(%arg12 : memref<!tpu.dma_semaphore, #tpu.memory_space<semaphore_mem>>)
        %multiple_of3A_2488 = tpu.assume_multiple %mul3A_2399, 128 : i32
        %dma_start3A_2489 = arith.constant 1 : i32
        %dma_start3A_2490 = arith.constant 0 : i32
        %dma_start3A_2491 = arith.constant 16 : i32
        %dma_start3A_2492 = arith.constant 0 : i32
        %dma_start3A_2493 = tpu.memref_slice %arg9[%dma_start3A_2489, %dma_start3A_2490, %dma_start3A_2491, %dma_start3A_2492] : memref<2x4x32x128xf32, #tpu.memory_space<vmem>> -> memref<1x1x8x128xf32, #tpu.memory_space<vmem>>
        %dma_start3A_2494 = tpu.memref_squeeze %dma_start3A_2493 : memref<1x1x8x128xf32, #tpu.memory_space<vmem>> -> memref<8x128xf32, #tpu.memory_space<vmem>>
        %dma_start3A_2495 = arith.constant 16 : i32
        %dma_start3A_2496 = tpu.memref_slice %arg4[%dma_start3A_2495, %multiple_of3A_2488] : memref<32x1000000xf32, #tpu.memory_space<hbm>> -> memref<8x128xf32, #tpu.memory_space<hbm>>
        %dma_start3A_2497 = arith.constant 16 : i32
        %dma_start3A_2498 = arith.constant 0 : i32
        %dma_start3A_2499 = tpu.memref_slice %arg9[%dma_start3A_2489, %dma_start3A_2490, %dma_start3A_2497, %dma_start3A_2498] : memref<2x4x32x128xf32, #tpu.memory_space<vmem>> -> memref<1x1x8x128xf32, #tpu.memory_space<vmem>>
        %dma_start3A_2500 = tpu.memref_squeeze %dma_start3A_2499 : memref<1x1x8x128xf32, #tpu.memory_space<vmem>> -> memref<8x128xf32, #tpu.memory_space<vmem>>
        %dma_start3A_2501 = arith.constant 16 : i32
        %dma_start3A_2502 = tpu.memref_slice %arg4[%dma_start3A_2501, %multiple_of3A_2488] : memref<32x1000000xf32, #tpu.memory_space<hbm>> -> memref<8x128xf32, #tpu.memory_space<hbm>>
        tpu.enqueue_dma source(%dma_start3A_2502 : memref<8x128xf32, #tpu.memory_space<hbm>>) target(%dma_start3A_2500 : memref<8x128xf32, #tpu.memory_space<vmem>>) target_semaphore(%arg12 : memref<!tpu.dma_semaphore, #tpu.memory_space<semaphore_mem>>)
        %multiple_of3A_2503 = tpu.assume_multiple %mul3A_2427, 128 : i32
        %dma_start3A_2504 = arith.constant 1 : i32
        %dma_start3A_2505 = arith.constant 0 : i32
        %dma_start3A_2506 = arith.constant 16 : i32
        %dma_start3A_2507 = arith.constant 0 : i32
        %dma_start3A_2508 = tpu.memref_slice %arg10[%dma_start3A_2504, %dma_start3A_2505, %dma_start3A_2506, %dma_start3A_2507] : memref<2x4x32x128xf32, #tpu.memory_space<vmem>> -> memref<1x1x8x128xf32, #tpu.memory_space<vmem>>
        %dma_start3A_2509 = tpu.memref_squeeze %dma_start3A_2508 : memref<1x1x8x128xf32, #tpu.memory_space<vmem>> -> memref<8x128xf32, #tpu.memory_space<vmem>>
        %dma_start3A_2510 = arith.constant 16 : i32
        %dma_start3A_2511 = tpu.memref_slice %arg5[%dma_start3A_2510, %multiple_of3A_2503] : memref<32x1000000xf32, #tpu.memory_space<hbm>> -> memref<8x128xf32, #tpu.memory_space<hbm>>
        %dma_start3A_2512 = arith.constant 16 : i32
        %dma_start3A_2513 = arith.constant 0 : i32
        %dma_start3A_2514 = tpu.memref_slice %arg10[%dma_start3A_2504, %dma_start3A_2505, %dma_start3A_2512, %dma_start3A_2513] : memref<2x4x32x128xf32, #tpu.memory_space<vmem>> -> memref<1x1x8x128xf32, #tpu.memory_space<vmem>>
        %dma_start3A_2515 = tpu.memref_squeeze %dma_start3A_2514 : memref<1x1x8x128xf32, #tpu.memory_space<vmem>> -> memref<8x128xf32, #tpu.memory_space<vmem>>
        %dma_start3A_2516 = arith.constant 16 : i32
        %dma_start3A_2517 = tpu.memref_slice %arg5[%dma_start3A_2516, %multiple_of3A_2503] : memref<32x1000000xf32, #tpu.memory_space<hbm>> -> memref<8x128xf32, #tpu.memory_space<hbm>>
        tpu.enqueue_dma source(%dma_start3A_2517 : memref<8x128xf32, #tpu.memory_space<hbm>>) target(%dma_start3A_2515 : memref<8x128xf32, #tpu.memory_space<vmem>>) target_semaphore(%arg12 : memref<!tpu.dma_semaphore, #tpu.memory_space<semaphore_mem>>)
        %multiple_of3A_2518 = tpu.assume_multiple %mul3A_2399, 128 : i32
        %dma_start3A_2519 = arith.constant 1 : i32
        %dma_start3A_2520 = arith.constant 0 : i32
        %dma_start3A_2521 = arith.constant 24 : i32
        %dma_start3A_2522 = arith.constant 0 : i32
        %dma_start3A_2523 = tpu.memref_slice %arg9[%dma_start3A_2519, %dma_start3A_2520, %dma_start3A_2521, %dma_start3A_2522] : memref<2x4x32x128xf32, #tpu.memory_space<vmem>> -> memref<1x1x8x128xf32, #tpu.memory_space<vmem>>
        %dma_start3A_2524 = tpu.memref_squeeze %dma_start3A_2523 : memref<1x1x8x128xf32, #tpu.memory_space<vmem>> -> memref<8x128xf32, #tpu.memory_space<vmem>>
        %dma_start3A_2525 = arith.constant 24 : i32
        %dma_start3A_2526 = tpu.memref_slice %arg4[%dma_start3A_2525, %multiple_of3A_2518] : memref<32x1000000xf32, #tpu.memory_space<hbm>> -> memref<8x128xf32, #tpu.memory_space<hbm>>
        %dma_start3A_2527 = arith.constant 24 : i32
        %dma_start3A_2528 = arith.constant 0 : i32
        %dma_start3A_2529 = tpu.memref_slice %arg9[%dma_start3A_2519, %dma_start3A_2520, %dma_start3A_2527, %dma_start3A_2528] : memref<2x4x32x128xf32, #tpu.memory_space<vmem>> -> memref<1x1x8x128xf32, #tpu.memory_space<vmem>>
        %dma_start3A_2530 = tpu.memref_squeeze %dma_start3A_2529 : memref<1x1x8x128xf32, #tpu.memory_space<vmem>> -> memref<8x128xf32, #tpu.memory_space<vmem>>
        %dma_start3A_2531 = arith.constant 24 : i32
        %dma_start3A_2532 = tpu.memref_slice %arg4[%dma_start3A_2531, %multiple_of3A_2518] : memref<32x1000000xf32, #tpu.memory_space<hbm>> -> memref<8x128xf32, #tpu.memory_space<hbm>>
        tpu.enqueue_dma source(%dma_start3A_2532 : memref<8x128xf32, #tpu.memory_space<hbm>>) target(%dma_start3A_2530 : memref<8x128xf32, #tpu.memory_space<vmem>>) target_semaphore(%arg12 : memref<!tpu.dma_semaphore, #tpu.memory_space<semaphore_mem>>)
        %multiple_of3A_2533 = tpu.assume_multiple %mul3A_2427, 128 : i32
        %dma_start3A_2534 = arith.constant 1 : i32
        %dma_start3A_2535 = arith.constant 0 : i32
        %dma_start3A_2536 = arith.constant 24 : i32
        %dma_start3A_2537 = arith.constant 0 : i32
        %dma_start3A_2538 = tpu.memref_slice %arg10[%dma_start3A_2534, %dma_start3A_2535, %dma_start3A_2536, %dma_start3A_2537] : memref<2x4x32x128xf32, #tpu.memory_space<vmem>> -> memref<1x1x8x128xf32, #tpu.memory_space<vmem>>
        %dma_start3A_2539 = tpu.memref_squeeze %dma_start3A_2538 : memref<1x1x8x128xf32, #tpu.memory_space<vmem>> -> memref<8x128xf32, #tpu.memory_space<vmem>>
        %dma_start3A_2540 = arith.constant 24 : i32
        %dma_start3A_2541 = tpu.memref_slice %arg5[%dma_start3A_2540, %multiple_of3A_2533] : memref<32x1000000xf32, #tpu.memory_space<hbm>> -> memref<8x128xf32, #tpu.memory_space<hbm>>
        %dma_start3A_2542 = arith.constant 24 : i32
        %dma_start3A_2543 = arith.constant 0 : i32
        %dma_start3A_2544 = tpu.memref_slice %arg10[%dma_start3A_2534, %dma_start3A_2535, %dma_start3A_2542, %dma_start3A_2543] : memref<2x4x32x128xf32, #tpu.memory_space<vmem>> -> memref<1x1x8x128xf32, #tpu.memory_space<vmem>>
        %dma_start3A_2545 = tpu.memref_squeeze %dma_start3A_2544 : memref<1x1x8x128xf32, #tpu.memory_space<vmem>> -> memref<8x128xf32, #tpu.memory_space<vmem>>
        %dma_start3A_2546 = arith.constant 24 : i32
        %dma_start3A_2547 = tpu.memref_slice %arg5[%dma_start3A_2546, %multiple_of3A_2533] : memref<32x1000000xf32, #tpu.memory_space<hbm>> -> memref<8x128xf32, #tpu.memory_space<hbm>>
        tpu.enqueue_dma source(%dma_start3A_2547 : memref<8x128xf32, #tpu.memory_space<hbm>>) target(%dma_start3A_2545 : memref<8x128xf32, #tpu.memory_space<vmem>>) target_semaphore(%arg12 : memref<!tpu.dma_semaphore, #tpu.memory_space<semaphore_mem>>)
        %slice3A_2548 = vector.extract_strided_slice %get3A_2367 {offsets = [1], sizes = [1], strides = [1]} : vector<16xi32> to vector<1xi32>
        %squeeze3A_2549 = vector.extract %slice3A_2548[0] : i32 from vector<1xi32>
        %jit3A_2550 = arith.constant 128 : i32
        %div3A_2551 = arith.divsi %squeeze3A_2549, %jit3A_2550 : i32
        %sign3A_2552 = arith.constant 0 : i32
        %sign3A_2553 = arith.cmpi sgt, %squeeze3A_2549, %sign3A_2552 : i32
        %sign3A_2554 = arith.extui %sign3A_2553 : i1 to i32
        %sign3A_2555 = arith.constant 0 : i32
        %sign3A_2556 = arith.cmpi slt, %squeeze3A_2549, %sign3A_2555 : i32
        %sign3A_2557 = arith.extui %sign3A_2556 : i1 to i32
        %sign3A_2558 = arith.subi %sign3A_2554, %sign3A_2557 : i32
        %sign3A_2559 = arith.constant 0 : i32
        %sign3A_2560 = arith.cmpi sgt, %jit3A_2550, %sign3A_2559 : i32
        %sign3A_2561 = arith.extui %sign3A_2560 : i1 to i32
        %sign3A_2562 = arith.constant 0 : i32
        %sign3A_2563 = arith.cmpi slt, %jit3A_2550, %sign3A_2562 : i32
        %sign3A_2564 = arith.extui %sign3A_2563 : i1 to i32
        %sign3A_2565 = arith.subi %sign3A_2561, %sign3A_2564 : i32
        %ne3A_2566 = arith.cmpi ne, %sign3A_2558, %sign3A_2565 : i32
        %rem3A_2567 = arith.remsi %squeeze3A_2549, %jit3A_2550 : i32
        %ne3A_2568 = arith.constant 0 : i32
        %ne3A_2569 = arith.cmpi ne, %rem3A_2567, %ne3A_2568 : i32
        %and3A_2570 = arith.andi %ne3A_2566, %ne3A_2569 : i1
        %sub3A_2571 = arith.constant 1 : i32
        %sub3A_2572 = arith.subi %div3A_2551, %sub3A_2571 : i32
        %select_n3A_2573 = arith.select %and3A_2570, %sub3A_2572, %div3A_2551 : i32
        %mul3A_2574 = arith.constant 128 : i32
        %mul3A_2575 = arith.muli %select_n3A_2573, %mul3A_2574 : i32
        %slice3A_2576 = vector.extract_strided_slice %get3A_2371 {offsets = [1], sizes = [1], strides = [1]} : vector<16xi32> to vector<1xi32>
        %squeeze3A_2577 = vector.extract %slice3A_2576[0] : i32 from vector<1xi32>
        %jit3A_2578 = arith.constant 128 : i32
        %div3A_2579 = arith.divsi %squeeze3A_2577, %jit3A_2578 : i32
        %sign3A_2580 = arith.constant 0 : i32
        %sign3A_2581 = arith.cmpi sgt, %squeeze3A_2577, %sign3A_2580 : i32
        %sign3A_2582 = arith.extui %sign3A_2581 : i1 to i32
        %sign3A_2583 = arith.constant 0 : i32
        %sign3A_2584 = arith.cmpi slt, %squeeze3A_2577, %sign3A_2583 : i32
        %sign3A_2585 = arith.extui %sign3A_2584 : i1 to i32
        %sign3A_2586 = arith.subi %sign3A_2582, %sign3A_2585 : i32
        %sign3A_2587 = arith.constant 0 : i32
        %sign3A_2588 = arith.cmpi sgt, %jit3A_2578, %sign3A_2587 : i32
        %sign3A_2589 = arith.extui %sign3A_2588 : i1 to i32
        %sign3A_2590 = arith.constant 0 : i32
        %sign3A_2591 = arith.cmpi slt, %jit3A_2578, %sign3A_2590 : i32
        %sign3A_2592 = arith.extui %sign3A_2591 : i1 to i32
        %sign3A_2593 = arith.subi %sign3A_2589, %sign3A_2592 : i32
        %ne3A_2594 = arith.cmpi ne, %sign3A_2586, %sign3A_2593 : i32
        %rem3A_2595 = arith.remsi %squeeze3A_2577, %jit3A_2578 : i32
        %ne3A_2596 = arith.constant 0 : i32
        %ne3A_2597 = arith.cmpi ne, %rem3A_2595, %ne3A_2596 : i32
        %and3A_2598 = arith.andi %ne3A_2594, %ne3A_2597 : i1
        %sub3A_2599 = arith.constant 1 : i32
        %sub3A_2600 = arith.subi %div3A_2579, %sub3A_2599 : i32
        %select_n3A_2601 = arith.select %and3A_2598, %sub3A_2600, %div3A_2579 : i32
        %mul3A_2602 = arith.constant 128 : i32
        %mul3A_2603 = arith.muli %select_n3A_2601, %mul3A_2602 : i32
        %multiple_of3A_2604 = tpu.assume_multiple %mul3A_2575, 128 : i32
        %dma_start3A_2605 = arith.constant 1 : i32
        %dma_start3A_2606 = arith.constant 1 : i32
        %dma_start3A_2607 = arith.constant 0 : i32
        %dma_start3A_2608 = arith.constant 0 : i32
        %dma_start3A_2609 = tpu.memref_slice %arg9[%dma_start3A_2605, %dma_start3A_2606, %dma_start3A_2607, %dma_start3A_2608] : memref<2x4x32x128xf32, #tpu.memory_space<vmem>> -> memref<1x1x8x128xf32, #tpu.memory_space<vmem>>
        %dma_start3A_2610 = tpu.memref_squeeze %dma_start3A_2609 : memref<1x1x8x128xf32, #tpu.memory_space<vmem>> -> memref<8x128xf32, #tpu.memory_space<vmem>>
        %dma_start3A_2611 = arith.constant 0 : i32
        %dma_start3A_2612 = tpu.memref_slice %arg4[%dma_start3A_2611, %multiple_of3A_2604] : memref<32x1000000xf32, #tpu.memory_space<hbm>> -> memref<8x128xf32, #tpu.memory_space<hbm>>
        %dma_start3A_2613 = arith.constant 0 : i32
        %dma_start3A_2614 = arith.constant 0 : i32
        %dma_start3A_2615 = tpu.memref_slice %arg9[%dma_start3A_2605, %dma_start3A_2606, %dma_start3A_2613, %dma_start3A_2614] : memref<2x4x32x128xf32, #tpu.memory_space<vmem>> -> memref<1x1x8x128xf32, #tpu.memory_space<vmem>>
        %dma_start3A_2616 = tpu.memref_squeeze %dma_start3A_2615 : memref<1x1x8x128xf32, #tpu.memory_space<vmem>> -> memref<8x128xf32, #tpu.memory_space<vmem>>
        %dma_start3A_2617 = arith.constant 0 : i32
        %dma_start3A_2618 = tpu.memref_slice %arg4[%dma_start3A_2617, %multiple_of3A_2604] : memref<32x1000000xf32, #tpu.memory_space<hbm>> -> memref<8x128xf32, #tpu.memory_space<hbm>>
        tpu.enqueue_dma source(%dma_start3A_2618 : memref<8x128xf32, #tpu.memory_space<hbm>>) target(%dma_start3A_2616 : memref<8x128xf32, #tpu.memory_space<vmem>>) target_semaphore(%arg12 : memref<!tpu.dma_semaphore, #tpu.memory_space<semaphore_mem>>)
        %multiple_of3A_2619 = tpu.assume_multiple %mul3A_2603, 128 : i32
        %dma_start3A_2620 = arith.constant 1 : i32
        %dma_start3A_2621 = arith.constant 1 : i32
        %dma_start3A_2622 = arith.constant 0 : i32
        %dma_start3A_2623 = arith.constant 0 : i32
        %dma_start3A_2624 = tpu.memref_slice %arg10[%dma_start3A_2620, %dma_start3A_2621, %dma_start3A_2622, %dma_start3A_2623] : memref<2x4x32x128xf32, #tpu.memory_space<vmem>> -> memref<1x1x8x128xf32, #tpu.memory_space<vmem>>
        %dma_start3A_2625 = tpu.memref_squeeze %dma_start3A_2624 : memref<1x1x8x128xf32, #tpu.memory_space<vmem>> -> memref<8x128xf32, #tpu.memory_space<vmem>>
        %dma_start3A_2626 = arith.constant 0 : i32
        %dma_start3A_2627 = tpu.memref_slice %arg5[%dma_start3A_2626, %multiple_of3A_2619] : memref<32x1000000xf32, #tpu.memory_space<hbm>> -> memref<8x128xf32, #tpu.memory_space<hbm>>
        %dma_start3A_2628 = arith.constant 0 : i32
        %dma_start3A_2629 = arith.constant 0 : i32
        %dma_start3A_2630 = tpu.memref_slice %arg10[%dma_start3A_2620, %dma_start3A_2621, %dma_start3A_2628, %dma_start3A_2629] : memref<2x4x32x128xf32, #tpu.memory_space<vmem>> -> memref<1x1x8x128xf32, #tpu.memory_space<vmem>>
        %dma_start3A_2631 = tpu.memref_squeeze %dma_start3A_2630 : memref<1x1x8x128xf32, #tpu.memory_space<vmem>> -> memref<8x128xf32, #tpu.memory_space<vmem>>
        %dma_start3A_2632 = arith.constant 0 : i32
        %dma_start3A_2633 = tpu.memref_slice %arg5[%dma_start3A_2632, %multiple_of3A_2619] : memref<32x1000000xf32, #tpu.memory_space<hbm>> -> memref<8x128xf32, #tpu.memory_space<hbm>>
        tpu.enqueue_dma source(%dma_start3A_2633 : memref<8x128xf32, #tpu.memory_space<hbm>>) target(%dma_start3A_2631 : memref<8x128xf32, #tpu.memory_space<vmem>>) target_semaphore(%arg12 : memref<!tpu.dma_semaphore, #tpu.memory_space<semaphore_mem>>)
        %multiple_of3A_2634 = tpu.assume_multiple %mul3A_2575, 128 : i32
        %dma_start3A_2635 = arith.constant 1 : i32
        %dma_start3A_2636 = arith.constant 1 : i32
        %dma_start3A_2637 = arith.constant 8 : i32
        %dma_start3A_2638 = arith.constant 0 : i32
        %dma_start3A_2639 = tpu.memref_slice %arg9[%dma_start3A_2635, %dma_start3A_2636, %dma_start3A_2637, %dma_start3A_2638] : memref<2x4x32x128xf32, #tpu.memory_space<vmem>> -> memref<1x1x8x128xf32, #tpu.memory_space<vmem>>
        %dma_start3A_2640 = tpu.memref_squeeze %dma_start3A_2639 : memref<1x1x8x128xf32, #tpu.memory_space<vmem>> -> memref<8x128xf32, #tpu.memory_space<vmem>>
        %dma_start3A_2641 = arith.constant 8 : i32
        %dma_start3A_2642 = tpu.memref_slice %arg4[%dma_start3A_2641, %multiple_of3A_2634] : memref<32x1000000xf32, #tpu.memory_space<hbm>> -> memref<8x128xf32, #tpu.memory_space<hbm>>
        %dma_start3A_2643 = arith.constant 8 : i32
        %dma_start3A_2644 = arith.constant 0 : i32
        %dma_start3A_2645 = tpu.memref_slice %arg9[%dma_start3A_2635, %dma_start3A_2636, %dma_start3A_2643, %dma_start3A_2644] : memref<2x4x32x128xf32, #tpu.memory_space<vmem>> -> memref<1x1x8x128xf32, #tpu.memory_space<vmem>>
        %dma_start3A_2646 = tpu.memref_squeeze %dma_start3A_2645 : memref<1x1x8x128xf32, #tpu.memory_space<vmem>> -> memref<8x128xf32, #tpu.memory_space<vmem>>
        %dma_start3A_2647 = arith.constant 8 : i32
        %dma_start3A_2648 = tpu.memref_slice %arg4[%dma_start3A_2647, %multiple_of3A_2634] : memref<32x1000000xf32, #tpu.memory_space<hbm>> -> memref<8x128xf32, #tpu.memory_space<hbm>>
        tpu.enqueue_dma source(%dma_start3A_2648 : memref<8x128xf32, #tpu.memory_space<hbm>>) target(%dma_start3A_2646 : memref<8x128xf32, #tpu.memory_space<vmem>>) target_semaphore(%arg12 : memref<!tpu.dma_semaphore, #tpu.memory_space<semaphore_mem>>)
        %multiple_of3A_2649 = tpu.assume_multiple %mul3A_2603, 128 : i32
        %dma_start3A_2650 = arith.constant 1 : i32
        %dma_start3A_2651 = arith.constant 1 : i32
        %dma_start3A_2652 = arith.constant 8 : i32
        %dma_start3A_2653 = arith.constant 0 : i32
        %dma_start3A_2654 = tpu.memref_slice %arg10[%dma_start3A_2650, %dma_start3A_2651, %dma_start3A_2652, %dma_start3A_2653] : memref<2x4x32x128xf32, #tpu.memory_space<vmem>> -> memref<1x1x8x128xf32, #tpu.memory_space<vmem>>
        %dma_start3A_2655 = tpu.memref_squeeze %dma_start3A_2654 : memref<1x1x8x128xf32, #tpu.memory_space<vmem>> -> memref<8x128xf32, #tpu.memory_space<vmem>>
        %dma_start3A_2656 = arith.constant 8 : i32
        %dma_start3A_2657 = tpu.memref_slice %arg5[%dma_start3A_2656, %multiple_of3A_2649] : memref<32x1000000xf32, #tpu.memory_space<hbm>> -> memref<8x128xf32, #tpu.memory_space<hbm>>
        %dma_start3A_2658 = arith.constant 8 : i32
        %dma_start3A_2659 = arith.constant 0 : i32
        %dma_start3A_2660 = tpu.memref_slice %arg10[%dma_start3A_2650, %dma_start3A_2651, %dma_start3A_2658, %dma_start3A_2659] : memref<2x4x32x128xf32, #tpu.memory_space<vmem>> -> memref<1x1x8x128xf32, #tpu.memory_space<vmem>>
        %dma_start3A_2661 = tpu.memref_squeeze %dma_start3A_2660 : memref<1x1x8x128xf32, #tpu.memory_space<vmem>> -> memref<8x128xf32, #tpu.memory_space<vmem>>
        %dma_start3A_2662 = arith.constant 8 : i32
        %dma_start3A_2663 = tpu.memref_slice %arg5[%dma_start3A_2662, %multiple_of3A_2649] : memref<32x1000000xf32, #tpu.memory_space<hbm>> -> memref<8x128xf32, #tpu.memory_space<hbm>>
        tpu.enqueue_dma source(%dma_start3A_2663 : memref<8x128xf32, #tpu.memory_space<hbm>>) target(%dma_start3A_2661 : memref<8x128xf32, #tpu.memory_space<vmem>>) target_semaphore(%arg12 : memref<!tpu.dma_semaphore, #tpu.memory_space<semaphore_mem>>)
        %multiple_of3A_2664 = tpu.assume_multiple %mul3A_2575, 128 : i32
        %dma_start3A_2665 = arith.constant 1 : i32
        %dma_start3A_2666 = arith.constant 1 : i32
        %dma_start3A_2667 = arith.constant 16 : i32
        %dma_start3A_2668 = arith.constant 0 : i32
        %dma_start3A_2669 = tpu.memref_slice %arg9[%dma_start3A_2665, %dma_start3A_2666, %dma_start3A_2667, %dma_start3A_2668] : memref<2x4x32x128xf32, #tpu.memory_space<vmem>> -> memref<1x1x8x128xf32, #tpu.memory_space<vmem>>
        %dma_start3A_2670 = tpu.memref_squeeze %dma_start3A_2669 : memref<1x1x8x128xf32, #tpu.memory_space<vmem>> -> memref<8x128xf32, #tpu.memory_space<vmem>>
        %dma_start3A_2671 = arith.constant 16 : i32
        %dma_start3A_2672 = tpu.memref_slice %arg4[%dma_start3A_2671, %multiple_of3A_2664] : memref<32x1000000xf32, #tpu.memory_space<hbm>> -> memref<8x128xf32, #tpu.memory_space<hbm>>
        %dma_start3A_2673 = arith.constant 16 : i32
        %dma_start3A_2674 = arith.constant 0 : i32
        %dma_start3A_2675 = tpu.memref_slice %arg9[%dma_start3A_2665, %dma_start3A_2666, %dma_start3A_2673, %dma_start3A_2674] : memref<2x4x32x128xf32, #tpu.memory_space<vmem>> -> memref<1x1x8x128xf32, #tpu.memory_space<vmem>>
        %dma_start3A_2676 = tpu.memref_squeeze %dma_start3A_2675 : memref<1x1x8x128xf32, #tpu.memory_space<vmem>> -> memref<8x128xf32, #tpu.memory_space<vmem>>
        %dma_start3A_2677 = arith.constant 16 : i32
        %dma_start3A_2678 = tpu.memref_slice %arg4[%dma_start3A_2677, %multiple_of3A_2664] : memref<32x1000000xf32, #tpu.memory_space<hbm>> -> memref<8x128xf32, #tpu.memory_space<hbm>>
        tpu.enqueue_dma source(%dma_start3A_2678 : memref<8x128xf32, #tpu.memory_space<hbm>>) target(%dma_start3A_2676 : memref<8x128xf32, #tpu.memory_space<vmem>>) target_semaphore(%arg12 : memref<!tpu.dma_semaphore, #tpu.memory_space<semaphore_mem>>)
        %multiple_of3A_2679 = tpu.assume_multiple %mul3A_2603, 128 : i32
        %dma_start3A_2680 = arith.constant 1 : i32
        %dma_start3A_2681 = arith.constant 1 : i32
        %dma_start3A_2682 = arith.constant 16 : i32
        %dma_start3A_2683 = arith.constant 0 : i32
        %dma_start3A_2684 = tpu.memref_slice %arg10[%dma_start3A_2680, %dma_start3A_2681, %dma_start3A_2682, %dma_start3A_2683] : memref<2x4x32x128xf32, #tpu.memory_space<vmem>> -> memref<1x1x8x128xf32, #tpu.memory_space<vmem>>
        %dma_start3A_2685 = tpu.memref_squeeze %dma_start3A_2684 : memref<1x1x8x128xf32, #tpu.memory_space<vmem>> -> memref<8x128xf32, #tpu.memory_space<vmem>>
        %dma_start3A_2686 = arith.constant 16 : i32
        %dma_start3A_2687 = tpu.memref_slice %arg5[%dma_start3A_2686, %multiple_of3A_2679] : memref<32x1000000xf32, #tpu.memory_space<hbm>> -> memref<8x128xf32, #tpu.memory_space<hbm>>
        %dma_start3A_2688 = arith.constant 16 : i32
        %dma_start3A_2689 = arith.constant 0 : i32
        %dma_start3A_2690 = tpu.memref_slice %arg10[%dma_start3A_2680, %dma_start3A_2681, %dma_start3A_2688, %dma_start3A_2689] : memref<2x4x32x128xf32, #tpu.memory_space<vmem>> -> memref<1x1x8x128xf32, #tpu.memory_space<vmem>>
        %dma_start3A_2691 = tpu.memref_squeeze %dma_start3A_2690 : memref<1x1x8x128xf32, #tpu.memory_space<vmem>> -> memref<8x128xf32, #tpu.memory_space<vmem>>
        %dma_start3A_2692 = arith.constant 16 : i32
        %dma_start3A_2693 = tpu.memref_slice %arg5[%dma_start3A_2692, %multiple_of3A_2679] : memref<32x1000000xf32, #tpu.memory_space<hbm>> -> memref<8x128xf32, #tpu.memory_space<hbm>>
        tpu.enqueue_dma source(%dma_start3A_2693 : memref<8x128xf32, #tpu.memory_space<hbm>>) target(%dma_start3A_2691 : memref<8x128xf32, #tpu.memory_space<vmem>>) target_semaphore(%arg12 : memref<!tpu.dma_semaphore, #tpu.memory_space<semaphore_mem>>)
        %multiple_of3A_2694 = tpu.assume_multiple %mul3A_2575, 128 : i32
        %dma_start3A_2695 = arith.constant 1 : i32
        %dma_start3A_2696 = arith.constant 1 : i32
        %dma_start3A_2697 = arith.constant 24 : i32
        %dma_start3A_2698 = arith.constant 0 : i32
        %dma_start3A_2699 = tpu.memref_slice %arg9[%dma_start3A_2695, %dma_start3A_2696, %dma_start3A_2697, %dma_start3A_2698] : memref<2x4x32x128xf32, #tpu.memory_space<vmem>> -> memref<1x1x8x128xf32, #tpu.memory_space<vmem>>
        %dma_start3A_2700 = tpu.memref_squeeze %dma_start3A_2699 : memref<1x1x8x128xf32, #tpu.memory_space<vmem>> -> memref<8x128xf32, #tpu.memory_space<vmem>>
        %dma_start3A_2701 = arith.constant 24 : i32
        %dma_start3A_2702 = tpu.memref_slice %arg4[%dma_start3A_2701, %multiple_of3A_2694] : memref<32x1000000xf32, #tpu.memory_space<hbm>> -> memref<8x128xf32, #tpu.memory_space<hbm>>
        %dma_start3A_2703 = arith.constant 24 : i32
        %dma_start3A_2704 = arith.constant 0 : i32
        %dma_start3A_2705 = tpu.memref_slice %arg9[%dma_start3A_2695, %dma_start3A_2696, %dma_start3A_2703, %dma_start3A_2704] : memref<2x4x32x128xf32, #tpu.memory_space<vmem>> -> memref<1x1x8x128xf32, #tpu.memory_space<vmem>>
        %dma_start3A_2706 = tpu.memref_squeeze %dma_start3A_2705 : memref<1x1x8x128xf32, #tpu.memory_space<vmem>> -> memref<8x128xf32, #tpu.memory_space<vmem>>
        %dma_start3A_2707 = arith.constant 24 : i32
        %dma_start3A_2708 = tpu.memref_slice %arg4[%dma_start3A_2707, %multiple_of3A_2694] : memref<32x1000000xf32, #tpu.memory_space<hbm>> -> memref<8x128xf32, #tpu.memory_space<hbm>>
        tpu.enqueue_dma source(%dma_start3A_2708 : memref<8x128xf32, #tpu.memory_space<hbm>>) target(%dma_start3A_2706 : memref<8x128xf32, #tpu.memory_space<vmem>>) target_semaphore(%arg12 : memref<!tpu.dma_semaphore, #tpu.memory_space<semaphore_mem>>)
        %multiple_of3A_2709 = tpu.assume_multiple %mul3A_2603, 128 : i32
        %dma_start3A_2710 = arith.constant 1 : i32
        %dma_start3A_2711 = arith.constant 1 : i32
        %dma_start3A_2712 = arith.constant 24 : i32
        %dma_start3A_2713 = arith.constant 0 : i32
        %dma_start3A_2714 = tpu.memref_slice %arg10[%dma_start3A_2710, %dma_start3A_2711, %dma_start3A_2712, %dma_start3A_2713] : memref<2x4x32x128xf32, #tpu.memory_space<vmem>> -> memref<1x1x8x128xf32, #tpu.memory_space<vmem>>
        %dma_start3A_2715 = tpu.memref_squeeze %dma_start3A_2714 : memref<1x1x8x128xf32, #tpu.memory_space<vmem>> -> memref<8x128xf32, #tpu.memory_space<vmem>>
        %dma_start3A_2716 = arith.constant 24 : i32
        %dma_start3A_2717 = tpu.memref_slice %arg5[%dma_start3A_2716, %multiple_of3A_2709] : memref<32x1000000xf32, #tpu.memory_space<hbm>> -> memref<8x128xf32, #tpu.memory_space<hbm>>
        %dma_start3A_2718 = arith.constant 24 : i32
        %dma_start3A_2719 = arith.constant 0 : i32
        %dma_start3A_2720 = tpu.memref_slice %arg10[%dma_start3A_2710, %dma_start3A_2711, %dma_start3A_2718, %dma_start3A_2719] : memref<2x4x32x128xf32, #tpu.memory_space<vmem>> -> memref<1x1x8x128xf32, #tpu.memory_space<vmem>>
        %dma_start3A_2721 = tpu.memref_squeeze %dma_start3A_2720 : memref<1x1x8x128xf32, #tpu.memory_space<vmem>> -> memref<8x128xf32, #tpu.memory_space<vmem>>
        %dma_start3A_2722 = arith.constant 24 : i32
        %dma_start3A_2723 = tpu.memref_slice %arg5[%dma_start3A_2722, %multiple_of3A_2709] : memref<32x1000000xf32, #tpu.memory_space<hbm>> -> memref<8x128xf32, #tpu.memory_space<hbm>>
        tpu.enqueue_dma source(%dma_start3A_2723 : memref<8x128xf32, #tpu.memory_space<hbm>>) target(%dma_start3A_2721 : memref<8x128xf32, #tpu.memory_space<vmem>>) target_semaphore(%arg12 : memref<!tpu.dma_semaphore, #tpu.memory_space<semaphore_mem>>)
        %slice3A_2724 = vector.extract_strided_slice %get3A_2367 {offsets = [2], sizes = [1], strides = [1]} : vector<16xi32> to vector<1xi32>
        %squeeze3A_2725 = vector.extract %slice3A_2724[0] : i32 from vector<1xi32>
        %jit3A_2726 = arith.constant 128 : i32
        %div3A_2727 = arith.divsi %squeeze3A_2725, %jit3A_2726 : i32
        %sign3A_2728 = arith.constant 0 : i32
        %sign3A_2729 = arith.cmpi sgt, %squeeze3A_2725, %sign3A_2728 : i32
        %sign3A_2730 = arith.extui %sign3A_2729 : i1 to i32
        %sign3A_2731 = arith.constant 0 : i32
        %sign3A_2732 = arith.cmpi slt, %squeeze3A_2725, %sign3A_2731 : i32
        %sign3A_2733 = arith.extui %sign3A_2732 : i1 to i32
        %sign3A_2734 = arith.subi %sign3A_2730, %sign3A_2733 : i32
        %sign3A_2735 = arith.constant 0 : i32
        %sign3A_2736 = arith.cmpi sgt, %jit3A_2726, %sign3A_2735 : i32
        %sign3A_2737 = arith.extui %sign3A_2736 : i1 to i32
        %sign3A_2738 = arith.constant 0 : i32
        %sign3A_2739 = arith.cmpi slt, %jit3A_2726, %sign3A_2738 : i32
        %sign3A_2740 = arith.extui %sign3A_2739 : i1 to i32
        %sign3A_2741 = arith.subi %sign3A_2737, %sign3A_2740 : i32
        %ne3A_2742 = arith.cmpi ne, %sign3A_2734, %sign3A_2741 : i32
        %rem3A_2743 = arith.remsi %squeeze3A_2725, %jit3A_2726 : i32
        %ne3A_2744 = arith.constant 0 : i32
        %ne3A_2745 = arith.cmpi ne, %rem3A_2743, %ne3A_2744 : i32
        %and3A_2746 = arith.andi %ne3A_2742, %ne3A_2745 : i1
        %sub3A_2747 = arith.constant 1 : i32
        %sub3A_2748 = arith.subi %div3A_2727, %sub3A_2747 : i32
        %select_n3A_2749 = arith.select %and3A_2746, %sub3A_2748, %div3A_2727 : i32
        %mul3A_2750 = arith.constant 128 : i32
        %mul3A_2751 = arith.muli %select_n3A_2749, %mul3A_2750 : i32
        %slice3A_2752 = vector.extract_strided_slice %get3A_2371 {offsets = [2], sizes = [1], strides = [1]} : vector<16xi32> to vector<1xi32>
        %squeeze3A_2753 = vector.extract %slice3A_2752[0] : i32 from vector<1xi32>
        %jit3A_2754 = arith.constant 128 : i32
        %div3A_2755 = arith.divsi %squeeze3A_2753, %jit3A_2754 : i32
        %sign3A_2756 = arith.constant 0 : i32
        %sign3A_2757 = arith.cmpi sgt, %squeeze3A_2753, %sign3A_2756 : i32
        %sign3A_2758 = arith.extui %sign3A_2757 : i1 to i32
        %sign3A_2759 = arith.constant 0 : i32
        %sign3A_2760 = arith.cmpi slt, %squeeze3A_2753, %sign3A_2759 : i32
        %sign3A_2761 = arith.extui %sign3A_2760 : i1 to i32
        %sign3A_2762 = arith.subi %sign3A_2758, %sign3A_2761 : i32
        %sign3A_2763 = arith.constant 0 : i32
        %sign3A_2764 = arith.cmpi sgt, %jit3A_2754, %sign3A_2763 : i32
        %sign3A_2765 = arith.extui %sign3A_2764 : i1 to i32
        %sign3A_2766 = arith.constant 0 : i32
        %sign3A_2767 = arith.cmpi slt, %jit3A_2754, %sign3A_2766 : i32
        %sign3A_2768 = arith.extui %sign3A_2767 : i1 to i32
        %sign3A_2769 = arith.subi %sign3A_2765, %sign3A_2768 : i32
        %ne3A_2770 = arith.cmpi ne, %sign3A_2762, %sign3A_2769 : i32
        %rem3A_2771 = arith.remsi %squeeze3A_2753, %jit3A_2754 : i32
        %ne3A_2772 = arith.constant 0 : i32
        %ne3A_2773 = arith.cmpi ne, %rem3A_2771, %ne3A_2772 : i32
        %and3A_2774 = arith.andi %ne3A_2770, %ne3A_2773 : i1
        %sub3A_2775 = arith.constant 1 : i32
        %sub3A_2776 = arith.subi %div3A_2755, %sub3A_2775 : i32
        %select_n3A_2777 = arith.select %and3A_2774, %sub3A_2776, %div3A_2755 : i32
        %mul3A_2778 = arith.constant 128 : i32
        %mul3A_2779 = arith.muli %select_n3A_2777, %mul3A_2778 : i32
        %multiple_of3A_2780 = tpu.assume_multiple %mul3A_2751, 128 : i32
        %dma_start3A_2781 = arith.constant 1 : i32
        %dma_start3A_2782 = arith.constant 2 : i32
        %dma_start3A_2783 = arith.constant 0 : i32
        %dma_start3A_2784 = arith.constant 0 : i32
        %dma_start3A_2785 = tpu.memref_slice %arg9[%dma_start3A_2781, %dma_start3A_2782, %dma_start3A_2783, %dma_start3A_2784] : memref<2x4x32x128xf32, #tpu.memory_space<vmem>> -> memref<1x1x8x128xf32, #tpu.memory_space<vmem>>
        %dma_start3A_2786 = tpu.memref_squeeze %dma_start3A_2785 : memref<1x1x8x128xf32, #tpu.memory_space<vmem>> -> memref<8x128xf32, #tpu.memory_space<vmem>>
        %dma_start3A_2787 = arith.constant 0 : i32
        %dma_start3A_2788 = tpu.memref_slice %arg4[%dma_start3A_2787, %multiple_of3A_2780] : memref<32x1000000xf32, #tpu.memory_space<hbm>> -> memref<8x128xf32, #tpu.memory_space<hbm>>
        %dma_start3A_2789 = arith.constant 0 : i32
        %dma_start3A_2790 = arith.constant 0 : i32
        %dma_start3A_2791 = tpu.memref_slice %arg9[%dma_start3A_2781, %dma_start3A_2782, %dma_start3A_2789, %dma_start3A_2790] : memref<2x4x32x128xf32, #tpu.memory_space<vmem>> -> memref<1x1x8x128xf32, #tpu.memory_space<vmem>>
        %dma_start3A_2792 = tpu.memref_squeeze %dma_start3A_2791 : memref<1x1x8x128xf32, #tpu.memory_space<vmem>> -> memref<8x128xf32, #tpu.memory_space<vmem>>
        %dma_start3A_2793 = arith.constant 0 : i32
        %dma_start3A_2794 = tpu.memref_slice %arg4[%dma_start3A_2793, %multiple_of3A_2780] : memref<32x1000000xf32, #tpu.memory_space<hbm>> -> memref<8x128xf32, #tpu.memory_space<hbm>>
        tpu.enqueue_dma source(%dma_start3A_2794 : memref<8x128xf32, #tpu.memory_space<hbm>>) target(%dma_start3A_2792 : memref<8x128xf32, #tpu.memory_space<vmem>>) target_semaphore(%arg12 : memref<!tpu.dma_semaphore, #tpu.memory_space<semaphore_mem>>)
        %multiple_of3A_2795 = tpu.assume_multiple %mul3A_2779, 128 : i32
        %dma_start3A_2796 = arith.constant 1 : i32
        %dma_start3A_2797 = arith.constant 2 : i32
        %dma_start3A_2798 = arith.constant 0 : i32
        %dma_start3A_2799 = arith.constant 0 : i32
        %dma_start3A_2800 = tpu.memref_slice %arg10[%dma_start3A_2796, %dma_start3A_2797, %dma_start3A_2798, %dma_start3A_2799] : memref<2x4x32x128xf32, #tpu.memory_space<vmem>> -> memref<1x1x8x128xf32, #tpu.memory_space<vmem>>
        %dma_start3A_2801 = tpu.memref_squeeze %dma_start3A_2800 : memref<1x1x8x128xf32, #tpu.memory_space<vmem>> -> memref<8x128xf32, #tpu.memory_space<vmem>>
        %dma_start3A_2802 = arith.constant 0 : i32
        %dma_start3A_2803 = tpu.memref_slice %arg5[%dma_start3A_2802, %multiple_of3A_2795] : memref<32x1000000xf32, #tpu.memory_space<hbm>> -> memref<8x128xf32, #tpu.memory_space<hbm>>
        %dma_start3A_2804 = arith.constant 0 : i32
        %dma_start3A_2805 = arith.constant 0 : i32
        %dma_start3A_2806 = tpu.memref_slice %arg10[%dma_start3A_2796, %dma_start3A_2797, %dma_start3A_2804, %dma_start3A_2805] : memref<2x4x32x128xf32, #tpu.memory_space<vmem>> -> memref<1x1x8x128xf32, #tpu.memory_space<vmem>>
        %dma_start3A_2807 = tpu.memref_squeeze %dma_start3A_2806 : memref<1x1x8x128xf32, #tpu.memory_space<vmem>> -> memref<8x128xf32, #tpu.memory_space<vmem>>
        %dma_start3A_2808 = arith.constant 0 : i32
        %dma_start3A_2809 = tpu.memref_slice %arg5[%dma_start3A_2808, %multiple_of3A_2795] : memref<32x1000000xf32, #tpu.memory_space<hbm>> -> memref<8x128xf32, #tpu.memory_space<hbm>>
        tpu.enqueue_dma source(%dma_start3A_2809 : memref<8x128xf32, #tpu.memory_space<hbm>>) target(%dma_start3A_2807 : memref<8x128xf32, #tpu.memory_space<vmem>>) target_semaphore(%arg12 : memref<!tpu.dma_semaphore, #tpu.memory_space<semaphore_mem>>)
        %multiple_of3A_2810 = tpu.assume_multiple %mul3A_2751, 128 : i32
        %dma_start3A_2811 = arith.constant 1 : i32
        %dma_start3A_2812 = arith.constant 2 : i32
        %dma_start3A_2813 = arith.constant 8 : i32
        %dma_start3A_2814 = arith.constant 0 : i32
        %dma_start3A_2815 = tpu.memref_slice %arg9[%dma_start3A_2811, %dma_start3A_2812, %dma_start3A_2813, %dma_start3A_2814] : memref<2x4x32x128xf32, #tpu.memory_space<vmem>> -> memref<1x1x8x128xf32, #tpu.memory_space<vmem>>
        %dma_start3A_2816 = tpu.memref_squeeze %dma_start3A_2815 : memref<1x1x8x128xf32, #tpu.memory_space<vmem>> -> memref<8x128xf32, #tpu.memory_space<vmem>>
        %dma_start3A_2817 = arith.constant 8 : i32
        %dma_start3A_2818 = tpu.memref_slice %arg4[%dma_start3A_2817, %multiple_of3A_2810] : memref<32x1000000xf32, #tpu.memory_space<hbm>> -> memref<8x128xf32, #tpu.memory_space<hbm>>
        %dma_start3A_2819 = arith.constant 8 : i32
        %dma_start3A_2820 = arith.constant 0 : i32
        %dma_start3A_2821 = tpu.memref_slice %arg9[%dma_start3A_2811, %dma_start3A_2812, %dma_start3A_2819, %dma_start3A_2820] : memref<2x4x32x128xf32, #tpu.memory_space<vmem>> -> memref<1x1x8x128xf32, #tpu.memory_space<vmem>>
        %dma_start3A_2822 = tpu.memref_squeeze %dma_start3A_2821 : memref<1x1x8x128xf32, #tpu.memory_space<vmem>> -> memref<8x128xf32, #tpu.memory_space<vmem>>
        %dma_start3A_2823 = arith.constant 8 : i32
        %dma_start3A_2824 = tpu.memref_slice %arg4[%dma_start3A_2823, %multiple_of3A_2810] : memref<32x1000000xf32, #tpu.memory_space<hbm>> -> memref<8x128xf32, #tpu.memory_space<hbm>>
        tpu.enqueue_dma source(%dma_start3A_2824 : memref<8x128xf32, #tpu.memory_space<hbm>>) target(%dma_start3A_2822 : memref<8x128xf32, #tpu.memory_space<vmem>>) target_semaphore(%arg12 : memref<!tpu.dma_semaphore, #tpu.memory_space<semaphore_mem>>)
        %multiple_of3A_2825 = tpu.assume_multiple %mul3A_2779, 128 : i32
        %dma_start3A_2826 = arith.constant 1 : i32
        %dma_start3A_2827 = arith.constant 2 : i32
        %dma_start3A_2828 = arith.constant 8 : i32
        %dma_start3A_2829 = arith.constant 0 : i32
        %dma_start3A_2830 = tpu.memref_slice %arg10[%dma_start3A_2826, %dma_start3A_2827, %dma_start3A_2828, %dma_start3A_2829] : memref<2x4x32x128xf32, #tpu.memory_space<vmem>> -> memref<1x1x8x128xf32, #tpu.memory_space<vmem>>
        %dma_start3A_2831 = tpu.memref_squeeze %dma_start3A_2830 : memref<1x1x8x128xf32, #tpu.memory_space<vmem>> -> memref<8x128xf32, #tpu.memory_space<vmem>>
        %dma_start3A_2832 = arith.constant 8 : i32
        %dma_start3A_2833 = tpu.memref_slice %arg5[%dma_start3A_2832, %multiple_of3A_2825] : memref<32x1000000xf32, #tpu.memory_space<hbm>> -> memref<8x128xf32, #tpu.memory_space<hbm>>
        %dma_start3A_2834 = arith.constant 8 : i32
        %dma_start3A_2835 = arith.constant 0 : i32
        %dma_start3A_2836 = tpu.memref_slice %arg10[%dma_start3A_2826, %dma_start3A_2827, %dma_start3A_2834, %dma_start3A_2835] : memref<2x4x32x128xf32, #tpu.memory_space<vmem>> -> memref<1x1x8x128xf32, #tpu.memory_space<vmem>>
        %dma_start3A_2837 = tpu.memref_squeeze %dma_start3A_2836 : memref<1x1x8x128xf32, #tpu.memory_space<vmem>> -> memref<8x128xf32, #tpu.memory_space<vmem>>
        %dma_start3A_2838 = arith.constant 8 : i32
        %dma_start3A_2839 = tpu.memref_slice %arg5[%dma_start3A_2838, %multiple_of3A_2825] : memref<32x1000000xf32, #tpu.memory_space<hbm>> -> memref<8x128xf32, #tpu.memory_space<hbm>>
        tpu.enqueue_dma source(%dma_start3A_2839 : memref<8x128xf32, #tpu.memory_space<hbm>>) target(%dma_start3A_2837 : memref<8x128xf32, #tpu.memory_space<vmem>>) target_semaphore(%arg12 : memref<!tpu.dma_semaphore, #tpu.memory_space<semaphore_mem>>)
        %multiple_of3A_2840 = tpu.assume_multiple %mul3A_2751, 128 : i32
        %dma_start3A_2841 = arith.constant 1 : i32
        %dma_start3A_2842 = arith.constant 2 : i32
        %dma_start3A_2843 = arith.constant 16 : i32
        %dma_start3A_2844 = arith.constant 0 : i32
        %dma_start3A_2845 = tpu.memref_slice %arg9[%dma_start3A_2841, %dma_start3A_2842, %dma_start3A_2843, %dma_start3A_2844] : memref<2x4x32x128xf32, #tpu.memory_space<vmem>> -> memref<1x1x8x128xf32, #tpu.memory_space<vmem>>
        %dma_start3A_2846 = tpu.memref_squeeze %dma_start3A_2845 : memref<1x1x8x128xf32, #tpu.memory_space<vmem>> -> memref<8x128xf32, #tpu.memory_space<vmem>>
        %dma_start3A_2847 = arith.constant 16 : i32
        %dma_start3A_2848 = tpu.memref_slice %arg4[%dma_start3A_2847, %multiple_of3A_2840] : memref<32x1000000xf32, #tpu.memory_space<hbm>> -> memref<8x128xf32, #tpu.memory_space<hbm>>
        %dma_start3A_2849 = arith.constant 16 : i32
        %dma_start3A_2850 = arith.constant 0 : i32
        %dma_start3A_2851 = tpu.memref_slice %arg9[%dma_start3A_2841, %dma_start3A_2842, %dma_start3A_2849, %dma_start3A_2850] : memref<2x4x32x128xf32, #tpu.memory_space<vmem>> -> memref<1x1x8x128xf32, #tpu.memory_space<vmem>>
        %dma_start3A_2852 = tpu.memref_squeeze %dma_start3A_2851 : memref<1x1x8x128xf32, #tpu.memory_space<vmem>> -> memref<8x128xf32, #tpu.memory_space<vmem>>
        %dma_start3A_2853 = arith.constant 16 : i32
        %dma_start3A_2854 = tpu.memref_slice %arg4[%dma_start3A_2853, %multiple_of3A_2840] : memref<32x1000000xf32, #tpu.memory_space<hbm>> -> memref<8x128xf32, #tpu.memory_space<hbm>>
        tpu.enqueue_dma source(%dma_start3A_2854 : memref<8x128xf32, #tpu.memory_space<hbm>>) target(%dma_start3A_2852 : memref<8x128xf32, #tpu.memory_space<vmem>>) target_semaphore(%arg12 : memref<!tpu.dma_semaphore, #tpu.memory_space<semaphore_mem>>)
        %multiple_of3A_2855 = tpu.assume_multiple %mul3A_2779, 128 : i32
        %dma_start3A_2856 = arith.constant 1 : i32
        %dma_start3A_2857 = arith.constant 2 : i32
        %dma_start3A_2858 = arith.constant 16 : i32
        %dma_start3A_2859 = arith.constant 0 : i32
        %dma_start3A_2860 = tpu.memref_slice %arg10[%dma_start3A_2856, %dma_start3A_2857, %dma_start3A_2858, %dma_start3A_2859] : memref<2x4x32x128xf32, #tpu.memory_space<vmem>> -> memref<1x1x8x128xf32, #tpu.memory_space<vmem>>
        %dma_start3A_2861 = tpu.memref_squeeze %dma_start3A_2860 : memref<1x1x8x128xf32, #tpu.memory_space<vmem>> -> memref<8x128xf32, #tpu.memory_space<vmem>>
        %dma_start3A_2862 = arith.constant 16 : i32
        %dma_start3A_2863 = tpu.memref_slice %arg5[%dma_start3A_2862, %multiple_of3A_2855] : memref<32x1000000xf32, #tpu.memory_space<hbm>> -> memref<8x128xf32, #tpu.memory_space<hbm>>
        %dma_start3A_2864 = arith.constant 16 : i32
        %dma_start3A_2865 = arith.constant 0 : i32
        %dma_start3A_2866 = tpu.memref_slice %arg10[%dma_start3A_2856, %dma_start3A_2857, %dma_start3A_2864, %dma_start3A_2865] : memref<2x4x32x128xf32, #tpu.memory_space<vmem>> -> memref<1x1x8x128xf32, #tpu.memory_space<vmem>>
        %dma_start3A_2867 = tpu.memref_squeeze %dma_start3A_2866 : memref<1x1x8x128xf32, #tpu.memory_space<vmem>> -> memref<8x128xf32, #tpu.memory_space<vmem>>
        %dma_start3A_2868 = arith.constant 16 : i32
        %dma_start3A_2869 = tpu.memref_slice %arg5[%dma_start3A_2868, %multiple_of3A_2855] : memref<32x1000000xf32, #tpu.memory_space<hbm>> -> memref<8x128xf32, #tpu.memory_space<hbm>>
        tpu.enqueue_dma source(%dma_start3A_2869 : memref<8x128xf32, #tpu.memory_space<hbm>>) target(%dma_start3A_2867 : memref<8x128xf32, #tpu.memory_space<vmem>>) target_semaphore(%arg12 : memref<!tpu.dma_semaphore, #tpu.memory_space<semaphore_mem>>)
        %multiple_of3A_2870 = tpu.assume_multiple %mul3A_2751, 128 : i32
        %dma_start3A_2871 = arith.constant 1 : i32
        %dma_start3A_2872 = arith.constant 2 : i32
        %dma_start3A_2873 = arith.constant 24 : i32
        %dma_start3A_2874 = arith.constant 0 : i32
        %dma_start3A_2875 = tpu.memref_slice %arg9[%dma_start3A_2871, %dma_start3A_2872, %dma_start3A_2873, %dma_start3A_2874] : memref<2x4x32x128xf32, #tpu.memory_space<vmem>> -> memref<1x1x8x128xf32, #tpu.memory_space<vmem>>
        %dma_start3A_2876 = tpu.memref_squeeze %dma_start3A_2875 : memref<1x1x8x128xf32, #tpu.memory_space<vmem>> -> memref<8x128xf32, #tpu.memory_space<vmem>>
        %dma_start3A_2877 = arith.constant 24 : i32
        %dma_start3A_2878 = tpu.memref_slice %arg4[%dma_start3A_2877, %multiple_of3A_2870] : memref<32x1000000xf32, #tpu.memory_space<hbm>> -> memref<8x128xf32, #tpu.memory_space<hbm>>
        %dma_start3A_2879 = arith.constant 24 : i32
        %dma_start3A_2880 = arith.constant 0 : i32
        %dma_start3A_2881 = tpu.memref_slice %arg9[%dma_start3A_2871, %dma_start3A_2872, %dma_start3A_2879, %dma_start3A_2880] : memref<2x4x32x128xf32, #tpu.memory_space<vmem>> -> memref<1x1x8x128xf32, #tpu.memory_space<vmem>>
        %dma_start3A_2882 = tpu.memref_squeeze %dma_start3A_2881 : memref<1x1x8x128xf32, #tpu.memory_space<vmem>> -> memref<8x128xf32, #tpu.memory_space<vmem>>
        %dma_start3A_2883 = arith.constant 24 : i32
        %dma_start3A_2884 = tpu.memref_slice %arg4[%dma_start3A_2883, %multiple_of3A_2870] : memref<32x1000000xf32, #tpu.memory_space<hbm>> -> memref<8x128xf32, #tpu.memory_space<hbm>>
        tpu.enqueue_dma source(%dma_start3A_2884 : memref<8x128xf32, #tpu.memory_space<hbm>>) target(%dma_start3A_2882 : memref<8x128xf32, #tpu.memory_space<vmem>>) target_semaphore(%arg12 : memref<!tpu.dma_semaphore, #tpu.memory_space<semaphore_mem>>)
        %multiple_of3A_2885 = tpu.assume_multiple %mul3A_2779, 128 : i32
        %dma_start3A_2886 = arith.constant 1 : i32
        %dma_start3A_2887 = arith.constant 2 : i32
        %dma_start3A_2888 = arith.constant 24 : i32
        %dma_start3A_2889 = arith.constant 0 : i32
        %dma_start3A_2890 = tpu.memref_slice %arg10[%dma_start3A_2886, %dma_start3A_2887, %dma_start3A_2888, %dma_start3A_2889] : memref<2x4x32x128xf32, #tpu.memory_space<vmem>> -> memref<1x1x8x128xf32, #tpu.memory_space<vmem>>
        %dma_start3A_2891 = tpu.memref_squeeze %dma_start3A_2890 : memref<1x1x8x128xf32, #tpu.memory_space<vmem>> -> memref<8x128xf32, #tpu.memory_space<vmem>>
        %dma_start3A_2892 = arith.constant 24 : i32
        %dma_start3A_2893 = tpu.memref_slice %arg5[%dma_start3A_2892, %multiple_of3A_2885] : memref<32x1000000xf32, #tpu.memory_space<hbm>> -> memref<8x128xf32, #tpu.memory_space<hbm>>
        %dma_start3A_2894 = arith.constant 24 : i32
        %dma_start3A_2895 = arith.constant 0 : i32
        %dma_start3A_2896 = tpu.memref_slice %arg10[%dma_start3A_2886, %dma_start3A_2887, %dma_start3A_2894, %dma_start3A_2895] : memref<2x4x32x128xf32, #tpu.memory_space<vmem>> -> memref<1x1x8x128xf32, #tpu.memory_space<vmem>>
        %dma_start3A_2897 = tpu.memref_squeeze %dma_start3A_2896 : memref<1x1x8x128xf32, #tpu.memory_space<vmem>> -> memref<8x128xf32, #tpu.memory_space<vmem>>
        %dma_start3A_2898 = arith.constant 24 : i32
        %dma_start3A_2899 = tpu.memref_slice %arg5[%dma_start3A_2898, %multiple_of3A_2885] : memref<32x1000000xf32, #tpu.memory_space<hbm>> -> memref<8x128xf32, #tpu.memory_space<hbm>>
        tpu.enqueue_dma source(%dma_start3A_2899 : memref<8x128xf32, #tpu.memory_space<hbm>>) target(%dma_start3A_2897 : memref<8x128xf32, #tpu.memory_space<vmem>>) target_semaphore(%arg12 : memref<!tpu.dma_semaphore, #tpu.memory_space<semaphore_mem>>)
        %slice3A_2900 = vector.extract_strided_slice %get3A_2367 {offsets = [3], sizes = [1], strides = [1]} : vector<16xi32> to vector<1xi32>
        %squeeze3A_2901 = vector.extract %slice3A_2900[0] : i32 from vector<1xi32>
        %jit3A_2902 = arith.constant 128 : i32
        %div3A_2903 = arith.divsi %squeeze3A_2901, %jit3A_2902 : i32
        %sign3A_2904 = arith.constant 0 : i32
        %sign3A_2905 = arith.cmpi sgt, %squeeze3A_2901, %sign3A_2904 : i32
        %sign3A_2906 = arith.extui %sign3A_2905 : i1 to i32
        %sign3A_2907 = arith.constant 0 : i32
        %sign3A_2908 = arith.cmpi slt, %squeeze3A_2901, %sign3A_2907 : i32
        %sign3A_2909 = arith.extui %sign3A_2908 : i1 to i32
        %sign3A_2910 = arith.subi %sign3A_2906, %sign3A_2909 : i32
        %sign3A_2911 = arith.constant 0 : i32
        %sign3A_2912 = arith.cmpi sgt, %jit3A_2902, %sign3A_2911 : i32
        %sign3A_2913 = arith.extui %sign3A_2912 : i1 to i32
        %sign3A_2914 = arith.constant 0 : i32
        %sign3A_2915 = arith.cmpi slt, %jit3A_2902, %sign3A_2914 : i32
        %sign3A_2916 = arith.extui %sign3A_2915 : i1 to i32
        %sign3A_2917 = arith.subi %sign3A_2913, %sign3A_2916 : i32
        %ne3A_2918 = arith.cmpi ne, %sign3A_2910, %sign3A_2917 : i32
        %rem3A_2919 = arith.remsi %squeeze3A_2901, %jit3A_2902 : i32
        %ne3A_2920 = arith.constant 0 : i32
        %ne3A_2921 = arith.cmpi ne, %rem3A_2919, %ne3A_2920 : i32
        %and3A_2922 = arith.andi %ne3A_2918, %ne3A_2921 : i1
        %sub3A_2923 = arith.constant 1 : i32
        %sub3A_2924 = arith.subi %div3A_2903, %sub3A_2923 : i32
        %select_n3A_2925 = arith.select %and3A_2922, %sub3A_2924, %div3A_2903 : i32
        %mul3A_2926 = arith.constant 128 : i32
        %mul3A_2927 = arith.muli %select_n3A_2925, %mul3A_2926 : i32
        %slice3A_2928 = vector.extract_strided_slice %get3A_2371 {offsets = [3], sizes = [1], strides = [1]} : vector<16xi32> to vector<1xi32>
        %squeeze3A_2929 = vector.extract %slice3A_2928[0] : i32 from vector<1xi32>
        %jit3A_2930 = arith.constant 128 : i32
        %div3A_2931 = arith.divsi %squeeze3A_2929, %jit3A_2930 : i32
        %sign3A_2932 = arith.constant 0 : i32
        %sign3A_2933 = arith.cmpi sgt, %squeeze3A_2929, %sign3A_2932 : i32
        %sign3A_2934 = arith.extui %sign3A_2933 : i1 to i32
        %sign3A_2935 = arith.constant 0 : i32
        %sign3A_2936 = arith.cmpi slt, %squeeze3A_2929, %sign3A_2935 : i32
        %sign3A_2937 = arith.extui %sign3A_2936 : i1 to i32
        %sign3A_2938 = arith.subi %sign3A_2934, %sign3A_2937 : i32
        %sign3A_2939 = arith.constant 0 : i32
        %sign3A_2940 = arith.cmpi sgt, %jit3A_2930, %sign3A_2939 : i32
        %sign3A_2941 = arith.extui %sign3A_2940 : i1 to i32
        %sign3A_2942 = arith.constant 0 : i32
        %sign3A_2943 = arith.cmpi slt, %jit3A_2930, %sign3A_2942 : i32
        %sign3A_2944 = arith.extui %sign3A_2943 : i1 to i32
        %sign3A_2945 = arith.subi %sign3A_2941, %sign3A_2944 : i32
        %ne3A_2946 = arith.cmpi ne, %sign3A_2938, %sign3A_2945 : i32
        %rem3A_2947 = arith.remsi %squeeze3A_2929, %jit3A_2930 : i32
        %ne3A_2948 = arith.constant 0 : i32
        %ne3A_2949 = arith.cmpi ne, %rem3A_2947, %ne3A_2948 : i32
        %and3A_2950 = arith.andi %ne3A_2946, %ne3A_2949 : i1
        %sub3A_2951 = arith.constant 1 : i32
        %sub3A_2952 = arith.subi %div3A_2931, %sub3A_2951 : i32
        %select_n3A_2953 = arith.select %and3A_2950, %sub3A_2952, %div3A_2931 : i32
        %mul3A_2954 = arith.constant 128 : i32
        %mul3A_2955 = arith.muli %select_n3A_2953, %mul3A_2954 : i32
        %multiple_of3A_2956 = tpu.assume_multiple %mul3A_2927, 128 : i32
        %dma_start3A_2957 = arith.constant 1 : i32
        %dma_start3A_2958 = arith.constant 3 : i32
        %dma_start3A_2959 = arith.constant 0 : i32
        %dma_start3A_2960 = arith.constant 0 : i32
        %dma_start3A_2961 = tpu.memref_slice %arg9[%dma_start3A_2957, %dma_start3A_2958, %dma_start3A_2959, %dma_start3A_2960] : memref<2x4x32x128xf32, #tpu.memory_space<vmem>> -> memref<1x1x8x128xf32, #tpu.memory_space<vmem>>
        %dma_start3A_2962 = tpu.memref_squeeze %dma_start3A_2961 : memref<1x1x8x128xf32, #tpu.memory_space<vmem>> -> memref<8x128xf32, #tpu.memory_space<vmem>>
        %dma_start3A_2963 = arith.constant 0 : i32
        %dma_start3A_2964 = tpu.memref_slice %arg4[%dma_start3A_2963, %multiple_of3A_2956] : memref<32x1000000xf32, #tpu.memory_space<hbm>> -> memref<8x128xf32, #tpu.memory_space<hbm>>
        %dma_start3A_2965 = arith.constant 0 : i32
        %dma_start3A_2966 = arith.constant 0 : i32
        %dma_start3A_2967 = tpu.memref_slice %arg9[%dma_start3A_2957, %dma_start3A_2958, %dma_start3A_2965, %dma_start3A_2966] : memref<2x4x32x128xf32, #tpu.memory_space<vmem>> -> memref<1x1x8x128xf32, #tpu.memory_space<vmem>>
        %dma_start3A_2968 = tpu.memref_squeeze %dma_start3A_2967 : memref<1x1x8x128xf32, #tpu.memory_space<vmem>> -> memref<8x128xf32, #tpu.memory_space<vmem>>
        %dma_start3A_2969 = arith.constant 0 : i32
        %dma_start3A_2970 = tpu.memref_slice %arg4[%dma_start3A_2969, %multiple_of3A_2956] : memref<32x1000000xf32, #tpu.memory_space<hbm>> -> memref<8x128xf32, #tpu.memory_space<hbm>>
        tpu.enqueue_dma source(%dma_start3A_2970 : memref<8x128xf32, #tpu.memory_space<hbm>>) target(%dma_start3A_2968 : memref<8x128xf32, #tpu.memory_space<vmem>>) target_semaphore(%arg12 : memref<!tpu.dma_semaphore, #tpu.memory_space<semaphore_mem>>)
        %multiple_of3A_2971 = tpu.assume_multiple %mul3A_2955, 128 : i32
        %dma_start3A_2972 = arith.constant 1 : i32
        %dma_start3A_2973 = arith.constant 3 : i32
        %dma_start3A_2974 = arith.constant 0 : i32
        %dma_start3A_2975 = arith.constant 0 : i32
        %dma_start3A_2976 = tpu.memref_slice %arg10[%dma_start3A_2972, %dma_start3A_2973, %dma_start3A_2974, %dma_start3A_2975] : memref<2x4x32x128xf32, #tpu.memory_space<vmem>> -> memref<1x1x8x128xf32, #tpu.memory_space<vmem>>
        %dma_start3A_2977 = tpu.memref_squeeze %dma_start3A_2976 : memref<1x1x8x128xf32, #tpu.memory_space<vmem>> -> memref<8x128xf32, #tpu.memory_space<vmem>>
        %dma_start3A_2978 = arith.constant 0 : i32
        %dma_start3A_2979 = tpu.memref_slice %arg5[%dma_start3A_2978, %multiple_of3A_2971] : memref<32x1000000xf32, #tpu.memory_space<hbm>> -> memref<8x128xf32, #tpu.memory_space<hbm>>
        %dma_start3A_2980 = arith.constant 0 : i32
        %dma_start3A_2981 = arith.constant 0 : i32
        %dma_start3A_2982 = tpu.memref_slice %arg10[%dma_start3A_2972, %dma_start3A_2973, %dma_start3A_2980, %dma_start3A_2981] : memref<2x4x32x128xf32, #tpu.memory_space<vmem>> -> memref<1x1x8x128xf32, #tpu.memory_space<vmem>>
        %dma_start3A_2983 = tpu.memref_squeeze %dma_start3A_2982 : memref<1x1x8x128xf32, #tpu.memory_space<vmem>> -> memref<8x128xf32, #tpu.memory_space<vmem>>
        %dma_start3A_2984 = arith.constant 0 : i32
        %dma_start3A_2985 = tpu.memref_slice %arg5[%dma_start3A_2984, %multiple_of3A_2971] : memref<32x1000000xf32, #tpu.memory_space<hbm>> -> memref<8x128xf32, #tpu.memory_space<hbm>>
        tpu.enqueue_dma source(%dma_start3A_2985 : memref<8x128xf32, #tpu.memory_space<hbm>>) target(%dma_start3A_2983 : memref<8x128xf32, #tpu.memory_space<vmem>>) target_semaphore(%arg12 : memref<!tpu.dma_semaphore, #tpu.memory_space<semaphore_mem>>)
        %multiple_of3A_2986 = tpu.assume_multiple %mul3A_2927, 128 : i32
        %dma_start3A_2987 = arith.constant 1 : i32
        %dma_start3A_2988 = arith.constant 3 : i32
        %dma_start3A_2989 = arith.constant 8 : i32
        %dma_start3A_2990 = arith.constant 0 : i32
        %dma_start3A_2991 = tpu.memref_slice %arg9[%dma_start3A_2987, %dma_start3A_2988, %dma_start3A_2989, %dma_start3A_2990] : memref<2x4x32x128xf32, #tpu.memory_space<vmem>> -> memref<1x1x8x128xf32, #tpu.memory_space<vmem>>
        %dma_start3A_2992 = tpu.memref_squeeze %dma_start3A_2991 : memref<1x1x8x128xf32, #tpu.memory_space<vmem>> -> memref<8x128xf32, #tpu.memory_space<vmem>>
        %dma_start3A_2993 = arith.constant 8 : i32
        %dma_start3A_2994 = tpu.memref_slice %arg4[%dma_start3A_2993, %multiple_of3A_2986] : memref<32x1000000xf32, #tpu.memory_space<hbm>> -> memref<8x128xf32, #tpu.memory_space<hbm>>
        %dma_start3A_2995 = arith.constant 8 : i32
        %dma_start3A_2996 = arith.constant 0 : i32
        %dma_start3A_2997 = tpu.memref_slice %arg9[%dma_start3A_2987, %dma_start3A_2988, %dma_start3A_2995, %dma_start3A_2996] : memref<2x4x32x128xf32, #tpu.memory_space<vmem>> -> memref<1x1x8x128xf32, #tpu.memory_space<vmem>>
        %dma_start3A_2998 = tpu.memref_squeeze %dma_start3A_2997 : memref<1x1x8x128xf32, #tpu.memory_space<vmem>> -> memref<8x128xf32, #tpu.memory_space<vmem>>
        %dma_start3A_2999 = arith.constant 8 : i32
        %dma_start3A_3000 = tpu.memref_slice %arg4[%dma_start3A_2999, %multiple_of3A_2986] : memref<32x1000000xf32, #tpu.memory_space<hbm>> -> memref<8x128xf32, #tpu.memory_space<hbm>>
        tpu.enqueue_dma source(%dma_start3A_3000 : memref<8x128xf32, #tpu.memory_space<hbm>>) target(%dma_start3A_2998 : memref<8x128xf32, #tpu.memory_space<vmem>>) target_semaphore(%arg12 : memref<!tpu.dma_semaphore, #tpu.memory_space<semaphore_mem>>)
        %multiple_of3A_3001 = tpu.assume_multiple %mul3A_2955, 128 : i32
        %dma_start3A_3002 = arith.constant 1 : i32
        %dma_start3A_3003 = arith.constant 3 : i32
        %dma_start3A_3004 = arith.constant 8 : i32
        %dma_start3A_3005 = arith.constant 0 : i32
        %dma_start3A_3006 = tpu.memref_slice %arg10[%dma_start3A_3002, %dma_start3A_3003, %dma_start3A_3004, %dma_start3A_3005] : memref<2x4x32x128xf32, #tpu.memory_space<vmem>> -> memref<1x1x8x128xf32, #tpu.memory_space<vmem>>
        %dma_start3A_3007 = tpu.memref_squeeze %dma_start3A_3006 : memref<1x1x8x128xf32, #tpu.memory_space<vmem>> -> memref<8x128xf32, #tpu.memory_space<vmem>>
        %dma_start3A_3008 = arith.constant 8 : i32
        %dma_start3A_3009 = tpu.memref_slice %arg5[%dma_start3A_3008, %multiple_of3A_3001] : memref<32x1000000xf32, #tpu.memory_space<hbm>> -> memref<8x128xf32, #tpu.memory_space<hbm>>
        %dma_start3A_3010 = arith.constant 8 : i32
        %dma_start3A_3011 = arith.constant 0 : i32
        %dma_start3A_3012 = tpu.memref_slice %arg10[%dma_start3A_3002, %dma_start3A_3003, %dma_start3A_3010, %dma_start3A_3011] : memref<2x4x32x128xf32, #tpu.memory_space<vmem>> -> memref<1x1x8x128xf32, #tpu.memory_space<vmem>>
        %dma_start3A_3013 = tpu.memref_squeeze %dma_start3A_3012 : memref<1x1x8x128xf32, #tpu.memory_space<vmem>> -> memref<8x128xf32, #tpu.memory_space<vmem>>
        %dma_start3A_3014 = arith.constant 8 : i32
        %dma_start3A_3015 = tpu.memref_slice %arg5[%dma_start3A_3014, %multiple_of3A_3001] : memref<32x1000000xf32, #tpu.memory_space<hbm>> -> memref<8x128xf32, #tpu.memory_space<hbm>>
        tpu.enqueue_dma source(%dma_start3A_3015 : memref<8x128xf32, #tpu.memory_space<hbm>>) target(%dma_start3A_3013 : memref<8x128xf32, #tpu.memory_space<vmem>>) target_semaphore(%arg12 : memref<!tpu.dma_semaphore, #tpu.memory_space<semaphore_mem>>)
        %multiple_of3A_3016 = tpu.assume_multiple %mul3A_2927, 128 : i32
        %dma_start3A_3017 = arith.constant 1 : i32
        %dma_start3A_3018 = arith.constant 3 : i32
        %dma_start3A_3019 = arith.constant 16 : i32
        %dma_start3A_3020 = arith.constant 0 : i32
        %dma_start3A_3021 = tpu.memref_slice %arg9[%dma_start3A_3017, %dma_start3A_3018, %dma_start3A_3019, %dma_start3A_3020] : memref<2x4x32x128xf32, #tpu.memory_space<vmem>> -> memref<1x1x8x128xf32, #tpu.memory_space<vmem>>
        %dma_start3A_3022 = tpu.memref_squeeze %dma_start3A_3021 : memref<1x1x8x128xf32, #tpu.memory_space<vmem>> -> memref<8x128xf32, #tpu.memory_space<vmem>>
        %dma_start3A_3023 = arith.constant 16 : i32
        %dma_start3A_3024 = tpu.memref_slice %arg4[%dma_start3A_3023, %multiple_of3A_3016] : memref<32x1000000xf32, #tpu.memory_space<hbm>> -> memref<8x128xf32, #tpu.memory_space<hbm>>
        %dma_start3A_3025 = arith.constant 16 : i32
        %dma_start3A_3026 = arith.constant 0 : i32
        %dma_start3A_3027 = tpu.memref_slice %arg9[%dma_start3A_3017, %dma_start3A_3018, %dma_start3A_3025, %dma_start3A_3026] : memref<2x4x32x128xf32, #tpu.memory_space<vmem>> -> memref<1x1x8x128xf32, #tpu.memory_space<vmem>>
        %dma_start3A_3028 = tpu.memref_squeeze %dma_start3A_3027 : memref<1x1x8x128xf32, #tpu.memory_space<vmem>> -> memref<8x128xf32, #tpu.memory_space<vmem>>
        %dma_start3A_3029 = arith.constant 16 : i32
        %dma_start3A_3030 = tpu.memref_slice %arg4[%dma_start3A_3029, %multiple_of3A_3016] : memref<32x1000000xf32, #tpu.memory_space<hbm>> -> memref<8x128xf32, #tpu.memory_space<hbm>>
        tpu.enqueue_dma source(%dma_start3A_3030 : memref<8x128xf32, #tpu.memory_space<hbm>>) target(%dma_start3A_3028 : memref<8x128xf32, #tpu.memory_space<vmem>>) target_semaphore(%arg12 : memref<!tpu.dma_semaphore, #tpu.memory_space<semaphore_mem>>)
        %multiple_of3A_3031 = tpu.assume_multiple %mul3A_2955, 128 : i32
        %dma_start3A_3032 = arith.constant 1 : i32
        %dma_start3A_3033 = arith.constant 3 : i32
        %dma_start3A_3034 = arith.constant 16 : i32
        %dma_start3A_3035 = arith.constant 0 : i32
        %dma_start3A_3036 = tpu.memref_slice %arg10[%dma_start3A_3032, %dma_start3A_3033, %dma_start3A_3034, %dma_start3A_3035] : memref<2x4x32x128xf32, #tpu.memory_space<vmem>> -> memref<1x1x8x128xf32, #tpu.memory_space<vmem>>
        %dma_start3A_3037 = tpu.memref_squeeze %dma_start3A_3036 : memref<1x1x8x128xf32, #tpu.memory_space<vmem>> -> memref<8x128xf32, #tpu.memory_space<vmem>>
        %dma_start3A_3038 = arith.constant 16 : i32
        %dma_start3A_3039 = tpu.memref_slice %arg5[%dma_start3A_3038, %multiple_of3A_3031] : memref<32x1000000xf32, #tpu.memory_space<hbm>> -> memref<8x128xf32, #tpu.memory_space<hbm>>
        %dma_start3A_3040 = arith.constant 16 : i32
        %dma_start3A_3041 = arith.constant 0 : i32
        %dma_start3A_3042 = tpu.memref_slice %arg10[%dma_start3A_3032, %dma_start3A_3033, %dma_start3A_3040, %dma_start3A_3041] : memref<2x4x32x128xf32, #tpu.memory_space<vmem>> -> memref<1x1x8x128xf32, #tpu.memory_space<vmem>>
        %dma_start3A_3043 = tpu.memref_squeeze %dma_start3A_3042 : memref<1x1x8x128xf32, #tpu.memory_space<vmem>> -> memref<8x128xf32, #tpu.memory_space<vmem>>
        %dma_start3A_3044 = arith.constant 16 : i32
        %dma_start3A_3045 = tpu.memref_slice %arg5[%dma_start3A_3044, %multiple_of3A_3031] : memref<32x1000000xf32, #tpu.memory_space<hbm>> -> memref<8x128xf32, #tpu.memory_space<hbm>>
        tpu.enqueue_dma source(%dma_start3A_3045 : memref<8x128xf32, #tpu.memory_space<hbm>>) target(%dma_start3A_3043 : memref<8x128xf32, #tpu.memory_space<vmem>>) target_semaphore(%arg12 : memref<!tpu.dma_semaphore, #tpu.memory_space<semaphore_mem>>)
        %multiple_of3A_3046 = tpu.assume_multiple %mul3A_2927, 128 : i32
        %dma_start3A_3047 = arith.constant 1 : i32
        %dma_start3A_3048 = arith.constant 3 : i32
        %dma_start3A_3049 = arith.constant 24 : i32
        %dma_start3A_3050 = arith.constant 0 : i32
        %dma_start3A_3051 = tpu.memref_slice %arg9[%dma_start3A_3047, %dma_start3A_3048, %dma_start3A_3049, %dma_start3A_3050] : memref<2x4x32x128xf32, #tpu.memory_space<vmem>> -> memref<1x1x8x128xf32, #tpu.memory_space<vmem>>
        %dma_start3A_3052 = tpu.memref_squeeze %dma_start3A_3051 : memref<1x1x8x128xf32, #tpu.memory_space<vmem>> -> memref<8x128xf32, #tpu.memory_space<vmem>>
        %dma_start3A_3053 = arith.constant 24 : i32
        %dma_start3A_3054 = tpu.memref_slice %arg4[%dma_start3A_3053, %multiple_of3A_3046] : memref<32x1000000xf32, #tpu.memory_space<hbm>> -> memref<8x128xf32, #tpu.memory_space<hbm>>
        %dma_start3A_3055 = arith.constant 24 : i32
        %dma_start3A_3056 = arith.constant 0 : i32
        %dma_start3A_3057 = tpu.memref_slice %arg9[%dma_start3A_3047, %dma_start3A_3048, %dma_start3A_3055, %dma_start3A_3056] : memref<2x4x32x128xf32, #tpu.memory_space<vmem>> -> memref<1x1x8x128xf32, #tpu.memory_space<vmem>>
        %dma_start3A_3058 = tpu.memref_squeeze %dma_start3A_3057 : memref<1x1x8x128xf32, #tpu.memory_space<vmem>> -> memref<8x128xf32, #tpu.memory_space<vmem>>
        %dma_start3A_3059 = arith.constant 24 : i32
        %dma_start3A_3060 = tpu.memref_slice %arg4[%dma_start3A_3059, %multiple_of3A_3046] : memref<32x1000000xf32, #tpu.memory_space<hbm>> -> memref<8x128xf32, #tpu.memory_space<hbm>>
        tpu.enqueue_dma source(%dma_start3A_3060 : memref<8x128xf32, #tpu.memory_space<hbm>>) target(%dma_start3A_3058 : memref<8x128xf32, #tpu.memory_space<vmem>>) target_semaphore(%arg12 : memref<!tpu.dma_semaphore, #tpu.memory_space<semaphore_mem>>)
        %multiple_of3A_3061 = tpu.assume_multiple %mul3A_2955, 128 : i32
        %dma_start3A_3062 = arith.constant 1 : i32
        %dma_start3A_3063 = arith.constant 3 : i32
        %dma_start3A_3064 = arith.constant 24 : i32
        %dma_start3A_3065 = arith.constant 0 : i32
        %dma_start3A_3066 = tpu.memref_slice %arg10[%dma_start3A_3062, %dma_start3A_3063, %dma_start3A_3064, %dma_start3A_3065] : memref<2x4x32x128xf32, #tpu.memory_space<vmem>> -> memref<1x1x8x128xf32, #tpu.memory_space<vmem>>
        %dma_start3A_3067 = tpu.memref_squeeze %dma_start3A_3066 : memref<1x1x8x128xf32, #tpu.memory_space<vmem>> -> memref<8x128xf32, #tpu.memory_space<vmem>>
        %dma_start3A_3068 = arith.constant 24 : i32
        %dma_start3A_3069 = tpu.memref_slice %arg5[%dma_start3A_3068, %multiple_of3A_3061] : memref<32x1000000xf32, #tpu.memory_space<hbm>> -> memref<8x128xf32, #tpu.memory_space<hbm>>
        %dma_start3A_3070 = arith.constant 24 : i32
        %dma_start3A_3071 = arith.constant 0 : i32
        %dma_start3A_3072 = tpu.memref_slice %arg10[%dma_start3A_3062, %dma_start3A_3063, %dma_start3A_3070, %dma_start3A_3071] : memref<2x4x32x128xf32, #tpu.memory_space<vmem>> -> memref<1x1x8x128xf32, #tpu.memory_space<vmem>>
        %dma_start3A_3073 = tpu.memref_squeeze %dma_start3A_3072 : memref<1x1x8x128xf32, #tpu.memory_space<vmem>> -> memref<8x128xf32, #tpu.memory_space<vmem>>
        %dma_start3A_3074 = arith.constant 24 : i32
        %dma_start3A_3075 = tpu.memref_slice %arg5[%dma_start3A_3074, %multiple_of3A_3061] : memref<32x1000000xf32, #tpu.memory_space<hbm>> -> memref<8x128xf32, #tpu.memory_space<hbm>>
        tpu.enqueue_dma source(%dma_start3A_3075 : memref<8x128xf32, #tpu.memory_space<hbm>>) target(%dma_start3A_3073 : memref<8x128xf32, #tpu.memory_space<vmem>>) target_semaphore(%arg12 : memref<!tpu.dma_semaphore, #tpu.memory_space<semaphore_mem>>)
      } else {
      }
      %dma_wait3A = arith.constant 0 : i32
      %dma_wait3A_710 = arith.constant 0 : i32
      %dma_wait3A_711 = arith.constant 0 : i32
      %dma_wait3A_712 = arith.constant 0 : i32
      %dma_wait3A_713 = tpu.memref_slice %arg9[%dma_wait3A, %dma_wait3A_710, %dma_wait3A_711, %dma_wait3A_712] : memref<2x4x32x128xf32, #tpu.memory_space<vmem>> -> memref<1x4x32x128xf32, #tpu.memory_space<vmem>>
      %dma_wait3A_714 = tpu.memref_squeeze %dma_wait3A_713 : memref<1x4x32x128xf32, #tpu.memory_space<vmem>> -> memref<4x32x128xf32, #tpu.memory_space<vmem>>
      %dma_wait3A_715 = arith.constant 0 : i32
      %dma_wait3A_716 = arith.constant 0 : i32
      %dma_wait3A_717 = tpu.memref_slice %arg4[%dma_wait3A_715, %dma_wait3A_716] : memref<32x1000000xf32, #tpu.memory_space<hbm>> -> memref<128x128xf32, #tpu.memory_space<hbm>>
      %dma_wait3A_718 = arith.constant 0 : i32
      %dma_wait3A_719 = arith.constant 0 : i32
      %dma_wait3A_720 = arith.constant 0 : i32
      %dma_wait3A_721 = tpu.memref_slice %arg9[%dma_wait3A, %dma_wait3A_718, %dma_wait3A_719, %dma_wait3A_720] : memref<2x4x32x128xf32, #tpu.memory_space<vmem>> -> memref<1x4x32x128xf32, #tpu.memory_space<vmem>>
      %dma_wait3A_722 = tpu.memref_squeeze %dma_wait3A_721 : memref<1x4x32x128xf32, #tpu.memory_space<vmem>> -> memref<4x32x128xf32, #tpu.memory_space<vmem>>
      %dma_wait3A_723 = arith.constant 0 : i32
      %dma_wait3A_724 = arith.constant 0 : i32
      %dma_wait3A_725 = tpu.memref_slice %arg4[%dma_wait3A_723, %dma_wait3A_724] : memref<32x1000000xf32, #tpu.memory_space<hbm>> -> memref<128x128xf32, #tpu.memory_space<hbm>>
      tpu.wait_dma2 semaphore(%arg12 : memref<!tpu.dma_semaphore, #tpu.memory_space<semaphore_mem>>) src(%dma_wait3A_725 : memref<128x128xf32, #tpu.memory_space<hbm>>) dst(%dma_wait3A_722 : memref<4x32x128xf32, #tpu.memory_space<vmem>>)
      %dma_wait3A_726 = arith.constant 0 : i32
      %dma_wait3A_727 = arith.constant 0 : i32
      %dma_wait3A_728 = arith.constant 0 : i32
      %dma_wait3A_729 = arith.constant 0 : i32
      %dma_wait3A_730 = tpu.memref_slice %arg10[%dma_wait3A_726, %dma_wait3A_727, %dma_wait3A_728, %dma_wait3A_729] : memref<2x4x32x128xf32, #tpu.memory_space<vmem>> -> memref<1x4x32x128xf32, #tpu.memory_space<vmem>>
      %dma_wait3A_731 = tpu.memref_squeeze %dma_wait3A_730 : memref<1x4x32x128xf32, #tpu.memory_space<vmem>> -> memref<4x32x128xf32, #tpu.memory_space<vmem>>
      %dma_wait3A_732 = arith.constant 0 : i32
      %dma_wait3A_733 = arith.constant 0 : i32
      %dma_wait3A_734 = tpu.memref_slice %arg5[%dma_wait3A_732, %dma_wait3A_733] : memref<32x1000000xf32, #tpu.memory_space<hbm>> -> memref<128x128xf32, #tpu.memory_space<hbm>>
      %dma_wait3A_735 = arith.constant 0 : i32
      %dma_wait3A_736 = arith.constant 0 : i32
      %dma_wait3A_737 = arith.constant 0 : i32
      %dma_wait3A_738 = tpu.memref_slice %arg10[%dma_wait3A_726, %dma_wait3A_735, %dma_wait3A_736, %dma_wait3A_737] : memref<2x4x32x128xf32, #tpu.memory_space<vmem>> -> memref<1x4x32x128xf32, #tpu.memory_space<vmem>>
      %dma_wait3A_739 = tpu.memref_squeeze %dma_wait3A_738 : memref<1x4x32x128xf32, #tpu.memory_space<vmem>> -> memref<4x32x128xf32, #tpu.memory_space<vmem>>
      %dma_wait3A_740 = arith.constant 0 : i32
      %dma_wait3A_741 = arith.constant 0 : i32
      %dma_wait3A_742 = tpu.memref_slice %arg5[%dma_wait3A_740, %dma_wait3A_741] : memref<32x1000000xf32, #tpu.memory_space<hbm>> -> memref<128x128xf32, #tpu.memory_space<hbm>>
      tpu.wait_dma2 semaphore(%arg12 : memref<!tpu.dma_semaphore, #tpu.memory_space<semaphore_mem>>) src(%dma_wait3A_742 : memref<128x128xf32, #tpu.memory_space<hbm>>) dst(%dma_wait3A_739 : memref<4x32x128xf32, #tpu.memory_space<vmem>>)
      %mul3A_743 = arith.constant 4 : i32
      %mul3A_744 = arith.muli %add3A_707, %mul3A_743 : i32
      %get3A_745 = arith.index_cast %mul3A_744 : i32 to index
      %get3A_746 = tpu.vector_load %arg7[%get3A_745] {strides = array<i32>} : memref<528xi32, #tpu.memory_space<vmem>>, vector<16xi32>,
      %mul3A_747 = arith.constant 4 : i32
      %mul3A_748 = arith.muli %add3A_707, %mul3A_747 : i32
      %get3A_749 = arith.index_cast %mul3A_748 : i32 to index
      %get3A_750 = tpu.vector_load %arg8[%get3A_749] {strides = array<i32>} : memref<528xi32, #tpu.memory_space<vmem>>, vector<16xi32>,
      %and3A_751 = arith.constant 3 : i32
      %and3A_752 = vector.broadcast %and3A_751 : i32 to vector<16xi32>
      %and3A_753 = arith.andi %iota3A, %and3A_752 : vector<16xi32>
      %broadcast_in_dim3A = arith.constant 0.000000e+00 : f32
      %broadcast_in_dim3A_754 = vector.broadcast %broadcast_in_dim3A : f32 to vector<16xf32>
      %broadcast_in_dim3A_755 = arith.constant 0 : i32
      %broadcast_in_dim3A_756 = vector.broadcast %broadcast_in_dim3A_755 : i32 to vector<16xi32>
      %and3A_757 = arith.constant 127 : i32
      %and3A_758 = vector.broadcast %and3A_757 : i32 to vector<16xi32>
      %and3A_759 = arith.andi %get3A_746, %and3A_758 : vector<16xi32>
      %gather3A = arith.constant 0 : i32
      %gather3A_760 = arith.constant 0 : i32
      %gather3A_761 = arith.constant 0 : i32
      %gather3A_762 = arith.constant 0 : i32
      %gather3A_763 = tpu.memref_slice %arg9[%gather3A, %gather3A_760, %gather3A_761, %gather3A_762] : memref<2x4x32x128xf32, #tpu.memory_space<vmem>> -> memref<1x4x32x128xf32, #tpu.memory_space<vmem>>
      %gather3A_764 = tpu.memref_squeeze %gather3A_763 : memref<1x4x32x128xf32, #tpu.memory_space<vmem>> -> memref<4x32x128xf32, #tpu.memory_space<vmem>>
      %gather3A_765 = tpu.vector_load_idx %gather3A_764[%and3A_753, %broadcast_in_dim3A_756, %and3A_759] : memref<4x32x128xf32, #tpu.memory_space<vmem>>[vector<16xi32>, vector<16xi32>, vector<16xi32>], vector<16xf32>,
      %and3A_766 = arith.constant 127 : i32
      %and3A_767 = vector.broadcast %and3A_766 : i32 to vector<16xi32>
      %and3A_768 = arith.andi %get3A_750, %and3A_767 : vector<16xi32>
      %gather3A_769 = arith.constant 0 : i32
      %gather3A_770 = arith.constant 0 : i32
      %gather3A_771 = arith.constant 0 : i32
      %gather3A_772 = arith.constant 0 : i32
      %gather3A_773 = tpu.memref_slice %arg10[%gather3A_769, %gather3A_770, %gather3A_771, %gather3A_772] : memref<2x4x32x128xf32, #tpu.memory_space<vmem>> -> memref<1x4x32x128xf32, #tpu.memory_space<vmem>>
      %gather3A_774 = tpu.memref_squeeze %gather3A_773 : memref<1x4x32x128xf32, #tpu.memory_space<vmem>> -> memref<4x32x128xf32, #tpu.memory_space<vmem>>
      %gather3A_775 = tpu.vector_load_idx %gather3A_774[%and3A_753, %broadcast_in_dim3A_756, %and3A_768] : memref<4x32x128xf32, #tpu.memory_space<vmem>>[vector<16xi32>, vector<16xi32>, vector<16xi32>], vector<16xf32>,
      %mul3A_776 = arith.mulf %gather3A_765, %gather3A_775 : vector<16xf32>
      %add3A_777 = arith.addf %broadcast_in_dim3A_754, %mul3A_776 : vector<16xf32>
      %broadcast_in_dim3A_778 = arith.constant 1 : i32
      %broadcast_in_dim3A_779 = vector.broadcast %broadcast_in_dim3A_778 : i32 to vector<16xi32>
      %and3A_780 = arith.constant 127 : i32
      %and3A_781 = vector.broadcast %and3A_780 : i32 to vector<16xi32>
      %and3A_782 = arith.andi %get3A_746, %and3A_781 : vector<16xi32>
      %gather3A_783 = arith.constant 0 : i32
      %gather3A_784 = arith.constant 0 : i32
      %gather3A_785 = arith.constant 0 : i32
      %gather3A_786 = arith.constant 0 : i32
      %gather3A_787 = tpu.memref_slice %arg9[%gather3A_783, %gather3A_784, %gather3A_785, %gather3A_786] : memref<2x4x32x128xf32, #tpu.memory_space<vmem>> -> memref<1x4x32x128xf32, #tpu.memory_space<vmem>>
      %gather3A_788 = tpu.memref_squeeze %gather3A_787 : memref<1x4x32x128xf32, #tpu.memory_space<vmem>> -> memref<4x32x128xf32, #tpu.memory_space<vmem>>
      %gather3A_789 = tpu.vector_load_idx %gather3A_788[%and3A_753, %broadcast_in_dim3A_779, %and3A_782] : memref<4x32x128xf32, #tpu.memory_space<vmem>>[vector<16xi32>, vector<16xi32>, vector<16xi32>], vector<16xf32>,
      %and3A_790 = arith.constant 127 : i32
      %and3A_791 = vector.broadcast %and3A_790 : i32 to vector<16xi32>
      %and3A_792 = arith.andi %get3A_750, %and3A_791 : vector<16xi32>
      %gather3A_793 = arith.constant 0 : i32
      %gather3A_794 = arith.constant 0 : i32
      %gather3A_795 = arith.constant 0 : i32
      %gather3A_796 = arith.constant 0 : i32
      %gather3A_797 = tpu.memref_slice %arg10[%gather3A_793, %gather3A_794, %gather3A_795, %gather3A_796] : memref<2x4x32x128xf32, #tpu.memory_space<vmem>> -> memref<1x4x32x128xf32, #tpu.memory_space<vmem>>
      %gather3A_798 = tpu.memref_squeeze %gather3A_797 : memref<1x4x32x128xf32, #tpu.memory_space<vmem>> -> memref<4x32x128xf32, #tpu.memory_space<vmem>>
      %gather3A_799 = tpu.vector_load_idx %gather3A_798[%and3A_753, %broadcast_in_dim3A_779, %and3A_792] : memref<4x32x128xf32, #tpu.memory_space<vmem>>[vector<16xi32>, vector<16xi32>, vector<16xi32>], vector<16xf32>,
      %mul3A_800 = arith.mulf %gather3A_789, %gather3A_799 : vector<16xf32>
      %add3A_801 = arith.addf %add3A_777, %mul3A_800 : vector<16xf32>
      %broadcast_in_dim3A_802 = arith.constant 2 : i32
      %broadcast_in_dim3A_803 = vector.broadcast %broadcast_in_dim3A_802 : i32 to vector<16xi32>
      %and3A_804 = arith.constant 127 : i32
      %and3A_805 = vector.broadcast %and3A_804 : i32 to vector<16xi32>
      %and3A_806 = arith.andi %get3A_746, %and3A_805 : vector<16xi32>
      %gather3A_807 = arith.constant 0 : i32
      %gather3A_808 = arith.constant 0 : i32
      %gather3A_809 = arith.constant 0 : i32
      %gather3A_810 = arith.constant 0 : i32
      %gather3A_811 = tpu.memref_slice %arg9[%gather3A_807, %gather3A_808, %gather3A_809, %gather3A_810] : memref<2x4x32x128xf32, #tpu.memory_space<vmem>> -> memref<1x4x32x128xf32, #tpu.memory_space<vmem>>
      %gather3A_812 = tpu.memref_squeeze %gather3A_811 : memref<1x4x32x128xf32, #tpu.memory_space<vmem>> -> memref<4x32x128xf32, #tpu.memory_space<vmem>>
      %gather3A_813 = tpu.vector_load_idx %gather3A_812[%and3A_753, %broadcast_in_dim3A_803, %and3A_806] : memref<4x32x128xf32, #tpu.memory_space<vmem>>[vector<16xi32>, vector<16xi32>, vector<16xi32>], vector<16xf32>,
      %and3A_814 = arith.constant 127 : i32
      %and3A_815 = vector.broadcast %and3A_814 : i32 to vector<16xi32>
      %and3A_816 = arith.andi %get3A_750, %and3A_815 : vector<16xi32>
      %gather3A_817 = arith.constant 0 : i32
      %gather3A_818 = arith.constant 0 : i32
      %gather3A_819 = arith.constant 0 : i32
      %gather3A_820 = arith.constant 0 : i32
      %gather3A_821 = tpu.memref_slice %arg10[%gather3A_817, %gather3A_818, %gather3A_819, %gather3A_820] : memref<2x4x32x128xf32, #tpu.memory_space<vmem>> -> memref<1x4x32x128xf32, #tpu.memory_space<vmem>>
      %gather3A_822 = tpu.memref_squeeze %gather3A_821 : memref<1x4x32x128xf32, #tpu.memory_space<vmem>> -> memref<4x32x128xf32, #tpu.memory_space<vmem>>
      %gather3A_823 = tpu.vector_load_idx %gather3A_822[%and3A_753, %broadcast_in_dim3A_803, %and3A_816] : memref<4x32x128xf32, #tpu.memory_space<vmem>>[vector<16xi32>, vector<16xi32>, vector<16xi32>], vector<16xf32>,
      %mul3A_824 = arith.mulf %gather3A_813, %gather3A_823 : vector<16xf32>
      %add3A_825 = arith.addf %add3A_801, %mul3A_824 : vector<16xf32>
      %broadcast_in_dim3A_826 = arith.constant 3 : i32
      %broadcast_in_dim3A_827 = vector.broadcast %broadcast_in_dim3A_826 : i32 to vector<16xi32>
      %and3A_828 = arith.constant 127 : i32
      %and3A_829 = vector.broadcast %and3A_828 : i32 to vector<16xi32>
      %and3A_830 = arith.andi %get3A_746, %and3A_829 : vector<16xi32>
      %gather3A_831 = arith.constant 0 : i32
      %gather3A_832 = arith.constant 0 : i32
      %gather3A_833 = arith.constant 0 : i32
      %gather3A_834 = arith.constant 0 : i32
      %gather3A_835 = tpu.memref_slice %arg9[%gather3A_831, %gather3A_832, %gather3A_833, %gather3A_834] : memref<2x4x32x128xf32, #tpu.memory_space<vmem>> -> memref<1x4x32x128xf32, #tpu.memory_space<vmem>>
      %gather3A_836 = tpu.memref_squeeze %gather3A_835 : memref<1x4x32x128xf32, #tpu.memory_space<vmem>> -> memref<4x32x128xf32, #tpu.memory_space<vmem>>
      %gather3A_837 = tpu.vector_load_idx %gather3A_836[%and3A_753, %broadcast_in_dim3A_827, %and3A_830] : memref<4x32x128xf32, #tpu.memory_space<vmem>>[vector<16xi32>, vector<16xi32>, vector<16xi32>], vector<16xf32>,
      %and3A_838 = arith.constant 127 : i32
      %and3A_839 = vector.broadcast %and3A_838 : i32 to vector<16xi32>
      %and3A_840 = arith.andi %get3A_750, %and3A_839 : vector<16xi32>
      %gather3A_841 = arith.constant 0 : i32
      %gather3A_842 = arith.constant 0 : i32
      %gather3A_843 = arith.constant 0 : i32
      %gather3A_844 = arith.constant 0 : i32
      %gather3A_845 = tpu.memref_slice %arg10[%gather3A_841, %gather3A_842, %gather3A_843, %gather3A_844] : memref<2x4x32x128xf32, #tpu.memory_space<vmem>> -> memref<1x4x32x128xf32, #tpu.memory_space<vmem>>
      %gather3A_846 = tpu.memref_squeeze %gather3A_845 : memref<1x4x32x128xf32, #tpu.memory_space<vmem>> -> memref<4x32x128xf32, #tpu.memory_space<vmem>>
      %gather3A_847 = tpu.vector_load_idx %gather3A_846[%and3A_753, %broadcast_in_dim3A_827, %and3A_840] : memref<4x32x128xf32, #tpu.memory_space<vmem>>[vector<16xi32>, vector<16xi32>, vector<16xi32>], vector<16xf32>,
      %mul3A_848 = arith.mulf %gather3A_837, %gather3A_847 : vector<16xf32>
      %add3A_849 = arith.addf %add3A_825, %mul3A_848 : vector<16xf32>
      %broadcast_in_dim3A_850 = arith.constant 4 : i32
      %broadcast_in_dim3A_851 = vector.broadcast %broadcast_in_dim3A_850 : i32 to vector<16xi32>
      %and3A_852 = arith.constant 127 : i32
      %and3A_853 = vector.broadcast %and3A_852 : i32 to vector<16xi32>
      %and3A_854 = arith.andi %get3A_746, %and3A_853 : vector<16xi32>
      %gather3A_855 = arith.constant 0 : i32
      %gather3A_856 = arith.constant 0 : i32
      %gather3A_857 = arith.constant 0 : i32
      %gather3A_858 = arith.constant 0 : i32
      %gather3A_859 = tpu.memref_slice %arg9[%gather3A_855, %gather3A_856, %gather3A_857, %gather3A_858] : memref<2x4x32x128xf32, #tpu.memory_space<vmem>> -> memref<1x4x32x128xf32, #tpu.memory_space<vmem>>
      %gather3A_860 = tpu.memref_squeeze %gather3A_859 : memref<1x4x32x128xf32, #tpu.memory_space<vmem>> -> memref<4x32x128xf32, #tpu.memory_space<vmem>>
      %gather3A_861 = tpu.vector_load_idx %gather3A_860[%and3A_753, %broadcast_in_dim3A_851, %and3A_854] : memref<4x32x128xf32, #tpu.memory_space<vmem>>[vector<16xi32>, vector<16xi32>, vector<16xi32>], vector<16xf32>,
      %and3A_862 = arith.constant 127 : i32
      %and3A_863 = vector.broadcast %and3A_862 : i32 to vector<16xi32>
      %and3A_864 = arith.andi %get3A_750, %and3A_863 : vector<16xi32>
      %gather3A_865 = arith.constant 0 : i32
      %gather3A_866 = arith.constant 0 : i32
      %gather3A_867 = arith.constant 0 : i32
      %gather3A_868 = arith.constant 0 : i32
      %gather3A_869 = tpu.memref_slice %arg10[%gather3A_865, %gather3A_866, %gather3A_867, %gather3A_868] : memref<2x4x32x128xf32, #tpu.memory_space<vmem>> -> memref<1x4x32x128xf32, #tpu.memory_space<vmem>>
      %gather3A_870 = tpu.memref_squeeze %gather3A_869 : memref<1x4x32x128xf32, #tpu.memory_space<vmem>> -> memref<4x32x128xf32, #tpu.memory_space<vmem>>
      %gather3A_871 = tpu.vector_load_idx %gather3A_870[%and3A_753, %broadcast_in_dim3A_851, %and3A_864] : memref<4x32x128xf32, #tpu.memory_space<vmem>>[vector<16xi32>, vector<16xi32>, vector<16xi32>], vector<16xf32>,
      %mul3A_872 = arith.mulf %gather3A_861, %gather3A_871 : vector<16xf32>
      %add3A_873 = arith.addf %add3A_849, %mul3A_872 : vector<16xf32>
      %broadcast_in_dim3A_874 = arith.constant 5 : i32
      %broadcast_in_dim3A_875 = vector.broadcast %broadcast_in_dim3A_874 : i32 to vector<16xi32>
      %and3A_876 = arith.constant 127 : i32
      %and3A_877 = vector.broadcast %and3A_876 : i32 to vector<16xi32>
      %and3A_878 = arith.andi %get3A_746, %and3A_877 : vector<16xi32>
      %gather3A_879 = arith.constant 0 : i32
      %gather3A_880 = arith.constant 0 : i32
      %gather3A_881 = arith.constant 0 : i32
      %gather3A_882 = arith.constant 0 : i32
      %gather3A_883 = tpu.memref_slice %arg9[%gather3A_879, %gather3A_880, %gather3A_881, %gather3A_882] : memref<2x4x32x128xf32, #tpu.memory_space<vmem>> -> memref<1x4x32x128xf32, #tpu.memory_space<vmem>>
      %gather3A_884 = tpu.memref_squeeze %gather3A_883 : memref<1x4x32x128xf32, #tpu.memory_space<vmem>> -> memref<4x32x128xf32, #tpu.memory_space<vmem>>
      %gather3A_885 = tpu.vector_load_idx %gather3A_884[%and3A_753, %broadcast_in_dim3A_875, %and3A_878] : memref<4x32x128xf32, #tpu.memory_space<vmem>>[vector<16xi32>, vector<16xi32>, vector<16xi32>], vector<16xf32>,
      %and3A_886 = arith.constant 127 : i32
      %and3A_887 = vector.broadcast %and3A_886 : i32 to vector<16xi32>
      %and3A_888 = arith.andi %get3A_750, %and3A_887 : vector<16xi32>
      %gather3A_889 = arith.constant 0 : i32
      %gather3A_890 = arith.constant 0 : i32
      %gather3A_891 = arith.constant 0 : i32
      %gather3A_892 = arith.constant 0 : i32
      %gather3A_893 = tpu.memref_slice %arg10[%gather3A_889, %gather3A_890, %gather3A_891, %gather3A_892] : memref<2x4x32x128xf32, #tpu.memory_space<vmem>> -> memref<1x4x32x128xf32, #tpu.memory_space<vmem>>
      %gather3A_894 = tpu.memref_squeeze %gather3A_893 : memref<1x4x32x128xf32, #tpu.memory_space<vmem>> -> memref<4x32x128xf32, #tpu.memory_space<vmem>>
      %gather3A_895 = tpu.vector_load_idx %gather3A_894[%and3A_753, %broadcast_in_dim3A_875, %and3A_888] : memref<4x32x128xf32, #tpu.memory_space<vmem>>[vector<16xi32>, vector<16xi32>, vector<16xi32>], vector<16xf32>,
      %mul3A_896 = arith.mulf %gather3A_885, %gather3A_895 : vector<16xf32>
      %add3A_897 = arith.addf %add3A_873, %mul3A_896 : vector<16xf32>
      %broadcast_in_dim3A_898 = arith.constant 6 : i32
      %broadcast_in_dim3A_899 = vector.broadcast %broadcast_in_dim3A_898 : i32 to vector<16xi32>
      %and3A_900 = arith.constant 127 : i32
      %and3A_901 = vector.broadcast %and3A_900 : i32 to vector<16xi32>
      %and3A_902 = arith.andi %get3A_746, %and3A_901 : vector<16xi32>
      %gather3A_903 = arith.constant 0 : i32
      %gather3A_904 = arith.constant 0 : i32
      %gather3A_905 = arith.constant 0 : i32
      %gather3A_906 = arith.constant 0 : i32
      %gather3A_907 = tpu.memref_slice %arg9[%gather3A_903, %gather3A_904, %gather3A_905, %gather3A_906] : memref<2x4x32x128xf32, #tpu.memory_space<vmem>> -> memref<1x4x32x128xf32, #tpu.memory_space<vmem>>
      %gather3A_908 = tpu.memref_squeeze %gather3A_907 : memref<1x4x32x128xf32, #tpu.memory_space<vmem>> -> memref<4x32x128xf32, #tpu.memory_space<vmem>>
      %gather3A_909 = tpu.vector_load_idx %gather3A_908[%and3A_753, %broadcast_in_dim3A_899, %and3A_902] : memref<4x32x128xf32, #tpu.memory_space<vmem>>[vector<16xi32>, vector<16xi32>, vector<16xi32>], vector<16xf32>,
      %and3A_910 = arith.constant 127 : i32
      %and3A_911 = vector.broadcast %and3A_910 : i32 to vector<16xi32>
      %and3A_912 = arith.andi %get3A_750, %and3A_911 : vector<16xi32>
      %gather3A_913 = arith.constant 0 : i32
      %gather3A_914 = arith.constant 0 : i32
      %gather3A_915 = arith.constant 0 : i32
      %gather3A_916 = arith.constant 0 : i32
      %gather3A_917 = tpu.memref_slice %arg10[%gather3A_913, %gather3A_914, %gather3A_915, %gather3A_916] : memref<2x4x32x128xf32, #tpu.memory_space<vmem>> -> memref<1x4x32x128xf32, #tpu.memory_space<vmem>>
      %gather3A_918 = tpu.memref_squeeze %gather3A_917 : memref<1x4x32x128xf32, #tpu.memory_space<vmem>> -> memref<4x32x128xf32, #tpu.memory_space<vmem>>
      %gather3A_919 = tpu.vector_load_idx %gather3A_918[%and3A_753, %broadcast_in_dim3A_899, %and3A_912] : memref<4x32x128xf32, #tpu.memory_space<vmem>>[vector<16xi32>, vector<16xi32>, vector<16xi32>], vector<16xf32>,
      %mul3A_920 = arith.mulf %gather3A_909, %gather3A_919 : vector<16xf32>
      %add3A_921 = arith.addf %add3A_897, %mul3A_920 : vector<16xf32>
      %broadcast_in_dim3A_922 = arith.constant 7 : i32
      %broadcast_in_dim3A_923 = vector.broadcast %broadcast_in_dim3A_922 : i32 to vector<16xi32>
      %and3A_924 = arith.constant 127 : i32
      %and3A_925 = vector.broadcast %and3A_924 : i32 to vector<16xi32>
      %and3A_926 = arith.andi %get3A_746, %and3A_925 : vector<16xi32>
      %gather3A_927 = arith.constant 0 : i32
      %gather3A_928 = arith.constant 0 : i32
      %gather3A_929 = arith.constant 0 : i32
      %gather3A_930 = arith.constant 0 : i32
      %gather3A_931 = tpu.memref_slice %arg9[%gather3A_927, %gather3A_928, %gather3A_929, %gather3A_930] : memref<2x4x32x128xf32, #tpu.memory_space<vmem>> -> memref<1x4x32x128xf32, #tpu.memory_space<vmem>>
      %gather3A_932 = tpu.memref_squeeze %gather3A_931 : memref<1x4x32x128xf32, #tpu.memory_space<vmem>> -> memref<4x32x128xf32, #tpu.memory_space<vmem>>
      %gather3A_933 = tpu.vector_load_idx %gather3A_932[%and3A_753, %broadcast_in_dim3A_923, %and3A_926] : memref<4x32x128xf32, #tpu.memory_space<vmem>>[vector<16xi32>, vector<16xi32>, vector<16xi32>], vector<16xf32>,
      %and3A_934 = arith.constant 127 : i32
      %and3A_935 = vector.broadcast %and3A_934 : i32 to vector<16xi32>
      %and3A_936 = arith.andi %get3A_750, %and3A_935 : vector<16xi32>
      %gather3A_937 = arith.constant 0 : i32
      %gather3A_938 = arith.constant 0 : i32
      %gather3A_939 = arith.constant 0 : i32
      %gather3A_940 = arith.constant 0 : i32
      %gather3A_941 = tpu.memref_slice %arg10[%gather3A_937, %gather3A_938, %gather3A_939, %gather3A_940] : memref<2x4x32x128xf32, #tpu.memory_space<vmem>> -> memref<1x4x32x128xf32, #tpu.memory_space<vmem>>
      %gather3A_942 = tpu.memref_squeeze %gather3A_941 : memref<1x4x32x128xf32, #tpu.memory_space<vmem>> -> memref<4x32x128xf32, #tpu.memory_space<vmem>>
      %gather3A_943 = tpu.vector_load_idx %gather3A_942[%and3A_753, %broadcast_in_dim3A_923, %and3A_936] : memref<4x32x128xf32, #tpu.memory_space<vmem>>[vector<16xi32>, vector<16xi32>, vector<16xi32>], vector<16xf32>,
      %mul3A_944 = arith.mulf %gather3A_933, %gather3A_943 : vector<16xf32>
      %add3A_945 = arith.addf %add3A_921, %mul3A_944 : vector<16xf32>
      %broadcast_in_dim3A_946 = arith.constant 8 : i32
      %broadcast_in_dim3A_947 = vector.broadcast %broadcast_in_dim3A_946 : i32 to vector<16xi32>
      %and3A_948 = arith.constant 127 : i32
      %and3A_949 = vector.broadcast %and3A_948 : i32 to vector<16xi32>
      %and3A_950 = arith.andi %get3A_746, %and3A_949 : vector<16xi32>
      %gather3A_951 = arith.constant 0 : i32
      %gather3A_952 = arith.constant 0 : i32
      %gather3A_953 = arith.constant 0 : i32
      %gather3A_954 = arith.constant 0 : i32
      %gather3A_955 = tpu.memref_slice %arg9[%gather3A_951, %gather3A_952, %gather3A_953, %gather3A_954] : memref<2x4x32x128xf32, #tpu.memory_space<vmem>> -> memref<1x4x32x128xf32, #tpu.memory_space<vmem>>
      %gather3A_956 = tpu.memref_squeeze %gather3A_955 : memref<1x4x32x128xf32, #tpu.memory_space<vmem>> -> memref<4x32x128xf32, #tpu.memory_space<vmem>>
      %gather3A_957 = tpu.vector_load_idx %gather3A_956[%and3A_753, %broadcast_in_dim3A_947, %and3A_950] : memref<4x32x128xf32, #tpu.memory_space<vmem>>[vector<16xi32>, vector<16xi32>, vector<16xi32>], vector<16xf32>,
      %and3A_958 = arith.constant 127 : i32
      %and3A_959 = vector.broadcast %and3A_958 : i32 to vector<16xi32>
      %and3A_960 = arith.andi %get3A_750, %and3A_959 : vector<16xi32>
      %gather3A_961 = arith.constant 0 : i32
      %gather3A_962 = arith.constant 0 : i32
      %gather3A_963 = arith.constant 0 : i32
      %gather3A_964 = arith.constant 0 : i32
      %gather3A_965 = tpu.memref_slice %arg10[%gather3A_961, %gather3A_962, %gather3A_963, %gather3A_964] : memref<2x4x32x128xf32, #tpu.memory_space<vmem>> -> memref<1x4x32x128xf32, #tpu.memory_space<vmem>>
      %gather3A_966 = tpu.memref_squeeze %gather3A_965 : memref<1x4x32x128xf32, #tpu.memory_space<vmem>> -> memref<4x32x128xf32, #tpu.memory_space<vmem>>
      %gather3A_967 = tpu.vector_load_idx %gather3A_966[%and3A_753, %broadcast_in_dim3A_947, %and3A_960] : memref<4x32x128xf32, #tpu.memory_space<vmem>>[vector<16xi32>, vector<16xi32>, vector<16xi32>], vector<16xf32>,
      %mul3A_968 = arith.mulf %gather3A_957, %gather3A_967 : vector<16xf32>
      %add3A_969 = arith.addf %add3A_945, %mul3A_968 : vector<16xf32>
      %broadcast_in_dim3A_970 = arith.constant 9 : i32
      %broadcast_in_dim3A_971 = vector.broadcast %broadcast_in_dim3A_970 : i32 to vector<16xi32>
      %and3A_972 = arith.constant 127 : i32
      %and3A_973 = vector.broadcast %and3A_972 : i32 to vector<16xi32>
      %and3A_974 = arith.andi %get3A_746, %and3A_973 : vector<16xi32>
      %gather3A_975 = arith.constant 0 : i32
      %gather3A_976 = arith.constant 0 : i32
      %gather3A_977 = arith.constant 0 : i32
      %gather3A_978 = arith.constant 0 : i32
      %gather3A_979 = tpu.memref_slice %arg9[%gather3A_975, %gather3A_976, %gather3A_977, %gather3A_978] : memref<2x4x32x128xf32, #tpu.memory_space<vmem>> -> memref<1x4x32x128xf32, #tpu.memory_space<vmem>>
      %gather3A_980 = tpu.memref_squeeze %gather3A_979 : memref<1x4x32x128xf32, #tpu.memory_space<vmem>> -> memref<4x32x128xf32, #tpu.memory_space<vmem>>
      %gather3A_981 = tpu.vector_load_idx %gather3A_980[%and3A_753, %broadcast_in_dim3A_971, %and3A_974] : memref<4x32x128xf32, #tpu.memory_space<vmem>>[vector<16xi32>, vector<16xi32>, vector<16xi32>], vector<16xf32>,
      %and3A_982 = arith.constant 127 : i32
      %and3A_983 = vector.broadcast %and3A_982 : i32 to vector<16xi32>
      %and3A_984 = arith.andi %get3A_750, %and3A_983 : vector<16xi32>
      %gather3A_985 = arith.constant 0 : i32
      %gather3A_986 = arith.constant 0 : i32
      %gather3A_987 = arith.constant 0 : i32
      %gather3A_988 = arith.constant 0 : i32
      %gather3A_989 = tpu.memref_slice %arg10[%gather3A_985, %gather3A_986, %gather3A_987, %gather3A_988] : memref<2x4x32x128xf32, #tpu.memory_space<vmem>> -> memref<1x4x32x128xf32, #tpu.memory_space<vmem>>
      %gather3A_990 = tpu.memref_squeeze %gather3A_989 : memref<1x4x32x128xf32, #tpu.memory_space<vmem>> -> memref<4x32x128xf32, #tpu.memory_space<vmem>>
      %gather3A_991 = tpu.vector_load_idx %gather3A_990[%and3A_753, %broadcast_in_dim3A_971, %and3A_984] : memref<4x32x128xf32, #tpu.memory_space<vmem>>[vector<16xi32>, vector<16xi32>, vector<16xi32>], vector<16xf32>,
      %mul3A_992 = arith.mulf %gather3A_981, %gather3A_991 : vector<16xf32>
      %add3A_993 = arith.addf %add3A_969, %mul3A_992 : vector<16xf32>
      %broadcast_in_dim3A_994 = arith.constant 10 : i32
      %broadcast_in_dim3A_995 = vector.broadcast %broadcast_in_dim3A_994 : i32 to vector<16xi32>
      %and3A_996 = arith.constant 127 : i32
      %and3A_997 = vector.broadcast %and3A_996 : i32 to vector<16xi32>
      %and3A_998 = arith.andi %get3A_746, %and3A_997 : vector<16xi32>
      %gather3A_999 = arith.constant 0 : i32
      %gather3A_1000 = arith.constant 0 : i32
      %gather3A_1001 = arith.constant 0 : i32
      %gather3A_1002 = arith.constant 0 : i32
      %gather3A_1003 = tpu.memref_slice %arg9[%gather3A_999, %gather3A_1000, %gather3A_1001, %gather3A_1002] : memref<2x4x32x128xf32, #tpu.memory_space<vmem>> -> memref<1x4x32x128xf32, #tpu.memory_space<vmem>>
      %gather3A_1004 = tpu.memref_squeeze %gather3A_1003 : memref<1x4x32x128xf32, #tpu.memory_space<vmem>> -> memref<4x32x128xf32, #tpu.memory_space<vmem>>
      %gather3A_1005 = tpu.vector_load_idx %gather3A_1004[%and3A_753, %broadcast_in_dim3A_995, %and3A_998] : memref<4x32x128xf32, #tpu.memory_space<vmem>>[vector<16xi32>, vector<16xi32>, vector<16xi32>], vector<16xf32>,
      %and3A_1006 = arith.constant 127 : i32
      %and3A_1007 = vector.broadcast %and3A_1006 : i32 to vector<16xi32>
      %and3A_1008 = arith.andi %get3A_750, %and3A_1007 : vector<16xi32>
      %gather3A_1009 = arith.constant 0 : i32
      %gather3A_1010 = arith.constant 0 : i32
      %gather3A_1011 = arith.constant 0 : i32
      %gather3A_1012 = arith.constant 0 : i32
      %gather3A_1013 = tpu.memref_slice %arg10[%gather3A_1009, %gather3A_1010, %gather3A_1011, %gather3A_1012] : memref<2x4x32x128xf32, #tpu.memory_space<vmem>> -> memref<1x4x32x128xf32, #tpu.memory_space<vmem>>
      %gather3A_1014 = tpu.memref_squeeze %gather3A_1013 : memref<1x4x32x128xf32, #tpu.memory_space<vmem>> -> memref<4x32x128xf32, #tpu.memory_space<vmem>>
      %gather3A_1015 = tpu.vector_load_idx %gather3A_1014[%and3A_753, %broadcast_in_dim3A_995, %and3A_1008] : memref<4x32x128xf32, #tpu.memory_space<vmem>>[vector<16xi32>, vector<16xi32>, vector<16xi32>], vector<16xf32>,
      %mul3A_1016 = arith.mulf %gather3A_1005, %gather3A_1015 : vector<16xf32>
      %add3A_1017 = arith.addf %add3A_993, %mul3A_1016 : vector<16xf32>
      %broadcast_in_dim3A_1018 = arith.constant 11 : i32
      %broadcast_in_dim3A_1019 = vector.broadcast %broadcast_in_dim3A_1018 : i32 to vector<16xi32>
      %and3A_1020 = arith.constant 127 : i32
      %and3A_1021 = vector.broadcast %and3A_1020 : i32 to vector<16xi32>
      %and3A_1022 = arith.andi %get3A_746, %and3A_1021 : vector<16xi32>
      %gather3A_1023 = arith.constant 0 : i32
      %gather3A_1024 = arith.constant 0 : i32
      %gather3A_1025 = arith.constant 0 : i32
      %gather3A_1026 = arith.constant 0 : i32
      %gather3A_1027 = tpu.memref_slice %arg9[%gather3A_1023, %gather3A_1024, %gather3A_1025, %gather3A_1026] : memref<2x4x32x128xf32, #tpu.memory_space<vmem>> -> memref<1x4x32x128xf32, #tpu.memory_space<vmem>>
      %gather3A_1028 = tpu.memref_squeeze %gather3A_1027 : memref<1x4x32x128xf32, #tpu.memory_space<vmem>> -> memref<4x32x128xf32, #tpu.memory_space<vmem>>
      %gather3A_1029 = tpu.vector_load_idx %gather3A_1028[%and3A_753, %broadcast_in_dim3A_1019, %and3A_1022] : memref<4x32x128xf32, #tpu.memory_space<vmem>>[vector<16xi32>, vector<16xi32>, vector<16xi32>], vector<16xf32>,
      %and3A_1030 = arith.constant 127 : i32
      %and3A_1031 = vector.broadcast %and3A_1030 : i32 to vector<16xi32>
      %and3A_1032 = arith.andi %get3A_750, %and3A_1031 : vector<16xi32>
      %gather3A_1033 = arith.constant 0 : i32
      %gather3A_1034 = arith.constant 0 : i32
      %gather3A_1035 = arith.constant 0 : i32
      %gather3A_1036 = arith.constant 0 : i32
      %gather3A_1037 = tpu.memref_slice %arg10[%gather3A_1033, %gather3A_1034, %gather3A_1035, %gather3A_1036] : memref<2x4x32x128xf32, #tpu.memory_space<vmem>> -> memref<1x4x32x128xf32, #tpu.memory_space<vmem>>
      %gather3A_1038 = tpu.memref_squeeze %gather3A_1037 : memref<1x4x32x128xf32, #tpu.memory_space<vmem>> -> memref<4x32x128xf32, #tpu.memory_space<vmem>>
      %gather3A_1039 = tpu.vector_load_idx %gather3A_1038[%and3A_753, %broadcast_in_dim3A_1019, %and3A_1032] : memref<4x32x128xf32, #tpu.memory_space<vmem>>[vector<16xi32>, vector<16xi32>, vector<16xi32>], vector<16xf32>,
      %mul3A_1040 = arith.mulf %gather3A_1029, %gather3A_1039 : vector<16xf32>
      %add3A_1041 = arith.addf %add3A_1017, %mul3A_1040 : vector<16xf32>
      %broadcast_in_dim3A_1042 = arith.constant 12 : i32
      %broadcast_in_dim3A_1043 = vector.broadcast %broadcast_in_dim3A_1042 : i32 to vector<16xi32>
      %and3A_1044 = arith.constant 127 : i32
      %and3A_1045 = vector.broadcast %and3A_1044 : i32 to vector<16xi32>
      %and3A_1046 = arith.andi %get3A_746, %and3A_1045 : vector<16xi32>
      %gather3A_1047 = arith.constant 0 : i32
      %gather3A_1048 = arith.constant 0 : i32
      %gather3A_1049 = arith.constant 0 : i32
      %gather3A_1050 = arith.constant 0 : i32
      %gather3A_1051 = tpu.memref_slice %arg9[%gather3A_1047, %gather3A_1048, %gather3A_1049, %gather3A_1050] : memref<2x4x32x128xf32, #tpu.memory_space<vmem>> -> memref<1x4x32x128xf32, #tpu.memory_space<vmem>>
      %gather3A_1052 = tpu.memref_squeeze %gather3A_1051 : memref<1x4x32x128xf32, #tpu.memory_space<vmem>> -> memref<4x32x128xf32, #tpu.memory_space<vmem>>
      %gather3A_1053 = tpu.vector_load_idx %gather3A_1052[%and3A_753, %broadcast_in_dim3A_1043, %and3A_1046] : memref<4x32x128xf32, #tpu.memory_space<vmem>>[vector<16xi32>, vector<16xi32>, vector<16xi32>], vector<16xf32>,
      %and3A_1054 = arith.constant 127 : i32
      %and3A_1055 = vector.broadcast %and3A_1054 : i32 to vector<16xi32>
      %and3A_1056 = arith.andi %get3A_750, %and3A_1055 : vector<16xi32>
      %gather3A_1057 = arith.constant 0 : i32
      %gather3A_1058 = arith.constant 0 : i32
      %gather3A_1059 = arith.constant 0 : i32
      %gather3A_1060 = arith.constant 0 : i32
      %gather3A_1061 = tpu.memref_slice %arg10[%gather3A_1057, %gather3A_1058, %gather3A_1059, %gather3A_1060] : memref<2x4x32x128xf32, #tpu.memory_space<vmem>> -> memref<1x4x32x128xf32, #tpu.memory_space<vmem>>
      %gather3A_1062 = tpu.memref_squeeze %gather3A_1061 : memref<1x4x32x128xf32, #tpu.memory_space<vmem>> -> memref<4x32x128xf32, #tpu.memory_space<vmem>>
      %gather3A_1063 = tpu.vector_load_idx %gather3A_1062[%and3A_753, %broadcast_in_dim3A_1043, %and3A_1056] : memref<4x32x128xf32, #tpu.memory_space<vmem>>[vector<16xi32>, vector<16xi32>, vector<16xi32>], vector<16xf32>,
      %mul3A_1064 = arith.mulf %gather3A_1053, %gather3A_1063 : vector<16xf32>
      %add3A_1065 = arith.addf %add3A_1041, %mul3A_1064 : vector<16xf32>
      %broadcast_in_dim3A_1066 = arith.constant 13 : i32
      %broadcast_in_dim3A_1067 = vector.broadcast %broadcast_in_dim3A_1066 : i32 to vector<16xi32>
      %and3A_1068 = arith.constant 127 : i32
      %and3A_1069 = vector.broadcast %and3A_1068 : i32 to vector<16xi32>
      %and3A_1070 = arith.andi %get3A_746, %and3A_1069 : vector<16xi32>
      %gather3A_1071 = arith.constant 0 : i32
      %gather3A_1072 = arith.constant 0 : i32
      %gather3A_1073 = arith.constant 0 : i32
      %gather3A_1074 = arith.constant 0 : i32
      %gather3A_1075 = tpu.memref_slice %arg9[%gather3A_1071, %gather3A_1072, %gather3A_1073, %gather3A_1074] : memref<2x4x32x128xf32, #tpu.memory_space<vmem>> -> memref<1x4x32x128xf32, #tpu.memory_space<vmem>>
      %gather3A_1076 = tpu.memref_squeeze %gather3A_1075 : memref<1x4x32x128xf32, #tpu.memory_space<vmem>> -> memref<4x32x128xf32, #tpu.memory_space<vmem>>
      %gather3A_1077 = tpu.vector_load_idx %gather3A_1076[%and3A_753, %broadcast_in_dim3A_1067, %and3A_1070] : memref<4x32x128xf32, #tpu.memory_space<vmem>>[vector<16xi32>, vector<16xi32>, vector<16xi32>], vector<16xf32>,
      %and3A_1078 = arith.constant 127 : i32
      %and3A_1079 = vector.broadcast %and3A_1078 : i32 to vector<16xi32>
      %and3A_1080 = arith.andi %get3A_750, %and3A_1079 : vector<16xi32>
      %gather3A_1081 = arith.constant 0 : i32
      %gather3A_1082 = arith.constant 0 : i32
      %gather3A_1083 = arith.constant 0 : i32
      %gather3A_1084 = arith.constant 0 : i32
      %gather3A_1085 = tpu.memref_slice %arg10[%gather3A_1081, %gather3A_1082, %gather3A_1083, %gather3A_1084] : memref<2x4x32x128xf32, #tpu.memory_space<vmem>> -> memref<1x4x32x128xf32, #tpu.memory_space<vmem>>
      %gather3A_1086 = tpu.memref_squeeze %gather3A_1085 : memref<1x4x32x128xf32, #tpu.memory_space<vmem>> -> memref<4x32x128xf32, #tpu.memory_space<vmem>>
      %gather3A_1087 = tpu.vector_load_idx %gather3A_1086[%and3A_753, %broadcast_in_dim3A_1067, %and3A_1080] : memref<4x32x128xf32, #tpu.memory_space<vmem>>[vector<16xi32>, vector<16xi32>, vector<16xi32>], vector<16xf32>,
      %mul3A_1088 = arith.mulf %gather3A_1077, %gather3A_1087 : vector<16xf32>
      %add3A_1089 = arith.addf %add3A_1065, %mul3A_1088 : vector<16xf32>
      %broadcast_in_dim3A_1090 = arith.constant 14 : i32
      %broadcast_in_dim3A_1091 = vector.broadcast %broadcast_in_dim3A_1090 : i32 to vector<16xi32>
      %and3A_1092 = arith.constant 127 : i32
      %and3A_1093 = vector.broadcast %and3A_1092 : i32 to vector<16xi32>
      %and3A_1094 = arith.andi %get3A_746, %and3A_1093 : vector<16xi32>
      %gather3A_1095 = arith.constant 0 : i32
      %gather3A_1096 = arith.constant 0 : i32
      %gather3A_1097 = arith.constant 0 : i32
      %gather3A_1098 = arith.constant 0 : i32
      %gather3A_1099 = tpu.memref_slice %arg9[%gather3A_1095, %gather3A_1096, %gather3A_1097, %gather3A_1098] : memref<2x4x32x128xf32, #tpu.memory_space<vmem>> -> memref<1x4x32x128xf32, #tpu.memory_space<vmem>>
      %gather3A_1100 = tpu.memref_squeeze %gather3A_1099 : memref<1x4x32x128xf32, #tpu.memory_space<vmem>> -> memref<4x32x128xf32, #tpu.memory_space<vmem>>
      %gather3A_1101 = tpu.vector_load_idx %gather3A_1100[%and3A_753, %broadcast_in_dim3A_1091, %and3A_1094] : memref<4x32x128xf32, #tpu.memory_space<vmem>>[vector<16xi32>, vector<16xi32>, vector<16xi32>], vector<16xf32>,
      %and3A_1102 = arith.constant 127 : i32
      %and3A_1103 = vector.broadcast %and3A_1102 : i32 to vector<16xi32>
      %and3A_1104 = arith.andi %get3A_750, %and3A_1103 : vector<16xi32>
      %gather3A_1105 = arith.constant 0 : i32
      %gather3A_1106 = arith.constant 0 : i32
      %gather3A_1107 = arith.constant 0 : i32
      %gather3A_1108 = arith.constant 0 : i32
      %gather3A_1109 = tpu.memref_slice %arg10[%gather3A_1105, %gather3A_1106, %gather3A_1107, %gather3A_1108] : memref<2x4x32x128xf32, #tpu.memory_space<vmem>> -> memref<1x4x32x128xf32, #tpu.memory_space<vmem>>
      %gather3A_1110 = tpu.memref_squeeze %gather3A_1109 : memref<1x4x32x128xf32, #tpu.memory_space<vmem>> -> memref<4x32x128xf32, #tpu.memory_space<vmem>>
      %gather3A_1111 = tpu.vector_load_idx %gather3A_1110[%and3A_753, %broadcast_in_dim3A_1091, %and3A_1104] : memref<4x32x128xf32, #tpu.memory_space<vmem>>[vector<16xi32>, vector<16xi32>, vector<16xi32>], vector<16xf32>,
      %mul3A_1112 = arith.mulf %gather3A_1101, %gather3A_1111 : vector<16xf32>
      %add3A_1113 = arith.addf %add3A_1089, %mul3A_1112 : vector<16xf32>
      %broadcast_in_dim3A_1114 = arith.constant 15 : i32
      %broadcast_in_dim3A_1115 = vector.broadcast %broadcast_in_dim3A_1114 : i32 to vector<16xi32>
      %and3A_1116 = arith.constant 127 : i32
      %and3A_1117 = vector.broadcast %and3A_1116 : i32 to vector<16xi32>
      %and3A_1118 = arith.andi %get3A_746, %and3A_1117 : vector<16xi32>
      %gather3A_1119 = arith.constant 0 : i32
      %gather3A_1120 = arith.constant 0 : i32
      %gather3A_1121 = arith.constant 0 : i32
      %gather3A_1122 = arith.constant 0 : i32
      %gather3A_1123 = tpu.memref_slice %arg9[%gather3A_1119, %gather3A_1120, %gather3A_1121, %gather3A_1122] : memref<2x4x32x128xf32, #tpu.memory_space<vmem>> -> memref<1x4x32x128xf32, #tpu.memory_space<vmem>>
      %gather3A_1124 = tpu.memref_squeeze %gather3A_1123 : memref<1x4x32x128xf32, #tpu.memory_space<vmem>> -> memref<4x32x128xf32, #tpu.memory_space<vmem>>
      %gather3A_1125 = tpu.vector_load_idx %gather3A_1124[%and3A_753, %broadcast_in_dim3A_1115, %and3A_1118] : memref<4x32x128xf32, #tpu.memory_space<vmem>>[vector<16xi32>, vector<16xi32>, vector<16xi32>], vector<16xf32>,
      %and3A_1126 = arith.constant 127 : i32
      %and3A_1127 = vector.broadcast %and3A_1126 : i32 to vector<16xi32>
      %and3A_1128 = arith.andi %get3A_750, %and3A_1127 : vector<16xi32>
      %gather3A_1129 = arith.constant 0 : i32
      %gather3A_1130 = arith.constant 0 : i32
      %gather3A_1131 = arith.constant 0 : i32
      %gather3A_1132 = arith.constant 0 : i32
      %gather3A_1133 = tpu.memref_slice %arg10[%gather3A_1129, %gather3A_1130, %gather3A_1131, %gather3A_1132] : memref<2x4x32x128xf32, #tpu.memory_space<vmem>> -> memref<1x4x32x128xf32, #tpu.memory_space<vmem>>
      %gather3A_1134 = tpu.memref_squeeze %gather3A_1133 : memref<1x4x32x128xf32, #tpu.memory_space<vmem>> -> memref<4x32x128xf32, #tpu.memory_space<vmem>>
      %gather3A_1135 = tpu.vector_load_idx %gather3A_1134[%and3A_753, %broadcast_in_dim3A_1115, %and3A_1128] : memref<4x32x128xf32, #tpu.memory_space<vmem>>[vector<16xi32>, vector<16xi32>, vector<16xi32>], vector<16xf32>,
      %mul3A_1136 = arith.mulf %gather3A_1125, %gather3A_1135 : vector<16xf32>
      %add3A_1137 = arith.addf %add3A_1113, %mul3A_1136 : vector<16xf32>
      %broadcast_in_dim3A_1138 = arith.constant 16 : i32
      %broadcast_in_dim3A_1139 = vector.broadcast %broadcast_in_dim3A_1138 : i32 to vector<16xi32>
      %and3A_1140 = arith.constant 127 : i32
      %and3A_1141 = vector.broadcast %and3A_1140 : i32 to vector<16xi32>
      %and3A_1142 = arith.andi %get3A_746, %and3A_1141 : vector<16xi32>
      %gather3A_1143 = arith.constant 0 : i32
      %gather3A_1144 = arith.constant 0 : i32
      %gather3A_1145 = arith.constant 0 : i32
      %gather3A_1146 = arith.constant 0 : i32
      %gather3A_1147 = tpu.memref_slice %arg9[%gather3A_1143, %gather3A_1144, %gather3A_1145, %gather3A_1146] : memref<2x4x32x128xf32, #tpu.memory_space<vmem>> -> memref<1x4x32x128xf32, #tpu.memory_space<vmem>>
      %gather3A_1148 = tpu.memref_squeeze %gather3A_1147 : memref<1x4x32x128xf32, #tpu.memory_space<vmem>> -> memref<4x32x128xf32, #tpu.memory_space<vmem>>
      %gather3A_1149 = tpu.vector_load_idx %gather3A_1148[%and3A_753, %broadcast_in_dim3A_1139, %and3A_1142] : memref<4x32x128xf32, #tpu.memory_space<vmem>>[vector<16xi32>, vector<16xi32>, vector<16xi32>], vector<16xf32>,
      %and3A_1150 = arith.constant 127 : i32
      %and3A_1151 = vector.broadcast %and3A_1150 : i32 to vector<16xi32>
      %and3A_1152 = arith.andi %get3A_750, %and3A_1151 : vector<16xi32>
      %gather3A_1153 = arith.constant 0 : i32
      %gather3A_1154 = arith.constant 0 : i32
      %gather3A_1155 = arith.constant 0 : i32
      %gather3A_1156 = arith.constant 0 : i32
      %gather3A_1157 = tpu.memref_slice %arg10[%gather3A_1153, %gather3A_1154, %gather3A_1155, %gather3A_1156] : memref<2x4x32x128xf32, #tpu.memory_space<vmem>> -> memref<1x4x32x128xf32, #tpu.memory_space<vmem>>
      %gather3A_1158 = tpu.memref_squeeze %gather3A_1157 : memref<1x4x32x128xf32, #tpu.memory_space<vmem>> -> memref<4x32x128xf32, #tpu.memory_space<vmem>>
      %gather3A_1159 = tpu.vector_load_idx %gather3A_1158[%and3A_753, %broadcast_in_dim3A_1139, %and3A_1152] : memref<4x32x128xf32, #tpu.memory_space<vmem>>[vector<16xi32>, vector<16xi32>, vector<16xi32>], vector<16xf32>,
      %mul3A_1160 = arith.mulf %gather3A_1149, %gather3A_1159 : vector<16xf32>
      %add3A_1161 = arith.addf %add3A_1137, %mul3A_1160 : vector<16xf32>
      %broadcast_in_dim3A_1162 = arith.constant 17 : i32
      %broadcast_in_dim3A_1163 = vector.broadcast %broadcast_in_dim3A_1162 : i32 to vector<16xi32>
      %and3A_1164 = arith.constant 127 : i32
      %and3A_1165 = vector.broadcast %and3A_1164 : i32 to vector<16xi32>
      %and3A_1166 = arith.andi %get3A_746, %and3A_1165 : vector<16xi32>
      %gather3A_1167 = arith.constant 0 : i32
      %gather3A_1168 = arith.constant 0 : i32
      %gather3A_1169 = arith.constant 0 : i32
      %gather3A_1170 = arith.constant 0 : i32
      %gather3A_1171 = tpu.memref_slice %arg9[%gather3A_1167, %gather3A_1168, %gather3A_1169, %gather3A_1170] : memref<2x4x32x128xf32, #tpu.memory_space<vmem>> -> memref<1x4x32x128xf32, #tpu.memory_space<vmem>>
      %gather3A_1172 = tpu.memref_squeeze %gather3A_1171 : memref<1x4x32x128xf32, #tpu.memory_space<vmem>> -> memref<4x32x128xf32, #tpu.memory_space<vmem>>
      %gather3A_1173 = tpu.vector_load_idx %gather3A_1172[%and3A_753, %broadcast_in_dim3A_1163, %and3A_1166] : memref<4x32x128xf32, #tpu.memory_space<vmem>>[vector<16xi32>, vector<16xi32>, vector<16xi32>], vector<16xf32>,
      %and3A_1174 = arith.constant 127 : i32
      %and3A_1175 = vector.broadcast %and3A_1174 : i32 to vector<16xi32>
      %and3A_1176 = arith.andi %get3A_750, %and3A_1175 : vector<16xi32>
      %gather3A_1177 = arith.constant 0 : i32
      %gather3A_1178 = arith.constant 0 : i32
      %gather3A_1179 = arith.constant 0 : i32
      %gather3A_1180 = arith.constant 0 : i32
      %gather3A_1181 = tpu.memref_slice %arg10[%gather3A_1177, %gather3A_1178, %gather3A_1179, %gather3A_1180] : memref<2x4x32x128xf32, #tpu.memory_space<vmem>> -> memref<1x4x32x128xf32, #tpu.memory_space<vmem>>
      %gather3A_1182 = tpu.memref_squeeze %gather3A_1181 : memref<1x4x32x128xf32, #tpu.memory_space<vmem>> -> memref<4x32x128xf32, #tpu.memory_space<vmem>>
      %gather3A_1183 = tpu.vector_load_idx %gather3A_1182[%and3A_753, %broadcast_in_dim3A_1163, %and3A_1176] : memref<4x32x128xf32, #tpu.memory_space<vmem>>[vector<16xi32>, vector<16xi32>, vector<16xi32>], vector<16xf32>,
      %mul3A_1184 = arith.mulf %gather3A_1173, %gather3A_1183 : vector<16xf32>
      %add3A_1185 = arith.addf %add3A_1161, %mul3A_1184 : vector<16xf32>
      %broadcast_in_dim3A_1186 = arith.constant 18 : i32
      %broadcast_in_dim3A_1187 = vector.broadcast %broadcast_in_dim3A_1186 : i32 to vector<16xi32>
      %and3A_1188 = arith.constant 127 : i32
      %and3A_1189 = vector.broadcast %and3A_1188 : i32 to vector<16xi32>
      %and3A_1190 = arith.andi %get3A_746, %and3A_1189 : vector<16xi32>
      %gather3A_1191 = arith.constant 0 : i32
      %gather3A_1192 = arith.constant 0 : i32
      %gather3A_1193 = arith.constant 0 : i32
      %gather3A_1194 = arith.constant 0 : i32
      %gather3A_1195 = tpu.memref_slice %arg9[%gather3A_1191, %gather3A_1192, %gather3A_1193, %gather3A_1194] : memref<2x4x32x128xf32, #tpu.memory_space<vmem>> -> memref<1x4x32x128xf32, #tpu.memory_space<vmem>>
      %gather3A_1196 = tpu.memref_squeeze %gather3A_1195 : memref<1x4x32x128xf32, #tpu.memory_space<vmem>> -> memref<4x32x128xf32, #tpu.memory_space<vmem>>
      %gather3A_1197 = tpu.vector_load_idx %gather3A_1196[%and3A_753, %broadcast_in_dim3A_1187, %and3A_1190] : memref<4x32x128xf32, #tpu.memory_space<vmem>>[vector<16xi32>, vector<16xi32>, vector<16xi32>], vector<16xf32>,
      %and3A_1198 = arith.constant 127 : i32
      %and3A_1199 = vector.broadcast %and3A_1198 : i32 to vector<16xi32>
      %and3A_1200 = arith.andi %get3A_750, %and3A_1199 : vector<16xi32>
      %gather3A_1201 = arith.constant 0 : i32
      %gather3A_1202 = arith.constant 0 : i32
      %gather3A_1203 = arith.constant 0 : i32
      %gather3A_1204 = arith.constant 0 : i32
      %gather3A_1205 = tpu.memref_slice %arg10[%gather3A_1201, %gather3A_1202, %gather3A_1203, %gather3A_1204] : memref<2x4x32x128xf32, #tpu.memory_space<vmem>> -> memref<1x4x32x128xf32, #tpu.memory_space<vmem>>
      %gather3A_1206 = tpu.memref_squeeze %gather3A_1205 : memref<1x4x32x128xf32, #tpu.memory_space<vmem>> -> memref<4x32x128xf32, #tpu.memory_space<vmem>>
      %gather3A_1207 = tpu.vector_load_idx %gather3A_1206[%and3A_753, %broadcast_in_dim3A_1187, %and3A_1200] : memref<4x32x128xf32, #tpu.memory_space<vmem>>[vector<16xi32>, vector<16xi32>, vector<16xi32>], vector<16xf32>,
      %mul3A_1208 = arith.mulf %gather3A_1197, %gather3A_1207 : vector<16xf32>
      %add3A_1209 = arith.addf %add3A_1185, %mul3A_1208 : vector<16xf32>
      %broadcast_in_dim3A_1210 = arith.constant 19 : i32
      %broadcast_in_dim3A_1211 = vector.broadcast %broadcast_in_dim3A_1210 : i32 to vector<16xi32>
      %and3A_1212 = arith.constant 127 : i32
      %and3A_1213 = vector.broadcast %and3A_1212 : i32 to vector<16xi32>
      %and3A_1214 = arith.andi %get3A_746, %and3A_1213 : vector<16xi32>
      %gather3A_1215 = arith.constant 0 : i32
      %gather3A_1216 = arith.constant 0 : i32
      %gather3A_1217 = arith.constant 0 : i32
      %gather3A_1218 = arith.constant 0 : i32
      %gather3A_1219 = tpu.memref_slice %arg9[%gather3A_1215, %gather3A_1216, %gather3A_1217, %gather3A_1218] : memref<2x4x32x128xf32, #tpu.memory_space<vmem>> -> memref<1x4x32x128xf32, #tpu.memory_space<vmem>>
      %gather3A_1220 = tpu.memref_squeeze %gather3A_1219 : memref<1x4x32x128xf32, #tpu.memory_space<vmem>> -> memref<4x32x128xf32, #tpu.memory_space<vmem>>
      %gather3A_1221 = tpu.vector_load_idx %gather3A_1220[%and3A_753, %broadcast_in_dim3A_1211, %and3A_1214] : memref<4x32x128xf32, #tpu.memory_space<vmem>>[vector<16xi32>, vector<16xi32>, vector<16xi32>], vector<16xf32>,
      %and3A_1222 = arith.constant 127 : i32
      %and3A_1223 = vector.broadcast %and3A_1222 : i32 to vector<16xi32>
      %and3A_1224 = arith.andi %get3A_750, %and3A_1223 : vector<16xi32>
      %gather3A_1225 = arith.constant 0 : i32
      %gather3A_1226 = arith.constant 0 : i32
      %gather3A_1227 = arith.constant 0 : i32
      %gather3A_1228 = arith.constant 0 : i32
      %gather3A_1229 = tpu.memref_slice %arg10[%gather3A_1225, %gather3A_1226, %gather3A_1227, %gather3A_1228] : memref<2x4x32x128xf32, #tpu.memory_space<vmem>> -> memref<1x4x32x128xf32, #tpu.memory_space<vmem>>
      %gather3A_1230 = tpu.memref_squeeze %gather3A_1229 : memref<1x4x32x128xf32, #tpu.memory_space<vmem>> -> memref<4x32x128xf32, #tpu.memory_space<vmem>>
      %gather3A_1231 = tpu.vector_load_idx %gather3A_1230[%and3A_753, %broadcast_in_dim3A_1211, %and3A_1224] : memref<4x32x128xf32, #tpu.memory_space<vmem>>[vector<16xi32>, vector<16xi32>, vector<16xi32>], vector<16xf32>,
      %mul3A_1232 = arith.mulf %gather3A_1221, %gather3A_1231 : vector<16xf32>
      %add3A_1233 = arith.addf %add3A_1209, %mul3A_1232 : vector<16xf32>
      %broadcast_in_dim3A_1234 = arith.constant 20 : i32
      %broadcast_in_dim3A_1235 = vector.broadcast %broadcast_in_dim3A_1234 : i32 to vector<16xi32>
      %and3A_1236 = arith.constant 127 : i32
      %and3A_1237 = vector.broadcast %and3A_1236 : i32 to vector<16xi32>
      %and3A_1238 = arith.andi %get3A_746, %and3A_1237 : vector<16xi32>
      %gather3A_1239 = arith.constant 0 : i32
      %gather3A_1240 = arith.constant 0 : i32
      %gather3A_1241 = arith.constant 0 : i32
      %gather3A_1242 = arith.constant 0 : i32
      %gather3A_1243 = tpu.memref_slice %arg9[%gather3A_1239, %gather3A_1240, %gather3A_1241, %gather3A_1242] : memref<2x4x32x128xf32, #tpu.memory_space<vmem>> -> memref<1x4x32x128xf32, #tpu.memory_space<vmem>>
      %gather3A_1244 = tpu.memref_squeeze %gather3A_1243 : memref<1x4x32x128xf32, #tpu.memory_space<vmem>> -> memref<4x32x128xf32, #tpu.memory_space<vmem>>
      %gather3A_1245 = tpu.vector_load_idx %gather3A_1244[%and3A_753, %broadcast_in_dim3A_1235, %and3A_1238] : memref<4x32x128xf32, #tpu.memory_space<vmem>>[vector<16xi32>, vector<16xi32>, vector<16xi32>], vector<16xf32>,
      %and3A_1246 = arith.constant 127 : i32
      %and3A_1247 = vector.broadcast %and3A_1246 : i32 to vector<16xi32>
      %and3A_1248 = arith.andi %get3A_750, %and3A_1247 : vector<16xi32>
      %gather3A_1249 = arith.constant 0 : i32
      %gather3A_1250 = arith.constant 0 : i32
      %gather3A_1251 = arith.constant 0 : i32
      %gather3A_1252 = arith.constant 0 : i32
      %gather3A_1253 = tpu.memref_slice %arg10[%gather3A_1249, %gather3A_1250, %gather3A_1251, %gather3A_1252] : memref<2x4x32x128xf32, #tpu.memory_space<vmem>> -> memref<1x4x32x128xf32, #tpu.memory_space<vmem>>
      %gather3A_1254 = tpu.memref_squeeze %gather3A_1253 : memref<1x4x32x128xf32, #tpu.memory_space<vmem>> -> memref<4x32x128xf32, #tpu.memory_space<vmem>>
      %gather3A_1255 = tpu.vector_load_idx %gather3A_1254[%and3A_753, %broadcast_in_dim3A_1235, %and3A_1248] : memref<4x32x128xf32, #tpu.memory_space<vmem>>[vector<16xi32>, vector<16xi32>, vector<16xi32>], vector<16xf32>,
      %mul3A_1256 = arith.mulf %gather3A_1245, %gather3A_1255 : vector<16xf32>
      %add3A_1257 = arith.addf %add3A_1233, %mul3A_1256 : vector<16xf32>
      %broadcast_in_dim3A_1258 = arith.constant 21 : i32
      %broadcast_in_dim3A_1259 = vector.broadcast %broadcast_in_dim3A_1258 : i32 to vector<16xi32>
      %and3A_1260 = arith.constant 127 : i32
      %and3A_1261 = vector.broadcast %and3A_1260 : i32 to vector<16xi32>
      %and3A_1262 = arith.andi %get3A_746, %and3A_1261 : vector<16xi32>
      %gather3A_1263 = arith.constant 0 : i32
      %gather3A_1264 = arith.constant 0 : i32
      %gather3A_1265 = arith.constant 0 : i32
      %gather3A_1266 = arith.constant 0 : i32
      %gather3A_1267 = tpu.memref_slice %arg9[%gather3A_1263, %gather3A_1264, %gather3A_1265, %gather3A_1266] : memref<2x4x32x128xf32, #tpu.memory_space<vmem>> -> memref<1x4x32x128xf32, #tpu.memory_space<vmem>>
      %gather3A_1268 = tpu.memref_squeeze %gather3A_1267 : memref<1x4x32x128xf32, #tpu.memory_space<vmem>> -> memref<4x32x128xf32, #tpu.memory_space<vmem>>
      %gather3A_1269 = tpu.vector_load_idx %gather3A_1268[%and3A_753, %broadcast_in_dim3A_1259, %and3A_1262] : memref<4x32x128xf32, #tpu.memory_space<vmem>>[vector<16xi32>, vector<16xi32>, vector<16xi32>], vector<16xf32>,
      %and3A_1270 = arith.constant 127 : i32
      %and3A_1271 = vector.broadcast %and3A_1270 : i32 to vector<16xi32>
      %and3A_1272 = arith.andi %get3A_750, %and3A_1271 : vector<16xi32>
      %gather3A_1273 = arith.constant 0 : i32
      %gather3A_1274 = arith.constant 0 : i32
      %gather3A_1275 = arith.constant 0 : i32
      %gather3A_1276 = arith.constant 0 : i32
      %gather3A_1277 = tpu.memref_slice %arg10[%gather3A_1273, %gather3A_1274, %gather3A_1275, %gather3A_1276] : memref<2x4x32x128xf32, #tpu.memory_space<vmem>> -> memref<1x4x32x128xf32, #tpu.memory_space<vmem>>
      %gather3A_1278 = tpu.memref_squeeze %gather3A_1277 : memref<1x4x32x128xf32, #tpu.memory_space<vmem>> -> memref<4x32x128xf32, #tpu.memory_space<vmem>>
      %gather3A_1279 = tpu.vector_load_idx %gather3A_1278[%and3A_753, %broadcast_in_dim3A_1259, %and3A_1272] : memref<4x32x128xf32, #tpu.memory_space<vmem>>[vector<16xi32>, vector<16xi32>, vector<16xi32>], vector<16xf32>,
      %mul3A_1280 = arith.mulf %gather3A_1269, %gather3A_1279 : vector<16xf32>
      %add3A_1281 = arith.addf %add3A_1257, %mul3A_1280 : vector<16xf32>
      %broadcast_in_dim3A_1282 = arith.constant 22 : i32
      %broadcast_in_dim3A_1283 = vector.broadcast %broadcast_in_dim3A_1282 : i32 to vector<16xi32>
      %and3A_1284 = arith.constant 127 : i32
      %and3A_1285 = vector.broadcast %and3A_1284 : i32 to vector<16xi32>
      %and3A_1286 = arith.andi %get3A_746, %and3A_1285 : vector<16xi32>
      %gather3A_1287 = arith.constant 0 : i32
      %gather3A_1288 = arith.constant 0 : i32
      %gather3A_1289 = arith.constant 0 : i32
      %gather3A_1290 = arith.constant 0 : i32
      %gather3A_1291 = tpu.memref_slice %arg9[%gather3A_1287, %gather3A_1288, %gather3A_1289, %gather3A_1290] : memref<2x4x32x128xf32, #tpu.memory_space<vmem>> -> memref<1x4x32x128xf32, #tpu.memory_space<vmem>>
      %gather3A_1292 = tpu.memref_squeeze %gather3A_1291 : memref<1x4x32x128xf32, #tpu.memory_space<vmem>> -> memref<4x32x128xf32, #tpu.memory_space<vmem>>
      %gather3A_1293 = tpu.vector_load_idx %gather3A_1292[%and3A_753, %broadcast_in_dim3A_1283, %and3A_1286] : memref<4x32x128xf32, #tpu.memory_space<vmem>>[vector<16xi32>, vector<16xi32>, vector<16xi32>], vector<16xf32>,
      %and3A_1294 = arith.constant 127 : i32
      %and3A_1295 = vector.broadcast %and3A_1294 : i32 to vector<16xi32>
      %and3A_1296 = arith.andi %get3A_750, %and3A_1295 : vector<16xi32>
      %gather3A_1297 = arith.constant 0 : i32
      %gather3A_1298 = arith.constant 0 : i32
      %gather3A_1299 = arith.constant 0 : i32
      %gather3A_1300 = arith.constant 0 : i32
      %gather3A_1301 = tpu.memref_slice %arg10[%gather3A_1297, %gather3A_1298, %gather3A_1299, %gather3A_1300] : memref<2x4x32x128xf32, #tpu.memory_space<vmem>> -> memref<1x4x32x128xf32, #tpu.memory_space<vmem>>
      %gather3A_1302 = tpu.memref_squeeze %gather3A_1301 : memref<1x4x32x128xf32, #tpu.memory_space<vmem>> -> memref<4x32x128xf32, #tpu.memory_space<vmem>>
      %gather3A_1303 = tpu.vector_load_idx %gather3A_1302[%and3A_753, %broadcast_in_dim3A_1283, %and3A_1296] : memref<4x32x128xf32, #tpu.memory_space<vmem>>[vector<16xi32>, vector<16xi32>, vector<16xi32>], vector<16xf32>,
      %mul3A_1304 = arith.mulf %gather3A_1293, %gather3A_1303 : vector<16xf32>
      %add3A_1305 = arith.addf %add3A_1281, %mul3A_1304 : vector<16xf32>
      %broadcast_in_dim3A_1306 = arith.constant 23 : i32
      %broadcast_in_dim3A_1307 = vector.broadcast %broadcast_in_dim3A_1306 : i32 to vector<16xi32>
      %and3A_1308 = arith.constant 127 : i32
      %and3A_1309 = vector.broadcast %and3A_1308 : i32 to vector<16xi32>
      %and3A_1310 = arith.andi %get3A_746, %and3A_1309 : vector<16xi32>
      %gather3A_1311 = arith.constant 0 : i32
      %gather3A_1312 = arith.constant 0 : i32
      %gather3A_1313 = arith.constant 0 : i32
      %gather3A_1314 = arith.constant 0 : i32
      %gather3A_1315 = tpu.memref_slice %arg9[%gather3A_1311, %gather3A_1312, %gather3A_1313, %gather3A_1314] : memref<2x4x32x128xf32, #tpu.memory_space<vmem>> -> memref<1x4x32x128xf32, #tpu.memory_space<vmem>>
      %gather3A_1316 = tpu.memref_squeeze %gather3A_1315 : memref<1x4x32x128xf32, #tpu.memory_space<vmem>> -> memref<4x32x128xf32, #tpu.memory_space<vmem>>
      %gather3A_1317 = tpu.vector_load_idx %gather3A_1316[%and3A_753, %broadcast_in_dim3A_1307, %and3A_1310] : memref<4x32x128xf32, #tpu.memory_space<vmem>>[vector<16xi32>, vector<16xi32>, vector<16xi32>], vector<16xf32>,
      %and3A_1318 = arith.constant 127 : i32
      %and3A_1319 = vector.broadcast %and3A_1318 : i32 to vector<16xi32>
      %and3A_1320 = arith.andi %get3A_750, %and3A_1319 : vector<16xi32>
      %gather3A_1321 = arith.constant 0 : i32
      %gather3A_1322 = arith.constant 0 : i32
      %gather3A_1323 = arith.constant 0 : i32
      %gather3A_1324 = arith.constant 0 : i32
      %gather3A_1325 = tpu.memref_slice %arg10[%gather3A_1321, %gather3A_1322, %gather3A_1323, %gather3A_1324] : memref<2x4x32x128xf32, #tpu.memory_space<vmem>> -> memref<1x4x32x128xf32, #tpu.memory_space<vmem>>
      %gather3A_1326 = tpu.memref_squeeze %gather3A_1325 : memref<1x4x32x128xf32, #tpu.memory_space<vmem>> -> memref<4x32x128xf32, #tpu.memory_space<vmem>>
      %gather3A_1327 = tpu.vector_load_idx %gather3A_1326[%and3A_753, %broadcast_in_dim3A_1307, %and3A_1320] : memref<4x32x128xf32, #tpu.memory_space<vmem>>[vector<16xi32>, vector<16xi32>, vector<16xi32>], vector<16xf32>,
      %mul3A_1328 = arith.mulf %gather3A_1317, %gather3A_1327 : vector<16xf32>
      %add3A_1329 = arith.addf %add3A_1305, %mul3A_1328 : vector<16xf32>
      %broadcast_in_dim3A_1330 = arith.constant 24 : i32
      %broadcast_in_dim3A_1331 = vector.broadcast %broadcast_in_dim3A_1330 : i32 to vector<16xi32>
      %and3A_1332 = arith.constant 127 : i32
      %and3A_1333 = vector.broadcast %and3A_1332 : i32 to vector<16xi32>
      %and3A_1334 = arith.andi %get3A_746, %and3A_1333 : vector<16xi32>
      %gather3A_1335 = arith.constant 0 : i32
      %gather3A_1336 = arith.constant 0 : i32
      %gather3A_1337 = arith.constant 0 : i32
      %gather3A_1338 = arith.constant 0 : i32
      %gather3A_1339 = tpu.memref_slice %arg9[%gather3A_1335, %gather3A_1336, %gather3A_1337, %gather3A_1338] : memref<2x4x32x128xf32, #tpu.memory_space<vmem>> -> memref<1x4x32x128xf32, #tpu.memory_space<vmem>>
      %gather3A_1340 = tpu.memref_squeeze %gather3A_1339 : memref<1x4x32x128xf32, #tpu.memory_space<vmem>> -> memref<4x32x128xf32, #tpu.memory_space<vmem>>
      %gather3A_1341 = tpu.vector_load_idx %gather3A_1340[%and3A_753, %broadcast_in_dim3A_1331, %and3A_1334] : memref<4x32x128xf32, #tpu.memory_space<vmem>>[vector<16xi32>, vector<16xi32>, vector<16xi32>], vector<16xf32>,
      %and3A_1342 = arith.constant 127 : i32
      %and3A_1343 = vector.broadcast %and3A_1342 : i32 to vector<16xi32>
      %and3A_1344 = arith.andi %get3A_750, %and3A_1343 : vector<16xi32>
      %gather3A_1345 = arith.constant 0 : i32
      %gather3A_1346 = arith.constant 0 : i32
      %gather3A_1347 = arith.constant 0 : i32
      %gather3A_1348 = arith.constant 0 : i32
      %gather3A_1349 = tpu.memref_slice %arg10[%gather3A_1345, %gather3A_1346, %gather3A_1347, %gather3A_1348] : memref<2x4x32x128xf32, #tpu.memory_space<vmem>> -> memref<1x4x32x128xf32, #tpu.memory_space<vmem>>
      %gather3A_1350 = tpu.memref_squeeze %gather3A_1349 : memref<1x4x32x128xf32, #tpu.memory_space<vmem>> -> memref<4x32x128xf32, #tpu.memory_space<vmem>>
      %gather3A_1351 = tpu.vector_load_idx %gather3A_1350[%and3A_753, %broadcast_in_dim3A_1331, %and3A_1344] : memref<4x32x128xf32, #tpu.memory_space<vmem>>[vector<16xi32>, vector<16xi32>, vector<16xi32>], vector<16xf32>,
      %mul3A_1352 = arith.mulf %gather3A_1341, %gather3A_1351 : vector<16xf32>
      %add3A_1353 = arith.addf %add3A_1329, %mul3A_1352 : vector<16xf32>
      %broadcast_in_dim3A_1354 = arith.constant 25 : i32
      %broadcast_in_dim3A_1355 = vector.broadcast %broadcast_in_dim3A_1354 : i32 to vector<16xi32>
      %and3A_1356 = arith.constant 127 : i32
      %and3A_1357 = vector.broadcast %and3A_1356 : i32 to vector<16xi32>
      %and3A_1358 = arith.andi %get3A_746, %and3A_1357 : vector<16xi32>
      %gather3A_1359 = arith.constant 0 : i32
      %gather3A_1360 = arith.constant 0 : i32
      %gather3A_1361 = arith.constant 0 : i32
      %gather3A_1362 = arith.constant 0 : i32
      %gather3A_1363 = tpu.memref_slice %arg9[%gather3A_1359, %gather3A_1360, %gather3A_1361, %gather3A_1362] : memref<2x4x32x128xf32, #tpu.memory_space<vmem>> -> memref<1x4x32x128xf32, #tpu.memory_space<vmem>>
      %gather3A_1364 = tpu.memref_squeeze %gather3A_1363 : memref<1x4x32x128xf32, #tpu.memory_space<vmem>> -> memref<4x32x128xf32, #tpu.memory_space<vmem>>
      %gather3A_1365 = tpu.vector_load_idx %gather3A_1364[%and3A_753, %broadcast_in_dim3A_1355, %and3A_1358] : memref<4x32x128xf32, #tpu.memory_space<vmem>>[vector<16xi32>, vector<16xi32>, vector<16xi32>], vector<16xf32>,
      %and3A_1366 = arith.constant 127 : i32
      %and3A_1367 = vector.broadcast %and3A_1366 : i32 to vector<16xi32>
      %and3A_1368 = arith.andi %get3A_750, %and3A_1367 : vector<16xi32>
      %gather3A_1369 = arith.constant 0 : i32
      %gather3A_1370 = arith.constant 0 : i32
      %gather3A_1371 = arith.constant 0 : i32
      %gather3A_1372 = arith.constant 0 : i32
      %gather3A_1373 = tpu.memref_slice %arg10[%gather3A_1369, %gather3A_1370, %gather3A_1371, %gather3A_1372] : memref<2x4x32x128xf32, #tpu.memory_space<vmem>> -> memref<1x4x32x128xf32, #tpu.memory_space<vmem>>
      %gather3A_1374 = tpu.memref_squeeze %gather3A_1373 : memref<1x4x32x128xf32, #tpu.memory_space<vmem>> -> memref<4x32x128xf32, #tpu.memory_space<vmem>>
      %gather3A_1375 = tpu.vector_load_idx %gather3A_1374[%and3A_753, %broadcast_in_dim3A_1355, %and3A_1368] : memref<4x32x128xf32, #tpu.memory_space<vmem>>[vector<16xi32>, vector<16xi32>, vector<16xi32>], vector<16xf32>,
      %mul3A_1376 = arith.mulf %gather3A_1365, %gather3A_1375 : vector<16xf32>
      %add3A_1377 = arith.addf %add3A_1353, %mul3A_1376 : vector<16xf32>
      %broadcast_in_dim3A_1378 = arith.constant 26 : i32
      %broadcast_in_dim3A_1379 = vector.broadcast %broadcast_in_dim3A_1378 : i32 to vector<16xi32>
      %and3A_1380 = arith.constant 127 : i32
      %and3A_1381 = vector.broadcast %and3A_1380 : i32 to vector<16xi32>
      %and3A_1382 = arith.andi %get3A_746, %and3A_1381 : vector<16xi32>
      %gather3A_1383 = arith.constant 0 : i32
      %gather3A_1384 = arith.constant 0 : i32
      %gather3A_1385 = arith.constant 0 : i32
      %gather3A_1386 = arith.constant 0 : i32
      %gather3A_1387 = tpu.memref_slice %arg9[%gather3A_1383, %gather3A_1384, %gather3A_1385, %gather3A_1386] : memref<2x4x32x128xf32, #tpu.memory_space<vmem>> -> memref<1x4x32x128xf32, #tpu.memory_space<vmem>>
      %gather3A_1388 = tpu.memref_squeeze %gather3A_1387 : memref<1x4x32x128xf32, #tpu.memory_space<vmem>> -> memref<4x32x128xf32, #tpu.memory_space<vmem>>
      %gather3A_1389 = tpu.vector_load_idx %gather3A_1388[%and3A_753, %broadcast_in_dim3A_1379, %and3A_1382] : memref<4x32x128xf32, #tpu.memory_space<vmem>>[vector<16xi32>, vector<16xi32>, vector<16xi32>], vector<16xf32>,
      %and3A_1390 = arith.constant 127 : i32
      %and3A_1391 = vector.broadcast %and3A_1390 : i32 to vector<16xi32>
      %and3A_1392 = arith.andi %get3A_750, %and3A_1391 : vector<16xi32>
      %gather3A_1393 = arith.constant 0 : i32
      %gather3A_1394 = arith.constant 0 : i32
      %gather3A_1395 = arith.constant 0 : i32
      %gather3A_1396 = arith.constant 0 : i32
      %gather3A_1397 = tpu.memref_slice %arg10[%gather3A_1393, %gather3A_1394, %gather3A_1395, %gather3A_1396] : memref<2x4x32x128xf32, #tpu.memory_space<vmem>> -> memref<1x4x32x128xf32, #tpu.memory_space<vmem>>
      %gather3A_1398 = tpu.memref_squeeze %gather3A_1397 : memref<1x4x32x128xf32, #tpu.memory_space<vmem>> -> memref<4x32x128xf32, #tpu.memory_space<vmem>>
      %gather3A_1399 = tpu.vector_load_idx %gather3A_1398[%and3A_753, %broadcast_in_dim3A_1379, %and3A_1392] : memref<4x32x128xf32, #tpu.memory_space<vmem>>[vector<16xi32>, vector<16xi32>, vector<16xi32>], vector<16xf32>,
      %mul3A_1400 = arith.mulf %gather3A_1389, %gather3A_1399 : vector<16xf32>
      %add3A_1401 = arith.addf %add3A_1377, %mul3A_1400 : vector<16xf32>
      %broadcast_in_dim3A_1402 = arith.constant 27 : i32
      %broadcast_in_dim3A_1403 = vector.broadcast %broadcast_in_dim3A_1402 : i32 to vector<16xi32>
      %and3A_1404 = arith.constant 127 : i32
      %and3A_1405 = vector.broadcast %and3A_1404 : i32 to vector<16xi32>
      %and3A_1406 = arith.andi %get3A_746, %and3A_1405 : vector<16xi32>
      %gather3A_1407 = arith.constant 0 : i32
      %gather3A_1408 = arith.constant 0 : i32
      %gather3A_1409 = arith.constant 0 : i32
      %gather3A_1410 = arith.constant 0 : i32
      %gather3A_1411 = tpu.memref_slice %arg9[%gather3A_1407, %gather3A_1408, %gather3A_1409, %gather3A_1410] : memref<2x4x32x128xf32, #tpu.memory_space<vmem>> -> memref<1x4x32x128xf32, #tpu.memory_space<vmem>>
      %gather3A_1412 = tpu.memref_squeeze %gather3A_1411 : memref<1x4x32x128xf32, #tpu.memory_space<vmem>> -> memref<4x32x128xf32, #tpu.memory_space<vmem>>
      %gather3A_1413 = tpu.vector_load_idx %gather3A_1412[%and3A_753, %broadcast_in_dim3A_1403, %and3A_1406] : memref<4x32x128xf32, #tpu.memory_space<vmem>>[vector<16xi32>, vector<16xi32>, vector<16xi32>], vector<16xf32>,
      %and3A_1414 = arith.constant 127 : i32
      %and3A_1415 = vector.broadcast %and3A_1414 : i32 to vector<16xi32>
      %and3A_1416 = arith.andi %get3A_750, %and3A_1415 : vector<16xi32>
      %gather3A_1417 = arith.constant 0 : i32
      %gather3A_1418 = arith.constant 0 : i32
      %gather3A_1419 = arith.constant 0 : i32
      %gather3A_1420 = arith.constant 0 : i32
      %gather3A_1421 = tpu.memref_slice %arg10[%gather3A_1417, %gather3A_1418, %gather3A_1419, %gather3A_1420] : memref<2x4x32x128xf32, #tpu.memory_space<vmem>> -> memref<1x4x32x128xf32, #tpu.memory_space<vmem>>
      %gather3A_1422 = tpu.memref_squeeze %gather3A_1421 : memref<1x4x32x128xf32, #tpu.memory_space<vmem>> -> memref<4x32x128xf32, #tpu.memory_space<vmem>>
      %gather3A_1423 = tpu.vector_load_idx %gather3A_1422[%and3A_753, %broadcast_in_dim3A_1403, %and3A_1416] : memref<4x32x128xf32, #tpu.memory_space<vmem>>[vector<16xi32>, vector<16xi32>, vector<16xi32>], vector<16xf32>,
      %mul3A_1424 = arith.mulf %gather3A_1413, %gather3A_1423 : vector<16xf32>
      %add3A_1425 = arith.addf %add3A_1401, %mul3A_1424 : vector<16xf32>
      %broadcast_in_dim3A_1426 = arith.constant 28 : i32
      %broadcast_in_dim3A_1427 = vector.broadcast %broadcast_in_dim3A_1426 : i32 to vector<16xi32>
      %and3A_1428 = arith.constant 127 : i32
      %and3A_1429 = vector.broadcast %and3A_1428 : i32 to vector<16xi32>
      %and3A_1430 = arith.andi %get3A_746, %and3A_1429 : vector<16xi32>
      %gather3A_1431 = arith.constant 0 : i32
      %gather3A_1432 = arith.constant 0 : i32
      %gather3A_1433 = arith.constant 0 : i32
      %gather3A_1434 = arith.constant 0 : i32
      %gather3A_1435 = tpu.memref_slice %arg9[%gather3A_1431, %gather3A_1432, %gather3A_1433, %gather3A_1434] : memref<2x4x32x128xf32, #tpu.memory_space<vmem>> -> memref<1x4x32x128xf32, #tpu.memory_space<vmem>>
      %gather3A_1436 = tpu.memref_squeeze %gather3A_1435 : memref<1x4x32x128xf32, #tpu.memory_space<vmem>> -> memref<4x32x128xf32, #tpu.memory_space<vmem>>
      %gather3A_1437 = tpu.vector_load_idx %gather3A_1436[%and3A_753, %broadcast_in_dim3A_1427, %and3A_1430] : memref<4x32x128xf32, #tpu.memory_space<vmem>>[vector<16xi32>, vector<16xi32>, vector<16xi32>], vector<16xf32>,
      %and3A_1438 = arith.constant 127 : i32
      %and3A_1439 = vector.broadcast %and3A_1438 : i32 to vector<16xi32>
      %and3A_1440 = arith.andi %get3A_750, %and3A_1439 : vector<16xi32>
      %gather3A_1441 = arith.constant 0 : i32
      %gather3A_1442 = arith.constant 0 : i32
      %gather3A_1443 = arith.constant 0 : i32
      %gather3A_1444 = arith.constant 0 : i32
      %gather3A_1445 = tpu.memref_slice %arg10[%gather3A_1441, %gather3A_1442, %gather3A_1443, %gather3A_1444] : memref<2x4x32x128xf32, #tpu.memory_space<vmem>> -> memref<1x4x32x128xf32, #tpu.memory_space<vmem>>
      %gather3A_1446 = tpu.memref_squeeze %gather3A_1445 : memref<1x4x32x128xf32, #tpu.memory_space<vmem>> -> memref<4x32x128xf32, #tpu.memory_space<vmem>>
      %gather3A_1447 = tpu.vector_load_idx %gather3A_1446[%and3A_753, %broadcast_in_dim3A_1427, %and3A_1440] : memref<4x32x128xf32, #tpu.memory_space<vmem>>[vector<16xi32>, vector<16xi32>, vector<16xi32>], vector<16xf32>,
      %mul3A_1448 = arith.mulf %gather3A_1437, %gather3A_1447 : vector<16xf32>
      %add3A_1449 = arith.addf %add3A_1425, %mul3A_1448 : vector<16xf32>
      %broadcast_in_dim3A_1450 = arith.constant 29 : i32
      %broadcast_in_dim3A_1451 = vector.broadcast %broadcast_in_dim3A_1450 : i32 to vector<16xi32>
      %and3A_1452 = arith.constant 127 : i32
      %and3A_1453 = vector.broadcast %and3A_1452 : i32 to vector<16xi32>
      %and3A_1454 = arith.andi %get3A_746, %and3A_1453 : vector<16xi32>
      %gather3A_1455 = arith.constant 0 : i32
      %gather3A_1456 = arith.constant 0 : i32
      %gather3A_1457 = arith.constant 0 : i32
      %gather3A_1458 = arith.constant 0 : i32
      %gather3A_1459 = tpu.memref_slice %arg9[%gather3A_1455, %gather3A_1456, %gather3A_1457, %gather3A_1458] : memref<2x4x32x128xf32, #tpu.memory_space<vmem>> -> memref<1x4x32x128xf32, #tpu.memory_space<vmem>>
      %gather3A_1460 = tpu.memref_squeeze %gather3A_1459 : memref<1x4x32x128xf32, #tpu.memory_space<vmem>> -> memref<4x32x128xf32, #tpu.memory_space<vmem>>
      %gather3A_1461 = tpu.vector_load_idx %gather3A_1460[%and3A_753, %broadcast_in_dim3A_1451, %and3A_1454] : memref<4x32x128xf32, #tpu.memory_space<vmem>>[vector<16xi32>, vector<16xi32>, vector<16xi32>], vector<16xf32>,
      %and3A_1462 = arith.constant 127 : i32
      %and3A_1463 = vector.broadcast %and3A_1462 : i32 to vector<16xi32>
      %and3A_1464 = arith.andi %get3A_750, %and3A_1463 : vector<16xi32>
      %gather3A_1465 = arith.constant 0 : i32
      %gather3A_1466 = arith.constant 0 : i32
      %gather3A_1467 = arith.constant 0 : i32
      %gather3A_1468 = arith.constant 0 : i32
      %gather3A_1469 = tpu.memref_slice %arg10[%gather3A_1465, %gather3A_1466, %gather3A_1467, %gather3A_1468] : memref<2x4x32x128xf32, #tpu.memory_space<vmem>> -> memref<1x4x32x128xf32, #tpu.memory_space<vmem>>
      %gather3A_1470 = tpu.memref_squeeze %gather3A_1469 : memref<1x4x32x128xf32, #tpu.memory_space<vmem>> -> memref<4x32x128xf32, #tpu.memory_space<vmem>>
      %gather3A_1471 = tpu.vector_load_idx %gather3A_1470[%and3A_753, %broadcast_in_dim3A_1451, %and3A_1464] : memref<4x32x128xf32, #tpu.memory_space<vmem>>[vector<16xi32>, vector<16xi32>, vector<16xi32>], vector<16xf32>,
      %mul3A_1472 = arith.mulf %gather3A_1461, %gather3A_1471 : vector<16xf32>
      %add3A_1473 = arith.addf %add3A_1449, %mul3A_1472 : vector<16xf32>
      %broadcast_in_dim3A_1474 = arith.constant 30 : i32
      %broadcast_in_dim3A_1475 = vector.broadcast %broadcast_in_dim3A_1474 : i32 to vector<16xi32>
      %and3A_1476 = arith.constant 127 : i32
      %and3A_1477 = vector.broadcast %and3A_1476 : i32 to vector<16xi32>
      %and3A_1478 = arith.andi %get3A_746, %and3A_1477 : vector<16xi32>
      %gather3A_1479 = arith.constant 0 : i32
      %gather3A_1480 = arith.constant 0 : i32
      %gather3A_1481 = arith.constant 0 : i32
      %gather3A_1482 = arith.constant 0 : i32
      %gather3A_1483 = tpu.memref_slice %arg9[%gather3A_1479, %gather3A_1480, %gather3A_1481, %gather3A_1482] : memref<2x4x32x128xf32, #tpu.memory_space<vmem>> -> memref<1x4x32x128xf32, #tpu.memory_space<vmem>>
      %gather3A_1484 = tpu.memref_squeeze %gather3A_1483 : memref<1x4x32x128xf32, #tpu.memory_space<vmem>> -> memref<4x32x128xf32, #tpu.memory_space<vmem>>
      %gather3A_1485 = tpu.vector_load_idx %gather3A_1484[%and3A_753, %broadcast_in_dim3A_1475, %and3A_1478] : memref<4x32x128xf32, #tpu.memory_space<vmem>>[vector<16xi32>, vector<16xi32>, vector<16xi32>], vector<16xf32>,
      %and3A_1486 = arith.constant 127 : i32
      %and3A_1487 = vector.broadcast %and3A_1486 : i32 to vector<16xi32>
      %and3A_1488 = arith.andi %get3A_750, %and3A_1487 : vector<16xi32>
      %gather3A_1489 = arith.constant 0 : i32
      %gather3A_1490 = arith.constant 0 : i32
      %gather3A_1491 = arith.constant 0 : i32
      %gather3A_1492 = arith.constant 0 : i32
      %gather3A_1493 = tpu.memref_slice %arg10[%gather3A_1489, %gather3A_1490, %gather3A_1491, %gather3A_1492] : memref<2x4x32x128xf32, #tpu.memory_space<vmem>> -> memref<1x4x32x128xf32, #tpu.memory_space<vmem>>
      %gather3A_1494 = tpu.memref_squeeze %gather3A_1493 : memref<1x4x32x128xf32, #tpu.memory_space<vmem>> -> memref<4x32x128xf32, #tpu.memory_space<vmem>>
      %gather3A_1495 = tpu.vector_load_idx %gather3A_1494[%and3A_753, %broadcast_in_dim3A_1475, %and3A_1488] : memref<4x32x128xf32, #tpu.memory_space<vmem>>[vector<16xi32>, vector<16xi32>, vector<16xi32>], vector<16xf32>,
      %mul3A_1496 = arith.mulf %gather3A_1485, %gather3A_1495 : vector<16xf32>
      %add3A_1497 = arith.addf %add3A_1473, %mul3A_1496 : vector<16xf32>
      %broadcast_in_dim3A_1498 = arith.constant 31 : i32
      %broadcast_in_dim3A_1499 = vector.broadcast %broadcast_in_dim3A_1498 : i32 to vector<16xi32>
      %and3A_1500 = arith.constant 127 : i32
      %and3A_1501 = vector.broadcast %and3A_1500 : i32 to vector<16xi32>
      %and3A_1502 = arith.andi %get3A_746, %and3A_1501 : vector<16xi32>
      %gather3A_1503 = arith.constant 0 : i32
      %gather3A_1504 = arith.constant 0 : i32
      %gather3A_1505 = arith.constant 0 : i32
      %gather3A_1506 = arith.constant 0 : i32
      %gather3A_1507 = tpu.memref_slice %arg9[%gather3A_1503, %gather3A_1504, %gather3A_1505, %gather3A_1506] : memref<2x4x32x128xf32, #tpu.memory_space<vmem>> -> memref<1x4x32x128xf32, #tpu.memory_space<vmem>>
      %gather3A_1508 = tpu.memref_squeeze %gather3A_1507 : memref<1x4x32x128xf32, #tpu.memory_space<vmem>> -> memref<4x32x128xf32, #tpu.memory_space<vmem>>
      %gather3A_1509 = tpu.vector_load_idx %gather3A_1508[%and3A_753, %broadcast_in_dim3A_1499, %and3A_1502] : memref<4x32x128xf32, #tpu.memory_space<vmem>>[vector<16xi32>, vector<16xi32>, vector<16xi32>], vector<16xf32>,
      %and3A_1510 = arith.constant 127 : i32
      %and3A_1511 = vector.broadcast %and3A_1510 : i32 to vector<16xi32>
      %and3A_1512 = arith.andi %get3A_750, %and3A_1511 : vector<16xi32>
      %gather3A_1513 = arith.constant 0 : i32
      %gather3A_1514 = arith.constant 0 : i32
      %gather3A_1515 = arith.constant 0 : i32
      %gather3A_1516 = arith.constant 0 : i32
      %gather3A_1517 = tpu.memref_slice %arg10[%gather3A_1513, %gather3A_1514, %gather3A_1515, %gather3A_1516] : memref<2x4x32x128xf32, #tpu.memory_space<vmem>> -> memref<1x4x32x128xf32, #tpu.memory_space<vmem>>
      %gather3A_1518 = tpu.memref_squeeze %gather3A_1517 : memref<1x4x32x128xf32, #tpu.memory_space<vmem>> -> memref<4x32x128xf32, #tpu.memory_space<vmem>>
      %gather3A_1519 = tpu.vector_load_idx %gather3A_1518[%and3A_753, %broadcast_in_dim3A_1499, %and3A_1512] : memref<4x32x128xf32, #tpu.memory_space<vmem>>[vector<16xi32>, vector<16xi32>, vector<16xi32>], vector<16xf32>,
      %mul3A_1520 = arith.mulf %gather3A_1509, %gather3A_1519 : vector<16xf32>
      %add3A_1521 = arith.addf %add3A_1497, %mul3A_1520 : vector<16xf32>
      %mul3A_1522 = arith.constant 4 : i32
      %mul3A_1523 = arith.muli %add3A_707, %mul3A_1522 : i32
      %add3A_1524 = vector.broadcast %mul3A_1523 : i32 to vector<16xi32>
      %add3A_1525 = arith.addi %add3A_1524, %iota3A : vector<16xi32>
      %lt3A_1526 = arith.constant 4 : i32
      %lt3A_1527 = vector.broadcast %lt3A_1526 : i32 to vector<16xi32>
      %lt3A_1528 = arith.cmpi slt, %iota3A, %lt3A_1527 : vector<16xi32>
      tpu.vector_store_idx %arg11[%add3A_1525], %add3A_1521 masked %lt3A_1528 : memref<512xf32, #tpu.memory_space<vmem>>[vector<16xi32>], vector<16xf32>, vector<16xi1>
      %mul3A_1529 = arith.constant 2 : i32
      %mul3A_1530 = arith.muli %scan3A_703, %mul3A_1529 : i32
      %add3A_1531 = arith.constant 1 : i32
      %add3A_1532 = arith.addi %mul3A_1530, %add3A_1531 : i32
      %lt3A_1533 = arith.constant 127 : i32
      %lt3A_1534 = arith.cmpi slt, %add3A_1532, %lt3A_1533 : i32
      %convert_element_type3A_1535 = arith.extui %lt3A_1534 : i1 to i32
      %cond3A_1536 = arith.constant 0 : i32
      %cond3A_1537 = arith.cmpi ne, %convert_element_type3A_1535, %cond3A_1536 : i32
      scf.if %cond3A_1537 {
        %add3A_2360 = arith.constant 2 : i32
        %add3A_2361 = arith.addi %add3A_1532, %add3A_2360 : i32
        %sub3A_2362 = arith.constant 1 : i32
        %sub3A_2363 = arith.subi %add3A_2361, %sub3A_2362 : i32
        %mul3A_2364 = arith.constant 4 : i32
        %mul3A_2365 = arith.muli %sub3A_2363, %mul3A_2364 : i32
        %get3A_2366 = arith.index_cast %mul3A_2365 : i32 to index
        %get3A_2367 = tpu.vector_load %arg7[%get3A_2366] {strides = array<i32>} : memref<528xi32, #tpu.memory_space<vmem>>, vector<16xi32>,
        %mul3A_2368 = arith.constant 4 : i32
        %mul3A_2369 = arith.muli %sub3A_2363, %mul3A_2368 : i32
        %get3A_2370 = arith.index_cast %mul3A_2369 : i32 to index
        %get3A_2371 = tpu.vector_load %arg8[%get3A_2370] {strides = array<i32>} : memref<528xi32, #tpu.memory_space<vmem>>, vector<16xi32>,
        %slice3A_2372 = vector.extract_strided_slice %get3A_2367 {offsets = [0], sizes = [1], strides = [1]} : vector<16xi32> to vector<1xi32>
        %squeeze3A_2373 = vector.extract %slice3A_2372[0] : i32 from vector<1xi32>
        %jit3A_2374 = arith.constant 128 : i32
        %div3A_2375 = arith.divsi %squeeze3A_2373, %jit3A_2374 : i32
        %sign3A_2376 = arith.constant 0 : i32
        %sign3A_2377 = arith.cmpi sgt, %squeeze3A_2373, %sign3A_2376 : i32
        %sign3A_2378 = arith.extui %sign3A_2377 : i1 to i32
        %sign3A_2379 = arith.constant 0 : i32
        %sign3A_2380 = arith.cmpi slt, %squeeze3A_2373, %sign3A_2379 : i32
        %sign3A_2381 = arith.extui %sign3A_2380 : i1 to i32
        %sign3A_2382 = arith.subi %sign3A_2378, %sign3A_2381 : i32
        %sign3A_2383 = arith.constant 0 : i32
        %sign3A_2384 = arith.cmpi sgt, %jit3A_2374, %sign3A_2383 : i32
        %sign3A_2385 = arith.extui %sign3A_2384 : i1 to i32
        %sign3A_2386 = arith.constant 0 : i32
        %sign3A_2387 = arith.cmpi slt, %jit3A_2374, %sign3A_2386 : i32
        %sign3A_2388 = arith.extui %sign3A_2387 : i1 to i32
        %sign3A_2389 = arith.subi %sign3A_2385, %sign3A_2388 : i32
        %ne3A_2390 = arith.cmpi ne, %sign3A_2382, %sign3A_2389 : i32
        %rem3A_2391 = arith.remsi %squeeze3A_2373, %jit3A_2374 : i32
        %ne3A_2392 = arith.constant 0 : i32
        %ne3A_2393 = arith.cmpi ne, %rem3A_2391, %ne3A_2392 : i32
        %and3A_2394 = arith.andi %ne3A_2390, %ne3A_2393 : i1
        %sub3A_2395 = arith.constant 1 : i32
        %sub3A_2396 = arith.subi %div3A_2375, %sub3A_2395 : i32
        %select_n3A_2397 = arith.select %and3A_2394, %sub3A_2396, %div3A_2375 : i32
        %mul3A_2398 = arith.constant 128 : i32
        %mul3A_2399 = arith.muli %select_n3A_2397, %mul3A_2398 : i32
        %slice3A_2400 = vector.extract_strided_slice %get3A_2371 {offsets = [0], sizes = [1], strides = [1]} : vector<16xi32> to vector<1xi32>
        %squeeze3A_2401 = vector.extract %slice3A_2400[0] : i32 from vector<1xi32>
        %jit3A_2402 = arith.constant 128 : i32
        %div3A_2403 = arith.divsi %squeeze3A_2401, %jit3A_2402 : i32
        %sign3A_2404 = arith.constant 0 : i32
        %sign3A_2405 = arith.cmpi sgt, %squeeze3A_2401, %sign3A_2404 : i32
        %sign3A_2406 = arith.extui %sign3A_2405 : i1 to i32
        %sign3A_2407 = arith.constant 0 : i32
        %sign3A_2408 = arith.cmpi slt, %squeeze3A_2401, %sign3A_2407 : i32
        %sign3A_2409 = arith.extui %sign3A_2408 : i1 to i32
        %sign3A_2410 = arith.subi %sign3A_2406, %sign3A_2409 : i32
        %sign3A_2411 = arith.constant 0 : i32
        %sign3A_2412 = arith.cmpi sgt, %jit3A_2402, %sign3A_2411 : i32
        %sign3A_2413 = arith.extui %sign3A_2412 : i1 to i32
        %sign3A_2414 = arith.constant 0 : i32
        %sign3A_2415 = arith.cmpi slt, %jit3A_2402, %sign3A_2414 : i32
        %sign3A_2416 = arith.extui %sign3A_2415 : i1 to i32
        %sign3A_2417 = arith.subi %sign3A_2413, %sign3A_2416 : i32
        %ne3A_2418 = arith.cmpi ne, %sign3A_2410, %sign3A_2417 : i32
        %rem3A_2419 = arith.remsi %squeeze3A_2401, %jit3A_2402 : i32
        %ne3A_2420 = arith.constant 0 : i32
        %ne3A_2421 = arith.cmpi ne, %rem3A_2419, %ne3A_2420 : i32
        %and3A_2422 = arith.andi %ne3A_2418, %ne3A_2421 : i1
        %sub3A_2423 = arith.constant 1 : i32
        %sub3A_2424 = arith.subi %div3A_2403, %sub3A_2423 : i32
        %select_n3A_2425 = arith.select %and3A_2422, %sub3A_2424, %div3A_2403 : i32
        %mul3A_2426 = arith.constant 128 : i32
        %mul3A_2427 = arith.muli %select_n3A_2425, %mul3A_2426 : i32
        %multiple_of3A_2428 = tpu.assume_multiple %mul3A_2399, 128 : i32
        %dma_start3A_2429 = arith.constant 0 : i32
        %dma_start3A_2430 = arith.constant 0 : i32
        %dma_start3A_2431 = arith.constant 0 : i32
        %dma_start3A_2432 = arith.constant 0 : i32
        %dma_start3A_2433 = tpu.memref_slice %arg9[%dma_start3A_2429, %dma_start3A_2430, %dma_start3A_2431, %dma_start3A_2432] : memref<2x4x32x128xf32, #tpu.memory_space<vmem>> -> memref<1x1x8x128xf32, #tpu.memory_space<vmem>>
        %dma_start3A_2434 = tpu.memref_squeeze %dma_start3A_2433 : memref<1x1x8x128xf32, #tpu.memory_space<vmem>> -> memref<8x128xf32, #tpu.memory_space<vmem>>
        %dma_start3A_2435 = arith.constant 0 : i32
        %dma_start3A_2436 = tpu.memref_slice %arg4[%dma_start3A_2435, %multiple_of3A_2428] : memref<32x1000000xf32, #tpu.memory_space<hbm>> -> memref<8x128xf32, #tpu.memory_space<hbm>>
        %dma_start3A_2437 = arith.constant 0 : i32
        %dma_start3A_2438 = arith.constant 0 : i32
        %dma_start3A_2439 = tpu.memref_slice %arg9[%dma_start3A_2429, %dma_start3A_2430, %dma_start3A_2437, %dma_start3A_2438] : memref<2x4x32x128xf32, #tpu.memory_space<vmem>> -> memref<1x1x8x128xf32, #tpu.memory_space<vmem>>
        %dma_start3A_2440 = tpu.memref_squeeze %dma_start3A_2439 : memref<1x1x8x128xf32, #tpu.memory_space<vmem>> -> memref<8x128xf32, #tpu.memory_space<vmem>>
        %dma_start3A_2441 = arith.constant 0 : i32
        %dma_start3A_2442 = tpu.memref_slice %arg4[%dma_start3A_2441, %multiple_of3A_2428] : memref<32x1000000xf32, #tpu.memory_space<hbm>> -> memref<8x128xf32, #tpu.memory_space<hbm>>
        tpu.enqueue_dma source(%dma_start3A_2442 : memref<8x128xf32, #tpu.memory_space<hbm>>) target(%dma_start3A_2440 : memref<8x128xf32, #tpu.memory_space<vmem>>) target_semaphore(%arg12 : memref<!tpu.dma_semaphore, #tpu.memory_space<semaphore_mem>>)
        %multiple_of3A_2443 = tpu.assume_multiple %mul3A_2427, 128 : i32
        %dma_start3A_2444 = arith.constant 0 : i32
        %dma_start3A_2445 = arith.constant 0 : i32
        %dma_start3A_2446 = arith.constant 0 : i32
        %dma_start3A_2447 = arith.constant 0 : i32
        %dma_start3A_2448 = tpu.memref_slice %arg10[%dma_start3A_2444, %dma_start3A_2445, %dma_start3A_2446, %dma_start3A_2447] : memref<2x4x32x128xf32, #tpu.memory_space<vmem>> -> memref<1x1x8x128xf32, #tpu.memory_space<vmem>>
        %dma_start3A_2449 = tpu.memref_squeeze %dma_start3A_2448 : memref<1x1x8x128xf32, #tpu.memory_space<vmem>> -> memref<8x128xf32, #tpu.memory_space<vmem>>
        %dma_start3A_2450 = arith.constant 0 : i32
        %dma_start3A_2451 = tpu.memref_slice %arg5[%dma_start3A_2450, %multiple_of3A_2443] : memref<32x1000000xf32, #tpu.memory_space<hbm>> -> memref<8x128xf32, #tpu.memory_space<hbm>>
        %dma_start3A_2452 = arith.constant 0 : i32
        %dma_start3A_2453 = arith.constant 0 : i32
        %dma_start3A_2454 = tpu.memref_slice %arg10[%dma_start3A_2444, %dma_start3A_2445, %dma_start3A_2452, %dma_start3A_2453] : memref<2x4x32x128xf32, #tpu.memory_space<vmem>> -> memref<1x1x8x128xf32, #tpu.memory_space<vmem>>
        %dma_start3A_2455 = tpu.memref_squeeze %dma_start3A_2454 : memref<1x1x8x128xf32, #tpu.memory_space<vmem>> -> memref<8x128xf32, #tpu.memory_space<vmem>>
        %dma_start3A_2456 = arith.constant 0 : i32
        %dma_start3A_2457 = tpu.memref_slice %arg5[%dma_start3A_2456, %multiple_of3A_2443] : memref<32x1000000xf32, #tpu.memory_space<hbm>> -> memref<8x128xf32, #tpu.memory_space<hbm>>
        tpu.enqueue_dma source(%dma_start3A_2457 : memref<8x128xf32, #tpu.memory_space<hbm>>) target(%dma_start3A_2455 : memref<8x128xf32, #tpu.memory_space<vmem>>) target_semaphore(%arg12 : memref<!tpu.dma_semaphore, #tpu.memory_space<semaphore_mem>>)
        %multiple_of3A_2458 = tpu.assume_multiple %mul3A_2399, 128 : i32
        %dma_start3A_2459 = arith.constant 0 : i32
        %dma_start3A_2460 = arith.constant 0 : i32
        %dma_start3A_2461 = arith.constant 8 : i32
        %dma_start3A_2462 = arith.constant 0 : i32
        %dma_start3A_2463 = tpu.memref_slice %arg9[%dma_start3A_2459, %dma_start3A_2460, %dma_start3A_2461, %dma_start3A_2462] : memref<2x4x32x128xf32, #tpu.memory_space<vmem>> -> memref<1x1x8x128xf32, #tpu.memory_space<vmem>>
        %dma_start3A_2464 = tpu.memref_squeeze %dma_start3A_2463 : memref<1x1x8x128xf32, #tpu.memory_space<vmem>> -> memref<8x128xf32, #tpu.memory_space<vmem>>
        %dma_start3A_2465 = arith.constant 8 : i32
        %dma_start3A_2466 = tpu.memref_slice %arg4[%dma_start3A_2465, %multiple_of3A_2458] : memref<32x1000000xf32, #tpu.memory_space<hbm>> -> memref<8x128xf32, #tpu.memory_space<hbm>>
        %dma_start3A_2467 = arith.constant 8 : i32
        %dma_start3A_2468 = arith.constant 0 : i32
        %dma_start3A_2469 = tpu.memref_slice %arg9[%dma_start3A_2459, %dma_start3A_2460, %dma_start3A_2467, %dma_start3A_2468] : memref<2x4x32x128xf32, #tpu.memory_space<vmem>> -> memref<1x1x8x128xf32, #tpu.memory_space<vmem>>
        %dma_start3A_2470 = tpu.memref_squeeze %dma_start3A_2469 : memref<1x1x8x128xf32, #tpu.memory_space<vmem>> -> memref<8x128xf32, #tpu.memory_space<vmem>>
        %dma_start3A_2471 = arith.constant 8 : i32
        %dma_start3A_2472 = tpu.memref_slice %arg4[%dma_start3A_2471, %multiple_of3A_2458] : memref<32x1000000xf32, #tpu.memory_space<hbm>> -> memref<8x128xf32, #tpu.memory_space<hbm>>
        tpu.enqueue_dma source(%dma_start3A_2472 : memref<8x128xf32, #tpu.memory_space<hbm>>) target(%dma_start3A_2470 : memref<8x128xf32, #tpu.memory_space<vmem>>) target_semaphore(%arg12 : memref<!tpu.dma_semaphore, #tpu.memory_space<semaphore_mem>>)
        %multiple_of3A_2473 = tpu.assume_multiple %mul3A_2427, 128 : i32
        %dma_start3A_2474 = arith.constant 0 : i32
        %dma_start3A_2475 = arith.constant 0 : i32
        %dma_start3A_2476 = arith.constant 8 : i32
        %dma_start3A_2477 = arith.constant 0 : i32
        %dma_start3A_2478 = tpu.memref_slice %arg10[%dma_start3A_2474, %dma_start3A_2475, %dma_start3A_2476, %dma_start3A_2477] : memref<2x4x32x128xf32, #tpu.memory_space<vmem>> -> memref<1x1x8x128xf32, #tpu.memory_space<vmem>>
        %dma_start3A_2479 = tpu.memref_squeeze %dma_start3A_2478 : memref<1x1x8x128xf32, #tpu.memory_space<vmem>> -> memref<8x128xf32, #tpu.memory_space<vmem>>
        %dma_start3A_2480 = arith.constant 8 : i32
        %dma_start3A_2481 = tpu.memref_slice %arg5[%dma_start3A_2480, %multiple_of3A_2473] : memref<32x1000000xf32, #tpu.memory_space<hbm>> -> memref<8x128xf32, #tpu.memory_space<hbm>>
        %dma_start3A_2482 = arith.constant 8 : i32
        %dma_start3A_2483 = arith.constant 0 : i32
        %dma_start3A_2484 = tpu.memref_slice %arg10[%dma_start3A_2474, %dma_start3A_2475, %dma_start3A_2482, %dma_start3A_2483] : memref<2x4x32x128xf32, #tpu.memory_space<vmem>> -> memref<1x1x8x128xf32, #tpu.memory_space<vmem>>
        %dma_start3A_2485 = tpu.memref_squeeze %dma_start3A_2484 : memref<1x1x8x128xf32, #tpu.memory_space<vmem>> -> memref<8x128xf32, #tpu.memory_space<vmem>>
        %dma_start3A_2486 = arith.constant 8 : i32
        %dma_start3A_2487 = tpu.memref_slice %arg5[%dma_start3A_2486, %multiple_of3A_2473] : memref<32x1000000xf32, #tpu.memory_space<hbm>> -> memref<8x128xf32, #tpu.memory_space<hbm>>
        tpu.enqueue_dma source(%dma_start3A_2487 : memref<8x128xf32, #tpu.memory_space<hbm>>) target(%dma_start3A_2485 : memref<8x128xf32, #tpu.memory_space<vmem>>) target_semaphore(%arg12 : memref<!tpu.dma_semaphore, #tpu.memory_space<semaphore_mem>>)
        %multiple_of3A_2488 = tpu.assume_multiple %mul3A_2399, 128 : i32
        %dma_start3A_2489 = arith.constant 0 : i32
        %dma_start3A_2490 = arith.constant 0 : i32
        %dma_start3A_2491 = arith.constant 16 : i32
        %dma_start3A_2492 = arith.constant 0 : i32
        %dma_start3A_2493 = tpu.memref_slice %arg9[%dma_start3A_2489, %dma_start3A_2490, %dma_start3A_2491, %dma_start3A_2492] : memref<2x4x32x128xf32, #tpu.memory_space<vmem>> -> memref<1x1x8x128xf32, #tpu.memory_space<vmem>>
        %dma_start3A_2494 = tpu.memref_squeeze %dma_start3A_2493 : memref<1x1x8x128xf32, #tpu.memory_space<vmem>> -> memref<8x128xf32, #tpu.memory_space<vmem>>
        %dma_start3A_2495 = arith.constant 16 : i32
        %dma_start3A_2496 = tpu.memref_slice %arg4[%dma_start3A_2495, %multiple_of3A_2488] : memref<32x1000000xf32, #tpu.memory_space<hbm>> -> memref<8x128xf32, #tpu.memory_space<hbm>>
        %dma_start3A_2497 = arith.constant 16 : i32
        %dma_start3A_2498 = arith.constant 0 : i32
        %dma_start3A_2499 = tpu.memref_slice %arg9[%dma_start3A_2489, %dma_start3A_2490, %dma_start3A_2497, %dma_start3A_2498] : memref<2x4x32x128xf32, #tpu.memory_space<vmem>> -> memref<1x1x8x128xf32, #tpu.memory_space<vmem>>
        %dma_start3A_2500 = tpu.memref_squeeze %dma_start3A_2499 : memref<1x1x8x128xf32, #tpu.memory_space<vmem>> -> memref<8x128xf32, #tpu.memory_space<vmem>>
        %dma_start3A_2501 = arith.constant 16 : i32
        %dma_start3A_2502 = tpu.memref_slice %arg4[%dma_start3A_2501, %multiple_of3A_2488] : memref<32x1000000xf32, #tpu.memory_space<hbm>> -> memref<8x128xf32, #tpu.memory_space<hbm>>
        tpu.enqueue_dma source(%dma_start3A_2502 : memref<8x128xf32, #tpu.memory_space<hbm>>) target(%dma_start3A_2500 : memref<8x128xf32, #tpu.memory_space<vmem>>) target_semaphore(%arg12 : memref<!tpu.dma_semaphore, #tpu.memory_space<semaphore_mem>>)
        %multiple_of3A_2503 = tpu.assume_multiple %mul3A_2427, 128 : i32
        %dma_start3A_2504 = arith.constant 0 : i32
        %dma_start3A_2505 = arith.constant 0 : i32
        %dma_start3A_2506 = arith.constant 16 : i32
        %dma_start3A_2507 = arith.constant 0 : i32
        %dma_start3A_2508 = tpu.memref_slice %arg10[%dma_start3A_2504, %dma_start3A_2505, %dma_start3A_2506, %dma_start3A_2507] : memref<2x4x32x128xf32, #tpu.memory_space<vmem>> -> memref<1x1x8x128xf32, #tpu.memory_space<vmem>>
        %dma_start3A_2509 = tpu.memref_squeeze %dma_start3A_2508 : memref<1x1x8x128xf32, #tpu.memory_space<vmem>> -> memref<8x128xf32, #tpu.memory_space<vmem>>
        %dma_start3A_2510 = arith.constant 16 : i32
        %dma_start3A_2511 = tpu.memref_slice %arg5[%dma_start3A_2510, %multiple_of3A_2503] : memref<32x1000000xf32, #tpu.memory_space<hbm>> -> memref<8x128xf32, #tpu.memory_space<hbm>>
        %dma_start3A_2512 = arith.constant 16 : i32
        %dma_start3A_2513 = arith.constant 0 : i32
        %dma_start3A_2514 = tpu.memref_slice %arg10[%dma_start3A_2504, %dma_start3A_2505, %dma_start3A_2512, %dma_start3A_2513] : memref<2x4x32x128xf32, #tpu.memory_space<vmem>> -> memref<1x1x8x128xf32, #tpu.memory_space<vmem>>
        %dma_start3A_2515 = tpu.memref_squeeze %dma_start3A_2514 : memref<1x1x8x128xf32, #tpu.memory_space<vmem>> -> memref<8x128xf32, #tpu.memory_space<vmem>>
        %dma_start3A_2516 = arith.constant 16 : i32
        %dma_start3A_2517 = tpu.memref_slice %arg5[%dma_start3A_2516, %multiple_of3A_2503] : memref<32x1000000xf32, #tpu.memory_space<hbm>> -> memref<8x128xf32, #tpu.memory_space<hbm>>
        tpu.enqueue_dma source(%dma_start3A_2517 : memref<8x128xf32, #tpu.memory_space<hbm>>) target(%dma_start3A_2515 : memref<8x128xf32, #tpu.memory_space<vmem>>) target_semaphore(%arg12 : memref<!tpu.dma_semaphore, #tpu.memory_space<semaphore_mem>>)
        %multiple_of3A_2518 = tpu.assume_multiple %mul3A_2399, 128 : i32
        %dma_start3A_2519 = arith.constant 0 : i32
        %dma_start3A_2520 = arith.constant 0 : i32
        %dma_start3A_2521 = arith.constant 24 : i32
        %dma_start3A_2522 = arith.constant 0 : i32
        %dma_start3A_2523 = tpu.memref_slice %arg9[%dma_start3A_2519, %dma_start3A_2520, %dma_start3A_2521, %dma_start3A_2522] : memref<2x4x32x128xf32, #tpu.memory_space<vmem>> -> memref<1x1x8x128xf32, #tpu.memory_space<vmem>>
        %dma_start3A_2524 = tpu.memref_squeeze %dma_start3A_2523 : memref<1x1x8x128xf32, #tpu.memory_space<vmem>> -> memref<8x128xf32, #tpu.memory_space<vmem>>
        %dma_start3A_2525 = arith.constant 24 : i32
        %dma_start3A_2526 = tpu.memref_slice %arg4[%dma_start3A_2525, %multiple_of3A_2518] : memref<32x1000000xf32, #tpu.memory_space<hbm>> -> memref<8x128xf32, #tpu.memory_space<hbm>>
        %dma_start3A_2527 = arith.constant 24 : i32
        %dma_start3A_2528 = arith.constant 0 : i32
        %dma_start3A_2529 = tpu.memref_slice %arg9[%dma_start3A_2519, %dma_start3A_2520, %dma_start3A_2527, %dma_start3A_2528] : memref<2x4x32x128xf32, #tpu.memory_space<vmem>> -> memref<1x1x8x128xf32, #tpu.memory_space<vmem>>
        %dma_start3A_2530 = tpu.memref_squeeze %dma_start3A_2529 : memref<1x1x8x128xf32, #tpu.memory_space<vmem>> -> memref<8x128xf32, #tpu.memory_space<vmem>>
        %dma_start3A_2531 = arith.constant 24 : i32
        %dma_start3A_2532 = tpu.memref_slice %arg4[%dma_start3A_2531, %multiple_of3A_2518] : memref<32x1000000xf32, #tpu.memory_space<hbm>> -> memref<8x128xf32, #tpu.memory_space<hbm>>
        tpu.enqueue_dma source(%dma_start3A_2532 : memref<8x128xf32, #tpu.memory_space<hbm>>) target(%dma_start3A_2530 : memref<8x128xf32, #tpu.memory_space<vmem>>) target_semaphore(%arg12 : memref<!tpu.dma_semaphore, #tpu.memory_space<semaphore_mem>>)
        %multiple_of3A_2533 = tpu.assume_multiple %mul3A_2427, 128 : i32
        %dma_start3A_2534 = arith.constant 0 : i32
        %dma_start3A_2535 = arith.constant 0 : i32
        %dma_start3A_2536 = arith.constant 24 : i32
        %dma_start3A_2537 = arith.constant 0 : i32
        %dma_start3A_2538 = tpu.memref_slice %arg10[%dma_start3A_2534, %dma_start3A_2535, %dma_start3A_2536, %dma_start3A_2537] : memref<2x4x32x128xf32, #tpu.memory_space<vmem>> -> memref<1x1x8x128xf32, #tpu.memory_space<vmem>>
        %dma_start3A_2539 = tpu.memref_squeeze %dma_start3A_2538 : memref<1x1x8x128xf32, #tpu.memory_space<vmem>> -> memref<8x128xf32, #tpu.memory_space<vmem>>
        %dma_start3A_2540 = arith.constant 24 : i32
        %dma_start3A_2541 = tpu.memref_slice %arg5[%dma_start3A_2540, %multiple_of3A_2533] : memref<32x1000000xf32, #tpu.memory_space<hbm>> -> memref<8x128xf32, #tpu.memory_space<hbm>>
        %dma_start3A_2542 = arith.constant 24 : i32
        %dma_start3A_2543 = arith.constant 0 : i32
        %dma_start3A_2544 = tpu.memref_slice %arg10[%dma_start3A_2534, %dma_start3A_2535, %dma_start3A_2542, %dma_start3A_2543] : memref<2x4x32x128xf32, #tpu.memory_space<vmem>> -> memref<1x1x8x128xf32, #tpu.memory_space<vmem>>
        %dma_start3A_2545 = tpu.memref_squeeze %dma_start3A_2544 : memref<1x1x8x128xf32, #tpu.memory_space<vmem>> -> memref<8x128xf32, #tpu.memory_space<vmem>>
        %dma_start3A_2546 = arith.constant 24 : i32
        %dma_start3A_2547 = tpu.memref_slice %arg5[%dma_start3A_2546, %multiple_of3A_2533] : memref<32x1000000xf32, #tpu.memory_space<hbm>> -> memref<8x128xf32, #tpu.memory_space<hbm>>
        tpu.enqueue_dma source(%dma_start3A_2547 : memref<8x128xf32, #tpu.memory_space<hbm>>) target(%dma_start3A_2545 : memref<8x128xf32, #tpu.memory_space<vmem>>) target_semaphore(%arg12 : memref<!tpu.dma_semaphore, #tpu.memory_space<semaphore_mem>>)
        %slice3A_2548 = vector.extract_strided_slice %get3A_2367 {offsets = [1], sizes = [1], strides = [1]} : vector<16xi32> to vector<1xi32>
        %squeeze3A_2549 = vector.extract %slice3A_2548[0] : i32 from vector<1xi32>
        %jit3A_2550 = arith.constant 128 : i32
        %div3A_2551 = arith.divsi %squeeze3A_2549, %jit3A_2550 : i32
        %sign3A_2552 = arith.constant 0 : i32
        %sign3A_2553 = arith.cmpi sgt, %squeeze3A_2549, %sign3A_2552 : i32
        %sign3A_2554 = arith.extui %sign3A_2553 : i1 to i32
        %sign3A_2555 = arith.constant 0 : i32
        %sign3A_2556 = arith.cmpi slt, %squeeze3A_2549, %sign3A_2555 : i32
        %sign3A_2557 = arith.extui %sign3A_2556 : i1 to i32
        %sign3A_2558 = arith.subi %sign3A_2554, %sign3A_2557 : i32
        %sign3A_2559 = arith.constant 0 : i32
        %sign3A_2560 = arith.cmpi sgt, %jit3A_2550, %sign3A_2559 : i32
        %sign3A_2561 = arith.extui %sign3A_2560 : i1 to i32
        %sign3A_2562 = arith.constant 0 : i32
        %sign3A_2563 = arith.cmpi slt, %jit3A_2550, %sign3A_2562 : i32
        %sign3A_2564 = arith.extui %sign3A_2563 : i1 to i32
        %sign3A_2565 = arith.subi %sign3A_2561, %sign3A_2564 : i32
        %ne3A_2566 = arith.cmpi ne, %sign3A_2558, %sign3A_2565 : i32
        %rem3A_2567 = arith.remsi %squeeze3A_2549, %jit3A_2550 : i32
        %ne3A_2568 = arith.constant 0 : i32
        %ne3A_2569 = arith.cmpi ne, %rem3A_2567, %ne3A_2568 : i32
        %and3A_2570 = arith.andi %ne3A_2566, %ne3A_2569 : i1
        %sub3A_2571 = arith.constant 1 : i32
        %sub3A_2572 = arith.subi %div3A_2551, %sub3A_2571 : i32
        %select_n3A_2573 = arith.select %and3A_2570, %sub3A_2572, %div3A_2551 : i32
        %mul3A_2574 = arith.constant 128 : i32
        %mul3A_2575 = arith.muli %select_n3A_2573, %mul3A_2574 : i32
        %slice3A_2576 = vector.extract_strided_slice %get3A_2371 {offsets = [1], sizes = [1], strides = [1]} : vector<16xi32> to vector<1xi32>
        %squeeze3A_2577 = vector.extract %slice3A_2576[0] : i32 from vector<1xi32>
        %jit3A_2578 = arith.constant 128 : i32
        %div3A_2579 = arith.divsi %squeeze3A_2577, %jit3A_2578 : i32
        %sign3A_2580 = arith.constant 0 : i32
        %sign3A_2581 = arith.cmpi sgt, %squeeze3A_2577, %sign3A_2580 : i32
        %sign3A_2582 = arith.extui %sign3A_2581 : i1 to i32
        %sign3A_2583 = arith.constant 0 : i32
        %sign3A_2584 = arith.cmpi slt, %squeeze3A_2577, %sign3A_2583 : i32
        %sign3A_2585 = arith.extui %sign3A_2584 : i1 to i32
        %sign3A_2586 = arith.subi %sign3A_2582, %sign3A_2585 : i32
        %sign3A_2587 = arith.constant 0 : i32
        %sign3A_2588 = arith.cmpi sgt, %jit3A_2578, %sign3A_2587 : i32
        %sign3A_2589 = arith.extui %sign3A_2588 : i1 to i32
        %sign3A_2590 = arith.constant 0 : i32
        %sign3A_2591 = arith.cmpi slt, %jit3A_2578, %sign3A_2590 : i32
        %sign3A_2592 = arith.extui %sign3A_2591 : i1 to i32
        %sign3A_2593 = arith.subi %sign3A_2589, %sign3A_2592 : i32
        %ne3A_2594 = arith.cmpi ne, %sign3A_2586, %sign3A_2593 : i32
        %rem3A_2595 = arith.remsi %squeeze3A_2577, %jit3A_2578 : i32
        %ne3A_2596 = arith.constant 0 : i32
        %ne3A_2597 = arith.cmpi ne, %rem3A_2595, %ne3A_2596 : i32
        %and3A_2598 = arith.andi %ne3A_2594, %ne3A_2597 : i1
        %sub3A_2599 = arith.constant 1 : i32
        %sub3A_2600 = arith.subi %div3A_2579, %sub3A_2599 : i32
        %select_n3A_2601 = arith.select %and3A_2598, %sub3A_2600, %div3A_2579 : i32
        %mul3A_2602 = arith.constant 128 : i32
        %mul3A_2603 = arith.muli %select_n3A_2601, %mul3A_2602 : i32
        %multiple_of3A_2604 = tpu.assume_multiple %mul3A_2575, 128 : i32
        %dma_start3A_2605 = arith.constant 0 : i32
        %dma_start3A_2606 = arith.constant 1 : i32
        %dma_start3A_2607 = arith.constant 0 : i32
        %dma_start3A_2608 = arith.constant 0 : i32
        %dma_start3A_2609 = tpu.memref_slice %arg9[%dma_start3A_2605, %dma_start3A_2606, %dma_start3A_2607, %dma_start3A_2608] : memref<2x4x32x128xf32, #tpu.memory_space<vmem>> -> memref<1x1x8x128xf32, #tpu.memory_space<vmem>>
        %dma_start3A_2610 = tpu.memref_squeeze %dma_start3A_2609 : memref<1x1x8x128xf32, #tpu.memory_space<vmem>> -> memref<8x128xf32, #tpu.memory_space<vmem>>
        %dma_start3A_2611 = arith.constant 0 : i32
        %dma_start3A_2612 = tpu.memref_slice %arg4[%dma_start3A_2611, %multiple_of3A_2604] : memref<32x1000000xf32, #tpu.memory_space<hbm>> -> memref<8x128xf32, #tpu.memory_space<hbm>>
        %dma_start3A_2613 = arith.constant 0 : i32
        %dma_start3A_2614 = arith.constant 0 : i32
        %dma_start3A_2615 = tpu.memref_slice %arg9[%dma_start3A_2605, %dma_start3A_2606, %dma_start3A_2613, %dma_start3A_2614] : memref<2x4x32x128xf32, #tpu.memory_space<vmem>> -> memref<1x1x8x128xf32, #tpu.memory_space<vmem>>
        %dma_start3A_2616 = tpu.memref_squeeze %dma_start3A_2615 : memref<1x1x8x128xf32, #tpu.memory_space<vmem>> -> memref<8x128xf32, #tpu.memory_space<vmem>>
        %dma_start3A_2617 = arith.constant 0 : i32
        %dma_start3A_2618 = tpu.memref_slice %arg4[%dma_start3A_2617, %multiple_of3A_2604] : memref<32x1000000xf32, #tpu.memory_space<hbm>> -> memref<8x128xf32, #tpu.memory_space<hbm>>
        tpu.enqueue_dma source(%dma_start3A_2618 : memref<8x128xf32, #tpu.memory_space<hbm>>) target(%dma_start3A_2616 : memref<8x128xf32, #tpu.memory_space<vmem>>) target_semaphore(%arg12 : memref<!tpu.dma_semaphore, #tpu.memory_space<semaphore_mem>>)
        %multiple_of3A_2619 = tpu.assume_multiple %mul3A_2603, 128 : i32
        %dma_start3A_2620 = arith.constant 0 : i32
        %dma_start3A_2621 = arith.constant 1 : i32
        %dma_start3A_2622 = arith.constant 0 : i32
        %dma_start3A_2623 = arith.constant 0 : i32
        %dma_start3A_2624 = tpu.memref_slice %arg10[%dma_start3A_2620, %dma_start3A_2621, %dma_start3A_2622, %dma_start3A_2623] : memref<2x4x32x128xf32, #tpu.memory_space<vmem>> -> memref<1x1x8x128xf32, #tpu.memory_space<vmem>>
        %dma_start3A_2625 = tpu.memref_squeeze %dma_start3A_2624 : memref<1x1x8x128xf32, #tpu.memory_space<vmem>> -> memref<8x128xf32, #tpu.memory_space<vmem>>
        %dma_start3A_2626 = arith.constant 0 : i32
        %dma_start3A_2627 = tpu.memref_slice %arg5[%dma_start3A_2626, %multiple_of3A_2619] : memref<32x1000000xf32, #tpu.memory_space<hbm>> -> memref<8x128xf32, #tpu.memory_space<hbm>>
        %dma_start3A_2628 = arith.constant 0 : i32
        %dma_start3A_2629 = arith.constant 0 : i32
        %dma_start3A_2630 = tpu.memref_slice %arg10[%dma_start3A_2620, %dma_start3A_2621, %dma_start3A_2628, %dma_start3A_2629] : memref<2x4x32x128xf32, #tpu.memory_space<vmem>> -> memref<1x1x8x128xf32, #tpu.memory_space<vmem>>
        %dma_start3A_2631 = tpu.memref_squeeze %dma_start3A_2630 : memref<1x1x8x128xf32, #tpu.memory_space<vmem>> -> memref<8x128xf32, #tpu.memory_space<vmem>>
        %dma_start3A_2632 = arith.constant 0 : i32
        %dma_start3A_2633 = tpu.memref_slice %arg5[%dma_start3A_2632, %multiple_of3A_2619] : memref<32x1000000xf32, #tpu.memory_space<hbm>> -> memref<8x128xf32, #tpu.memory_space<hbm>>
        tpu.enqueue_dma source(%dma_start3A_2633 : memref<8x128xf32, #tpu.memory_space<hbm>>) target(%dma_start3A_2631 : memref<8x128xf32, #tpu.memory_space<vmem>>) target_semaphore(%arg12 : memref<!tpu.dma_semaphore, #tpu.memory_space<semaphore_mem>>)
        %multiple_of3A_2634 = tpu.assume_multiple %mul3A_2575, 128 : i32
        %dma_start3A_2635 = arith.constant 0 : i32
        %dma_start3A_2636 = arith.constant 1 : i32
        %dma_start3A_2637 = arith.constant 8 : i32
        %dma_start3A_2638 = arith.constant 0 : i32
        %dma_start3A_2639 = tpu.memref_slice %arg9[%dma_start3A_2635, %dma_start3A_2636, %dma_start3A_2637, %dma_start3A_2638] : memref<2x4x32x128xf32, #tpu.memory_space<vmem>> -> memref<1x1x8x128xf32, #tpu.memory_space<vmem>>
        %dma_start3A_2640 = tpu.memref_squeeze %dma_start3A_2639 : memref<1x1x8x128xf32, #tpu.memory_space<vmem>> -> memref<8x128xf32, #tpu.memory_space<vmem>>
        %dma_start3A_2641 = arith.constant 8 : i32
        %dma_start3A_2642 = tpu.memref_slice %arg4[%dma_start3A_2641, %multiple_of3A_2634] : memref<32x1000000xf32, #tpu.memory_space<hbm>> -> memref<8x128xf32, #tpu.memory_space<hbm>>
        %dma_start3A_2643 = arith.constant 8 : i32
        %dma_start3A_2644 = arith.constant 0 : i32
        %dma_start3A_2645 = tpu.memref_slice %arg9[%dma_start3A_2635, %dma_start3A_2636, %dma_start3A_2643, %dma_start3A_2644] : memref<2x4x32x128xf32, #tpu.memory_space<vmem>> -> memref<1x1x8x128xf32, #tpu.memory_space<vmem>>
        %dma_start3A_2646 = tpu.memref_squeeze %dma_start3A_2645 : memref<1x1x8x128xf32, #tpu.memory_space<vmem>> -> memref<8x128xf32, #tpu.memory_space<vmem>>
        %dma_start3A_2647 = arith.constant 8 : i32
        %dma_start3A_2648 = tpu.memref_slice %arg4[%dma_start3A_2647, %multiple_of3A_2634] : memref<32x1000000xf32, #tpu.memory_space<hbm>> -> memref<8x128xf32, #tpu.memory_space<hbm>>
        tpu.enqueue_dma source(%dma_start3A_2648 : memref<8x128xf32, #tpu.memory_space<hbm>>) target(%dma_start3A_2646 : memref<8x128xf32, #tpu.memory_space<vmem>>) target_semaphore(%arg12 : memref<!tpu.dma_semaphore, #tpu.memory_space<semaphore_mem>>)
        %multiple_of3A_2649 = tpu.assume_multiple %mul3A_2603, 128 : i32
        %dma_start3A_2650 = arith.constant 0 : i32
        %dma_start3A_2651 = arith.constant 1 : i32
        %dma_start3A_2652 = arith.constant 8 : i32
        %dma_start3A_2653 = arith.constant 0 : i32
        %dma_start3A_2654 = tpu.memref_slice %arg10[%dma_start3A_2650, %dma_start3A_2651, %dma_start3A_2652, %dma_start3A_2653] : memref<2x4x32x128xf32, #tpu.memory_space<vmem>> -> memref<1x1x8x128xf32, #tpu.memory_space<vmem>>
        %dma_start3A_2655 = tpu.memref_squeeze %dma_start3A_2654 : memref<1x1x8x128xf32, #tpu.memory_space<vmem>> -> memref<8x128xf32, #tpu.memory_space<vmem>>
        %dma_start3A_2656 = arith.constant 8 : i32
        %dma_start3A_2657 = tpu.memref_slice %arg5[%dma_start3A_2656, %multiple_of3A_2649] : memref<32x1000000xf32, #tpu.memory_space<hbm>> -> memref<8x128xf32, #tpu.memory_space<hbm>>
        %dma_start3A_2658 = arith.constant 8 : i32
        %dma_start3A_2659 = arith.constant 0 : i32
        %dma_start3A_2660 = tpu.memref_slice %arg10[%dma_start3A_2650, %dma_start3A_2651, %dma_start3A_2658, %dma_start3A_2659] : memref<2x4x32x128xf32, #tpu.memory_space<vmem>> -> memref<1x1x8x128xf32, #tpu.memory_space<vmem>>
        %dma_start3A_2661 = tpu.memref_squeeze %dma_start3A_2660 : memref<1x1x8x128xf32, #tpu.memory_space<vmem>> -> memref<8x128xf32, #tpu.memory_space<vmem>>
        %dma_start3A_2662 = arith.constant 8 : i32
        %dma_start3A_2663 = tpu.memref_slice %arg5[%dma_start3A_2662, %multiple_of3A_2649] : memref<32x1000000xf32, #tpu.memory_space<hbm>> -> memref<8x128xf32, #tpu.memory_space<hbm>>
        tpu.enqueue_dma source(%dma_start3A_2663 : memref<8x128xf32, #tpu.memory_space<hbm>>) target(%dma_start3A_2661 : memref<8x128xf32, #tpu.memory_space<vmem>>) target_semaphore(%arg12 : memref<!tpu.dma_semaphore, #tpu.memory_space<semaphore_mem>>)
        %multiple_of3A_2664 = tpu.assume_multiple %mul3A_2575, 128 : i32
        %dma_start3A_2665 = arith.constant 0 : i32
        %dma_start3A_2666 = arith.constant 1 : i32
        %dma_start3A_2667 = arith.constant 16 : i32
        %dma_start3A_2668 = arith.constant 0 : i32
        %dma_start3A_2669 = tpu.memref_slice %arg9[%dma_start3A_2665, %dma_start3A_2666, %dma_start3A_2667, %dma_start3A_2668] : memref<2x4x32x128xf32, #tpu.memory_space<vmem>> -> memref<1x1x8x128xf32, #tpu.memory_space<vmem>>
        %dma_start3A_2670 = tpu.memref_squeeze %dma_start3A_2669 : memref<1x1x8x128xf32, #tpu.memory_space<vmem>> -> memref<8x128xf32, #tpu.memory_space<vmem>>
        %dma_start3A_2671 = arith.constant 16 : i32
        %dma_start3A_2672 = tpu.memref_slice %arg4[%dma_start3A_2671, %multiple_of3A_2664] : memref<32x1000000xf32, #tpu.memory_space<hbm>> -> memref<8x128xf32, #tpu.memory_space<hbm>>
        %dma_start3A_2673 = arith.constant 16 : i32
        %dma_start3A_2674 = arith.constant 0 : i32
        %dma_start3A_2675 = tpu.memref_slice %arg9[%dma_start3A_2665, %dma_start3A_2666, %dma_start3A_2673, %dma_start3A_2674] : memref<2x4x32x128xf32, #tpu.memory_space<vmem>> -> memref<1x1x8x128xf32, #tpu.memory_space<vmem>>
        %dma_start3A_2676 = tpu.memref_squeeze %dma_start3A_2675 : memref<1x1x8x128xf32, #tpu.memory_space<vmem>> -> memref<8x128xf32, #tpu.memory_space<vmem>>
        %dma_start3A_2677 = arith.constant 16 : i32
        %dma_start3A_2678 = tpu.memref_slice %arg4[%dma_start3A_2677, %multiple_of3A_2664] : memref<32x1000000xf32, #tpu.memory_space<hbm>> -> memref<8x128xf32, #tpu.memory_space<hbm>>
        tpu.enqueue_dma source(%dma_start3A_2678 : memref<8x128xf32, #tpu.memory_space<hbm>>) target(%dma_start3A_2676 : memref<8x128xf32, #tpu.memory_space<vmem>>) target_semaphore(%arg12 : memref<!tpu.dma_semaphore, #tpu.memory_space<semaphore_mem>>)
        %multiple_of3A_2679 = tpu.assume_multiple %mul3A_2603, 128 : i32
        %dma_start3A_2680 = arith.constant 0 : i32
        %dma_start3A_2681 = arith.constant 1 : i32
        %dma_start3A_2682 = arith.constant 16 : i32
        %dma_start3A_2683 = arith.constant 0 : i32
        %dma_start3A_2684 = tpu.memref_slice %arg10[%dma_start3A_2680, %dma_start3A_2681, %dma_start3A_2682, %dma_start3A_2683] : memref<2x4x32x128xf32, #tpu.memory_space<vmem>> -> memref<1x1x8x128xf32, #tpu.memory_space<vmem>>
        %dma_start3A_2685 = tpu.memref_squeeze %dma_start3A_2684 : memref<1x1x8x128xf32, #tpu.memory_space<vmem>> -> memref<8x128xf32, #tpu.memory_space<vmem>>
        %dma_start3A_2686 = arith.constant 16 : i32
        %dma_start3A_2687 = tpu.memref_slice %arg5[%dma_start3A_2686, %multiple_of3A_2679] : memref<32x1000000xf32, #tpu.memory_space<hbm>> -> memref<8x128xf32, #tpu.memory_space<hbm>>
        %dma_start3A_2688 = arith.constant 16 : i32
        %dma_start3A_2689 = arith.constant 0 : i32
        %dma_start3A_2690 = tpu.memref_slice %arg10[%dma_start3A_2680, %dma_start3A_2681, %dma_start3A_2688, %dma_start3A_2689] : memref<2x4x32x128xf32, #tpu.memory_space<vmem>> -> memref<1x1x8x128xf32, #tpu.memory_space<vmem>>
        %dma_start3A_2691 = tpu.memref_squeeze %dma_start3A_2690 : memref<1x1x8x128xf32, #tpu.memory_space<vmem>> -> memref<8x128xf32, #tpu.memory_space<vmem>>
        %dma_start3A_2692 = arith.constant 16 : i32
        %dma_start3A_2693 = tpu.memref_slice %arg5[%dma_start3A_2692, %multiple_of3A_2679] : memref<32x1000000xf32, #tpu.memory_space<hbm>> -> memref<8x128xf32, #tpu.memory_space<hbm>>
        tpu.enqueue_dma source(%dma_start3A_2693 : memref<8x128xf32, #tpu.memory_space<hbm>>) target(%dma_start3A_2691 : memref<8x128xf32, #tpu.memory_space<vmem>>) target_semaphore(%arg12 : memref<!tpu.dma_semaphore, #tpu.memory_space<semaphore_mem>>)
        %multiple_of3A_2694 = tpu.assume_multiple %mul3A_2575, 128 : i32
        %dma_start3A_2695 = arith.constant 0 : i32
        %dma_start3A_2696 = arith.constant 1 : i32
        %dma_start3A_2697 = arith.constant 24 : i32
        %dma_start3A_2698 = arith.constant 0 : i32
        %dma_start3A_2699 = tpu.memref_slice %arg9[%dma_start3A_2695, %dma_start3A_2696, %dma_start3A_2697, %dma_start3A_2698] : memref<2x4x32x128xf32, #tpu.memory_space<vmem>> -> memref<1x1x8x128xf32, #tpu.memory_space<vmem>>
        %dma_start3A_2700 = tpu.memref_squeeze %dma_start3A_2699 : memref<1x1x8x128xf32, #tpu.memory_space<vmem>> -> memref<8x128xf32, #tpu.memory_space<vmem>>
        %dma_start3A_2701 = arith.constant 24 : i32
        %dma_start3A_2702 = tpu.memref_slice %arg4[%dma_start3A_2701, %multiple_of3A_2694] : memref<32x1000000xf32, #tpu.memory_space<hbm>> -> memref<8x128xf32, #tpu.memory_space<hbm>>
        %dma_start3A_2703 = arith.constant 24 : i32
        %dma_start3A_2704 = arith.constant 0 : i32
        %dma_start3A_2705 = tpu.memref_slice %arg9[%dma_start3A_2695, %dma_start3A_2696, %dma_start3A_2703, %dma_start3A_2704] : memref<2x4x32x128xf32, #tpu.memory_space<vmem>> -> memref<1x1x8x128xf32, #tpu.memory_space<vmem>>
        %dma_start3A_2706 = tpu.memref_squeeze %dma_start3A_2705 : memref<1x1x8x128xf32, #tpu.memory_space<vmem>> -> memref<8x128xf32, #tpu.memory_space<vmem>>
        %dma_start3A_2707 = arith.constant 24 : i32
        %dma_start3A_2708 = tpu.memref_slice %arg4[%dma_start3A_2707, %multiple_of3A_2694] : memref<32x1000000xf32, #tpu.memory_space<hbm>> -> memref<8x128xf32, #tpu.memory_space<hbm>>
        tpu.enqueue_dma source(%dma_start3A_2708 : memref<8x128xf32, #tpu.memory_space<hbm>>) target(%dma_start3A_2706 : memref<8x128xf32, #tpu.memory_space<vmem>>) target_semaphore(%arg12 : memref<!tpu.dma_semaphore, #tpu.memory_space<semaphore_mem>>)
        %multiple_of3A_2709 = tpu.assume_multiple %mul3A_2603, 128 : i32
        %dma_start3A_2710 = arith.constant 0 : i32
        %dma_start3A_2711 = arith.constant 1 : i32
        %dma_start3A_2712 = arith.constant 24 : i32
        %dma_start3A_2713 = arith.constant 0 : i32
        %dma_start3A_2714 = tpu.memref_slice %arg10[%dma_start3A_2710, %dma_start3A_2711, %dma_start3A_2712, %dma_start3A_2713] : memref<2x4x32x128xf32, #tpu.memory_space<vmem>> -> memref<1x1x8x128xf32, #tpu.memory_space<vmem>>
        %dma_start3A_2715 = tpu.memref_squeeze %dma_start3A_2714 : memref<1x1x8x128xf32, #tpu.memory_space<vmem>> -> memref<8x128xf32, #tpu.memory_space<vmem>>
        %dma_start3A_2716 = arith.constant 24 : i32
        %dma_start3A_2717 = tpu.memref_slice %arg5[%dma_start3A_2716, %multiple_of3A_2709] : memref<32x1000000xf32, #tpu.memory_space<hbm>> -> memref<8x128xf32, #tpu.memory_space<hbm>>
        %dma_start3A_2718 = arith.constant 24 : i32
        %dma_start3A_2719 = arith.constant 0 : i32
        %dma_start3A_2720 = tpu.memref_slice %arg10[%dma_start3A_2710, %dma_start3A_2711, %dma_start3A_2718, %dma_start3A_2719] : memref<2x4x32x128xf32, #tpu.memory_space<vmem>> -> memref<1x1x8x128xf32, #tpu.memory_space<vmem>>
        %dma_start3A_2721 = tpu.memref_squeeze %dma_start3A_2720 : memref<1x1x8x128xf32, #tpu.memory_space<vmem>> -> memref<8x128xf32, #tpu.memory_space<vmem>>
        %dma_start3A_2722 = arith.constant 24 : i32
        %dma_start3A_2723 = tpu.memref_slice %arg5[%dma_start3A_2722, %multiple_of3A_2709] : memref<32x1000000xf32, #tpu.memory_space<hbm>> -> memref<8x128xf32, #tpu.memory_space<hbm>>
        tpu.enqueue_dma source(%dma_start3A_2723 : memref<8x128xf32, #tpu.memory_space<hbm>>) target(%dma_start3A_2721 : memref<8x128xf32, #tpu.memory_space<vmem>>) target_semaphore(%arg12 : memref<!tpu.dma_semaphore, #tpu.memory_space<semaphore_mem>>)
        %slice3A_2724 = vector.extract_strided_slice %get3A_2367 {offsets = [2], sizes = [1], strides = [1]} : vector<16xi32> to vector<1xi32>
        %squeeze3A_2725 = vector.extract %slice3A_2724[0] : i32 from vector<1xi32>
        %jit3A_2726 = arith.constant 128 : i32
        %div3A_2727 = arith.divsi %squeeze3A_2725, %jit3A_2726 : i32
        %sign3A_2728 = arith.constant 0 : i32
        %sign3A_2729 = arith.cmpi sgt, %squeeze3A_2725, %sign3A_2728 : i32
        %sign3A_2730 = arith.extui %sign3A_2729 : i1 to i32
        %sign3A_2731 = arith.constant 0 : i32
        %sign3A_2732 = arith.cmpi slt, %squeeze3A_2725, %sign3A_2731 : i32
        %sign3A_2733 = arith.extui %sign3A_2732 : i1 to i32
        %sign3A_2734 = arith.subi %sign3A_2730, %sign3A_2733 : i32
        %sign3A_2735 = arith.constant 0 : i32
        %sign3A_2736 = arith.cmpi sgt, %jit3A_2726, %sign3A_2735 : i32
        %sign3A_2737 = arith.extui %sign3A_2736 : i1 to i32
        %sign3A_2738 = arith.constant 0 : i32
        %sign3A_2739 = arith.cmpi slt, %jit3A_2726, %sign3A_2738 : i32
        %sign3A_2740 = arith.extui %sign3A_2739 : i1 to i32
        %sign3A_2741 = arith.subi %sign3A_2737, %sign3A_2740 : i32
        %ne3A_2742 = arith.cmpi ne, %sign3A_2734, %sign3A_2741 : i32
        %rem3A_2743 = arith.remsi %squeeze3A_2725, %jit3A_2726 : i32
        %ne3A_2744 = arith.constant 0 : i32
        %ne3A_2745 = arith.cmpi ne, %rem3A_2743, %ne3A_2744 : i32
        %and3A_2746 = arith.andi %ne3A_2742, %ne3A_2745 : i1
        %sub3A_2747 = arith.constant 1 : i32
        %sub3A_2748 = arith.subi %div3A_2727, %sub3A_2747 : i32
        %select_n3A_2749 = arith.select %and3A_2746, %sub3A_2748, %div3A_2727 : i32
        %mul3A_2750 = arith.constant 128 : i32
        %mul3A_2751 = arith.muli %select_n3A_2749, %mul3A_2750 : i32
        %slice3A_2752 = vector.extract_strided_slice %get3A_2371 {offsets = [2], sizes = [1], strides = [1]} : vector<16xi32> to vector<1xi32>
        %squeeze3A_2753 = vector.extract %slice3A_2752[0] : i32 from vector<1xi32>
        %jit3A_2754 = arith.constant 128 : i32
        %div3A_2755 = arith.divsi %squeeze3A_2753, %jit3A_2754 : i32
        %sign3A_2756 = arith.constant 0 : i32
        %sign3A_2757 = arith.cmpi sgt, %squeeze3A_2753, %sign3A_2756 : i32
        %sign3A_2758 = arith.extui %sign3A_2757 : i1 to i32
        %sign3A_2759 = arith.constant 0 : i32
        %sign3A_2760 = arith.cmpi slt, %squeeze3A_2753, %sign3A_2759 : i32
        %sign3A_2761 = arith.extui %sign3A_2760 : i1 to i32
        %sign3A_2762 = arith.subi %sign3A_2758, %sign3A_2761 : i32
        %sign3A_2763 = arith.constant 0 : i32
        %sign3A_2764 = arith.cmpi sgt, %jit3A_2754, %sign3A_2763 : i32
        %sign3A_2765 = arith.extui %sign3A_2764 : i1 to i32
        %sign3A_2766 = arith.constant 0 : i32
        %sign3A_2767 = arith.cmpi slt, %jit3A_2754, %sign3A_2766 : i32
        %sign3A_2768 = arith.extui %sign3A_2767 : i1 to i32
        %sign3A_2769 = arith.subi %sign3A_2765, %sign3A_2768 : i32
        %ne3A_2770 = arith.cmpi ne, %sign3A_2762, %sign3A_2769 : i32
        %rem3A_2771 = arith.remsi %squeeze3A_2753, %jit3A_2754 : i32
        %ne3A_2772 = arith.constant 0 : i32
        %ne3A_2773 = arith.cmpi ne, %rem3A_2771, %ne3A_2772 : i32
        %and3A_2774 = arith.andi %ne3A_2770, %ne3A_2773 : i1
        %sub3A_2775 = arith.constant 1 : i32
        %sub3A_2776 = arith.subi %div3A_2755, %sub3A_2775 : i32
        %select_n3A_2777 = arith.select %and3A_2774, %sub3A_2776, %div3A_2755 : i32
        %mul3A_2778 = arith.constant 128 : i32
        %mul3A_2779 = arith.muli %select_n3A_2777, %mul3A_2778 : i32
        %multiple_of3A_2780 = tpu.assume_multiple %mul3A_2751, 128 : i32
        %dma_start3A_2781 = arith.constant 0 : i32
        %dma_start3A_2782 = arith.constant 2 : i32
        %dma_start3A_2783 = arith.constant 0 : i32
        %dma_start3A_2784 = arith.constant 0 : i32
        %dma_start3A_2785 = tpu.memref_slice %arg9[%dma_start3A_2781, %dma_start3A_2782, %dma_start3A_2783, %dma_start3A_2784] : memref<2x4x32x128xf32, #tpu.memory_space<vmem>> -> memref<1x1x8x128xf32, #tpu.memory_space<vmem>>
        %dma_start3A_2786 = tpu.memref_squeeze %dma_start3A_2785 : memref<1x1x8x128xf32, #tpu.memory_space<vmem>> -> memref<8x128xf32, #tpu.memory_space<vmem>>
        %dma_start3A_2787 = arith.constant 0 : i32
        %dma_start3A_2788 = tpu.memref_slice %arg4[%dma_start3A_2787, %multiple_of3A_2780] : memref<32x1000000xf32, #tpu.memory_space<hbm>> -> memref<8x128xf32, #tpu.memory_space<hbm>>
        %dma_start3A_2789 = arith.constant 0 : i32
        %dma_start3A_2790 = arith.constant 0 : i32
        %dma_start3A_2791 = tpu.memref_slice %arg9[%dma_start3A_2781, %dma_start3A_2782, %dma_start3A_2789, %dma_start3A_2790] : memref<2x4x32x128xf32, #tpu.memory_space<vmem>> -> memref<1x1x8x128xf32, #tpu.memory_space<vmem>>
        %dma_start3A_2792 = tpu.memref_squeeze %dma_start3A_2791 : memref<1x1x8x128xf32, #tpu.memory_space<vmem>> -> memref<8x128xf32, #tpu.memory_space<vmem>>
        %dma_start3A_2793 = arith.constant 0 : i32
        %dma_start3A_2794 = tpu.memref_slice %arg4[%dma_start3A_2793, %multiple_of3A_2780] : memref<32x1000000xf32, #tpu.memory_space<hbm>> -> memref<8x128xf32, #tpu.memory_space<hbm>>
        tpu.enqueue_dma source(%dma_start3A_2794 : memref<8x128xf32, #tpu.memory_space<hbm>>) target(%dma_start3A_2792 : memref<8x128xf32, #tpu.memory_space<vmem>>) target_semaphore(%arg12 : memref<!tpu.dma_semaphore, #tpu.memory_space<semaphore_mem>>)
        %multiple_of3A_2795 = tpu.assume_multiple %mul3A_2779, 128 : i32
        %dma_start3A_2796 = arith.constant 0 : i32
        %dma_start3A_2797 = arith.constant 2 : i32
        %dma_start3A_2798 = arith.constant 0 : i32
        %dma_start3A_2799 = arith.constant 0 : i32
        %dma_start3A_2800 = tpu.memref_slice %arg10[%dma_start3A_2796, %dma_start3A_2797, %dma_start3A_2798, %dma_start3A_2799] : memref<2x4x32x128xf32, #tpu.memory_space<vmem>> -> memref<1x1x8x128xf32, #tpu.memory_space<vmem>>
        %dma_start3A_2801 = tpu.memref_squeeze %dma_start3A_2800 : memref<1x1x8x128xf32, #tpu.memory_space<vmem>> -> memref<8x128xf32, #tpu.memory_space<vmem>>
        %dma_start3A_2802 = arith.constant 0 : i32
        %dma_start3A_2803 = tpu.memref_slice %arg5[%dma_start3A_2802, %multiple_of3A_2795] : memref<32x1000000xf32, #tpu.memory_space<hbm>> -> memref<8x128xf32, #tpu.memory_space<hbm>>
        %dma_start3A_2804 = arith.constant 0 : i32
        %dma_start3A_2805 = arith.constant 0 : i32
        %dma_start3A_2806 = tpu.memref_slice %arg10[%dma_start3A_2796, %dma_start3A_2797, %dma_start3A_2804, %dma_start3A_2805] : memref<2x4x32x128xf32, #tpu.memory_space<vmem>> -> memref<1x1x8x128xf32, #tpu.memory_space<vmem>>
        %dma_start3A_2807 = tpu.memref_squeeze %dma_start3A_2806 : memref<1x1x8x128xf32, #tpu.memory_space<vmem>> -> memref<8x128xf32, #tpu.memory_space<vmem>>
        %dma_start3A_2808 = arith.constant 0 : i32
        %dma_start3A_2809 = tpu.memref_slice %arg5[%dma_start3A_2808, %multiple_of3A_2795] : memref<32x1000000xf32, #tpu.memory_space<hbm>> -> memref<8x128xf32, #tpu.memory_space<hbm>>
        tpu.enqueue_dma source(%dma_start3A_2809 : memref<8x128xf32, #tpu.memory_space<hbm>>) target(%dma_start3A_2807 : memref<8x128xf32, #tpu.memory_space<vmem>>) target_semaphore(%arg12 : memref<!tpu.dma_semaphore, #tpu.memory_space<semaphore_mem>>)
        %multiple_of3A_2810 = tpu.assume_multiple %mul3A_2751, 128 : i32
        %dma_start3A_2811 = arith.constant 0 : i32
        %dma_start3A_2812 = arith.constant 2 : i32
        %dma_start3A_2813 = arith.constant 8 : i32
        %dma_start3A_2814 = arith.constant 0 : i32
        %dma_start3A_2815 = tpu.memref_slice %arg9[%dma_start3A_2811, %dma_start3A_2812, %dma_start3A_2813, %dma_start3A_2814] : memref<2x4x32x128xf32, #tpu.memory_space<vmem>> -> memref<1x1x8x128xf32, #tpu.memory_space<vmem>>
        %dma_start3A_2816 = tpu.memref_squeeze %dma_start3A_2815 : memref<1x1x8x128xf32, #tpu.memory_space<vmem>> -> memref<8x128xf32, #tpu.memory_space<vmem>>
        %dma_start3A_2817 = arith.constant 8 : i32
        %dma_start3A_2818 = tpu.memref_slice %arg4[%dma_start3A_2817, %multiple_of3A_2810] : memref<32x1000000xf32, #tpu.memory_space<hbm>> -> memref<8x128xf32, #tpu.memory_space<hbm>>
        %dma_start3A_2819 = arith.constant 8 : i32
        %dma_start3A_2820 = arith.constant 0 : i32
        %dma_start3A_2821 = tpu.memref_slice %arg9[%dma_start3A_2811, %dma_start3A_2812, %dma_start3A_2819, %dma_start3A_2820] : memref<2x4x32x128xf32, #tpu.memory_space<vmem>> -> memref<1x1x8x128xf32, #tpu.memory_space<vmem>>
        %dma_start3A_2822 = tpu.memref_squeeze %dma_start3A_2821 : memref<1x1x8x128xf32, #tpu.memory_space<vmem>> -> memref<8x128xf32, #tpu.memory_space<vmem>>
        %dma_start3A_2823 = arith.constant 8 : i32
        %dma_start3A_2824 = tpu.memref_slice %arg4[%dma_start3A_2823, %multiple_of3A_2810] : memref<32x1000000xf32, #tpu.memory_space<hbm>> -> memref<8x128xf32, #tpu.memory_space<hbm>>
        tpu.enqueue_dma source(%dma_start3A_2824 : memref<8x128xf32, #tpu.memory_space<hbm>>) target(%dma_start3A_2822 : memref<8x128xf32, #tpu.memory_space<vmem>>) target_semaphore(%arg12 : memref<!tpu.dma_semaphore, #tpu.memory_space<semaphore_mem>>)
        %multiple_of3A_2825 = tpu.assume_multiple %mul3A_2779, 128 : i32
        %dma_start3A_2826 = arith.constant 0 : i32
        %dma_start3A_2827 = arith.constant 2 : i32
        %dma_start3A_2828 = arith.constant 8 : i32
        %dma_start3A_2829 = arith.constant 0 : i32
        %dma_start3A_2830 = tpu.memref_slice %arg10[%dma_start3A_2826, %dma_start3A_2827, %dma_start3A_2828, %dma_start3A_2829] : memref<2x4x32x128xf32, #tpu.memory_space<vmem>> -> memref<1x1x8x128xf32, #tpu.memory_space<vmem>>
        %dma_start3A_2831 = tpu.memref_squeeze %dma_start3A_2830 : memref<1x1x8x128xf32, #tpu.memory_space<vmem>> -> memref<8x128xf32, #tpu.memory_space<vmem>>
        %dma_start3A_2832 = arith.constant 8 : i32
        %dma_start3A_2833 = tpu.memref_slice %arg5[%dma_start3A_2832, %multiple_of3A_2825] : memref<32x1000000xf32, #tpu.memory_space<hbm>> -> memref<8x128xf32, #tpu.memory_space<hbm>>
        %dma_start3A_2834 = arith.constant 8 : i32
        %dma_start3A_2835 = arith.constant 0 : i32
        %dma_start3A_2836 = tpu.memref_slice %arg10[%dma_start3A_2826, %dma_start3A_2827, %dma_start3A_2834, %dma_start3A_2835] : memref<2x4x32x128xf32, #tpu.memory_space<vmem>> -> memref<1x1x8x128xf32, #tpu.memory_space<vmem>>
        %dma_start3A_2837 = tpu.memref_squeeze %dma_start3A_2836 : memref<1x1x8x128xf32, #tpu.memory_space<vmem>> -> memref<8x128xf32, #tpu.memory_space<vmem>>
        %dma_start3A_2838 = arith.constant 8 : i32
        %dma_start3A_2839 = tpu.memref_slice %arg5[%dma_start3A_2838, %multiple_of3A_2825] : memref<32x1000000xf32, #tpu.memory_space<hbm>> -> memref<8x128xf32, #tpu.memory_space<hbm>>
        tpu.enqueue_dma source(%dma_start3A_2839 : memref<8x128xf32, #tpu.memory_space<hbm>>) target(%dma_start3A_2837 : memref<8x128xf32, #tpu.memory_space<vmem>>) target_semaphore(%arg12 : memref<!tpu.dma_semaphore, #tpu.memory_space<semaphore_mem>>)
        %multiple_of3A_2840 = tpu.assume_multiple %mul3A_2751, 128 : i32
        %dma_start3A_2841 = arith.constant 0 : i32
        %dma_start3A_2842 = arith.constant 2 : i32
        %dma_start3A_2843 = arith.constant 16 : i32
        %dma_start3A_2844 = arith.constant 0 : i32
        %dma_start3A_2845 = tpu.memref_slice %arg9[%dma_start3A_2841, %dma_start3A_2842, %dma_start3A_2843, %dma_start3A_2844] : memref<2x4x32x128xf32, #tpu.memory_space<vmem>> -> memref<1x1x8x128xf32, #tpu.memory_space<vmem>>
        %dma_start3A_2846 = tpu.memref_squeeze %dma_start3A_2845 : memref<1x1x8x128xf32, #tpu.memory_space<vmem>> -> memref<8x128xf32, #tpu.memory_space<vmem>>
        %dma_start3A_2847 = arith.constant 16 : i32
        %dma_start3A_2848 = tpu.memref_slice %arg4[%dma_start3A_2847, %multiple_of3A_2840] : memref<32x1000000xf32, #tpu.memory_space<hbm>> -> memref<8x128xf32, #tpu.memory_space<hbm>>
        %dma_start3A_2849 = arith.constant 16 : i32
        %dma_start3A_2850 = arith.constant 0 : i32
        %dma_start3A_2851 = tpu.memref_slice %arg9[%dma_start3A_2841, %dma_start3A_2842, %dma_start3A_2849, %dma_start3A_2850] : memref<2x4x32x128xf32, #tpu.memory_space<vmem>> -> memref<1x1x8x128xf32, #tpu.memory_space<vmem>>
        %dma_start3A_2852 = tpu.memref_squeeze %dma_start3A_2851 : memref<1x1x8x128xf32, #tpu.memory_space<vmem>> -> memref<8x128xf32, #tpu.memory_space<vmem>>
        %dma_start3A_2853 = arith.constant 16 : i32
        %dma_start3A_2854 = tpu.memref_slice %arg4[%dma_start3A_2853, %multiple_of3A_2840] : memref<32x1000000xf32, #tpu.memory_space<hbm>> -> memref<8x128xf32, #tpu.memory_space<hbm>>
        tpu.enqueue_dma source(%dma_start3A_2854 : memref<8x128xf32, #tpu.memory_space<hbm>>) target(%dma_start3A_2852 : memref<8x128xf32, #tpu.memory_space<vmem>>) target_semaphore(%arg12 : memref<!tpu.dma_semaphore, #tpu.memory_space<semaphore_mem>>)
        %multiple_of3A_2855 = tpu.assume_multiple %mul3A_2779, 128 : i32
        %dma_start3A_2856 = arith.constant 0 : i32
        %dma_start3A_2857 = arith.constant 2 : i32
        %dma_start3A_2858 = arith.constant 16 : i32
        %dma_start3A_2859 = arith.constant 0 : i32
        %dma_start3A_2860 = tpu.memref_slice %arg10[%dma_start3A_2856, %dma_start3A_2857, %dma_start3A_2858, %dma_start3A_2859] : memref<2x4x32x128xf32, #tpu.memory_space<vmem>> -> memref<1x1x8x128xf32, #tpu.memory_space<vmem>>
        %dma_start3A_2861 = tpu.memref_squeeze %dma_start3A_2860 : memref<1x1x8x128xf32, #tpu.memory_space<vmem>> -> memref<8x128xf32, #tpu.memory_space<vmem>>
        %dma_start3A_2862 = arith.constant 16 : i32
        %dma_start3A_2863 = tpu.memref_slice %arg5[%dma_start3A_2862, %multiple_of3A_2855] : memref<32x1000000xf32, #tpu.memory_space<hbm>> -> memref<8x128xf32, #tpu.memory_space<hbm>>
        %dma_start3A_2864 = arith.constant 16 : i32
        %dma_start3A_2865 = arith.constant 0 : i32
        %dma_start3A_2866 = tpu.memref_slice %arg10[%dma_start3A_2856, %dma_start3A_2857, %dma_start3A_2864, %dma_start3A_2865] : memref<2x4x32x128xf32, #tpu.memory_space<vmem>> -> memref<1x1x8x128xf32, #tpu.memory_space<vmem>>
        %dma_start3A_2867 = tpu.memref_squeeze %dma_start3A_2866 : memref<1x1x8x128xf32, #tpu.memory_space<vmem>> -> memref<8x128xf32, #tpu.memory_space<vmem>>
        %dma_start3A_2868 = arith.constant 16 : i32
        %dma_start3A_2869 = tpu.memref_slice %arg5[%dma_start3A_2868, %multiple_of3A_2855] : memref<32x1000000xf32, #tpu.memory_space<hbm>> -> memref<8x128xf32, #tpu.memory_space<hbm>>
        tpu.enqueue_dma source(%dma_start3A_2869 : memref<8x128xf32, #tpu.memory_space<hbm>>) target(%dma_start3A_2867 : memref<8x128xf32, #tpu.memory_space<vmem>>) target_semaphore(%arg12 : memref<!tpu.dma_semaphore, #tpu.memory_space<semaphore_mem>>)
        %multiple_of3A_2870 = tpu.assume_multiple %mul3A_2751, 128 : i32
        %dma_start3A_2871 = arith.constant 0 : i32
        %dma_start3A_2872 = arith.constant 2 : i32
        %dma_start3A_2873 = arith.constant 24 : i32
        %dma_start3A_2874 = arith.constant 0 : i32
        %dma_start3A_2875 = tpu.memref_slice %arg9[%dma_start3A_2871, %dma_start3A_2872, %dma_start3A_2873, %dma_start3A_2874] : memref<2x4x32x128xf32, #tpu.memory_space<vmem>> -> memref<1x1x8x128xf32, #tpu.memory_space<vmem>>
        %dma_start3A_2876 = tpu.memref_squeeze %dma_start3A_2875 : memref<1x1x8x128xf32, #tpu.memory_space<vmem>> -> memref<8x128xf32, #tpu.memory_space<vmem>>
        %dma_start3A_2877 = arith.constant 24 : i32
        %dma_start3A_2878 = tpu.memref_slice %arg4[%dma_start3A_2877, %multiple_of3A_2870] : memref<32x1000000xf32, #tpu.memory_space<hbm>> -> memref<8x128xf32, #tpu.memory_space<hbm>>
        %dma_start3A_2879 = arith.constant 24 : i32
        %dma_start3A_2880 = arith.constant 0 : i32
        %dma_start3A_2881 = tpu.memref_slice %arg9[%dma_start3A_2871, %dma_start3A_2872, %dma_start3A_2879, %dma_start3A_2880] : memref<2x4x32x128xf32, #tpu.memory_space<vmem>> -> memref<1x1x8x128xf32, #tpu.memory_space<vmem>>
        %dma_start3A_2882 = tpu.memref_squeeze %dma_start3A_2881 : memref<1x1x8x128xf32, #tpu.memory_space<vmem>> -> memref<8x128xf32, #tpu.memory_space<vmem>>
        %dma_start3A_2883 = arith.constant 24 : i32
        %dma_start3A_2884 = tpu.memref_slice %arg4[%dma_start3A_2883, %multiple_of3A_2870] : memref<32x1000000xf32, #tpu.memory_space<hbm>> -> memref<8x128xf32, #tpu.memory_space<hbm>>
        tpu.enqueue_dma source(%dma_start3A_2884 : memref<8x128xf32, #tpu.memory_space<hbm>>) target(%dma_start3A_2882 : memref<8x128xf32, #tpu.memory_space<vmem>>) target_semaphore(%arg12 : memref<!tpu.dma_semaphore, #tpu.memory_space<semaphore_mem>>)
        %multiple_of3A_2885 = tpu.assume_multiple %mul3A_2779, 128 : i32
        %dma_start3A_2886 = arith.constant 0 : i32
        %dma_start3A_2887 = arith.constant 2 : i32
        %dma_start3A_2888 = arith.constant 24 : i32
        %dma_start3A_2889 = arith.constant 0 : i32
        %dma_start3A_2890 = tpu.memref_slice %arg10[%dma_start3A_2886, %dma_start3A_2887, %dma_start3A_2888, %dma_start3A_2889] : memref<2x4x32x128xf32, #tpu.memory_space<vmem>> -> memref<1x1x8x128xf32, #tpu.memory_space<vmem>>
        %dma_start3A_2891 = tpu.memref_squeeze %dma_start3A_2890 : memref<1x1x8x128xf32, #tpu.memory_space<vmem>> -> memref<8x128xf32, #tpu.memory_space<vmem>>
        %dma_start3A_2892 = arith.constant 24 : i32
        %dma_start3A_2893 = tpu.memref_slice %arg5[%dma_start3A_2892, %multiple_of3A_2885] : memref<32x1000000xf32, #tpu.memory_space<hbm>> -> memref<8x128xf32, #tpu.memory_space<hbm>>
        %dma_start3A_2894 = arith.constant 24 : i32
        %dma_start3A_2895 = arith.constant 0 : i32
        %dma_start3A_2896 = tpu.memref_slice %arg10[%dma_start3A_2886, %dma_start3A_2887, %dma_start3A_2894, %dma_start3A_2895] : memref<2x4x32x128xf32, #tpu.memory_space<vmem>> -> memref<1x1x8x128xf32, #tpu.memory_space<vmem>>
        %dma_start3A_2897 = tpu.memref_squeeze %dma_start3A_2896 : memref<1x1x8x128xf32, #tpu.memory_space<vmem>> -> memref<8x128xf32, #tpu.memory_space<vmem>>
        %dma_start3A_2898 = arith.constant 24 : i32
        %dma_start3A_2899 = tpu.memref_slice %arg5[%dma_start3A_2898, %multiple_of3A_2885] : memref<32x1000000xf32, #tpu.memory_space<hbm>> -> memref<8x128xf32, #tpu.memory_space<hbm>>
        tpu.enqueue_dma source(%dma_start3A_2899 : memref<8x128xf32, #tpu.memory_space<hbm>>) target(%dma_start3A_2897 : memref<8x128xf32, #tpu.memory_space<vmem>>) target_semaphore(%arg12 : memref<!tpu.dma_semaphore, #tpu.memory_space<semaphore_mem>>)
        %slice3A_2900 = vector.extract_strided_slice %get3A_2367 {offsets = [3], sizes = [1], strides = [1]} : vector<16xi32> to vector<1xi32>
        %squeeze3A_2901 = vector.extract %slice3A_2900[0] : i32 from vector<1xi32>
        %jit3A_2902 = arith.constant 128 : i32
        %div3A_2903 = arith.divsi %squeeze3A_2901, %jit3A_2902 : i32
        %sign3A_2904 = arith.constant 0 : i32
        %sign3A_2905 = arith.cmpi sgt, %squeeze3A_2901, %sign3A_2904 : i32
        %sign3A_2906 = arith.extui %sign3A_2905 : i1 to i32
        %sign3A_2907 = arith.constant 0 : i32
        %sign3A_2908 = arith.cmpi slt, %squeeze3A_2901, %sign3A_2907 : i32
        %sign3A_2909 = arith.extui %sign3A_2908 : i1 to i32
        %sign3A_2910 = arith.subi %sign3A_2906, %sign3A_2909 : i32
        %sign3A_2911 = arith.constant 0 : i32
        %sign3A_2912 = arith.cmpi sgt, %jit3A_2902, %sign3A_2911 : i32
        %sign3A_2913 = arith.extui %sign3A_2912 : i1 to i32
        %sign3A_2914 = arith.constant 0 : i32
        %sign3A_2915 = arith.cmpi slt, %jit3A_2902, %sign3A_2914 : i32
        %sign3A_2916 = arith.extui %sign3A_2915 : i1 to i32
        %sign3A_2917 = arith.subi %sign3A_2913, %sign3A_2916 : i32
        %ne3A_2918 = arith.cmpi ne, %sign3A_2910, %sign3A_2917 : i32
        %rem3A_2919 = arith.remsi %squeeze3A_2901, %jit3A_2902 : i32
        %ne3A_2920 = arith.constant 0 : i32
        %ne3A_2921 = arith.cmpi ne, %rem3A_2919, %ne3A_2920 : i32
        %and3A_2922 = arith.andi %ne3A_2918, %ne3A_2921 : i1
        %sub3A_2923 = arith.constant 1 : i32
        %sub3A_2924 = arith.subi %div3A_2903, %sub3A_2923 : i32
        %select_n3A_2925 = arith.select %and3A_2922, %sub3A_2924, %div3A_2903 : i32
        %mul3A_2926 = arith.constant 128 : i32
        %mul3A_2927 = arith.muli %select_n3A_2925, %mul3A_2926 : i32
        %slice3A_2928 = vector.extract_strided_slice %get3A_2371 {offsets = [3], sizes = [1], strides = [1]} : vector<16xi32> to vector<1xi32>
        %squeeze3A_2929 = vector.extract %slice3A_2928[0] : i32 from vector<1xi32>
        %jit3A_2930 = arith.constant 128 : i32
        %div3A_2931 = arith.divsi %squeeze3A_2929, %jit3A_2930 : i32
        %sign3A_2932 = arith.constant 0 : i32
        %sign3A_2933 = arith.cmpi sgt, %squeeze3A_2929, %sign3A_2932 : i32
        %sign3A_2934 = arith.extui %sign3A_2933 : i1 to i32
        %sign3A_2935 = arith.constant 0 : i32
        %sign3A_2936 = arith.cmpi slt, %squeeze3A_2929, %sign3A_2935 : i32
        %sign3A_2937 = arith.extui %sign3A_2936 : i1 to i32
        %sign3A_2938 = arith.subi %sign3A_2934, %sign3A_2937 : i32
        %sign3A_2939 = arith.constant 0 : i32
        %sign3A_2940 = arith.cmpi sgt, %jit3A_2930, %sign3A_2939 : i32
        %sign3A_2941 = arith.extui %sign3A_2940 : i1 to i32
        %sign3A_2942 = arith.constant 0 : i32
        %sign3A_2943 = arith.cmpi slt, %jit3A_2930, %sign3A_2942 : i32
        %sign3A_2944 = arith.extui %sign3A_2943 : i1 to i32
        %sign3A_2945 = arith.subi %sign3A_2941, %sign3A_2944 : i32
        %ne3A_2946 = arith.cmpi ne, %sign3A_2938, %sign3A_2945 : i32
        %rem3A_2947 = arith.remsi %squeeze3A_2929, %jit3A_2930 : i32
        %ne3A_2948 = arith.constant 0 : i32
        %ne3A_2949 = arith.cmpi ne, %rem3A_2947, %ne3A_2948 : i32
        %and3A_2950 = arith.andi %ne3A_2946, %ne3A_2949 : i1
        %sub3A_2951 = arith.constant 1 : i32
        %sub3A_2952 = arith.subi %div3A_2931, %sub3A_2951 : i32
        %select_n3A_2953 = arith.select %and3A_2950, %sub3A_2952, %div3A_2931 : i32
        %mul3A_2954 = arith.constant 128 : i32
        %mul3A_2955 = arith.muli %select_n3A_2953, %mul3A_2954 : i32
        %multiple_of3A_2956 = tpu.assume_multiple %mul3A_2927, 128 : i32
        %dma_start3A_2957 = arith.constant 0 : i32
        %dma_start3A_2958 = arith.constant 3 : i32
        %dma_start3A_2959 = arith.constant 0 : i32
        %dma_start3A_2960 = arith.constant 0 : i32
        %dma_start3A_2961 = tpu.memref_slice %arg9[%dma_start3A_2957, %dma_start3A_2958, %dma_start3A_2959, %dma_start3A_2960] : memref<2x4x32x128xf32, #tpu.memory_space<vmem>> -> memref<1x1x8x128xf32, #tpu.memory_space<vmem>>
        %dma_start3A_2962 = tpu.memref_squeeze %dma_start3A_2961 : memref<1x1x8x128xf32, #tpu.memory_space<vmem>> -> memref<8x128xf32, #tpu.memory_space<vmem>>
        %dma_start3A_2963 = arith.constant 0 : i32
        %dma_start3A_2964 = tpu.memref_slice %arg4[%dma_start3A_2963, %multiple_of3A_2956] : memref<32x1000000xf32, #tpu.memory_space<hbm>> -> memref<8x128xf32, #tpu.memory_space<hbm>>
        %dma_start3A_2965 = arith.constant 0 : i32
        %dma_start3A_2966 = arith.constant 0 : i32
        %dma_start3A_2967 = tpu.memref_slice %arg9[%dma_start3A_2957, %dma_start3A_2958, %dma_start3A_2965, %dma_start3A_2966] : memref<2x4x32x128xf32, #tpu.memory_space<vmem>> -> memref<1x1x8x128xf32, #tpu.memory_space<vmem>>
        %dma_start3A_2968 = tpu.memref_squeeze %dma_start3A_2967 : memref<1x1x8x128xf32, #tpu.memory_space<vmem>> -> memref<8x128xf32, #tpu.memory_space<vmem>>
        %dma_start3A_2969 = arith.constant 0 : i32
        %dma_start3A_2970 = tpu.memref_slice %arg4[%dma_start3A_2969, %multiple_of3A_2956] : memref<32x1000000xf32, #tpu.memory_space<hbm>> -> memref<8x128xf32, #tpu.memory_space<hbm>>
        tpu.enqueue_dma source(%dma_start3A_2970 : memref<8x128xf32, #tpu.memory_space<hbm>>) target(%dma_start3A_2968 : memref<8x128xf32, #tpu.memory_space<vmem>>) target_semaphore(%arg12 : memref<!tpu.dma_semaphore, #tpu.memory_space<semaphore_mem>>)
        %multiple_of3A_2971 = tpu.assume_multiple %mul3A_2955, 128 : i32
        %dma_start3A_2972 = arith.constant 0 : i32
        %dma_start3A_2973 = arith.constant 3 : i32
        %dma_start3A_2974 = arith.constant 0 : i32
        %dma_start3A_2975 = arith.constant 0 : i32
        %dma_start3A_2976 = tpu.memref_slice %arg10[%dma_start3A_2972, %dma_start3A_2973, %dma_start3A_2974, %dma_start3A_2975] : memref<2x4x32x128xf32, #tpu.memory_space<vmem>> -> memref<1x1x8x128xf32, #tpu.memory_space<vmem>>
        %dma_start3A_2977 = tpu.memref_squeeze %dma_start3A_2976 : memref<1x1x8x128xf32, #tpu.memory_space<vmem>> -> memref<8x128xf32, #tpu.memory_space<vmem>>
        %dma_start3A_2978 = arith.constant 0 : i32
        %dma_start3A_2979 = tpu.memref_slice %arg5[%dma_start3A_2978, %multiple_of3A_2971] : memref<32x1000000xf32, #tpu.memory_space<hbm>> -> memref<8x128xf32, #tpu.memory_space<hbm>>
        %dma_start3A_2980 = arith.constant 0 : i32
        %dma_start3A_2981 = arith.constant 0 : i32
        %dma_start3A_2982 = tpu.memref_slice %arg10[%dma_start3A_2972, %dma_start3A_2973, %dma_start3A_2980, %dma_start3A_2981] : memref<2x4x32x128xf32, #tpu.memory_space<vmem>> -> memref<1x1x8x128xf32, #tpu.memory_space<vmem>>
        %dma_start3A_2983 = tpu.memref_squeeze %dma_start3A_2982 : memref<1x1x8x128xf32, #tpu.memory_space<vmem>> -> memref<8x128xf32, #tpu.memory_space<vmem>>
        %dma_start3A_2984 = arith.constant 0 : i32
        %dma_start3A_2985 = tpu.memref_slice %arg5[%dma_start3A_2984, %multiple_of3A_2971] : memref<32x1000000xf32, #tpu.memory_space<hbm>> -> memref<8x128xf32, #tpu.memory_space<hbm>>
        tpu.enqueue_dma source(%dma_start3A_2985 : memref<8x128xf32, #tpu.memory_space<hbm>>) target(%dma_start3A_2983 : memref<8x128xf32, #tpu.memory_space<vmem>>) target_semaphore(%arg12 : memref<!tpu.dma_semaphore, #tpu.memory_space<semaphore_mem>>)
        %multiple_of3A_2986 = tpu.assume_multiple %mul3A_2927, 128 : i32
        %dma_start3A_2987 = arith.constant 0 : i32
        %dma_start3A_2988 = arith.constant 3 : i32
        %dma_start3A_2989 = arith.constant 8 : i32
        %dma_start3A_2990 = arith.constant 0 : i32
        %dma_start3A_2991 = tpu.memref_slice %arg9[%dma_start3A_2987, %dma_start3A_2988, %dma_start3A_2989, %dma_start3A_2990] : memref<2x4x32x128xf32, #tpu.memory_space<vmem>> -> memref<1x1x8x128xf32, #tpu.memory_space<vmem>>
        %dma_start3A_2992 = tpu.memref_squeeze %dma_start3A_2991 : memref<1x1x8x128xf32, #tpu.memory_space<vmem>> -> memref<8x128xf32, #tpu.memory_space<vmem>>
        %dma_start3A_2993 = arith.constant 8 : i32
        %dma_start3A_2994 = tpu.memref_slice %arg4[%dma_start3A_2993, %multiple_of3A_2986] : memref<32x1000000xf32, #tpu.memory_space<hbm>> -> memref<8x128xf32, #tpu.memory_space<hbm>>
        %dma_start3A_2995 = arith.constant 8 : i32
        %dma_start3A_2996 = arith.constant 0 : i32
        %dma_start3A_2997 = tpu.memref_slice %arg9[%dma_start3A_2987, %dma_start3A_2988, %dma_start3A_2995, %dma_start3A_2996] : memref<2x4x32x128xf32, #tpu.memory_space<vmem>> -> memref<1x1x8x128xf32, #tpu.memory_space<vmem>>
        %dma_start3A_2998 = tpu.memref_squeeze %dma_start3A_2997 : memref<1x1x8x128xf32, #tpu.memory_space<vmem>> -> memref<8x128xf32, #tpu.memory_space<vmem>>
        %dma_start3A_2999 = arith.constant 8 : i32
        %dma_start3A_3000 = tpu.memref_slice %arg4[%dma_start3A_2999, %multiple_of3A_2986] : memref<32x1000000xf32, #tpu.memory_space<hbm>> -> memref<8x128xf32, #tpu.memory_space<hbm>>
        tpu.enqueue_dma source(%dma_start3A_3000 : memref<8x128xf32, #tpu.memory_space<hbm>>) target(%dma_start3A_2998 : memref<8x128xf32, #tpu.memory_space<vmem>>) target_semaphore(%arg12 : memref<!tpu.dma_semaphore, #tpu.memory_space<semaphore_mem>>)
        %multiple_of3A_3001 = tpu.assume_multiple %mul3A_2955, 128 : i32
        %dma_start3A_3002 = arith.constant 0 : i32
        %dma_start3A_3003 = arith.constant 3 : i32
        %dma_start3A_3004 = arith.constant 8 : i32
        %dma_start3A_3005 = arith.constant 0 : i32
        %dma_start3A_3006 = tpu.memref_slice %arg10[%dma_start3A_3002, %dma_start3A_3003, %dma_start3A_3004, %dma_start3A_3005] : memref<2x4x32x128xf32, #tpu.memory_space<vmem>> -> memref<1x1x8x128xf32, #tpu.memory_space<vmem>>
        %dma_start3A_3007 = tpu.memref_squeeze %dma_start3A_3006 : memref<1x1x8x128xf32, #tpu.memory_space<vmem>> -> memref<8x128xf32, #tpu.memory_space<vmem>>
        %dma_start3A_3008 = arith.constant 8 : i32
        %dma_start3A_3009 = tpu.memref_slice %arg5[%dma_start3A_3008, %multiple_of3A_3001] : memref<32x1000000xf32, #tpu.memory_space<hbm>> -> memref<8x128xf32, #tpu.memory_space<hbm>>
        %dma_start3A_3010 = arith.constant 8 : i32
        %dma_start3A_3011 = arith.constant 0 : i32
        %dma_start3A_3012 = tpu.memref_slice %arg10[%dma_start3A_3002, %dma_start3A_3003, %dma_start3A_3010, %dma_start3A_3011] : memref<2x4x32x128xf32, #tpu.memory_space<vmem>> -> memref<1x1x8x128xf32, #tpu.memory_space<vmem>>
        %dma_start3A_3013 = tpu.memref_squeeze %dma_start3A_3012 : memref<1x1x8x128xf32, #tpu.memory_space<vmem>> -> memref<8x128xf32, #tpu.memory_space<vmem>>
        %dma_start3A_3014 = arith.constant 8 : i32
        %dma_start3A_3015 = tpu.memref_slice %arg5[%dma_start3A_3014, %multiple_of3A_3001] : memref<32x1000000xf32, #tpu.memory_space<hbm>> -> memref<8x128xf32, #tpu.memory_space<hbm>>
        tpu.enqueue_dma source(%dma_start3A_3015 : memref<8x128xf32, #tpu.memory_space<hbm>>) target(%dma_start3A_3013 : memref<8x128xf32, #tpu.memory_space<vmem>>) target_semaphore(%arg12 : memref<!tpu.dma_semaphore, #tpu.memory_space<semaphore_mem>>)
        %multiple_of3A_3016 = tpu.assume_multiple %mul3A_2927, 128 : i32
        %dma_start3A_3017 = arith.constant 0 : i32
        %dma_start3A_3018 = arith.constant 3 : i32
        %dma_start3A_3019 = arith.constant 16 : i32
        %dma_start3A_3020 = arith.constant 0 : i32
        %dma_start3A_3021 = tpu.memref_slice %arg9[%dma_start3A_3017, %dma_start3A_3018, %dma_start3A_3019, %dma_start3A_3020] : memref<2x4x32x128xf32, #tpu.memory_space<vmem>> -> memref<1x1x8x128xf32, #tpu.memory_space<vmem>>
        %dma_start3A_3022 = tpu.memref_squeeze %dma_start3A_3021 : memref<1x1x8x128xf32, #tpu.memory_space<vmem>> -> memref<8x128xf32, #tpu.memory_space<vmem>>
        %dma_start3A_3023 = arith.constant 16 : i32
        %dma_start3A_3024 = tpu.memref_slice %arg4[%dma_start3A_3023, %multiple_of3A_3016] : memref<32x1000000xf32, #tpu.memory_space<hbm>> -> memref<8x128xf32, #tpu.memory_space<hbm>>
        %dma_start3A_3025 = arith.constant 16 : i32
        %dma_start3A_3026 = arith.constant 0 : i32
        %dma_start3A_3027 = tpu.memref_slice %arg9[%dma_start3A_3017, %dma_start3A_3018, %dma_start3A_3025, %dma_start3A_3026] : memref<2x4x32x128xf32, #tpu.memory_space<vmem>> -> memref<1x1x8x128xf32, #tpu.memory_space<vmem>>
        %dma_start3A_3028 = tpu.memref_squeeze %dma_start3A_3027 : memref<1x1x8x128xf32, #tpu.memory_space<vmem>> -> memref<8x128xf32, #tpu.memory_space<vmem>>
        %dma_start3A_3029 = arith.constant 16 : i32
        %dma_start3A_3030 = tpu.memref_slice %arg4[%dma_start3A_3029, %multiple_of3A_3016] : memref<32x1000000xf32, #tpu.memory_space<hbm>> -> memref<8x128xf32, #tpu.memory_space<hbm>>
        tpu.enqueue_dma source(%dma_start3A_3030 : memref<8x128xf32, #tpu.memory_space<hbm>>) target(%dma_start3A_3028 : memref<8x128xf32, #tpu.memory_space<vmem>>) target_semaphore(%arg12 : memref<!tpu.dma_semaphore, #tpu.memory_space<semaphore_mem>>)
        %multiple_of3A_3031 = tpu.assume_multiple %mul3A_2955, 128 : i32
        %dma_start3A_3032 = arith.constant 0 : i32
        %dma_start3A_3033 = arith.constant 3 : i32
        %dma_start3A_3034 = arith.constant 16 : i32
        %dma_start3A_3035 = arith.constant 0 : i32
        %dma_start3A_3036 = tpu.memref_slice %arg10[%dma_start3A_3032, %dma_start3A_3033, %dma_start3A_3034, %dma_start3A_3035] : memref<2x4x32x128xf32, #tpu.memory_space<vmem>> -> memref<1x1x8x128xf32, #tpu.memory_space<vmem>>
        %dma_start3A_3037 = tpu.memref_squeeze %dma_start3A_3036 : memref<1x1x8x128xf32, #tpu.memory_space<vmem>> -> memref<8x128xf32, #tpu.memory_space<vmem>>
        %dma_start3A_3038 = arith.constant 16 : i32
        %dma_start3A_3039 = tpu.memref_slice %arg5[%dma_start3A_3038, %multiple_of3A_3031] : memref<32x1000000xf32, #tpu.memory_space<hbm>> -> memref<8x128xf32, #tpu.memory_space<hbm>>
        %dma_start3A_3040 = arith.constant 16 : i32
        %dma_start3A_3041 = arith.constant 0 : i32
        %dma_start3A_3042 = tpu.memref_slice %arg10[%dma_start3A_3032, %dma_start3A_3033, %dma_start3A_3040, %dma_start3A_3041] : memref<2x4x32x128xf32, #tpu.memory_space<vmem>> -> memref<1x1x8x128xf32, #tpu.memory_space<vmem>>
        %dma_start3A_3043 = tpu.memref_squeeze %dma_start3A_3042 : memref<1x1x8x128xf32, #tpu.memory_space<vmem>> -> memref<8x128xf32, #tpu.memory_space<vmem>>
        %dma_start3A_3044 = arith.constant 16 : i32
        %dma_start3A_3045 = tpu.memref_slice %arg5[%dma_start3A_3044, %multiple_of3A_3031] : memref<32x1000000xf32, #tpu.memory_space<hbm>> -> memref<8x128xf32, #tpu.memory_space<hbm>>
        tpu.enqueue_dma source(%dma_start3A_3045 : memref<8x128xf32, #tpu.memory_space<hbm>>) target(%dma_start3A_3043 : memref<8x128xf32, #tpu.memory_space<vmem>>) target_semaphore(%arg12 : memref<!tpu.dma_semaphore, #tpu.memory_space<semaphore_mem>>)
        %multiple_of3A_3046 = tpu.assume_multiple %mul3A_2927, 128 : i32
        %dma_start3A_3047 = arith.constant 0 : i32
        %dma_start3A_3048 = arith.constant 3 : i32
        %dma_start3A_3049 = arith.constant 24 : i32
        %dma_start3A_3050 = arith.constant 0 : i32
        %dma_start3A_3051 = tpu.memref_slice %arg9[%dma_start3A_3047, %dma_start3A_3048, %dma_start3A_3049, %dma_start3A_3050] : memref<2x4x32x128xf32, #tpu.memory_space<vmem>> -> memref<1x1x8x128xf32, #tpu.memory_space<vmem>>
        %dma_start3A_3052 = tpu.memref_squeeze %dma_start3A_3051 : memref<1x1x8x128xf32, #tpu.memory_space<vmem>> -> memref<8x128xf32, #tpu.memory_space<vmem>>
        %dma_start3A_3053 = arith.constant 24 : i32
        %dma_start3A_3054 = tpu.memref_slice %arg4[%dma_start3A_3053, %multiple_of3A_3046] : memref<32x1000000xf32, #tpu.memory_space<hbm>> -> memref<8x128xf32, #tpu.memory_space<hbm>>
        %dma_start3A_3055 = arith.constant 24 : i32
        %dma_start3A_3056 = arith.constant 0 : i32
        %dma_start3A_3057 = tpu.memref_slice %arg9[%dma_start3A_3047, %dma_start3A_3048, %dma_start3A_3055, %dma_start3A_3056] : memref<2x4x32x128xf32, #tpu.memory_space<vmem>> -> memref<1x1x8x128xf32, #tpu.memory_space<vmem>>
        %dma_start3A_3058 = tpu.memref_squeeze %dma_start3A_3057 : memref<1x1x8x128xf32, #tpu.memory_space<vmem>> -> memref<8x128xf32, #tpu.memory_space<vmem>>
        %dma_start3A_3059 = arith.constant 24 : i32
        %dma_start3A_3060 = tpu.memref_slice %arg4[%dma_start3A_3059, %multiple_of3A_3046] : memref<32x1000000xf32, #tpu.memory_space<hbm>> -> memref<8x128xf32, #tpu.memory_space<hbm>>
        tpu.enqueue_dma source(%dma_start3A_3060 : memref<8x128xf32, #tpu.memory_space<hbm>>) target(%dma_start3A_3058 : memref<8x128xf32, #tpu.memory_space<vmem>>) target_semaphore(%arg12 : memref<!tpu.dma_semaphore, #tpu.memory_space<semaphore_mem>>)
        %multiple_of3A_3061 = tpu.assume_multiple %mul3A_2955, 128 : i32
        %dma_start3A_3062 = arith.constant 0 : i32
        %dma_start3A_3063 = arith.constant 3 : i32
        %dma_start3A_3064 = arith.constant 24 : i32
        %dma_start3A_3065 = arith.constant 0 : i32
        %dma_start3A_3066 = tpu.memref_slice %arg10[%dma_start3A_3062, %dma_start3A_3063, %dma_start3A_3064, %dma_start3A_3065] : memref<2x4x32x128xf32, #tpu.memory_space<vmem>> -> memref<1x1x8x128xf32, #tpu.memory_space<vmem>>
        %dma_start3A_3067 = tpu.memref_squeeze %dma_start3A_3066 : memref<1x1x8x128xf32, #tpu.memory_space<vmem>> -> memref<8x128xf32, #tpu.memory_space<vmem>>
        %dma_start3A_3068 = arith.constant 24 : i32
        %dma_start3A_3069 = tpu.memref_slice %arg5[%dma_start3A_3068, %multiple_of3A_3061] : memref<32x1000000xf32, #tpu.memory_space<hbm>> -> memref<8x128xf32, #tpu.memory_space<hbm>>
        %dma_start3A_3070 = arith.constant 24 : i32
        %dma_start3A_3071 = arith.constant 0 : i32
        %dma_start3A_3072 = tpu.memref_slice %arg10[%dma_start3A_3062, %dma_start3A_3063, %dma_start3A_3070, %dma_start3A_3071] : memref<2x4x32x128xf32, #tpu.memory_space<vmem>> -> memref<1x1x8x128xf32, #tpu.memory_space<vmem>>
        %dma_start3A_3073 = tpu.memref_squeeze %dma_start3A_3072 : memref<1x1x8x128xf32, #tpu.memory_space<vmem>> -> memref<8x128xf32, #tpu.memory_space<vmem>>
        %dma_start3A_3074 = arith.constant 24 : i32
        %dma_start3A_3075 = tpu.memref_slice %arg5[%dma_start3A_3074, %multiple_of3A_3061] : memref<32x1000000xf32, #tpu.memory_space<hbm>> -> memref<8x128xf32, #tpu.memory_space<hbm>>
        tpu.enqueue_dma source(%dma_start3A_3075 : memref<8x128xf32, #tpu.memory_space<hbm>>) target(%dma_start3A_3073 : memref<8x128xf32, #tpu.memory_space<vmem>>) target_semaphore(%arg12 : memref<!tpu.dma_semaphore, #tpu.memory_space<semaphore_mem>>)
      } else {
      }
      %dma_wait3A_1538 = arith.constant 1 : i32
      %dma_wait3A_1539 = arith.constant 0 : i32
      %dma_wait3A_1540 = arith.constant 0 : i32
      %dma_wait3A_1541 = arith.constant 0 : i32
      %dma_wait3A_1542 = tpu.memref_slice %arg9[%dma_wait3A_1538, %dma_wait3A_1539, %dma_wait3A_1540, %dma_wait3A_1541] : memref<2x4x32x128xf32, #tpu.memory_space<vmem>> -> memref<1x4x32x128xf32, #tpu.memory_space<vmem>>
      %dma_wait3A_1543 = tpu.memref_squeeze %dma_wait3A_1542 : memref<1x4x32x128xf32, #tpu.memory_space<vmem>> -> memref<4x32x128xf32, #tpu.memory_space<vmem>>
      %dma_wait3A_1544 = arith.constant 0 : i32
      %dma_wait3A_1545 = arith.constant 0 : i32
      %dma_wait3A_1546 = tpu.memref_slice %arg4[%dma_wait3A_1544, %dma_wait3A_1545] : memref<32x1000000xf32, #tpu.memory_space<hbm>> -> memref<128x128xf32, #tpu.memory_space<hbm>>
      %dma_wait3A_1547 = arith.constant 0 : i32
      %dma_wait3A_1548 = arith.constant 0 : i32
      %dma_wait3A_1549 = arith.constant 0 : i32
      %dma_wait3A_1550 = tpu.memref_slice %arg9[%dma_wait3A_1538, %dma_wait3A_1547, %dma_wait3A_1548, %dma_wait3A_1549] : memref<2x4x32x128xf32, #tpu.memory_space<vmem>> -> memref<1x4x32x128xf32, #tpu.memory_space<vmem>>
      %dma_wait3A_1551 = tpu.memref_squeeze %dma_wait3A_1550 : memref<1x4x32x128xf32, #tpu.memory_space<vmem>> -> memref<4x32x128xf32, #tpu.memory_space<vmem>>
      %dma_wait3A_1552 = arith.constant 0 : i32
      %dma_wait3A_1553 = arith.constant 0 : i32
      %dma_wait3A_1554 = tpu.memref_slice %arg4[%dma_wait3A_1552, %dma_wait3A_1553] : memref<32x1000000xf32, #tpu.memory_space<hbm>> -> memref<128x128xf32, #tpu.memory_space<hbm>>
      tpu.wait_dma2 semaphore(%arg12 : memref<!tpu.dma_semaphore, #tpu.memory_space<semaphore_mem>>) src(%dma_wait3A_1554 : memref<128x128xf32, #tpu.memory_space<hbm>>) dst(%dma_wait3A_1551 : memref<4x32x128xf32, #tpu.memory_space<vmem>>)
      %dma_wait3A_1555 = arith.constant 1 : i32
      %dma_wait3A_1556 = arith.constant 0 : i32
      %dma_wait3A_1557 = arith.constant 0 : i32
      %dma_wait3A_1558 = arith.constant 0 : i32
      %dma_wait3A_1559 = tpu.memref_slice %arg10[%dma_wait3A_1555, %dma_wait3A_1556, %dma_wait3A_1557, %dma_wait3A_1558] : memref<2x4x32x128xf32, #tpu.memory_space<vmem>> -> memref<1x4x32x128xf32, #tpu.memory_space<vmem>>
      %dma_wait3A_1560 = tpu.memref_squeeze %dma_wait3A_1559 : memref<1x4x32x128xf32, #tpu.memory_space<vmem>> -> memref<4x32x128xf32, #tpu.memory_space<vmem>>
      %dma_wait3A_1561 = arith.constant 0 : i32
      %dma_wait3A_1562 = arith.constant 0 : i32
      %dma_wait3A_1563 = tpu.memref_slice %arg5[%dma_wait3A_1561, %dma_wait3A_1562] : memref<32x1000000xf32, #tpu.memory_space<hbm>> -> memref<128x128xf32, #tpu.memory_space<hbm>>
      %dma_wait3A_1564 = arith.constant 0 : i32
      %dma_wait3A_1565 = arith.constant 0 : i32
      %dma_wait3A_1566 = arith.constant 0 : i32
      %dma_wait3A_1567 = tpu.memref_slice %arg10[%dma_wait3A_1555, %dma_wait3A_1564, %dma_wait3A_1565, %dma_wait3A_1566] : memref<2x4x32x128xf32, #tpu.memory_space<vmem>> -> memref<1x4x32x128xf32, #tpu.memory_space<vmem>>
      %dma_wait3A_1568 = tpu.memref_squeeze %dma_wait3A_1567 : memref<1x4x32x128xf32, #tpu.memory_space<vmem>> -> memref<4x32x128xf32, #tpu.memory_space<vmem>>
      %dma_wait3A_1569 = arith.constant 0 : i32
      %dma_wait3A_1570 = arith.constant 0 : i32
      %dma_wait3A_1571 = tpu.memref_slice %arg5[%dma_wait3A_1569, %dma_wait3A_1570] : memref<32x1000000xf32, #tpu.memory_space<hbm>> -> memref<128x128xf32, #tpu.memory_space<hbm>>
      tpu.wait_dma2 semaphore(%arg12 : memref<!tpu.dma_semaphore, #tpu.memory_space<semaphore_mem>>) src(%dma_wait3A_1571 : memref<128x128xf32, #tpu.memory_space<hbm>>) dst(%dma_wait3A_1568 : memref<4x32x128xf32, #tpu.memory_space<vmem>>)
      %mul3A_1572 = arith.constant 4 : i32
      %mul3A_1573 = arith.muli %add3A_1532, %mul3A_1572 : i32
      %get3A_1574 = arith.index_cast %mul3A_1573 : i32 to index
      %get3A_1575 = tpu.vector_load %arg7[%get3A_1574] {strides = array<i32>} : memref<528xi32, #tpu.memory_space<vmem>>, vector<16xi32>,
      %mul3A_1576 = arith.constant 4 : i32
      %mul3A_1577 = arith.muli %add3A_1532, %mul3A_1576 : i32
      %get3A_1578 = arith.index_cast %mul3A_1577 : i32 to index
      %get3A_1579 = tpu.vector_load %arg8[%get3A_1578] {strides = array<i32>} : memref<528xi32, #tpu.memory_space<vmem>>, vector<16xi32>,
      %and3A_1580 = arith.constant 3 : i32
      %and3A_1581 = vector.broadcast %and3A_1580 : i32 to vector<16xi32>
      %and3A_1582 = arith.andi %iota3A, %and3A_1581 : vector<16xi32>
      %broadcast_in_dim3A_1583 = arith.constant 0.000000e+00 : f32
      %broadcast_in_dim3A_1584 = vector.broadcast %broadcast_in_dim3A_1583 : f32 to vector<16xf32>
      %broadcast_in_dim3A_1585 = arith.constant 0 : i32
      %broadcast_in_dim3A_1586 = vector.broadcast %broadcast_in_dim3A_1585 : i32 to vector<16xi32>
      %and3A_1587 = arith.constant 127 : i32
      %and3A_1588 = vector.broadcast %and3A_1587 : i32 to vector<16xi32>
      %and3A_1589 = arith.andi %get3A_1575, %and3A_1588 : vector<16xi32>
      %gather3A_1590 = arith.constant 1 : i32
      %gather3A_1591 = arith.constant 0 : i32
      %gather3A_1592 = arith.constant 0 : i32
      %gather3A_1593 = arith.constant 0 : i32
      %gather3A_1594 = tpu.memref_slice %arg9[%gather3A_1590, %gather3A_1591, %gather3A_1592, %gather3A_1593] : memref<2x4x32x128xf32, #tpu.memory_space<vmem>> -> memref<1x4x32x128xf32, #tpu.memory_space<vmem>>
      %gather3A_1595 = tpu.memref_squeeze %gather3A_1594 : memref<1x4x32x128xf32, #tpu.memory_space<vmem>> -> memref<4x32x128xf32, #tpu.memory_space<vmem>>
      %gather3A_1596 = tpu.vector_load_idx %gather3A_1595[%and3A_1582, %broadcast_in_dim3A_1586, %and3A_1589] : memref<4x32x128xf32, #tpu.memory_space<vmem>>[vector<16xi32>, vector<16xi32>, vector<16xi32>], vector<16xf32>,
      %and3A_1597 = arith.constant 127 : i32
      %and3A_1598 = vector.broadcast %and3A_1597 : i32 to vector<16xi32>
      %and3A_1599 = arith.andi %get3A_1579, %and3A_1598 : vector<16xi32>
      %gather3A_1600 = arith.constant 1 : i32
      %gather3A_1601 = arith.constant 0 : i32
      %gather3A_1602 = arith.constant 0 : i32
      %gather3A_1603 = arith.constant 0 : i32
      %gather3A_1604 = tpu.memref_slice %arg10[%gather3A_1600, %gather3A_1601, %gather3A_1602, %gather3A_1603] : memref<2x4x32x128xf32, #tpu.memory_space<vmem>> -> memref<1x4x32x128xf32, #tpu.memory_space<vmem>>
      %gather3A_1605 = tpu.memref_squeeze %gather3A_1604 : memref<1x4x32x128xf32, #tpu.memory_space<vmem>> -> memref<4x32x128xf32, #tpu.memory_space<vmem>>
      %gather3A_1606 = tpu.vector_load_idx %gather3A_1605[%and3A_1582, %broadcast_in_dim3A_1586, %and3A_1599] : memref<4x32x128xf32, #tpu.memory_space<vmem>>[vector<16xi32>, vector<16xi32>, vector<16xi32>], vector<16xf32>,
      %mul3A_1607 = arith.mulf %gather3A_1596, %gather3A_1606 : vector<16xf32>
      %add3A_1608 = arith.addf %broadcast_in_dim3A_1584, %mul3A_1607 : vector<16xf32>
      %broadcast_in_dim3A_1609 = arith.constant 1 : i32
      %broadcast_in_dim3A_1610 = vector.broadcast %broadcast_in_dim3A_1609 : i32 to vector<16xi32>
      %and3A_1611 = arith.constant 127 : i32
      %and3A_1612 = vector.broadcast %and3A_1611 : i32 to vector<16xi32>
      %and3A_1613 = arith.andi %get3A_1575, %and3A_1612 : vector<16xi32>
      %gather3A_1614 = arith.constant 1 : i32
      %gather3A_1615 = arith.constant 0 : i32
      %gather3A_1616 = arith.constant 0 : i32
      %gather3A_1617 = arith.constant 0 : i32
      %gather3A_1618 = tpu.memref_slice %arg9[%gather3A_1614, %gather3A_1615, %gather3A_1616, %gather3A_1617] : memref<2x4x32x128xf32, #tpu.memory_space<vmem>> -> memref<1x4x32x128xf32, #tpu.memory_space<vmem>>
      %gather3A_1619 = tpu.memref_squeeze %gather3A_1618 : memref<1x4x32x128xf32, #tpu.memory_space<vmem>> -> memref<4x32x128xf32, #tpu.memory_space<vmem>>
      %gather3A_1620 = tpu.vector_load_idx %gather3A_1619[%and3A_1582, %broadcast_in_dim3A_1610, %and3A_1613] : memref<4x32x128xf32, #tpu.memory_space<vmem>>[vector<16xi32>, vector<16xi32>, vector<16xi32>], vector<16xf32>,
      %and3A_1621 = arith.constant 127 : i32
      %and3A_1622 = vector.broadcast %and3A_1621 : i32 to vector<16xi32>
      %and3A_1623 = arith.andi %get3A_1579, %and3A_1622 : vector<16xi32>
      %gather3A_1624 = arith.constant 1 : i32
      %gather3A_1625 = arith.constant 0 : i32
      %gather3A_1626 = arith.constant 0 : i32
      %gather3A_1627 = arith.constant 0 : i32
      %gather3A_1628 = tpu.memref_slice %arg10[%gather3A_1624, %gather3A_1625, %gather3A_1626, %gather3A_1627] : memref<2x4x32x128xf32, #tpu.memory_space<vmem>> -> memref<1x4x32x128xf32, #tpu.memory_space<vmem>>
      %gather3A_1629 = tpu.memref_squeeze %gather3A_1628 : memref<1x4x32x128xf32, #tpu.memory_space<vmem>> -> memref<4x32x128xf32, #tpu.memory_space<vmem>>
      %gather3A_1630 = tpu.vector_load_idx %gather3A_1629[%and3A_1582, %broadcast_in_dim3A_1610, %and3A_1623] : memref<4x32x128xf32, #tpu.memory_space<vmem>>[vector<16xi32>, vector<16xi32>, vector<16xi32>], vector<16xf32>,
      %mul3A_1631 = arith.mulf %gather3A_1620, %gather3A_1630 : vector<16xf32>
      %add3A_1632 = arith.addf %add3A_1608, %mul3A_1631 : vector<16xf32>
      %broadcast_in_dim3A_1633 = arith.constant 2 : i32
      %broadcast_in_dim3A_1634 = vector.broadcast %broadcast_in_dim3A_1633 : i32 to vector<16xi32>
      %and3A_1635 = arith.constant 127 : i32
      %and3A_1636 = vector.broadcast %and3A_1635 : i32 to vector<16xi32>
      %and3A_1637 = arith.andi %get3A_1575, %and3A_1636 : vector<16xi32>
      %gather3A_1638 = arith.constant 1 : i32
      %gather3A_1639 = arith.constant 0 : i32
      %gather3A_1640 = arith.constant 0 : i32
      %gather3A_1641 = arith.constant 0 : i32
      %gather3A_1642 = tpu.memref_slice %arg9[%gather3A_1638, %gather3A_1639, %gather3A_1640, %gather3A_1641] : memref<2x4x32x128xf32, #tpu.memory_space<vmem>> -> memref<1x4x32x128xf32, #tpu.memory_space<vmem>>
      %gather3A_1643 = tpu.memref_squeeze %gather3A_1642 : memref<1x4x32x128xf32, #tpu.memory_space<vmem>> -> memref<4x32x128xf32, #tpu.memory_space<vmem>>
      %gather3A_1644 = tpu.vector_load_idx %gather3A_1643[%and3A_1582, %broadcast_in_dim3A_1634, %and3A_1637] : memref<4x32x128xf32, #tpu.memory_space<vmem>>[vector<16xi32>, vector<16xi32>, vector<16xi32>], vector<16xf32>,
      %and3A_1645 = arith.constant 127 : i32
      %and3A_1646 = vector.broadcast %and3A_1645 : i32 to vector<16xi32>
      %and3A_1647 = arith.andi %get3A_1579, %and3A_1646 : vector<16xi32>
      %gather3A_1648 = arith.constant 1 : i32
      %gather3A_1649 = arith.constant 0 : i32
      %gather3A_1650 = arith.constant 0 : i32
      %gather3A_1651 = arith.constant 0 : i32
      %gather3A_1652 = tpu.memref_slice %arg10[%gather3A_1648, %gather3A_1649, %gather3A_1650, %gather3A_1651] : memref<2x4x32x128xf32, #tpu.memory_space<vmem>> -> memref<1x4x32x128xf32, #tpu.memory_space<vmem>>
      %gather3A_1653 = tpu.memref_squeeze %gather3A_1652 : memref<1x4x32x128xf32, #tpu.memory_space<vmem>> -> memref<4x32x128xf32, #tpu.memory_space<vmem>>
      %gather3A_1654 = tpu.vector_load_idx %gather3A_1653[%and3A_1582, %broadcast_in_dim3A_1634, %and3A_1647] : memref<4x32x128xf32, #tpu.memory_space<vmem>>[vector<16xi32>, vector<16xi32>, vector<16xi32>], vector<16xf32>,
      %mul3A_1655 = arith.mulf %gather3A_1644, %gather3A_1654 : vector<16xf32>
      %add3A_1656 = arith.addf %add3A_1632, %mul3A_1655 : vector<16xf32>
      %broadcast_in_dim3A_1657 = arith.constant 3 : i32
      %broadcast_in_dim3A_1658 = vector.broadcast %broadcast_in_dim3A_1657 : i32 to vector<16xi32>
      %and3A_1659 = arith.constant 127 : i32
      %and3A_1660 = vector.broadcast %and3A_1659 : i32 to vector<16xi32>
      %and3A_1661 = arith.andi %get3A_1575, %and3A_1660 : vector<16xi32>
      %gather3A_1662 = arith.constant 1 : i32
      %gather3A_1663 = arith.constant 0 : i32
      %gather3A_1664 = arith.constant 0 : i32
      %gather3A_1665 = arith.constant 0 : i32
      %gather3A_1666 = tpu.memref_slice %arg9[%gather3A_1662, %gather3A_1663, %gather3A_1664, %gather3A_1665] : memref<2x4x32x128xf32, #tpu.memory_space<vmem>> -> memref<1x4x32x128xf32, #tpu.memory_space<vmem>>
      %gather3A_1667 = tpu.memref_squeeze %gather3A_1666 : memref<1x4x32x128xf32, #tpu.memory_space<vmem>> -> memref<4x32x128xf32, #tpu.memory_space<vmem>>
      %gather3A_1668 = tpu.vector_load_idx %gather3A_1667[%and3A_1582, %broadcast_in_dim3A_1658, %and3A_1661] : memref<4x32x128xf32, #tpu.memory_space<vmem>>[vector<16xi32>, vector<16xi32>, vector<16xi32>], vector<16xf32>,
      %and3A_1669 = arith.constant 127 : i32
      %and3A_1670 = vector.broadcast %and3A_1669 : i32 to vector<16xi32>
      %and3A_1671 = arith.andi %get3A_1579, %and3A_1670 : vector<16xi32>
      %gather3A_1672 = arith.constant 1 : i32
      %gather3A_1673 = arith.constant 0 : i32
      %gather3A_1674 = arith.constant 0 : i32
      %gather3A_1675 = arith.constant 0 : i32
      %gather3A_1676 = tpu.memref_slice %arg10[%gather3A_1672, %gather3A_1673, %gather3A_1674, %gather3A_1675] : memref<2x4x32x128xf32, #tpu.memory_space<vmem>> -> memref<1x4x32x128xf32, #tpu.memory_space<vmem>>
      %gather3A_1677 = tpu.memref_squeeze %gather3A_1676 : memref<1x4x32x128xf32, #tpu.memory_space<vmem>> -> memref<4x32x128xf32, #tpu.memory_space<vmem>>
      %gather3A_1678 = tpu.vector_load_idx %gather3A_1677[%and3A_1582, %broadcast_in_dim3A_1658, %and3A_1671] : memref<4x32x128xf32, #tpu.memory_space<vmem>>[vector<16xi32>, vector<16xi32>, vector<16xi32>], vector<16xf32>,
      %mul3A_1679 = arith.mulf %gather3A_1668, %gather3A_1678 : vector<16xf32>
      %add3A_1680 = arith.addf %add3A_1656, %mul3A_1679 : vector<16xf32>
      %broadcast_in_dim3A_1681 = arith.constant 4 : i32
      %broadcast_in_dim3A_1682 = vector.broadcast %broadcast_in_dim3A_1681 : i32 to vector<16xi32>
      %and3A_1683 = arith.constant 127 : i32
      %and3A_1684 = vector.broadcast %and3A_1683 : i32 to vector<16xi32>
      %and3A_1685 = arith.andi %get3A_1575, %and3A_1684 : vector<16xi32>
      %gather3A_1686 = arith.constant 1 : i32
      %gather3A_1687 = arith.constant 0 : i32
      %gather3A_1688 = arith.constant 0 : i32
      %gather3A_1689 = arith.constant 0 : i32
      %gather3A_1690 = tpu.memref_slice %arg9[%gather3A_1686, %gather3A_1687, %gather3A_1688, %gather3A_1689] : memref<2x4x32x128xf32, #tpu.memory_space<vmem>> -> memref<1x4x32x128xf32, #tpu.memory_space<vmem>>
      %gather3A_1691 = tpu.memref_squeeze %gather3A_1690 : memref<1x4x32x128xf32, #tpu.memory_space<vmem>> -> memref<4x32x128xf32, #tpu.memory_space<vmem>>
      %gather3A_1692 = tpu.vector_load_idx %gather3A_1691[%and3A_1582, %broadcast_in_dim3A_1682, %and3A_1685] : memref<4x32x128xf32, #tpu.memory_space<vmem>>[vector<16xi32>, vector<16xi32>, vector<16xi32>], vector<16xf32>,
      %and3A_1693 = arith.constant 127 : i32
      %and3A_1694 = vector.broadcast %and3A_1693 : i32 to vector<16xi32>
      %and3A_1695 = arith.andi %get3A_1579, %and3A_1694 : vector<16xi32>
      %gather3A_1696 = arith.constant 1 : i32
      %gather3A_1697 = arith.constant 0 : i32
      %gather3A_1698 = arith.constant 0 : i32
      %gather3A_1699 = arith.constant 0 : i32
      %gather3A_1700 = tpu.memref_slice %arg10[%gather3A_1696, %gather3A_1697, %gather3A_1698, %gather3A_1699] : memref<2x4x32x128xf32, #tpu.memory_space<vmem>> -> memref<1x4x32x128xf32, #tpu.memory_space<vmem>>
      %gather3A_1701 = tpu.memref_squeeze %gather3A_1700 : memref<1x4x32x128xf32, #tpu.memory_space<vmem>> -> memref<4x32x128xf32, #tpu.memory_space<vmem>>
      %gather3A_1702 = tpu.vector_load_idx %gather3A_1701[%and3A_1582, %broadcast_in_dim3A_1682, %and3A_1695] : memref<4x32x128xf32, #tpu.memory_space<vmem>>[vector<16xi32>, vector<16xi32>, vector<16xi32>], vector<16xf32>,
      %mul3A_1703 = arith.mulf %gather3A_1692, %gather3A_1702 : vector<16xf32>
      %add3A_1704 = arith.addf %add3A_1680, %mul3A_1703 : vector<16xf32>
      %broadcast_in_dim3A_1705 = arith.constant 5 : i32
      %broadcast_in_dim3A_1706 = vector.broadcast %broadcast_in_dim3A_1705 : i32 to vector<16xi32>
      %and3A_1707 = arith.constant 127 : i32
      %and3A_1708 = vector.broadcast %and3A_1707 : i32 to vector<16xi32>
      %and3A_1709 = arith.andi %get3A_1575, %and3A_1708 : vector<16xi32>
      %gather3A_1710 = arith.constant 1 : i32
      %gather3A_1711 = arith.constant 0 : i32
      %gather3A_1712 = arith.constant 0 : i32
      %gather3A_1713 = arith.constant 0 : i32
      %gather3A_1714 = tpu.memref_slice %arg9[%gather3A_1710, %gather3A_1711, %gather3A_1712, %gather3A_1713] : memref<2x4x32x128xf32, #tpu.memory_space<vmem>> -> memref<1x4x32x128xf32, #tpu.memory_space<vmem>>
      %gather3A_1715 = tpu.memref_squeeze %gather3A_1714 : memref<1x4x32x128xf32, #tpu.memory_space<vmem>> -> memref<4x32x128xf32, #tpu.memory_space<vmem>>
      %gather3A_1716 = tpu.vector_load_idx %gather3A_1715[%and3A_1582, %broadcast_in_dim3A_1706, %and3A_1709] : memref<4x32x128xf32, #tpu.memory_space<vmem>>[vector<16xi32>, vector<16xi32>, vector<16xi32>], vector<16xf32>,
      %and3A_1717 = arith.constant 127 : i32
      %and3A_1718 = vector.broadcast %and3A_1717 : i32 to vector<16xi32>
      %and3A_1719 = arith.andi %get3A_1579, %and3A_1718 : vector<16xi32>
      %gather3A_1720 = arith.constant 1 : i32
      %gather3A_1721 = arith.constant 0 : i32
      %gather3A_1722 = arith.constant 0 : i32
      %gather3A_1723 = arith.constant 0 : i32
      %gather3A_1724 = tpu.memref_slice %arg10[%gather3A_1720, %gather3A_1721, %gather3A_1722, %gather3A_1723] : memref<2x4x32x128xf32, #tpu.memory_space<vmem>> -> memref<1x4x32x128xf32, #tpu.memory_space<vmem>>
      %gather3A_1725 = tpu.memref_squeeze %gather3A_1724 : memref<1x4x32x128xf32, #tpu.memory_space<vmem>> -> memref<4x32x128xf32, #tpu.memory_space<vmem>>
      %gather3A_1726 = tpu.vector_load_idx %gather3A_1725[%and3A_1582, %broadcast_in_dim3A_1706, %and3A_1719] : memref<4x32x128xf32, #tpu.memory_space<vmem>>[vector<16xi32>, vector<16xi32>, vector<16xi32>], vector<16xf32>,
      %mul3A_1727 = arith.mulf %gather3A_1716, %gather3A_1726 : vector<16xf32>
      %add3A_1728 = arith.addf %add3A_1704, %mul3A_1727 : vector<16xf32>
      %broadcast_in_dim3A_1729 = arith.constant 6 : i32
      %broadcast_in_dim3A_1730 = vector.broadcast %broadcast_in_dim3A_1729 : i32 to vector<16xi32>
      %and3A_1731 = arith.constant 127 : i32
      %and3A_1732 = vector.broadcast %and3A_1731 : i32 to vector<16xi32>
      %and3A_1733 = arith.andi %get3A_1575, %and3A_1732 : vector<16xi32>
      %gather3A_1734 = arith.constant 1 : i32
      %gather3A_1735 = arith.constant 0 : i32
      %gather3A_1736 = arith.constant 0 : i32
      %gather3A_1737 = arith.constant 0 : i32
      %gather3A_1738 = tpu.memref_slice %arg9[%gather3A_1734, %gather3A_1735, %gather3A_1736, %gather3A_1737] : memref<2x4x32x128xf32, #tpu.memory_space<vmem>> -> memref<1x4x32x128xf32, #tpu.memory_space<vmem>>
      %gather3A_1739 = tpu.memref_squeeze %gather3A_1738 : memref<1x4x32x128xf32, #tpu.memory_space<vmem>> -> memref<4x32x128xf32, #tpu.memory_space<vmem>>
      %gather3A_1740 = tpu.vector_load_idx %gather3A_1739[%and3A_1582, %broadcast_in_dim3A_1730, %and3A_1733] : memref<4x32x128xf32, #tpu.memory_space<vmem>>[vector<16xi32>, vector<16xi32>, vector<16xi32>], vector<16xf32>,
      %and3A_1741 = arith.constant 127 : i32
      %and3A_1742 = vector.broadcast %and3A_1741 : i32 to vector<16xi32>
      %and3A_1743 = arith.andi %get3A_1579, %and3A_1742 : vector<16xi32>
      %gather3A_1744 = arith.constant 1 : i32
      %gather3A_1745 = arith.constant 0 : i32
      %gather3A_1746 = arith.constant 0 : i32
      %gather3A_1747 = arith.constant 0 : i32
      %gather3A_1748 = tpu.memref_slice %arg10[%gather3A_1744, %gather3A_1745, %gather3A_1746, %gather3A_1747] : memref<2x4x32x128xf32, #tpu.memory_space<vmem>> -> memref<1x4x32x128xf32, #tpu.memory_space<vmem>>
      %gather3A_1749 = tpu.memref_squeeze %gather3A_1748 : memref<1x4x32x128xf32, #tpu.memory_space<vmem>> -> memref<4x32x128xf32, #tpu.memory_space<vmem>>
      %gather3A_1750 = tpu.vector_load_idx %gather3A_1749[%and3A_1582, %broadcast_in_dim3A_1730, %and3A_1743] : memref<4x32x128xf32, #tpu.memory_space<vmem>>[vector<16xi32>, vector<16xi32>, vector<16xi32>], vector<16xf32>,
      %mul3A_1751 = arith.mulf %gather3A_1740, %gather3A_1750 : vector<16xf32>
      %add3A_1752 = arith.addf %add3A_1728, %mul3A_1751 : vector<16xf32>
      %broadcast_in_dim3A_1753 = arith.constant 7 : i32
      %broadcast_in_dim3A_1754 = vector.broadcast %broadcast_in_dim3A_1753 : i32 to vector<16xi32>
      %and3A_1755 = arith.constant 127 : i32
      %and3A_1756 = vector.broadcast %and3A_1755 : i32 to vector<16xi32>
      %and3A_1757 = arith.andi %get3A_1575, %and3A_1756 : vector<16xi32>
      %gather3A_1758 = arith.constant 1 : i32
      %gather3A_1759 = arith.constant 0 : i32
      %gather3A_1760 = arith.constant 0 : i32
      %gather3A_1761 = arith.constant 0 : i32
      %gather3A_1762 = tpu.memref_slice %arg9[%gather3A_1758, %gather3A_1759, %gather3A_1760, %gather3A_1761] : memref<2x4x32x128xf32, #tpu.memory_space<vmem>> -> memref<1x4x32x128xf32, #tpu.memory_space<vmem>>
      %gather3A_1763 = tpu.memref_squeeze %gather3A_1762 : memref<1x4x32x128xf32, #tpu.memory_space<vmem>> -> memref<4x32x128xf32, #tpu.memory_space<vmem>>
      %gather3A_1764 = tpu.vector_load_idx %gather3A_1763[%and3A_1582, %broadcast_in_dim3A_1754, %and3A_1757] : memref<4x32x128xf32, #tpu.memory_space<vmem>>[vector<16xi32>, vector<16xi32>, vector<16xi32>], vector<16xf32>,
      %and3A_1765 = arith.constant 127 : i32
      %and3A_1766 = vector.broadcast %and3A_1765 : i32 to vector<16xi32>
      %and3A_1767 = arith.andi %get3A_1579, %and3A_1766 : vector<16xi32>
      %gather3A_1768 = arith.constant 1 : i32
      %gather3A_1769 = arith.constant 0 : i32
      %gather3A_1770 = arith.constant 0 : i32
      %gather3A_1771 = arith.constant 0 : i32
      %gather3A_1772 = tpu.memref_slice %arg10[%gather3A_1768, %gather3A_1769, %gather3A_1770, %gather3A_1771] : memref<2x4x32x128xf32, #tpu.memory_space<vmem>> -> memref<1x4x32x128xf32, #tpu.memory_space<vmem>>
      %gather3A_1773 = tpu.memref_squeeze %gather3A_1772 : memref<1x4x32x128xf32, #tpu.memory_space<vmem>> -> memref<4x32x128xf32, #tpu.memory_space<vmem>>
      %gather3A_1774 = tpu.vector_load_idx %gather3A_1773[%and3A_1582, %broadcast_in_dim3A_1754, %and3A_1767] : memref<4x32x128xf32, #tpu.memory_space<vmem>>[vector<16xi32>, vector<16xi32>, vector<16xi32>], vector<16xf32>,
      %mul3A_1775 = arith.mulf %gather3A_1764, %gather3A_1774 : vector<16xf32>
      %add3A_1776 = arith.addf %add3A_1752, %mul3A_1775 : vector<16xf32>
      %broadcast_in_dim3A_1777 = arith.constant 8 : i32
      %broadcast_in_dim3A_1778 = vector.broadcast %broadcast_in_dim3A_1777 : i32 to vector<16xi32>
      %and3A_1779 = arith.constant 127 : i32
      %and3A_1780 = vector.broadcast %and3A_1779 : i32 to vector<16xi32>
      %and3A_1781 = arith.andi %get3A_1575, %and3A_1780 : vector<16xi32>
      %gather3A_1782 = arith.constant 1 : i32
      %gather3A_1783 = arith.constant 0 : i32
      %gather3A_1784 = arith.constant 0 : i32
      %gather3A_1785 = arith.constant 0 : i32
      %gather3A_1786 = tpu.memref_slice %arg9[%gather3A_1782, %gather3A_1783, %gather3A_1784, %gather3A_1785] : memref<2x4x32x128xf32, #tpu.memory_space<vmem>> -> memref<1x4x32x128xf32, #tpu.memory_space<vmem>>
      %gather3A_1787 = tpu.memref_squeeze %gather3A_1786 : memref<1x4x32x128xf32, #tpu.memory_space<vmem>> -> memref<4x32x128xf32, #tpu.memory_space<vmem>>
      %gather3A_1788 = tpu.vector_load_idx %gather3A_1787[%and3A_1582, %broadcast_in_dim3A_1778, %and3A_1781] : memref<4x32x128xf32, #tpu.memory_space<vmem>>[vector<16xi32>, vector<16xi32>, vector<16xi32>], vector<16xf32>,
      %and3A_1789 = arith.constant 127 : i32
      %and3A_1790 = vector.broadcast %and3A_1789 : i32 to vector<16xi32>
      %and3A_1791 = arith.andi %get3A_1579, %and3A_1790 : vector<16xi32>
      %gather3A_1792 = arith.constant 1 : i32
      %gather3A_1793 = arith.constant 0 : i32
      %gather3A_1794 = arith.constant 0 : i32
      %gather3A_1795 = arith.constant 0 : i32
      %gather3A_1796 = tpu.memref_slice %arg10[%gather3A_1792, %gather3A_1793, %gather3A_1794, %gather3A_1795] : memref<2x4x32x128xf32, #tpu.memory_space<vmem>> -> memref<1x4x32x128xf32, #tpu.memory_space<vmem>>
      %gather3A_1797 = tpu.memref_squeeze %gather3A_1796 : memref<1x4x32x128xf32, #tpu.memory_space<vmem>> -> memref<4x32x128xf32, #tpu.memory_space<vmem>>
      %gather3A_1798 = tpu.vector_load_idx %gather3A_1797[%and3A_1582, %broadcast_in_dim3A_1778, %and3A_1791] : memref<4x32x128xf32, #tpu.memory_space<vmem>>[vector<16xi32>, vector<16xi32>, vector<16xi32>], vector<16xf32>,
      %mul3A_1799 = arith.mulf %gather3A_1788, %gather3A_1798 : vector<16xf32>
      %add3A_1800 = arith.addf %add3A_1776, %mul3A_1799 : vector<16xf32>
      %broadcast_in_dim3A_1801 = arith.constant 9 : i32
      %broadcast_in_dim3A_1802 = vector.broadcast %broadcast_in_dim3A_1801 : i32 to vector<16xi32>
      %and3A_1803 = arith.constant 127 : i32
      %and3A_1804 = vector.broadcast %and3A_1803 : i32 to vector<16xi32>
      %and3A_1805 = arith.andi %get3A_1575, %and3A_1804 : vector<16xi32>
      %gather3A_1806 = arith.constant 1 : i32
      %gather3A_1807 = arith.constant 0 : i32
      %gather3A_1808 = arith.constant 0 : i32
      %gather3A_1809 = arith.constant 0 : i32
      %gather3A_1810 = tpu.memref_slice %arg9[%gather3A_1806, %gather3A_1807, %gather3A_1808, %gather3A_1809] : memref<2x4x32x128xf32, #tpu.memory_space<vmem>> -> memref<1x4x32x128xf32, #tpu.memory_space<vmem>>
      %gather3A_1811 = tpu.memref_squeeze %gather3A_1810 : memref<1x4x32x128xf32, #tpu.memory_space<vmem>> -> memref<4x32x128xf32, #tpu.memory_space<vmem>>
      %gather3A_1812 = tpu.vector_load_idx %gather3A_1811[%and3A_1582, %broadcast_in_dim3A_1802, %and3A_1805] : memref<4x32x128xf32, #tpu.memory_space<vmem>>[vector<16xi32>, vector<16xi32>, vector<16xi32>], vector<16xf32>,
      %and3A_1813 = arith.constant 127 : i32
      %and3A_1814 = vector.broadcast %and3A_1813 : i32 to vector<16xi32>
      %and3A_1815 = arith.andi %get3A_1579, %and3A_1814 : vector<16xi32>
      %gather3A_1816 = arith.constant 1 : i32
      %gather3A_1817 = arith.constant 0 : i32
      %gather3A_1818 = arith.constant 0 : i32
      %gather3A_1819 = arith.constant 0 : i32
      %gather3A_1820 = tpu.memref_slice %arg10[%gather3A_1816, %gather3A_1817, %gather3A_1818, %gather3A_1819] : memref<2x4x32x128xf32, #tpu.memory_space<vmem>> -> memref<1x4x32x128xf32, #tpu.memory_space<vmem>>
      %gather3A_1821 = tpu.memref_squeeze %gather3A_1820 : memref<1x4x32x128xf32, #tpu.memory_space<vmem>> -> memref<4x32x128xf32, #tpu.memory_space<vmem>>
      %gather3A_1822 = tpu.vector_load_idx %gather3A_1821[%and3A_1582, %broadcast_in_dim3A_1802, %and3A_1815] : memref<4x32x128xf32, #tpu.memory_space<vmem>>[vector<16xi32>, vector<16xi32>, vector<16xi32>], vector<16xf32>,
      %mul3A_1823 = arith.mulf %gather3A_1812, %gather3A_1822 : vector<16xf32>
      %add3A_1824 = arith.addf %add3A_1800, %mul3A_1823 : vector<16xf32>
      %broadcast_in_dim3A_1825 = arith.constant 10 : i32
      %broadcast_in_dim3A_1826 = vector.broadcast %broadcast_in_dim3A_1825 : i32 to vector<16xi32>
      %and3A_1827 = arith.constant 127 : i32
      %and3A_1828 = vector.broadcast %and3A_1827 : i32 to vector<16xi32>
      %and3A_1829 = arith.andi %get3A_1575, %and3A_1828 : vector<16xi32>
      %gather3A_1830 = arith.constant 1 : i32
      %gather3A_1831 = arith.constant 0 : i32
      %gather3A_1832 = arith.constant 0 : i32
      %gather3A_1833 = arith.constant 0 : i32
      %gather3A_1834 = tpu.memref_slice %arg9[%gather3A_1830, %gather3A_1831, %gather3A_1832, %gather3A_1833] : memref<2x4x32x128xf32, #tpu.memory_space<vmem>> -> memref<1x4x32x128xf32, #tpu.memory_space<vmem>>
      %gather3A_1835 = tpu.memref_squeeze %gather3A_1834 : memref<1x4x32x128xf32, #tpu.memory_space<vmem>> -> memref<4x32x128xf32, #tpu.memory_space<vmem>>
      %gather3A_1836 = tpu.vector_load_idx %gather3A_1835[%and3A_1582, %broadcast_in_dim3A_1826, %and3A_1829] : memref<4x32x128xf32, #tpu.memory_space<vmem>>[vector<16xi32>, vector<16xi32>, vector<16xi32>], vector<16xf32>,
      %and3A_1837 = arith.constant 127 : i32
      %and3A_1838 = vector.broadcast %and3A_1837 : i32 to vector<16xi32>
      %and3A_1839 = arith.andi %get3A_1579, %and3A_1838 : vector<16xi32>
      %gather3A_1840 = arith.constant 1 : i32
      %gather3A_1841 = arith.constant 0 : i32
      %gather3A_1842 = arith.constant 0 : i32
      %gather3A_1843 = arith.constant 0 : i32
      %gather3A_1844 = tpu.memref_slice %arg10[%gather3A_1840, %gather3A_1841, %gather3A_1842, %gather3A_1843] : memref<2x4x32x128xf32, #tpu.memory_space<vmem>> -> memref<1x4x32x128xf32, #tpu.memory_space<vmem>>
      %gather3A_1845 = tpu.memref_squeeze %gather3A_1844 : memref<1x4x32x128xf32, #tpu.memory_space<vmem>> -> memref<4x32x128xf32, #tpu.memory_space<vmem>>
      %gather3A_1846 = tpu.vector_load_idx %gather3A_1845[%and3A_1582, %broadcast_in_dim3A_1826, %and3A_1839] : memref<4x32x128xf32, #tpu.memory_space<vmem>>[vector<16xi32>, vector<16xi32>, vector<16xi32>], vector<16xf32>,
      %mul3A_1847 = arith.mulf %gather3A_1836, %gather3A_1846 : vector<16xf32>
      %add3A_1848 = arith.addf %add3A_1824, %mul3A_1847 : vector<16xf32>
      %broadcast_in_dim3A_1849 = arith.constant 11 : i32
      %broadcast_in_dim3A_1850 = vector.broadcast %broadcast_in_dim3A_1849 : i32 to vector<16xi32>
      %and3A_1851 = arith.constant 127 : i32
      %and3A_1852 = vector.broadcast %and3A_1851 : i32 to vector<16xi32>
      %and3A_1853 = arith.andi %get3A_1575, %and3A_1852 : vector<16xi32>
      %gather3A_1854 = arith.constant 1 : i32
      %gather3A_1855 = arith.constant 0 : i32
      %gather3A_1856 = arith.constant 0 : i32
      %gather3A_1857 = arith.constant 0 : i32
      %gather3A_1858 = tpu.memref_slice %arg9[%gather3A_1854, %gather3A_1855, %gather3A_1856, %gather3A_1857] : memref<2x4x32x128xf32, #tpu.memory_space<vmem>> -> memref<1x4x32x128xf32, #tpu.memory_space<vmem>>
      %gather3A_1859 = tpu.memref_squeeze %gather3A_1858 : memref<1x4x32x128xf32, #tpu.memory_space<vmem>> -> memref<4x32x128xf32, #tpu.memory_space<vmem>>
      %gather3A_1860 = tpu.vector_load_idx %gather3A_1859[%and3A_1582, %broadcast_in_dim3A_1850, %and3A_1853] : memref<4x32x128xf32, #tpu.memory_space<vmem>>[vector<16xi32>, vector<16xi32>, vector<16xi32>], vector<16xf32>,
      %and3A_1861 = arith.constant 127 : i32
      %and3A_1862 = vector.broadcast %and3A_1861 : i32 to vector<16xi32>
      %and3A_1863 = arith.andi %get3A_1579, %and3A_1862 : vector<16xi32>
      %gather3A_1864 = arith.constant 1 : i32
      %gather3A_1865 = arith.constant 0 : i32
      %gather3A_1866 = arith.constant 0 : i32
      %gather3A_1867 = arith.constant 0 : i32
      %gather3A_1868 = tpu.memref_slice %arg10[%gather3A_1864, %gather3A_1865, %gather3A_1866, %gather3A_1867] : memref<2x4x32x128xf32, #tpu.memory_space<vmem>> -> memref<1x4x32x128xf32, #tpu.memory_space<vmem>>
      %gather3A_1869 = tpu.memref_squeeze %gather3A_1868 : memref<1x4x32x128xf32, #tpu.memory_space<vmem>> -> memref<4x32x128xf32, #tpu.memory_space<vmem>>
      %gather3A_1870 = tpu.vector_load_idx %gather3A_1869[%and3A_1582, %broadcast_in_dim3A_1850, %and3A_1863] : memref<4x32x128xf32, #tpu.memory_space<vmem>>[vector<16xi32>, vector<16xi32>, vector<16xi32>], vector<16xf32>,
      %mul3A_1871 = arith.mulf %gather3A_1860, %gather3A_1870 : vector<16xf32>
      %add3A_1872 = arith.addf %add3A_1848, %mul3A_1871 : vector<16xf32>
      %broadcast_in_dim3A_1873 = arith.constant 12 : i32
      %broadcast_in_dim3A_1874 = vector.broadcast %broadcast_in_dim3A_1873 : i32 to vector<16xi32>
      %and3A_1875 = arith.constant 127 : i32
      %and3A_1876 = vector.broadcast %and3A_1875 : i32 to vector<16xi32>
      %and3A_1877 = arith.andi %get3A_1575, %and3A_1876 : vector<16xi32>
      %gather3A_1878 = arith.constant 1 : i32
      %gather3A_1879 = arith.constant 0 : i32
      %gather3A_1880 = arith.constant 0 : i32
      %gather3A_1881 = arith.constant 0 : i32
      %gather3A_1882 = tpu.memref_slice %arg9[%gather3A_1878, %gather3A_1879, %gather3A_1880, %gather3A_1881] : memref<2x4x32x128xf32, #tpu.memory_space<vmem>> -> memref<1x4x32x128xf32, #tpu.memory_space<vmem>>
      %gather3A_1883 = tpu.memref_squeeze %gather3A_1882 : memref<1x4x32x128xf32, #tpu.memory_space<vmem>> -> memref<4x32x128xf32, #tpu.memory_space<vmem>>
      %gather3A_1884 = tpu.vector_load_idx %gather3A_1883[%and3A_1582, %broadcast_in_dim3A_1874, %and3A_1877] : memref<4x32x128xf32, #tpu.memory_space<vmem>>[vector<16xi32>, vector<16xi32>, vector<16xi32>], vector<16xf32>,
      %and3A_1885 = arith.constant 127 : i32
      %and3A_1886 = vector.broadcast %and3A_1885 : i32 to vector<16xi32>
      %and3A_1887 = arith.andi %get3A_1579, %and3A_1886 : vector<16xi32>
      %gather3A_1888 = arith.constant 1 : i32
      %gather3A_1889 = arith.constant 0 : i32
      %gather3A_1890 = arith.constant 0 : i32
      %gather3A_1891 = arith.constant 0 : i32
      %gather3A_1892 = tpu.memref_slice %arg10[%gather3A_1888, %gather3A_1889, %gather3A_1890, %gather3A_1891] : memref<2x4x32x128xf32, #tpu.memory_space<vmem>> -> memref<1x4x32x128xf32, #tpu.memory_space<vmem>>
      %gather3A_1893 = tpu.memref_squeeze %gather3A_1892 : memref<1x4x32x128xf32, #tpu.memory_space<vmem>> -> memref<4x32x128xf32, #tpu.memory_space<vmem>>
      %gather3A_1894 = tpu.vector_load_idx %gather3A_1893[%and3A_1582, %broadcast_in_dim3A_1874, %and3A_1887] : memref<4x32x128xf32, #tpu.memory_space<vmem>>[vector<16xi32>, vector<16xi32>, vector<16xi32>], vector<16xf32>,
      %mul3A_1895 = arith.mulf %gather3A_1884, %gather3A_1894 : vector<16xf32>
      %add3A_1896 = arith.addf %add3A_1872, %mul3A_1895 : vector<16xf32>
      %broadcast_in_dim3A_1897 = arith.constant 13 : i32
      %broadcast_in_dim3A_1898 = vector.broadcast %broadcast_in_dim3A_1897 : i32 to vector<16xi32>
      %and3A_1899 = arith.constant 127 : i32
      %and3A_1900 = vector.broadcast %and3A_1899 : i32 to vector<16xi32>
      %and3A_1901 = arith.andi %get3A_1575, %and3A_1900 : vector<16xi32>
      %gather3A_1902 = arith.constant 1 : i32
      %gather3A_1903 = arith.constant 0 : i32
      %gather3A_1904 = arith.constant 0 : i32
      %gather3A_1905 = arith.constant 0 : i32
      %gather3A_1906 = tpu.memref_slice %arg9[%gather3A_1902, %gather3A_1903, %gather3A_1904, %gather3A_1905] : memref<2x4x32x128xf32, #tpu.memory_space<vmem>> -> memref<1x4x32x128xf32, #tpu.memory_space<vmem>>
      %gather3A_1907 = tpu.memref_squeeze %gather3A_1906 : memref<1x4x32x128xf32, #tpu.memory_space<vmem>> -> memref<4x32x128xf32, #tpu.memory_space<vmem>>
      %gather3A_1908 = tpu.vector_load_idx %gather3A_1907[%and3A_1582, %broadcast_in_dim3A_1898, %and3A_1901] : memref<4x32x128xf32, #tpu.memory_space<vmem>>[vector<16xi32>, vector<16xi32>, vector<16xi32>], vector<16xf32>,
      %and3A_1909 = arith.constant 127 : i32
      %and3A_1910 = vector.broadcast %and3A_1909 : i32 to vector<16xi32>
      %and3A_1911 = arith.andi %get3A_1579, %and3A_1910 : vector<16xi32>
      %gather3A_1912 = arith.constant 1 : i32
      %gather3A_1913 = arith.constant 0 : i32
      %gather3A_1914 = arith.constant 0 : i32
      %gather3A_1915 = arith.constant 0 : i32
      %gather3A_1916 = tpu.memref_slice %arg10[%gather3A_1912, %gather3A_1913, %gather3A_1914, %gather3A_1915] : memref<2x4x32x128xf32, #tpu.memory_space<vmem>> -> memref<1x4x32x128xf32, #tpu.memory_space<vmem>>
      %gather3A_1917 = tpu.memref_squeeze %gather3A_1916 : memref<1x4x32x128xf32, #tpu.memory_space<vmem>> -> memref<4x32x128xf32, #tpu.memory_space<vmem>>
      %gather3A_1918 = tpu.vector_load_idx %gather3A_1917[%and3A_1582, %broadcast_in_dim3A_1898, %and3A_1911] : memref<4x32x128xf32, #tpu.memory_space<vmem>>[vector<16xi32>, vector<16xi32>, vector<16xi32>], vector<16xf32>,
      %mul3A_1919 = arith.mulf %gather3A_1908, %gather3A_1918 : vector<16xf32>
      %add3A_1920 = arith.addf %add3A_1896, %mul3A_1919 : vector<16xf32>
      %broadcast_in_dim3A_1921 = arith.constant 14 : i32
      %broadcast_in_dim3A_1922 = vector.broadcast %broadcast_in_dim3A_1921 : i32 to vector<16xi32>
      %and3A_1923 = arith.constant 127 : i32
      %and3A_1924 = vector.broadcast %and3A_1923 : i32 to vector<16xi32>
      %and3A_1925 = arith.andi %get3A_1575, %and3A_1924 : vector<16xi32>
      %gather3A_1926 = arith.constant 1 : i32
      %gather3A_1927 = arith.constant 0 : i32
      %gather3A_1928 = arith.constant 0 : i32
      %gather3A_1929 = arith.constant 0 : i32
      %gather3A_1930 = tpu.memref_slice %arg9[%gather3A_1926, %gather3A_1927, %gather3A_1928, %gather3A_1929] : memref<2x4x32x128xf32, #tpu.memory_space<vmem>> -> memref<1x4x32x128xf32, #tpu.memory_space<vmem>>
      %gather3A_1931 = tpu.memref_squeeze %gather3A_1930 : memref<1x4x32x128xf32, #tpu.memory_space<vmem>> -> memref<4x32x128xf32, #tpu.memory_space<vmem>>
      %gather3A_1932 = tpu.vector_load_idx %gather3A_1931[%and3A_1582, %broadcast_in_dim3A_1922, %and3A_1925] : memref<4x32x128xf32, #tpu.memory_space<vmem>>[vector<16xi32>, vector<16xi32>, vector<16xi32>], vector<16xf32>,
      %and3A_1933 = arith.constant 127 : i32
      %and3A_1934 = vector.broadcast %and3A_1933 : i32 to vector<16xi32>
      %and3A_1935 = arith.andi %get3A_1579, %and3A_1934 : vector<16xi32>
      %gather3A_1936 = arith.constant 1 : i32
      %gather3A_1937 = arith.constant 0 : i32
      %gather3A_1938 = arith.constant 0 : i32
      %gather3A_1939 = arith.constant 0 : i32
      %gather3A_1940 = tpu.memref_slice %arg10[%gather3A_1936, %gather3A_1937, %gather3A_1938, %gather3A_1939] : memref<2x4x32x128xf32, #tpu.memory_space<vmem>> -> memref<1x4x32x128xf32, #tpu.memory_space<vmem>>
      %gather3A_1941 = tpu.memref_squeeze %gather3A_1940 : memref<1x4x32x128xf32, #tpu.memory_space<vmem>> -> memref<4x32x128xf32, #tpu.memory_space<vmem>>
      %gather3A_1942 = tpu.vector_load_idx %gather3A_1941[%and3A_1582, %broadcast_in_dim3A_1922, %and3A_1935] : memref<4x32x128xf32, #tpu.memory_space<vmem>>[vector<16xi32>, vector<16xi32>, vector<16xi32>], vector<16xf32>,
      %mul3A_1943 = arith.mulf %gather3A_1932, %gather3A_1942 : vector<16xf32>
      %add3A_1944 = arith.addf %add3A_1920, %mul3A_1943 : vector<16xf32>
      %broadcast_in_dim3A_1945 = arith.constant 15 : i32
      %broadcast_in_dim3A_1946 = vector.broadcast %broadcast_in_dim3A_1945 : i32 to vector<16xi32>
      %and3A_1947 = arith.constant 127 : i32
      %and3A_1948 = vector.broadcast %and3A_1947 : i32 to vector<16xi32>
      %and3A_1949 = arith.andi %get3A_1575, %and3A_1948 : vector<16xi32>
      %gather3A_1950 = arith.constant 1 : i32
      %gather3A_1951 = arith.constant 0 : i32
      %gather3A_1952 = arith.constant 0 : i32
      %gather3A_1953 = arith.constant 0 : i32
      %gather3A_1954 = tpu.memref_slice %arg9[%gather3A_1950, %gather3A_1951, %gather3A_1952, %gather3A_1953] : memref<2x4x32x128xf32, #tpu.memory_space<vmem>> -> memref<1x4x32x128xf32, #tpu.memory_space<vmem>>
      %gather3A_1955 = tpu.memref_squeeze %gather3A_1954 : memref<1x4x32x128xf32, #tpu.memory_space<vmem>> -> memref<4x32x128xf32, #tpu.memory_space<vmem>>
      %gather3A_1956 = tpu.vector_load_idx %gather3A_1955[%and3A_1582, %broadcast_in_dim3A_1946, %and3A_1949] : memref<4x32x128xf32, #tpu.memory_space<vmem>>[vector<16xi32>, vector<16xi32>, vector<16xi32>], vector<16xf32>,
      %and3A_1957 = arith.constant 127 : i32
      %and3A_1958 = vector.broadcast %and3A_1957 : i32 to vector<16xi32>
      %and3A_1959 = arith.andi %get3A_1579, %and3A_1958 : vector<16xi32>
      %gather3A_1960 = arith.constant 1 : i32
      %gather3A_1961 = arith.constant 0 : i32
      %gather3A_1962 = arith.constant 0 : i32
      %gather3A_1963 = arith.constant 0 : i32
      %gather3A_1964 = tpu.memref_slice %arg10[%gather3A_1960, %gather3A_1961, %gather3A_1962, %gather3A_1963] : memref<2x4x32x128xf32, #tpu.memory_space<vmem>> -> memref<1x4x32x128xf32, #tpu.memory_space<vmem>>
      %gather3A_1965 = tpu.memref_squeeze %gather3A_1964 : memref<1x4x32x128xf32, #tpu.memory_space<vmem>> -> memref<4x32x128xf32, #tpu.memory_space<vmem>>
      %gather3A_1966 = tpu.vector_load_idx %gather3A_1965[%and3A_1582, %broadcast_in_dim3A_1946, %and3A_1959] : memref<4x32x128xf32, #tpu.memory_space<vmem>>[vector<16xi32>, vector<16xi32>, vector<16xi32>], vector<16xf32>,
      %mul3A_1967 = arith.mulf %gather3A_1956, %gather3A_1966 : vector<16xf32>
      %add3A_1968 = arith.addf %add3A_1944, %mul3A_1967 : vector<16xf32>
      %broadcast_in_dim3A_1969 = arith.constant 16 : i32
      %broadcast_in_dim3A_1970 = vector.broadcast %broadcast_in_dim3A_1969 : i32 to vector<16xi32>
      %and3A_1971 = arith.constant 127 : i32
      %and3A_1972 = vector.broadcast %and3A_1971 : i32 to vector<16xi32>
      %and3A_1973 = arith.andi %get3A_1575, %and3A_1972 : vector<16xi32>
      %gather3A_1974 = arith.constant 1 : i32
      %gather3A_1975 = arith.constant 0 : i32
      %gather3A_1976 = arith.constant 0 : i32
      %gather3A_1977 = arith.constant 0 : i32
      %gather3A_1978 = tpu.memref_slice %arg9[%gather3A_1974, %gather3A_1975, %gather3A_1976, %gather3A_1977] : memref<2x4x32x128xf32, #tpu.memory_space<vmem>> -> memref<1x4x32x128xf32, #tpu.memory_space<vmem>>
      %gather3A_1979 = tpu.memref_squeeze %gather3A_1978 : memref<1x4x32x128xf32, #tpu.memory_space<vmem>> -> memref<4x32x128xf32, #tpu.memory_space<vmem>>
      %gather3A_1980 = tpu.vector_load_idx %gather3A_1979[%and3A_1582, %broadcast_in_dim3A_1970, %and3A_1973] : memref<4x32x128xf32, #tpu.memory_space<vmem>>[vector<16xi32>, vector<16xi32>, vector<16xi32>], vector<16xf32>,
      %and3A_1981 = arith.constant 127 : i32
      %and3A_1982 = vector.broadcast %and3A_1981 : i32 to vector<16xi32>
      %and3A_1983 = arith.andi %get3A_1579, %and3A_1982 : vector<16xi32>
      %gather3A_1984 = arith.constant 1 : i32
      %gather3A_1985 = arith.constant 0 : i32
      %gather3A_1986 = arith.constant 0 : i32
      %gather3A_1987 = arith.constant 0 : i32
      %gather3A_1988 = tpu.memref_slice %arg10[%gather3A_1984, %gather3A_1985, %gather3A_1986, %gather3A_1987] : memref<2x4x32x128xf32, #tpu.memory_space<vmem>> -> memref<1x4x32x128xf32, #tpu.memory_space<vmem>>
      %gather3A_1989 = tpu.memref_squeeze %gather3A_1988 : memref<1x4x32x128xf32, #tpu.memory_space<vmem>> -> memref<4x32x128xf32, #tpu.memory_space<vmem>>
      %gather3A_1990 = tpu.vector_load_idx %gather3A_1989[%and3A_1582, %broadcast_in_dim3A_1970, %and3A_1983] : memref<4x32x128xf32, #tpu.memory_space<vmem>>[vector<16xi32>, vector<16xi32>, vector<16xi32>], vector<16xf32>,
      %mul3A_1991 = arith.mulf %gather3A_1980, %gather3A_1990 : vector<16xf32>
      %add3A_1992 = arith.addf %add3A_1968, %mul3A_1991 : vector<16xf32>
      %broadcast_in_dim3A_1993 = arith.constant 17 : i32
      %broadcast_in_dim3A_1994 = vector.broadcast %broadcast_in_dim3A_1993 : i32 to vector<16xi32>
      %and3A_1995 = arith.constant 127 : i32
      %and3A_1996 = vector.broadcast %and3A_1995 : i32 to vector<16xi32>
      %and3A_1997 = arith.andi %get3A_1575, %and3A_1996 : vector<16xi32>
      %gather3A_1998 = arith.constant 1 : i32
      %gather3A_1999 = arith.constant 0 : i32
      %gather3A_2000 = arith.constant 0 : i32
      %gather3A_2001 = arith.constant 0 : i32
      %gather3A_2002 = tpu.memref_slice %arg9[%gather3A_1998, %gather3A_1999, %gather3A_2000, %gather3A_2001] : memref<2x4x32x128xf32, #tpu.memory_space<vmem>> -> memref<1x4x32x128xf32, #tpu.memory_space<vmem>>
      %gather3A_2003 = tpu.memref_squeeze %gather3A_2002 : memref<1x4x32x128xf32, #tpu.memory_space<vmem>> -> memref<4x32x128xf32, #tpu.memory_space<vmem>>
      %gather3A_2004 = tpu.vector_load_idx %gather3A_2003[%and3A_1582, %broadcast_in_dim3A_1994, %and3A_1997] : memref<4x32x128xf32, #tpu.memory_space<vmem>>[vector<16xi32>, vector<16xi32>, vector<16xi32>], vector<16xf32>,
      %and3A_2005 = arith.constant 127 : i32
      %and3A_2006 = vector.broadcast %and3A_2005 : i32 to vector<16xi32>
      %and3A_2007 = arith.andi %get3A_1579, %and3A_2006 : vector<16xi32>
      %gather3A_2008 = arith.constant 1 : i32
      %gather3A_2009 = arith.constant 0 : i32
      %gather3A_2010 = arith.constant 0 : i32
      %gather3A_2011 = arith.constant 0 : i32
      %gather3A_2012 = tpu.memref_slice %arg10[%gather3A_2008, %gather3A_2009, %gather3A_2010, %gather3A_2011] : memref<2x4x32x128xf32, #tpu.memory_space<vmem>> -> memref<1x4x32x128xf32, #tpu.memory_space<vmem>>
      %gather3A_2013 = tpu.memref_squeeze %gather3A_2012 : memref<1x4x32x128xf32, #tpu.memory_space<vmem>> -> memref<4x32x128xf32, #tpu.memory_space<vmem>>
      %gather3A_2014 = tpu.vector_load_idx %gather3A_2013[%and3A_1582, %broadcast_in_dim3A_1994, %and3A_2007] : memref<4x32x128xf32, #tpu.memory_space<vmem>>[vector<16xi32>, vector<16xi32>, vector<16xi32>], vector<16xf32>,
      %mul3A_2015 = arith.mulf %gather3A_2004, %gather3A_2014 : vector<16xf32>
      %add3A_2016 = arith.addf %add3A_1992, %mul3A_2015 : vector<16xf32>
      %broadcast_in_dim3A_2017 = arith.constant 18 : i32
      %broadcast_in_dim3A_2018 = vector.broadcast %broadcast_in_dim3A_2017 : i32 to vector<16xi32>
      %and3A_2019 = arith.constant 127 : i32
      %and3A_2020 = vector.broadcast %and3A_2019 : i32 to vector<16xi32>
      %and3A_2021 = arith.andi %get3A_1575, %and3A_2020 : vector<16xi32>
      %gather3A_2022 = arith.constant 1 : i32
      %gather3A_2023 = arith.constant 0 : i32
      %gather3A_2024 = arith.constant 0 : i32
      %gather3A_2025 = arith.constant 0 : i32
      %gather3A_2026 = tpu.memref_slice %arg9[%gather3A_2022, %gather3A_2023, %gather3A_2024, %gather3A_2025] : memref<2x4x32x128xf32, #tpu.memory_space<vmem>> -> memref<1x4x32x128xf32, #tpu.memory_space<vmem>>
      %gather3A_2027 = tpu.memref_squeeze %gather3A_2026 : memref<1x4x32x128xf32, #tpu.memory_space<vmem>> -> memref<4x32x128xf32, #tpu.memory_space<vmem>>
      %gather3A_2028 = tpu.vector_load_idx %gather3A_2027[%and3A_1582, %broadcast_in_dim3A_2018, %and3A_2021] : memref<4x32x128xf32, #tpu.memory_space<vmem>>[vector<16xi32>, vector<16xi32>, vector<16xi32>], vector<16xf32>,
      %and3A_2029 = arith.constant 127 : i32
      %and3A_2030 = vector.broadcast %and3A_2029 : i32 to vector<16xi32>
      %and3A_2031 = arith.andi %get3A_1579, %and3A_2030 : vector<16xi32>
      %gather3A_2032 = arith.constant 1 : i32
      %gather3A_2033 = arith.constant 0 : i32
      %gather3A_2034 = arith.constant 0 : i32
      %gather3A_2035 = arith.constant 0 : i32
      %gather3A_2036 = tpu.memref_slice %arg10[%gather3A_2032, %gather3A_2033, %gather3A_2034, %gather3A_2035] : memref<2x4x32x128xf32, #tpu.memory_space<vmem>> -> memref<1x4x32x128xf32, #tpu.memory_space<vmem>>
      %gather3A_2037 = tpu.memref_squeeze %gather3A_2036 : memref<1x4x32x128xf32, #tpu.memory_space<vmem>> -> memref<4x32x128xf32, #tpu.memory_space<vmem>>
      %gather3A_2038 = tpu.vector_load_idx %gather3A_2037[%and3A_1582, %broadcast_in_dim3A_2018, %and3A_2031] : memref<4x32x128xf32, #tpu.memory_space<vmem>>[vector<16xi32>, vector<16xi32>, vector<16xi32>], vector<16xf32>,
      %mul3A_2039 = arith.mulf %gather3A_2028, %gather3A_2038 : vector<16xf32>
      %add3A_2040 = arith.addf %add3A_2016, %mul3A_2039 : vector<16xf32>
      %broadcast_in_dim3A_2041 = arith.constant 19 : i32
      %broadcast_in_dim3A_2042 = vector.broadcast %broadcast_in_dim3A_2041 : i32 to vector<16xi32>
      %and3A_2043 = arith.constant 127 : i32
      %and3A_2044 = vector.broadcast %and3A_2043 : i32 to vector<16xi32>
      %and3A_2045 = arith.andi %get3A_1575, %and3A_2044 : vector<16xi32>
      %gather3A_2046 = arith.constant 1 : i32
      %gather3A_2047 = arith.constant 0 : i32
      %gather3A_2048 = arith.constant 0 : i32
      %gather3A_2049 = arith.constant 0 : i32
      %gather3A_2050 = tpu.memref_slice %arg9[%gather3A_2046, %gather3A_2047, %gather3A_2048, %gather3A_2049] : memref<2x4x32x128xf32, #tpu.memory_space<vmem>> -> memref<1x4x32x128xf32, #tpu.memory_space<vmem>>
      %gather3A_2051 = tpu.memref_squeeze %gather3A_2050 : memref<1x4x32x128xf32, #tpu.memory_space<vmem>> -> memref<4x32x128xf32, #tpu.memory_space<vmem>>
      %gather3A_2052 = tpu.vector_load_idx %gather3A_2051[%and3A_1582, %broadcast_in_dim3A_2042, %and3A_2045] : memref<4x32x128xf32, #tpu.memory_space<vmem>>[vector<16xi32>, vector<16xi32>, vector<16xi32>], vector<16xf32>,
      %and3A_2053 = arith.constant 127 : i32
      %and3A_2054 = vector.broadcast %and3A_2053 : i32 to vector<16xi32>
      %and3A_2055 = arith.andi %get3A_1579, %and3A_2054 : vector<16xi32>
      %gather3A_2056 = arith.constant 1 : i32
      %gather3A_2057 = arith.constant 0 : i32
      %gather3A_2058 = arith.constant 0 : i32
      %gather3A_2059 = arith.constant 0 : i32
      %gather3A_2060 = tpu.memref_slice %arg10[%gather3A_2056, %gather3A_2057, %gather3A_2058, %gather3A_2059] : memref<2x4x32x128xf32, #tpu.memory_space<vmem>> -> memref<1x4x32x128xf32, #tpu.memory_space<vmem>>
      %gather3A_2061 = tpu.memref_squeeze %gather3A_2060 : memref<1x4x32x128xf32, #tpu.memory_space<vmem>> -> memref<4x32x128xf32, #tpu.memory_space<vmem>>
      %gather3A_2062 = tpu.vector_load_idx %gather3A_2061[%and3A_1582, %broadcast_in_dim3A_2042, %and3A_2055] : memref<4x32x128xf32, #tpu.memory_space<vmem>>[vector<16xi32>, vector<16xi32>, vector<16xi32>], vector<16xf32>,
      %mul3A_2063 = arith.mulf %gather3A_2052, %gather3A_2062 : vector<16xf32>
      %add3A_2064 = arith.addf %add3A_2040, %mul3A_2063 : vector<16xf32>
      %broadcast_in_dim3A_2065 = arith.constant 20 : i32
      %broadcast_in_dim3A_2066 = vector.broadcast %broadcast_in_dim3A_2065 : i32 to vector<16xi32>
      %and3A_2067 = arith.constant 127 : i32
      %and3A_2068 = vector.broadcast %and3A_2067 : i32 to vector<16xi32>
      %and3A_2069 = arith.andi %get3A_1575, %and3A_2068 : vector<16xi32>
      %gather3A_2070 = arith.constant 1 : i32
      %gather3A_2071 = arith.constant 0 : i32
      %gather3A_2072 = arith.constant 0 : i32
      %gather3A_2073 = arith.constant 0 : i32
      %gather3A_2074 = tpu.memref_slice %arg9[%gather3A_2070, %gather3A_2071, %gather3A_2072, %gather3A_2073] : memref<2x4x32x128xf32, #tpu.memory_space<vmem>> -> memref<1x4x32x128xf32, #tpu.memory_space<vmem>>
      %gather3A_2075 = tpu.memref_squeeze %gather3A_2074 : memref<1x4x32x128xf32, #tpu.memory_space<vmem>> -> memref<4x32x128xf32, #tpu.memory_space<vmem>>
      %gather3A_2076 = tpu.vector_load_idx %gather3A_2075[%and3A_1582, %broadcast_in_dim3A_2066, %and3A_2069] : memref<4x32x128xf32, #tpu.memory_space<vmem>>[vector<16xi32>, vector<16xi32>, vector<16xi32>], vector<16xf32>,
      %and3A_2077 = arith.constant 127 : i32
      %and3A_2078 = vector.broadcast %and3A_2077 : i32 to vector<16xi32>
      %and3A_2079 = arith.andi %get3A_1579, %and3A_2078 : vector<16xi32>
      %gather3A_2080 = arith.constant 1 : i32
      %gather3A_2081 = arith.constant 0 : i32
      %gather3A_2082 = arith.constant 0 : i32
      %gather3A_2083 = arith.constant 0 : i32
      %gather3A_2084 = tpu.memref_slice %arg10[%gather3A_2080, %gather3A_2081, %gather3A_2082, %gather3A_2083] : memref<2x4x32x128xf32, #tpu.memory_space<vmem>> -> memref<1x4x32x128xf32, #tpu.memory_space<vmem>>
      %gather3A_2085 = tpu.memref_squeeze %gather3A_2084 : memref<1x4x32x128xf32, #tpu.memory_space<vmem>> -> memref<4x32x128xf32, #tpu.memory_space<vmem>>
      %gather3A_2086 = tpu.vector_load_idx %gather3A_2085[%and3A_1582, %broadcast_in_dim3A_2066, %and3A_2079] : memref<4x32x128xf32, #tpu.memory_space<vmem>>[vector<16xi32>, vector<16xi32>, vector<16xi32>], vector<16xf32>,
      %mul3A_2087 = arith.mulf %gather3A_2076, %gather3A_2086 : vector<16xf32>
      %add3A_2088 = arith.addf %add3A_2064, %mul3A_2087 : vector<16xf32>
      %broadcast_in_dim3A_2089 = arith.constant 21 : i32
      %broadcast_in_dim3A_2090 = vector.broadcast %broadcast_in_dim3A_2089 : i32 to vector<16xi32>
      %and3A_2091 = arith.constant 127 : i32
      %and3A_2092 = vector.broadcast %and3A_2091 : i32 to vector<16xi32>
      %and3A_2093 = arith.andi %get3A_1575, %and3A_2092 : vector<16xi32>
      %gather3A_2094 = arith.constant 1 : i32
      %gather3A_2095 = arith.constant 0 : i32
      %gather3A_2096 = arith.constant 0 : i32
      %gather3A_2097 = arith.constant 0 : i32
      %gather3A_2098 = tpu.memref_slice %arg9[%gather3A_2094, %gather3A_2095, %gather3A_2096, %gather3A_2097] : memref<2x4x32x128xf32, #tpu.memory_space<vmem>> -> memref<1x4x32x128xf32, #tpu.memory_space<vmem>>
      %gather3A_2099 = tpu.memref_squeeze %gather3A_2098 : memref<1x4x32x128xf32, #tpu.memory_space<vmem>> -> memref<4x32x128xf32, #tpu.memory_space<vmem>>
      %gather3A_2100 = tpu.vector_load_idx %gather3A_2099[%and3A_1582, %broadcast_in_dim3A_2090, %and3A_2093] : memref<4x32x128xf32, #tpu.memory_space<vmem>>[vector<16xi32>, vector<16xi32>, vector<16xi32>], vector<16xf32>,
      %and3A_2101 = arith.constant 127 : i32
      %and3A_2102 = vector.broadcast %and3A_2101 : i32 to vector<16xi32>
      %and3A_2103 = arith.andi %get3A_1579, %and3A_2102 : vector<16xi32>
      %gather3A_2104 = arith.constant 1 : i32
      %gather3A_2105 = arith.constant 0 : i32
      %gather3A_2106 = arith.constant 0 : i32
      %gather3A_2107 = arith.constant 0 : i32
      %gather3A_2108 = tpu.memref_slice %arg10[%gather3A_2104, %gather3A_2105, %gather3A_2106, %gather3A_2107] : memref<2x4x32x128xf32, #tpu.memory_space<vmem>> -> memref<1x4x32x128xf32, #tpu.memory_space<vmem>>
      %gather3A_2109 = tpu.memref_squeeze %gather3A_2108 : memref<1x4x32x128xf32, #tpu.memory_space<vmem>> -> memref<4x32x128xf32, #tpu.memory_space<vmem>>
      %gather3A_2110 = tpu.vector_load_idx %gather3A_2109[%and3A_1582, %broadcast_in_dim3A_2090, %and3A_2103] : memref<4x32x128xf32, #tpu.memory_space<vmem>>[vector<16xi32>, vector<16xi32>, vector<16xi32>], vector<16xf32>,
      %mul3A_2111 = arith.mulf %gather3A_2100, %gather3A_2110 : vector<16xf32>
      %add3A_2112 = arith.addf %add3A_2088, %mul3A_2111 : vector<16xf32>
      %broadcast_in_dim3A_2113 = arith.constant 22 : i32
      %broadcast_in_dim3A_2114 = vector.broadcast %broadcast_in_dim3A_2113 : i32 to vector<16xi32>
      %and3A_2115 = arith.constant 127 : i32
      %and3A_2116 = vector.broadcast %and3A_2115 : i32 to vector<16xi32>
      %and3A_2117 = arith.andi %get3A_1575, %and3A_2116 : vector<16xi32>
      %gather3A_2118 = arith.constant 1 : i32
      %gather3A_2119 = arith.constant 0 : i32
      %gather3A_2120 = arith.constant 0 : i32
      %gather3A_2121 = arith.constant 0 : i32
      %gather3A_2122 = tpu.memref_slice %arg9[%gather3A_2118, %gather3A_2119, %gather3A_2120, %gather3A_2121] : memref<2x4x32x128xf32, #tpu.memory_space<vmem>> -> memref<1x4x32x128xf32, #tpu.memory_space<vmem>>
      %gather3A_2123 = tpu.memref_squeeze %gather3A_2122 : memref<1x4x32x128xf32, #tpu.memory_space<vmem>> -> memref<4x32x128xf32, #tpu.memory_space<vmem>>
      %gather3A_2124 = tpu.vector_load_idx %gather3A_2123[%and3A_1582, %broadcast_in_dim3A_2114, %and3A_2117] : memref<4x32x128xf32, #tpu.memory_space<vmem>>[vector<16xi32>, vector<16xi32>, vector<16xi32>], vector<16xf32>,
      %and3A_2125 = arith.constant 127 : i32
      %and3A_2126 = vector.broadcast %and3A_2125 : i32 to vector<16xi32>
      %and3A_2127 = arith.andi %get3A_1579, %and3A_2126 : vector<16xi32>
      %gather3A_2128 = arith.constant 1 : i32
      %gather3A_2129 = arith.constant 0 : i32
      %gather3A_2130 = arith.constant 0 : i32
      %gather3A_2131 = arith.constant 0 : i32
      %gather3A_2132 = tpu.memref_slice %arg10[%gather3A_2128, %gather3A_2129, %gather3A_2130, %gather3A_2131] : memref<2x4x32x128xf32, #tpu.memory_space<vmem>> -> memref<1x4x32x128xf32, #tpu.memory_space<vmem>>
      %gather3A_2133 = tpu.memref_squeeze %gather3A_2132 : memref<1x4x32x128xf32, #tpu.memory_space<vmem>> -> memref<4x32x128xf32, #tpu.memory_space<vmem>>
      %gather3A_2134 = tpu.vector_load_idx %gather3A_2133[%and3A_1582, %broadcast_in_dim3A_2114, %and3A_2127] : memref<4x32x128xf32, #tpu.memory_space<vmem>>[vector<16xi32>, vector<16xi32>, vector<16xi32>], vector<16xf32>,
      %mul3A_2135 = arith.mulf %gather3A_2124, %gather3A_2134 : vector<16xf32>
      %add3A_2136 = arith.addf %add3A_2112, %mul3A_2135 : vector<16xf32>
      %broadcast_in_dim3A_2137 = arith.constant 23 : i32
      %broadcast_in_dim3A_2138 = vector.broadcast %broadcast_in_dim3A_2137 : i32 to vector<16xi32>
      %and3A_2139 = arith.constant 127 : i32
      %and3A_2140 = vector.broadcast %and3A_2139 : i32 to vector<16xi32>
      %and3A_2141 = arith.andi %get3A_1575, %and3A_2140 : vector<16xi32>
      %gather3A_2142 = arith.constant 1 : i32
      %gather3A_2143 = arith.constant 0 : i32
      %gather3A_2144 = arith.constant 0 : i32
      %gather3A_2145 = arith.constant 0 : i32
      %gather3A_2146 = tpu.memref_slice %arg9[%gather3A_2142, %gather3A_2143, %gather3A_2144, %gather3A_2145] : memref<2x4x32x128xf32, #tpu.memory_space<vmem>> -> memref<1x4x32x128xf32, #tpu.memory_space<vmem>>
      %gather3A_2147 = tpu.memref_squeeze %gather3A_2146 : memref<1x4x32x128xf32, #tpu.memory_space<vmem>> -> memref<4x32x128xf32, #tpu.memory_space<vmem>>
      %gather3A_2148 = tpu.vector_load_idx %gather3A_2147[%and3A_1582, %broadcast_in_dim3A_2138, %and3A_2141] : memref<4x32x128xf32, #tpu.memory_space<vmem>>[vector<16xi32>, vector<16xi32>, vector<16xi32>], vector<16xf32>,
      %and3A_2149 = arith.constant 127 : i32
      %and3A_2150 = vector.broadcast %and3A_2149 : i32 to vector<16xi32>
      %and3A_2151 = arith.andi %get3A_1579, %and3A_2150 : vector<16xi32>
      %gather3A_2152 = arith.constant 1 : i32
      %gather3A_2153 = arith.constant 0 : i32
      %gather3A_2154 = arith.constant 0 : i32
      %gather3A_2155 = arith.constant 0 : i32
      %gather3A_2156 = tpu.memref_slice %arg10[%gather3A_2152, %gather3A_2153, %gather3A_2154, %gather3A_2155] : memref<2x4x32x128xf32, #tpu.memory_space<vmem>> -> memref<1x4x32x128xf32, #tpu.memory_space<vmem>>
      %gather3A_2157 = tpu.memref_squeeze %gather3A_2156 : memref<1x4x32x128xf32, #tpu.memory_space<vmem>> -> memref<4x32x128xf32, #tpu.memory_space<vmem>>
      %gather3A_2158 = tpu.vector_load_idx %gather3A_2157[%and3A_1582, %broadcast_in_dim3A_2138, %and3A_2151] : memref<4x32x128xf32, #tpu.memory_space<vmem>>[vector<16xi32>, vector<16xi32>, vector<16xi32>], vector<16xf32>,
      %mul3A_2159 = arith.mulf %gather3A_2148, %gather3A_2158 : vector<16xf32>
      %add3A_2160 = arith.addf %add3A_2136, %mul3A_2159 : vector<16xf32>
      %broadcast_in_dim3A_2161 = arith.constant 24 : i32
      %broadcast_in_dim3A_2162 = vector.broadcast %broadcast_in_dim3A_2161 : i32 to vector<16xi32>
      %and3A_2163 = arith.constant 127 : i32
      %and3A_2164 = vector.broadcast %and3A_2163 : i32 to vector<16xi32>
      %and3A_2165 = arith.andi %get3A_1575, %and3A_2164 : vector<16xi32>
      %gather3A_2166 = arith.constant 1 : i32
      %gather3A_2167 = arith.constant 0 : i32
      %gather3A_2168 = arith.constant 0 : i32
      %gather3A_2169 = arith.constant 0 : i32
      %gather3A_2170 = tpu.memref_slice %arg9[%gather3A_2166, %gather3A_2167, %gather3A_2168, %gather3A_2169] : memref<2x4x32x128xf32, #tpu.memory_space<vmem>> -> memref<1x4x32x128xf32, #tpu.memory_space<vmem>>
      %gather3A_2171 = tpu.memref_squeeze %gather3A_2170 : memref<1x4x32x128xf32, #tpu.memory_space<vmem>> -> memref<4x32x128xf32, #tpu.memory_space<vmem>>
      %gather3A_2172 = tpu.vector_load_idx %gather3A_2171[%and3A_1582, %broadcast_in_dim3A_2162, %and3A_2165] : memref<4x32x128xf32, #tpu.memory_space<vmem>>[vector<16xi32>, vector<16xi32>, vector<16xi32>], vector<16xf32>,
      %and3A_2173 = arith.constant 127 : i32
      %and3A_2174 = vector.broadcast %and3A_2173 : i32 to vector<16xi32>
      %and3A_2175 = arith.andi %get3A_1579, %and3A_2174 : vector<16xi32>
      %gather3A_2176 = arith.constant 1 : i32
      %gather3A_2177 = arith.constant 0 : i32
      %gather3A_2178 = arith.constant 0 : i32
      %gather3A_2179 = arith.constant 0 : i32
      %gather3A_2180 = tpu.memref_slice %arg10[%gather3A_2176, %gather3A_2177, %gather3A_2178, %gather3A_2179] : memref<2x4x32x128xf32, #tpu.memory_space<vmem>> -> memref<1x4x32x128xf32, #tpu.memory_space<vmem>>
      %gather3A_2181 = tpu.memref_squeeze %gather3A_2180 : memref<1x4x32x128xf32, #tpu.memory_space<vmem>> -> memref<4x32x128xf32, #tpu.memory_space<vmem>>
      %gather3A_2182 = tpu.vector_load_idx %gather3A_2181[%and3A_1582, %broadcast_in_dim3A_2162, %and3A_2175] : memref<4x32x128xf32, #tpu.memory_space<vmem>>[vector<16xi32>, vector<16xi32>, vector<16xi32>], vector<16xf32>,
      %mul3A_2183 = arith.mulf %gather3A_2172, %gather3A_2182 : vector<16xf32>
      %add3A_2184 = arith.addf %add3A_2160, %mul3A_2183 : vector<16xf32>
      %broadcast_in_dim3A_2185 = arith.constant 25 : i32
      %broadcast_in_dim3A_2186 = vector.broadcast %broadcast_in_dim3A_2185 : i32 to vector<16xi32>
      %and3A_2187 = arith.constant 127 : i32
      %and3A_2188 = vector.broadcast %and3A_2187 : i32 to vector<16xi32>
      %and3A_2189 = arith.andi %get3A_1575, %and3A_2188 : vector<16xi32>
      %gather3A_2190 = arith.constant 1 : i32
      %gather3A_2191 = arith.constant 0 : i32
      %gather3A_2192 = arith.constant 0 : i32
      %gather3A_2193 = arith.constant 0 : i32
      %gather3A_2194 = tpu.memref_slice %arg9[%gather3A_2190, %gather3A_2191, %gather3A_2192, %gather3A_2193] : memref<2x4x32x128xf32, #tpu.memory_space<vmem>> -> memref<1x4x32x128xf32, #tpu.memory_space<vmem>>
      %gather3A_2195 = tpu.memref_squeeze %gather3A_2194 : memref<1x4x32x128xf32, #tpu.memory_space<vmem>> -> memref<4x32x128xf32, #tpu.memory_space<vmem>>
      %gather3A_2196 = tpu.vector_load_idx %gather3A_2195[%and3A_1582, %broadcast_in_dim3A_2186, %and3A_2189] : memref<4x32x128xf32, #tpu.memory_space<vmem>>[vector<16xi32>, vector<16xi32>, vector<16xi32>], vector<16xf32>,
      %and3A_2197 = arith.constant 127 : i32
      %and3A_2198 = vector.broadcast %and3A_2197 : i32 to vector<16xi32>
      %and3A_2199 = arith.andi %get3A_1579, %and3A_2198 : vector<16xi32>
      %gather3A_2200 = arith.constant 1 : i32
      %gather3A_2201 = arith.constant 0 : i32
      %gather3A_2202 = arith.constant 0 : i32
      %gather3A_2203 = arith.constant 0 : i32
      %gather3A_2204 = tpu.memref_slice %arg10[%gather3A_2200, %gather3A_2201, %gather3A_2202, %gather3A_2203] : memref<2x4x32x128xf32, #tpu.memory_space<vmem>> -> memref<1x4x32x128xf32, #tpu.memory_space<vmem>>
      %gather3A_2205 = tpu.memref_squeeze %gather3A_2204 : memref<1x4x32x128xf32, #tpu.memory_space<vmem>> -> memref<4x32x128xf32, #tpu.memory_space<vmem>>
      %gather3A_2206 = tpu.vector_load_idx %gather3A_2205[%and3A_1582, %broadcast_in_dim3A_2186, %and3A_2199] : memref<4x32x128xf32, #tpu.memory_space<vmem>>[vector<16xi32>, vector<16xi32>, vector<16xi32>], vector<16xf32>,
      %mul3A_2207 = arith.mulf %gather3A_2196, %gather3A_2206 : vector<16xf32>
      %add3A_2208 = arith.addf %add3A_2184, %mul3A_2207 : vector<16xf32>
      %broadcast_in_dim3A_2209 = arith.constant 26 : i32
      %broadcast_in_dim3A_2210 = vector.broadcast %broadcast_in_dim3A_2209 : i32 to vector<16xi32>
      %and3A_2211 = arith.constant 127 : i32
      %and3A_2212 = vector.broadcast %and3A_2211 : i32 to vector<16xi32>
      %and3A_2213 = arith.andi %get3A_1575, %and3A_2212 : vector<16xi32>
      %gather3A_2214 = arith.constant 1 : i32
      %gather3A_2215 = arith.constant 0 : i32
      %gather3A_2216 = arith.constant 0 : i32
      %gather3A_2217 = arith.constant 0 : i32
      %gather3A_2218 = tpu.memref_slice %arg9[%gather3A_2214, %gather3A_2215, %gather3A_2216, %gather3A_2217] : memref<2x4x32x128xf32, #tpu.memory_space<vmem>> -> memref<1x4x32x128xf32, #tpu.memory_space<vmem>>
      %gather3A_2219 = tpu.memref_squeeze %gather3A_2218 : memref<1x4x32x128xf32, #tpu.memory_space<vmem>> -> memref<4x32x128xf32, #tpu.memory_space<vmem>>
      %gather3A_2220 = tpu.vector_load_idx %gather3A_2219[%and3A_1582, %broadcast_in_dim3A_2210, %and3A_2213] : memref<4x32x128xf32, #tpu.memory_space<vmem>>[vector<16xi32>, vector<16xi32>, vector<16xi32>], vector<16xf32>,
      %and3A_2221 = arith.constant 127 : i32
      %and3A_2222 = vector.broadcast %and3A_2221 : i32 to vector<16xi32>
      %and3A_2223 = arith.andi %get3A_1579, %and3A_2222 : vector<16xi32>
      %gather3A_2224 = arith.constant 1 : i32
      %gather3A_2225 = arith.constant 0 : i32
      %gather3A_2226 = arith.constant 0 : i32
      %gather3A_2227 = arith.constant 0 : i32
      %gather3A_2228 = tpu.memref_slice %arg10[%gather3A_2224, %gather3A_2225, %gather3A_2226, %gather3A_2227] : memref<2x4x32x128xf32, #tpu.memory_space<vmem>> -> memref<1x4x32x128xf32, #tpu.memory_space<vmem>>
      %gather3A_2229 = tpu.memref_squeeze %gather3A_2228 : memref<1x4x32x128xf32, #tpu.memory_space<vmem>> -> memref<4x32x128xf32, #tpu.memory_space<vmem>>
      %gather3A_2230 = tpu.vector_load_idx %gather3A_2229[%and3A_1582, %broadcast_in_dim3A_2210, %and3A_2223] : memref<4x32x128xf32, #tpu.memory_space<vmem>>[vector<16xi32>, vector<16xi32>, vector<16xi32>], vector<16xf32>,
      %mul3A_2231 = arith.mulf %gather3A_2220, %gather3A_2230 : vector<16xf32>
      %add3A_2232 = arith.addf %add3A_2208, %mul3A_2231 : vector<16xf32>
      %broadcast_in_dim3A_2233 = arith.constant 27 : i32
      %broadcast_in_dim3A_2234 = vector.broadcast %broadcast_in_dim3A_2233 : i32 to vector<16xi32>
      %and3A_2235 = arith.constant 127 : i32
      %and3A_2236 = vector.broadcast %and3A_2235 : i32 to vector<16xi32>
      %and3A_2237 = arith.andi %get3A_1575, %and3A_2236 : vector<16xi32>
      %gather3A_2238 = arith.constant 1 : i32
      %gather3A_2239 = arith.constant 0 : i32
      %gather3A_2240 = arith.constant 0 : i32
      %gather3A_2241 = arith.constant 0 : i32
      %gather3A_2242 = tpu.memref_slice %arg9[%gather3A_2238, %gather3A_2239, %gather3A_2240, %gather3A_2241] : memref<2x4x32x128xf32, #tpu.memory_space<vmem>> -> memref<1x4x32x128xf32, #tpu.memory_space<vmem>>
      %gather3A_2243 = tpu.memref_squeeze %gather3A_2242 : memref<1x4x32x128xf32, #tpu.memory_space<vmem>> -> memref<4x32x128xf32, #tpu.memory_space<vmem>>
      %gather3A_2244 = tpu.vector_load_idx %gather3A_2243[%and3A_1582, %broadcast_in_dim3A_2234, %and3A_2237] : memref<4x32x128xf32, #tpu.memory_space<vmem>>[vector<16xi32>, vector<16xi32>, vector<16xi32>], vector<16xf32>,
      %and3A_2245 = arith.constant 127 : i32
      %and3A_2246 = vector.broadcast %and3A_2245 : i32 to vector<16xi32>
      %and3A_2247 = arith.andi %get3A_1579, %and3A_2246 : vector<16xi32>
      %gather3A_2248 = arith.constant 1 : i32
      %gather3A_2249 = arith.constant 0 : i32
      %gather3A_2250 = arith.constant 0 : i32
      %gather3A_2251 = arith.constant 0 : i32
      %gather3A_2252 = tpu.memref_slice %arg10[%gather3A_2248, %gather3A_2249, %gather3A_2250, %gather3A_2251] : memref<2x4x32x128xf32, #tpu.memory_space<vmem>> -> memref<1x4x32x128xf32, #tpu.memory_space<vmem>>
      %gather3A_2253 = tpu.memref_squeeze %gather3A_2252 : memref<1x4x32x128xf32, #tpu.memory_space<vmem>> -> memref<4x32x128xf32, #tpu.memory_space<vmem>>
      %gather3A_2254 = tpu.vector_load_idx %gather3A_2253[%and3A_1582, %broadcast_in_dim3A_2234, %and3A_2247] : memref<4x32x128xf32, #tpu.memory_space<vmem>>[vector<16xi32>, vector<16xi32>, vector<16xi32>], vector<16xf32>,
      %mul3A_2255 = arith.mulf %gather3A_2244, %gather3A_2254 : vector<16xf32>
      %add3A_2256 = arith.addf %add3A_2232, %mul3A_2255 : vector<16xf32>
      %broadcast_in_dim3A_2257 = arith.constant 28 : i32
      %broadcast_in_dim3A_2258 = vector.broadcast %broadcast_in_dim3A_2257 : i32 to vector<16xi32>
      %and3A_2259 = arith.constant 127 : i32
      %and3A_2260 = vector.broadcast %and3A_2259 : i32 to vector<16xi32>
      %and3A_2261 = arith.andi %get3A_1575, %and3A_2260 : vector<16xi32>
      %gather3A_2262 = arith.constant 1 : i32
      %gather3A_2263 = arith.constant 0 : i32
      %gather3A_2264 = arith.constant 0 : i32
      %gather3A_2265 = arith.constant 0 : i32
      %gather3A_2266 = tpu.memref_slice %arg9[%gather3A_2262, %gather3A_2263, %gather3A_2264, %gather3A_2265] : memref<2x4x32x128xf32, #tpu.memory_space<vmem>> -> memref<1x4x32x128xf32, #tpu.memory_space<vmem>>
      %gather3A_2267 = tpu.memref_squeeze %gather3A_2266 : memref<1x4x32x128xf32, #tpu.memory_space<vmem>> -> memref<4x32x128xf32, #tpu.memory_space<vmem>>
      %gather3A_2268 = tpu.vector_load_idx %gather3A_2267[%and3A_1582, %broadcast_in_dim3A_2258, %and3A_2261] : memref<4x32x128xf32, #tpu.memory_space<vmem>>[vector<16xi32>, vector<16xi32>, vector<16xi32>], vector<16xf32>,
      %and3A_2269 = arith.constant 127 : i32
      %and3A_2270 = vector.broadcast %and3A_2269 : i32 to vector<16xi32>
      %and3A_2271 = arith.andi %get3A_1579, %and3A_2270 : vector<16xi32>
      %gather3A_2272 = arith.constant 1 : i32
      %gather3A_2273 = arith.constant 0 : i32
      %gather3A_2274 = arith.constant 0 : i32
      %gather3A_2275 = arith.constant 0 : i32
      %gather3A_2276 = tpu.memref_slice %arg10[%gather3A_2272, %gather3A_2273, %gather3A_2274, %gather3A_2275] : memref<2x4x32x128xf32, #tpu.memory_space<vmem>> -> memref<1x4x32x128xf32, #tpu.memory_space<vmem>>
      %gather3A_2277 = tpu.memref_squeeze %gather3A_2276 : memref<1x4x32x128xf32, #tpu.memory_space<vmem>> -> memref<4x32x128xf32, #tpu.memory_space<vmem>>
      %gather3A_2278 = tpu.vector_load_idx %gather3A_2277[%and3A_1582, %broadcast_in_dim3A_2258, %and3A_2271] : memref<4x32x128xf32, #tpu.memory_space<vmem>>[vector<16xi32>, vector<16xi32>, vector<16xi32>], vector<16xf32>,
      %mul3A_2279 = arith.mulf %gather3A_2268, %gather3A_2278 : vector<16xf32>
      %add3A_2280 = arith.addf %add3A_2256, %mul3A_2279 : vector<16xf32>
      %broadcast_in_dim3A_2281 = arith.constant 29 : i32
      %broadcast_in_dim3A_2282 = vector.broadcast %broadcast_in_dim3A_2281 : i32 to vector<16xi32>
      %and3A_2283 = arith.constant 127 : i32
      %and3A_2284 = vector.broadcast %and3A_2283 : i32 to vector<16xi32>
      %and3A_2285 = arith.andi %get3A_1575, %and3A_2284 : vector<16xi32>
      %gather3A_2286 = arith.constant 1 : i32
      %gather3A_2287 = arith.constant 0 : i32
      %gather3A_2288 = arith.constant 0 : i32
      %gather3A_2289 = arith.constant 0 : i32
      %gather3A_2290 = tpu.memref_slice %arg9[%gather3A_2286, %gather3A_2287, %gather3A_2288, %gather3A_2289] : memref<2x4x32x128xf32, #tpu.memory_space<vmem>> -> memref<1x4x32x128xf32, #tpu.memory_space<vmem>>
      %gather3A_2291 = tpu.memref_squeeze %gather3A_2290 : memref<1x4x32x128xf32, #tpu.memory_space<vmem>> -> memref<4x32x128xf32, #tpu.memory_space<vmem>>
      %gather3A_2292 = tpu.vector_load_idx %gather3A_2291[%and3A_1582, %broadcast_in_dim3A_2282, %and3A_2285] : memref<4x32x128xf32, #tpu.memory_space<vmem>>[vector<16xi32>, vector<16xi32>, vector<16xi32>], vector<16xf32>,
      %and3A_2293 = arith.constant 127 : i32
      %and3A_2294 = vector.broadcast %and3A_2293 : i32 to vector<16xi32>
      %and3A_2295 = arith.andi %get3A_1579, %and3A_2294 : vector<16xi32>
      %gather3A_2296 = arith.constant 1 : i32
      %gather3A_2297 = arith.constant 0 : i32
      %gather3A_2298 = arith.constant 0 : i32
      %gather3A_2299 = arith.constant 0 : i32
      %gather3A_2300 = tpu.memref_slice %arg10[%gather3A_2296, %gather3A_2297, %gather3A_2298, %gather3A_2299] : memref<2x4x32x128xf32, #tpu.memory_space<vmem>> -> memref<1x4x32x128xf32, #tpu.memory_space<vmem>>
      %gather3A_2301 = tpu.memref_squeeze %gather3A_2300 : memref<1x4x32x128xf32, #tpu.memory_space<vmem>> -> memref<4x32x128xf32, #tpu.memory_space<vmem>>
      %gather3A_2302 = tpu.vector_load_idx %gather3A_2301[%and3A_1582, %broadcast_in_dim3A_2282, %and3A_2295] : memref<4x32x128xf32, #tpu.memory_space<vmem>>[vector<16xi32>, vector<16xi32>, vector<16xi32>], vector<16xf32>,
      %mul3A_2303 = arith.mulf %gather3A_2292, %gather3A_2302 : vector<16xf32>
      %add3A_2304 = arith.addf %add3A_2280, %mul3A_2303 : vector<16xf32>
      %broadcast_in_dim3A_2305 = arith.constant 30 : i32
      %broadcast_in_dim3A_2306 = vector.broadcast %broadcast_in_dim3A_2305 : i32 to vector<16xi32>
      %and3A_2307 = arith.constant 127 : i32
      %and3A_2308 = vector.broadcast %and3A_2307 : i32 to vector<16xi32>
      %and3A_2309 = arith.andi %get3A_1575, %and3A_2308 : vector<16xi32>
      %gather3A_2310 = arith.constant 1 : i32
      %gather3A_2311 = arith.constant 0 : i32
      %gather3A_2312 = arith.constant 0 : i32
      %gather3A_2313 = arith.constant 0 : i32
      %gather3A_2314 = tpu.memref_slice %arg9[%gather3A_2310, %gather3A_2311, %gather3A_2312, %gather3A_2313] : memref<2x4x32x128xf32, #tpu.memory_space<vmem>> -> memref<1x4x32x128xf32, #tpu.memory_space<vmem>>
      %gather3A_2315 = tpu.memref_squeeze %gather3A_2314 : memref<1x4x32x128xf32, #tpu.memory_space<vmem>> -> memref<4x32x128xf32, #tpu.memory_space<vmem>>
      %gather3A_2316 = tpu.vector_load_idx %gather3A_2315[%and3A_1582, %broadcast_in_dim3A_2306, %and3A_2309] : memref<4x32x128xf32, #tpu.memory_space<vmem>>[vector<16xi32>, vector<16xi32>, vector<16xi32>], vector<16xf32>,
      %and3A_2317 = arith.constant 127 : i32
      %and3A_2318 = vector.broadcast %and3A_2317 : i32 to vector<16xi32>
      %and3A_2319 = arith.andi %get3A_1579, %and3A_2318 : vector<16xi32>
      %gather3A_2320 = arith.constant 1 : i32
      %gather3A_2321 = arith.constant 0 : i32
      %gather3A_2322 = arith.constant 0 : i32
      %gather3A_2323 = arith.constant 0 : i32
      %gather3A_2324 = tpu.memref_slice %arg10[%gather3A_2320, %gather3A_2321, %gather3A_2322, %gather3A_2323] : memref<2x4x32x128xf32, #tpu.memory_space<vmem>> -> memref<1x4x32x128xf32, #tpu.memory_space<vmem>>
      %gather3A_2325 = tpu.memref_squeeze %gather3A_2324 : memref<1x4x32x128xf32, #tpu.memory_space<vmem>> -> memref<4x32x128xf32, #tpu.memory_space<vmem>>
      %gather3A_2326 = tpu.vector_load_idx %gather3A_2325[%and3A_1582, %broadcast_in_dim3A_2306, %and3A_2319] : memref<4x32x128xf32, #tpu.memory_space<vmem>>[vector<16xi32>, vector<16xi32>, vector<16xi32>], vector<16xf32>,
      %mul3A_2327 = arith.mulf %gather3A_2316, %gather3A_2326 : vector<16xf32>
      %add3A_2328 = arith.addf %add3A_2304, %mul3A_2327 : vector<16xf32>
      %broadcast_in_dim3A_2329 = arith.constant 31 : i32
      %broadcast_in_dim3A_2330 = vector.broadcast %broadcast_in_dim3A_2329 : i32 to vector<16xi32>
      %and3A_2331 = arith.constant 127 : i32
      %and3A_2332 = vector.broadcast %and3A_2331 : i32 to vector<16xi32>
      %and3A_2333 = arith.andi %get3A_1575, %and3A_2332 : vector<16xi32>
      %gather3A_2334 = arith.constant 1 : i32
      %gather3A_2335 = arith.constant 0 : i32
      %gather3A_2336 = arith.constant 0 : i32
      %gather3A_2337 = arith.constant 0 : i32
      %gather3A_2338 = tpu.memref_slice %arg9[%gather3A_2334, %gather3A_2335, %gather3A_2336, %gather3A_2337] : memref<2x4x32x128xf32, #tpu.memory_space<vmem>> -> memref<1x4x32x128xf32, #tpu.memory_space<vmem>>
      %gather3A_2339 = tpu.memref_squeeze %gather3A_2338 : memref<1x4x32x128xf32, #tpu.memory_space<vmem>> -> memref<4x32x128xf32, #tpu.memory_space<vmem>>
      %gather3A_2340 = tpu.vector_load_idx %gather3A_2339[%and3A_1582, %broadcast_in_dim3A_2330, %and3A_2333] : memref<4x32x128xf32, #tpu.memory_space<vmem>>[vector<16xi32>, vector<16xi32>, vector<16xi32>], vector<16xf32>,
      %and3A_2341 = arith.constant 127 : i32
      %and3A_2342 = vector.broadcast %and3A_2341 : i32 to vector<16xi32>
      %and3A_2343 = arith.andi %get3A_1579, %and3A_2342 : vector<16xi32>
      %gather3A_2344 = arith.constant 1 : i32
      %gather3A_2345 = arith.constant 0 : i32
      %gather3A_2346 = arith.constant 0 : i32
      %gather3A_2347 = arith.constant 0 : i32
      %gather3A_2348 = tpu.memref_slice %arg10[%gather3A_2344, %gather3A_2345, %gather3A_2346, %gather3A_2347] : memref<2x4x32x128xf32, #tpu.memory_space<vmem>> -> memref<1x4x32x128xf32, #tpu.memory_space<vmem>>
      %gather3A_2349 = tpu.memref_squeeze %gather3A_2348 : memref<1x4x32x128xf32, #tpu.memory_space<vmem>> -> memref<4x32x128xf32, #tpu.memory_space<vmem>>
      %gather3A_2350 = tpu.vector_load_idx %gather3A_2349[%and3A_1582, %broadcast_in_dim3A_2330, %and3A_2343] : memref<4x32x128xf32, #tpu.memory_space<vmem>>[vector<16xi32>, vector<16xi32>, vector<16xi32>], vector<16xf32>,
      %mul3A_2351 = arith.mulf %gather3A_2340, %gather3A_2350 : vector<16xf32>
      %add3A_2352 = arith.addf %add3A_2328, %mul3A_2351 : vector<16xf32>
      %mul3A_2353 = arith.constant 4 : i32
      %mul3A_2354 = arith.muli %add3A_1532, %mul3A_2353 : i32
      %add3A_2355 = vector.broadcast %mul3A_2354 : i32 to vector<16xi32>
      %add3A_2356 = arith.addi %add3A_2355, %iota3A : vector<16xi32>
      %lt3A_2357 = arith.constant 4 : i32
      %lt3A_2358 = vector.broadcast %lt3A_2357 : i32 to vector<16xi32>
      %lt3A_2359 = arith.cmpi slt, %iota3A, %lt3A_2358 : vector<16xi32>
      tpu.vector_store_idx %arg11[%add3A_2356], %add3A_2352 masked %lt3A_2359 : memref<512xf32, #tpu.memory_space<vmem>>[vector<16xi32>], vector<16xf32>, vector<16xi1>
    }
    %scan3A_702 = arith.constant 64 : i32
    "tpu.region"() ({
      %run_scoped3A = tpu.sem_alloc : memref<!tpu.dma_semaphore, #tpu.memory_space<semaphore_mem>>
      %dma_start3A_703 = tpu.memref_slice %arg6[%mul3A_2] : memref<16384xf32, #tpu.memory_space<hbm>> -> memref<512xf32, #tpu.memory_space<hbm>>
      %dma_start3A_704 = tpu.memref_slice %arg6[%mul3A_2] : memref<16384xf32, #tpu.memory_space<hbm>> -> memref<512xf32, #tpu.memory_space<hbm>>
      tpu.enqueue_dma source(%arg11 : memref<512xf32, #tpu.memory_space<vmem>>) target(%dma_start3A_704 : memref<512xf32, #tpu.memory_space<hbm>>) target_semaphore(%run_scoped3A : memref<!tpu.dma_semaphore, #tpu.memory_space<semaphore_mem>>)
      %dma_wait3A = tpu.memref_slice %arg6[%mul3A_2] : memref<16384xf32, #tpu.memory_space<hbm>> -> memref<512xf32, #tpu.memory_space<hbm>>
      %dma_wait3A_705 = tpu.memref_slice %arg6[%mul3A_2] : memref<16384xf32, #tpu.memory_space<hbm>> -> memref<512xf32, #tpu.memory_space<hbm>>
      tpu.wait_dma2 semaphore(%run_scoped3A : memref<!tpu.dma_semaphore, #tpu.memory_space<semaphore_mem>>) src(%arg11 : memref<512xf32, #tpu.memory_space<vmem>>) dst(%dma_wait3A_705 : memref<512xf32, #tpu.memory_space<hbm>>)
      tpu.yield
    }) : () -> ()
    return
  }
}

</mosaic_0001>

<sc_bundles>
// kernel: kernel.3.cloned.1.call-start
scs
__scs_entry_jumppad:
0x0: {  	(pc) =	sbr.rel $0x88, $3  }
0x1: {  	(tag) =	ssettag $0x0;
	lr =	simm.s32 $0x1  }
0x2: {  	[smem:$0x3F9D] =	sst lr;
	_ =	strace $0xD0000000  }
0x3: {  	_ = 	snop  }
0x4: {  	_ = 	snop  }
0x5: {  	_ = 	snop  }
0x6: {  	_ = 	snop  }
0x7: {  	_ = 	snop  }
__scs_overlays_trampoline_lowered:
0x8: {  	[smem:$0x3FAC] =	sst s0  }
0x9: {  	[smem:$0x3FAD] =	sst s1  }
0xa: {  	[smem:$0x3FAE] =	sst s2  }
0xb: {  	[smem:$0x3FAF] =	sst s3  }
0xc: {  	[smem:$0x3FB0] =	sst s4  }
0xd: {  	[smem:$0x3FB1] =	sst s5  }
0xe: {  	[smem:$0x3FB2] =	sst s6  }
0xf: {  	[smem:$0x3FB3] =	sst s7  }
0x10: {  	[smem:$0x3FB4] =	sst s8  }
0x11: {  	[smem:$0x3FB5] =	sst s9;
	s0 =	simm.s32 @!p0 $0x0  }
0x12: {  	s1 =	sld [smem:$0x3F9B];
	s0 =	simm.s32 @p0 $0x1  }
0x13: {  	[smem:$0x3FB6] =	sst s0;
	s0 =	simm.s32 @!p1 $0x0  }
0x14: {  	s2 =	sld [smem:$0x3F9A];
	s0 =	simm.s32 @p1 $0x1  }
0x15: {  	[smem:$0x3FB7] =	sst s0;
	s0 =	simm.s32 @!p2 $0x0  }
0x16: {  	s3 =	sld [smem:$0x3FDB];
	s0 =	simm.s32 @p2 $0x1  }
0x17: {  	s4 =	simm.s32 $0x1BF5;
	[smem:$0x3FB9] =	sst s0  }
0x18: {  	s0 =	sld [smem:$0x3F9C];
	_ =	swait.ge [sflag:s4], $0x0  }
0x19: {  	s7 =	sld [smem:$0x3F9D]  }
0x1a: {  	s8 =	sadd.s32 $0xFFFFE003, lr  }
0x1b: {  	s9 =	sadd.s32 $0xFFFFFEF7, lr;
	s5 =	simm.s32 $0xFFFFFFFF;
	p2 =	slt.u32 s8, $0xFFFFF086  }
0x1c: {  	p1 =	slt.u32 s9, $0xF7A;
	s5 =	simm.s32 @!p2 $0x0  }
0x1d: {  	s5 =	simm.s32 @p1 $0x1;
	p0 =	seq.s32 s7, s2  }
0x1e: {  	s7 =	smul.u32 @!p0 $0xF7A, s2;
	p2 =	seq.s32 @!p0 s5, $0x0  }
0x1f: {  	s9 =	smul.u32 $0xF7A, s1;
	s8 =	simm.s32 @!p0 $0x1BF5;
	p2 =	por !p2, p0  }
0x20: {  	[sflag:s8] =	ssyncset.s32 @!p0 $0xFFFFF086;
	s6 =	sadd.s32 @!p0 s3, s7;
	s7 =	simm.s32 @!p0 $0x108  }
0x21: {  	s3 =	sadd.s32 s3, s9;
	s6 =	sadd.s32 @!p0 $0x88, s6;
	s7 =	simm.s32 @p2 $0x1082  }
0x22: {  	[simem:s7], [sflag:s8] =	dma.local @!p0 [hbm:s6], $0xF7A  }
0x23: {  	s9 =	sor.u32 $0xD0000000, s2;
	s6 =	simm.s32 $0x108;
	_ =	swait.ge @!p0 [sflag:s8], $0x0  }
0x24: {  	s3 =	sadd.s32 $0x88, s3;
	s6 =	simm.s32 @!p1 $0x1082;
	[sflag:s4] =	ssyncset.s32 $0xFFFFF086  }
0x25: {  	[simem:s6], [sflag:s4] =	dma.local [hbm:s3], $0xF7A  }
0x26: {  	[smem:$0x3F9D] =	sst s1;
	(tag) =	ssettag s2;
	_ =	strace s9  }
0x27: {  	s1 =	sld [smem:$0x3FAD]  }
0x28: {  	s2 =	sld [smem:$0x3FAE]  }
0x29: {  	s4 =	sld [smem:$0x3FB0]  }
0x2a: {  	p0 =	seq.s32 s5, $0x0;
	s5 =	sld [smem:$0x3FB1]  }
0x2b: {  	s6 =	sld [smem:$0x3FB2]  }
0x2c: {  	s7 =	sld [smem:$0x3FB3]  }
0x2d: {  	s3 =	simm.s32 $0x108;
	s8 =	sld [smem:$0x3FB4]  }
0x2e: {  	s3 =	simm.s32 @!p0 $0x1082;
	s9 =	sld [smem:$0x3FB5]  }
0x2f: {  	lr =	sadd.s32 s0, s3;
	s0 =	sld [smem:$0x3FAC]  }
0x30: {  	s3 =	sld [smem:$0x3FAF]  }
0x31: {  	[smem:$0x3FB8] =	sst s10  }
0x32: {  	s10 =	sld [smem:$0x3FB6];
	_ =	sdelay $0x3  }
0x33: {  	p0 =	seq.s32 s10, $0x1;
	s10 =	sld [smem:$0x3FB8];
	_ =	sdelay $0x3  }
0x34: {  	[smem:$0x3FB8] =	sst s10  }
0x35: {  	s10 =	sld [smem:$0x3FB7];
	_ =	sdelay $0x3  }
0x36: {  	p1 =	seq.s32 s10, $0x1;
	s10 =	sld [smem:$0x3FB8];
	_ =	sdelay $0x3  }
0x37: {  	[smem:$0x3FB8] =	sst s10  }
0x38: {  	s10 =	sld [smem:$0x3FB9]  }
0x39: {  	_ = 	snop;
	(pc) =	sbr.ind lr, $3  }
0x3a: {  	_ = 	snop  }
0x3b: {  	_ = 	snop  }
0x3c: {  	p2 =	seq.s32 s10, $0x1;
	s10 =	sld [smem:$0x3FB8]  }
0x3d: {  	_ =	shalt  }
0x3e: {  	_ =	shalt  }
0x3f: {  	_ =	shalt  }
0x40: {  	_ =	shalt  }
0x41: {  	_ =	shalt  }
0x42: {  	_ =	shalt  }
0x43: {  	_ =	shalt  }
0x44: {  	_ =	shalt  }
0x45: {  	_ =	shalt  }
0x46: {  	_ =	shalt  }
0x47: {  	_ =	shalt  }
0x48: {  	_ =	shalt  }
0x49: {  	_ =	shalt  }
0x4a: {  	_ =	shalt  }
0x4b: {  	_ =	shalt  }
0x4c: {  	_ =	shalt  }
0x4d: {  	_ =	shalt  }
0x4e: {  	_ =	shalt  }
0x4f: {  	_ =	shalt  }
0x50: {  	_ =	shalt  }
0x51: {  	_ =	shalt  }
0x52: {  	_ =	shalt  }
0x53: {  	_ =	shalt  }
0x54: {  	_ =	shalt  }
0x55: {  	_ =	shalt  }
0x56: {  	_ =	shalt  }
0x57: {  	_ =	shalt  }
0x58: {  	_ =	shalt  }
0x59: {  	_ =	shalt  }
0x5a: {  	_ =	shalt  }
0x5b: {  	_ =	shalt  }
0x5c: {  	_ =	shalt  }
0x5d: {  	_ =	shalt  }
0x5e: {  	_ =	shalt  }
0x5f: {  	_ =	shalt  }
0x60: {  	_ =	shalt  }
0x61: {  	_ =	shalt  }
0x62: {  	_ =	shalt  }
0x63: {  	_ =	shalt  }
0x64: {  	_ =	shalt  }
0x65: {  	_ =	shalt  }
0x66: {  	_ =	shalt  }
0x67: {  	_ =	shalt  }
0x68: {  	_ =	shalt  }
0x69: {  	_ =	shalt  }
0x6a: {  	_ =	shalt  }
0x6b: {  	_ =	shalt  }
0x6c: {  	_ =	shalt  }
0x6d: {  	_ =	shalt  }
0x6e: {  	_ =	shalt  }
0x6f: {  	_ =	shalt  }
0x70: {  	_ =	shalt  }
0x71: {  	_ =	shalt  }
0x72: {  	_ =	shalt  }
0x73: {  	_ =	shalt  }
0x74: {  	_ =	shalt  }
0x75: {  	_ =	shalt  }
0x76: {  	_ =	shalt  }
0x77: {  	_ =	shalt  }
0x78: {  	_ =	shalt  }
0x79: {  	_ =	shalt  }
0x7a: {  	_ =	shalt  }
0x7b: {  	_ =	shalt  }
0x7c: {  	_ =	shalt  }
0x7d: {  	_ =	shalt  }
0x7e: {  	_ =	shalt  }
0x7f: {  	_ =	shalt  }
0x80: {  	_ =	shalt  }
0x81: {  	_ =	shalt  }
0x82: {  	_ =	shalt  }
0x83: {  	_ =	shalt  }
0x84: {  	_ =	shalt  }
0x85: {  	_ =	shalt  }
0x86: {  	_ =	shalt  }
0x87: {  	_ =	shalt  }
.Lfunc_end0:
.L_simem_size_0:
called_computation_lowered:
.L_overlay_start_0:
0x88: {  	s2 =	sld [smem:$0x3FD9]  }
0x89: {  	s3 =	sld [smem:$0x3FFE];
	_ =	sdelay $0x1  }
0x8a: {  	s1 =	srdreg.scid  }
0x8b: {  	s0 =	sand.u32 $0x1, s1  }
0x8c: {  	s18 =	sshll.u32 s0, $0xA;
	s2 =	sadd.s32 s3, s2  }
0x8d: {  	s2 =	sadd.s32 s2, s18  }
0x8e: {  	[smem:$0x3FC4] =	sst s2  }
0x8f: {  	_ = 	snop  }
0x90: {  	s2 =	sld [smem:$0x3FC9]  }
0x91: {  	s19 =	sld [smem:$0x3FC8]  }
0x92: {  	s4 =	sld [smem:$0x3FC7]  }
0x93: {  	s5 =	sld [smem:$0x3FC6]  }
0x94: {  	s6 =	sld [smem:$0x3FD0];
	(tm) =	ssettm $0x1  }
0x95: {  	s7 =	sld [smem:$0x3FFB];
	_ =	sdelay $0x3  }
0x96: {  	_ =	strace s7  }
0x97: {  	s7 =	sld [smem:$0x3FFC];
	_ =	sdelay $0x3  }
0x98: {  	_ =	strace s7  }
0x99: {  	s7 =	sld [smem:$0x3FFD];
	_ =	sdelay $0x3  }
0x9a: {  	_ =	strace s7  }
0x9b: {  	_ =	strace $0x8FFFFFFF  }
0x9c: {  	s20 =	sld [smem:$0x3FDB];
	_ =	sdelay $0x1  }
0x9d: {  	s8 =	simm.s32 $_scs_section_size  }
0x9e: {  	s9 =	simm.s32 $_size__tile_overlayer_lowered;
	s10 =	simm.s32 $_tile_overlayer_lowered  }
0x9f: {  	s23 =	simm.s32 $0x1BFF;
	s22 =	sshll.u32 s10, $0x1;
	s7 =	sadd.s32 s8, s20  }
0xa0: {  	s11 =	simm.s32 $0x0;
	s21 =	sshll.u32 s9, $0x1;
	s9 =	sadd.s32 s22, s7  }
0xa1: {  	[timem:s11], [sflag:s23] =	dma.local [hbm:s9], s21  }
0xa2: {  	_ =	swait.ge [sflag:s23], s21  }
0xa3: {  	s8 =	ssub.s32 $0x0, s21;
	[sflag:s23] =	ssyncset.done $0x0  }
0xa4: {  	[sflag:s23] =	ssyncadd.s32 s8;
	_ =	sdelay $0x1  }
0xa5: {  	s24 =	simm.s32 $0x1B8B  }
0xa6: {  	_ =	swait.ge [sflag:s24], $0x1  }
0xa7: {  	[sflag:s24] =	ssyncset.done $0x0  }
0xa8: {  	s25 =	simm.s32 $0x1B8E;
	[sflag:s24] =	ssyncadd.s32 $0xFFFFFFFF  }
0xa9: {  	s26 =	simm.s32 $execute0_lowered;
	[smem:$0x3FD2] =	sst s25  }
0xaa: {  	s8 =	sshll.u32 s26, $0x1;
	_ =	strace $0x80000046;
	[dreg:$0x1] =	wrdreg $0xFFFFFFFF  }
0xab: {  	s28 =	simm.s32 $_size_execute0_lowered;
	s7 =	sadd.s32 s7, s8;
	[dreg:$0x0] =	wrdreg $0x0  }
0xac: {  	s8 =	sshll.u32 s28, $0x1;
	[dreg:$0x2] =	wrdreg s7  }
0xad: {  	[dreg:$0x3] =	wrdreg s8  }
0xae: {  	[dreg:$0x4] =	wrdreg $0xC0  }
0xaf: {  	_ =	task [dreg:s11], $0x5FFFF  }
0xb0: {  	[dreg:$0x1] =	wrdreg $0xFFFFFFFF  }
0xb1: {  	[dreg:$0x0] =	wrdreg $0x60  }
0xb2: {  	[dreg:$0x2] =	wrdreg s2  }
0xb3: {  	[dreg:$0x3] =	wrdreg s19  }
0xb4: {  	[dreg:$0x4] =	wrdreg s4  }
0xb5: {  	[dreg:$0x5] =	wrdreg s5  }
0xb6: {  	[dreg:$0x6] =	wrdreg s6  }
0xb7: {  	[dreg:$0x7] =	wrdreg $0x9  }
0xb8: {  	_ =	task.clear_ibuf [dreg:s11], $0x8FFFF;
	_ =	strace $0x90000046  }
0xb9: {  	s29 =	simm.s32 $0x9;
	_ =	strace $0x80000048  }
0xba: {  	_ =	swait.ge [sflag:s29], $0x1  }
0xbb: {  	[sflag:s29] =	ssyncadd.s32 $0xFFFFFFFF  }
0xbc: {  	_ =	strace $0x90000048  }
0xbd: {  	_ =	sfence  }
0xbe: {  	s30 =	sld [smem:$0x0];
	_ =	sdelay $0x2  }
0xbf: {  	s31 =	sshll.u32 s1, $0xD;
	s1 =	sshrl.u32 s1, $0x2  }
0xc0: {  	s3 =	sand.u32 $0x4000, s31;
	s1 =	sadd.s32 s1, s30  }
0xc1: {  	s0 =	sor.u32 s3, s0;
	s1 =	sshll.u32 s1, $0x11  }
0xc2: {  	s0 =	sor.u32 s1, s0  }
0xc3: {  	s0 =	sadd.s32 $0x8F2B, s0  }
0xc4: {  	[sflag:s0] =	ssyncadd.remote.s32 $0x1  }
0xc5: {  	_ =	sfence.sel $0xFFFF  }
0xc6: {  	[dreg:$0x0] =	wrdreg $0xFFFFFFFF;
	(pc) =	sbr.abs _section_cstart, $3  }
0xc7: {  	[dreg:$0x1] =	wrdreg $0xFFFFFFFF  }
0xc8: {  	_ =	task.clear_ibuf [dreg:s11], $0x2FFFF;
	_ =	strace $0x9FFFFFFF  }
0xc9: {  	(tm) =	ssettm $0x7FFFFFFF  }
tec
execute0_lowered:
.L_overlay_start_1:
0x0: {  	(tag) =	ssettag $0x1  }
0x1: {  	s0 =	rddreg [dreg:$0x0]  }
0x2: {  	s3 =	rddreg [dreg:$0x1]  }
0x3: {  	s1 =	rddreg [dreg:$0x2]  }
0x4: {  	s2 =	rddreg [dreg:$0x3]  }
0x5: {  	s5 =	rddreg [dreg:$0x4];
	s6 =	srdreg.scid;
	v0 =	vlaneseq.u32  }
0x6: {  	s4 =	simm.s32 $0x0;
	s8 =	stileid.u32;
	s11 =	simm.s32 $0x1;
	v1 =	vand.u32 $0x3, v0  }
0x7: {  	s12 =	simm.s32 $0x500;
	s13 =	simm.s32 $0x8500;
	s19 =	simm.s32 $0x4500;
	v1 =	vmul.u32 $0x1000, v1  }
0x8: {  	s20 =	simm.s32 $0xC500;
	s14 =	simm.s32 $0x6D00;
	s15 =	simm.s32 $0xED00  }
0x9: {  	s16 =	simm.s32 $0x7100;
	s17 =	simm.s32 $0xF100;
	s18 =	simm.s32 $0x7500;
	v2 =	vor.u32 $0x80, v1  }
0xa: {  	s21 =	simm.s32 $0xF500;
	s22 =	simm.s32 $0x7900;
	s23 =	simm.s32 $0xF900;
	v3 =	vor.u32 $0x100, v1;
	v4 =	vor.u32 $0x180, v1;
	v5 =	vor.u32 $0x200, v1  }
0xb: {  	s24 =	simm.s32 $0x7D00;
	s25 =	simm.s32 $0xFD00;
	s28 =	simm.s32 $0x10100;
	v6 =	vor.u32 $0x280, v1;
	v7 =	vor.u32 $0x300, v1;
	v8 =	vor.u32 $0x380, v1  }
0xc: {  	s29 =	simm.s32 $0x10500;
	s6 =	sand.u32 $0x1, s6;
	s8 =	sshll.u32 s8, $0x7;
	v9 =	vor.u32 $0x400, v1;
	v10 =	vor.u32 $0x480, v1;
	v11 =	vor.u32 $0x500, v1  }
0xd: {  	[smem:$0x7FF] =	sst s4;
	s7 =	ssub.s32 $0x2, s6;
	s6 =	sshll.u32 s6, $0x6;
	v12 =	vor.u32 $0x580, v1;
	v13 =	vor.u32 $0x600, v1;
	v14 =	vor.u32 $0x680, v1  }
0xe: {  	_ =	strace $0x80000047;
	s9 =	sshrl.u32 s7, $0x1;
	s6 =	sor.u32 s6, s8;
	v15 =	vor.u32 $0x700, v1;
	v16 =	vor.u32 $0x780, v1;
	v17 =	vor.u32 $0x800, v1  }
.Ltmp0:
0xf: {  	s8 =	simm.s32 $0x6900;
	s0 =	sadd.s32 s0, s6;
	v18 =	vor.u32 $0x880, v1;
	v19 =	vor.u32 $0x900, v1;
	v20 =	vor.u32 $0x980, v1;
	(pc) =	sbr.rel .LBB2_1-.Ltmp0, $4  }
0x10: {  	s7 =	ssub.s32 s7, s9;
	s26 =	sadd.s32 s3, s6;
	v21 =	vor.u32 $0xA00, v1;
	v22 =	vor.u32 $0xA80, v1;
	v23 =	vor.u32 $0xB00, v1;
	[dreg:$0x6] =	wrdreg s0  }
0x11: {  	s30 =	sadd.s32 s5, s6;
	s3 =	simm.s32 $0x2;
	v24 =	vor.u32 $0xB80, v1;
	v25 =	vor.u32 $0xC00, v1;
	v26 =	vor.u32 $0xC80, v1;
	[dreg:$0x7] =	wrdreg s26  }
0x12: {  	s9 =	simm.s32 $0xE900;
	v27 =	vor.u32 $0xD00, v1;
	v28 =	vor.u32 $0xD80, v1;
	v29 =	vor.u32 $0xE00, v1;
	[dreg:$0x8] =	wrdreg s30;
	s31 =	smax.u32 s7, $0x1  }
0x13: {  	v30 =	vor.u32 $0xE80, v1;
	v31 =	vor.u32 $0xF00, v1;
	v32 =	vor.u32 $0xF80, v1;
	s5 =	simm.s32 $0x0;
	s26 =	simm.s32 $0x8100;
	[dreg:$0x9] =	wrdreg s31  }
.LBB2_5:
0x14: {  	s0 =	rddreg [dreg:$0x8];
	s3 =	simm.s32 $0x2  }
0x15: {  	[hbm4b:s0+s4] =	stream.linear.scatter [tilespmem:s29], [sflag:$0x2], $0x200, $0x38;
	[tilespmem:$0x10700] =	vst v63  }
0x16: {  	_ =	swait.ge [sflag:s3], $0x200  }
0x17: {  	s5 =	rddreg [dreg:$0xa]  }
0x18: {  	s31 =	rddreg [dreg:$0x9];
	s5 =	sadd.s32 $0x1, s5  }
0x19: {  	p0 =	sne.s32 s5, s31  }
.Ltmp1:
0x1a: {  	_ = 	snop;
	(pc) =	sbr.rel @!p0 .LBB2_6-.Ltmp1, $3  }
0x1b: {  	_ =	sdelay $0x1  }
0x1c: {  	[sflag:s3] =	ssyncset.done $0x0  }
0x1d: {  	[sflag:s3] =	ssyncadd.s32 $0xFFFFFE00  }
.LBB2_1:
0x1e: {  	[dreg:$0xa] =	wrdreg s5  }
0x1f: {  	s0 =	rddreg [dreg:$0x6]  }
0x20: {  	[tilespmem:s4], [sflag:$0x2] =	stream.linear.gather [hbm4b:s0+s4], $0x200, $0x38;
	[tilespmem:$0x10700] =	vst v63  }
0x21: {  	_ =	swait.ge [sflag:s3], $0x200  }
0x22: {  	[sflag:s3] =	ssyncset.done $0x0  }
0x23: {  	s6 =	simm.s32 $0x280;
	s5 =	rddreg [dreg:$0x7];
	[sflag:s3] =	ssyncadd.s32 $0xFFFFFE00  }
0x24: {  	[tilespmem:s6], [sflag:$0x2] =	stream.linear.gather [hbm4b:s5+s4], $0x200, $0x38;
	[tilespmem:$0x10700] =	vst v63  }
0x25: {  	_ =	swait.ge [sflag:s3], $0x200  }
0x26: {  	[sflag:s3] =	ssyncset.done $0x0  }
0x27: {  	[sflag:s3] =	ssyncadd.s32 $0xFFFFFE00  }
0x28: {  	v34 =	vld [tilespmem:$0x0];
	_ =	sdelay $0x1  }
0x29: {  	v33 =	vld [tilespmem:$0x280];
	_ =	sdelay $0x2  }
0x2a: {  	(v2sf) =	vpush v34, $0x0;
	_ =	sdelay $0x1  }
0x2b: {  	(v2sf) =	vpush v33, $0x0;
	_ =	sdelay $0xc  }
0x2c: {  	s3 =	simm.s32 $0x1;
	s7 =	spop (v2sf)  }
0x2d: {  	s10 =	sand.u32 $0x7F, s7;
	s30 =	sshra.s32 s7, $0x1F;
	p0 =	slt.s32 s7, $0x1  }
0x2e: {  	p1 =	sne.s32 s10, $0x0;
	s5 =	sshrl.u32 s30, $0x19;
	s30 =	spop (v2sf)  }
0x2f: {  	p0 =	por !p0, !p1;
	s0 =	sadd.s32 s5, s7;
	s6 =	sand.u32 $0x7F, s30  }
0x30: {  	s31 =	sshra.s32 s30, $0x1F;
	p5 =	slt.s32 s30, $0x1;
	p0 =	por !p0, !p0  }
0x31: {  	s0 =	sshrl.u32 s0, $0x7;
	p6 =	sne.s32 s6, $0x0;
	s3 =	simm.s32 @!p0 $0x0  }
0x32: {  	s7 =	sshrl.u32 s31, $0x19;
	p0 =	por !p5, !p6;
	s0 =	ssub.s32 s0, s3  }
0x33: {  	s3 =	sadd.s32 s7, s30;
	p0 =	por !p0, !p0;
	s30 =	simm.s32 $0x1  }
0x34: {  	s0 =	sshll.u32 s0, $0xA;
	s3 =	sshrl.u32 s3, $0x7;
	s30 =	simm.s32 @!p0 $0x0  }
0x35: {  	s31 =	sshrl.u32 s0, $0x3;
	s3 =	ssub.s32 s3, s30  }
0x36: {  	(v2sf) =	vpush v34, $0x1;
	s30 =	sadd.s32 s1, s31;
	s3 =	sshll.u32 s3, $0xA  }
0x37: {  	[tilespmem:s12], [sflag:$0x1] =	stream.linear.gather [hbm4b:s30+s4], $0x400, $0x38;
	[tilespmem:$0x10700] =	vst v63  }
0x38: {  	s30 =	sshrl.u32 s3, $0x3  }
0x39: {  	s30 =	sadd.s32 s2, s30  }
0x3a: {  	[tilespmem:s13], [sflag:$0x1] =	stream.linear.gather [hbm4b:s30+s4], $0x400, $0x38;
	[tilespmem:$0x10700] =	vst v63  }
0x3b: {  	s30 =	sadd.s32 $0x7A1400, s0  }
0x3c: {  	s30 =	sshrl.u32 s30, $0x3  }
0x3d: {  	s10 =	simm.s32 $0x900;
	s30 =	sadd.s32 s1, s30  }
0x3e: {  	[tilespmem:s10], [sflag:$0x1] =	stream.linear.gather [hbm4b:s30+s4], $0x400, $0x38;
	[tilespmem:$0x10700] =	vst v63  }
0x3f: {  	(v2sf) =	vpush v33, $0x1;
	s30 =	sadd.s32 $0x7A1400, s3  }
0x40: {  	s30 =	sshrl.u32 s30, $0x3  }
0x41: {  	s6 =	simm.s32 $0x8900;
	s30 =	sadd.s32 s2, s30  }
0x42: {  	[tilespmem:s6], [sflag:$0x1] =	stream.linear.gather [hbm4b:s30+s4], $0x400, $0x38;
	[tilespmem:$0x10700] =	vst v63  }
0x43: {  	s30 =	sadd.s32 $0xF42800, s0  }
0x44: {  	s7 =	simm.s32 $0xD00;
	s30 =	sshrl.u32 s30, $0x3  }
0x45: {  	s10 =	simm.s32 $0x8D00;
	s5 =	spop (v2sf);
	s30 =	sadd.s32 s1, s30  }
0x46: {  	[tilespmem:s7], [sflag:$0x1] =	stream.linear.gather [hbm4b:s30+s4], $0x400, $0x38;
	[tilespmem:$0x10700] =	vst v63  }
0x47: {  	p1 =	slt.s32 s5, $0x1;
	s0 =	sadd.s32 $0x16E3C00, s0;
	s30 =	sadd.s32 $0xF42800, s3  }
0x48: {  	s6 =	simm.s32 $0x1100;
	s0 =	sshrl.u32 s0, $0x3;
	s30 =	sshrl.u32 s30, $0x3  }
0x49: {  	s0 =	sadd.s32 s1, s0;
	s7 =	sadd.s32 $0x16E3C00, s3;
	s30 =	sadd.s32 s2, s30  }
0x4a: {  	[tilespmem:s10], [sflag:$0x1] =	stream.linear.gather [hbm4b:s30+s4], $0x400, $0x38;
	[tilespmem:$0x10700] =	vst v63  }
0x4b: {  	s3 =	simm.s32 $0x1;
	s10 =	simm.s32 $0x9100;
	s30 =	sshra.s32 s5, $0x1F  }
0x4c: {  	[tilespmem:s6], [sflag:$0x1] =	stream.linear.gather [hbm4b:s0+s4], $0x400, $0x38;
	[tilespmem:$0x10700] =	vst v63  }
0x4d: {  	s0 =	sshrl.u32 s7, $0x3;
	s6 =	sand.u32 $0x7F, s5;
	s7 =	sshrl.u32 s30, $0x19  }
0x4e: {  	s30 =	spop (v2sf);
	s0 =	sadd.s32 s2, s0;
	p2 =	sne.s32 s6, $0x0  }
0x4f: {  	[tilespmem:s10], [sflag:$0x1] =	stream.linear.gather [hbm4b:s0+s4], $0x400, $0x38;
	[tilespmem:$0x10700] =	vst v63  }
0x50: {  	s31 =	sshra.s32 s30, $0x1F;
	p3 =	slt.s32 s30, $0x1;
	p0 =	por !p1, !p2  }
0x51: {  	s0 =	sadd.s32 s7, s5;
	s10 =	sand.u32 $0x7F, s30;
	p0 =	por !p0, !p0  }
0x52: {  	s0 =	sshrl.u32 s0, $0x7;
	p4 =	sne.s32 s10, $0x0;
	s3 =	simm.s32 @!p0 $0x0  }
0x53: {  	s5 =	sshrl.u32 s31, $0x19;
	p0 =	por !p3, !p4;
	s0 =	ssub.s32 s0, s3  }
0x54: {  	s3 =	sadd.s32 s5, s30;
	p0 =	por !p0, !p0;
	s30 =	simm.s32 $0x1  }
0x55: {  	s0 =	sshll.u32 s0, $0xA;
	s3 =	sshrl.u32 s3, $0x7;
	s30 =	simm.s32 @!p0 $0x0  }
0x56: {  	(v2sf) =	vpush v34, $0x2;
	s31 =	sshrl.u32 s0, $0x3;
	s3 =	ssub.s32 s3, s30  }
0x57: {  	s6 =	simm.s32 $0x1500;
	s30 =	sadd.s32 s1, s31;
	s3 =	sshll.u32 s3, $0xA  }
0x58: {  	[tilespmem:s6], [sflag:$0x1] =	stream.linear.gather [hbm4b:s30+s4], $0x400, $0x38;
	[tilespmem:$0x10700] =	vst v63  }
0x59: {  	s30 =	sshrl.u32 s3, $0x3  }
0x5a: {  	s7 =	simm.s32 $0x9500;
	s30 =	sadd.s32 s2, s30  }
0x5b: {  	[tilespmem:s7], [sflag:$0x1] =	stream.linear.gather [hbm4b:s30+s4], $0x400, $0x38;
	[tilespmem:$0x10700] =	vst v63  }
0x5c: {  	s30 =	sadd.s32 $0x7A1400, s0  }
0x5d: {  	s30 =	sshrl.u32 s30, $0x3  }
0x5e: {  	s10 =	simm.s32 $0x1900;
	s30 =	sadd.s32 s1, s30  }
0x5f: {  	[tilespmem:s10], [sflag:$0x1] =	stream.linear.gather [hbm4b:s30+s4], $0x400, $0x38;
	[tilespmem:$0x10700] =	vst v63  }
0x60: {  	(v2sf) =	vpush v33, $0x2;
	s30 =	sadd.s32 $0x7A1400, s3  }
0x61: {  	s30 =	sshrl.u32 s30, $0x3  }
0x62: {  	s6 =	simm.s32 $0x9900;
	s30 =	sadd.s32 s2, s30  }
0x63: {  	[tilespmem:s6], [sflag:$0x1] =	stream.linear.gather [hbm4b:s30+s4], $0x400, $0x38;
	[tilespmem:$0x10700] =	vst v63  }
0x64: {  	s30 =	sadd.s32 $0xF42800, s0  }
0x65: {  	s5 =	spop (v2sf);
	s30 =	sshrl.u32 s30, $0x3  }
0x66: {  	s7 =	simm.s32 $0x1D00;
	s10 =	simm.s32 $0x9D00;
	s30 =	sadd.s32 s1, s30  }
0x67: {  	[tilespmem:s7], [sflag:$0x1] =	stream.linear.gather [hbm4b:s30+s4], $0x400, $0x38;
	[tilespmem:$0x10700] =	vst v63  }
0x68: {  	p5 =	slt.s32 s5, $0x1;
	s0 =	sadd.s32 $0x16E3C00, s0;
	s30 =	sadd.s32 $0xF42800, s3  }
0x69: {  	s6 =	simm.s32 $0x2100;
	s0 =	sshrl.u32 s0, $0x3;
	s30 =	sshrl.u32 s30, $0x3  }
0x6a: {  	s0 =	sadd.s32 s1, s0;
	s7 =	sadd.s32 $0x16E3C00, s3;
	s30 =	sadd.s32 s2, s30  }
0x6b: {  	[tilespmem:s10], [sflag:$0x1] =	stream.linear.gather [hbm4b:s30+s4], $0x400, $0x38;
	[tilespmem:$0x10700] =	vst v63  }
0x6c: {  	s3 =	simm.s32 $0x1;
	s10 =	simm.s32 $0xA100;
	s30 =	sshra.s32 s5, $0x1F  }
0x6d: {  	[tilespmem:s6], [sflag:$0x1] =	stream.linear.gather [hbm4b:s0+s4], $0x400, $0x38;
	[tilespmem:$0x10700] =	vst v63  }
0x6e: {  	s0 =	sshrl.u32 s7, $0x3;
	s6 =	sand.u32 $0x7F, s5;
	s7 =	sshrl.u32 s30, $0x19  }
0x6f: {  	s30 =	spop (v2sf);
	s0 =	sadd.s32 s2, s0;
	p6 =	sne.s32 s6, $0x0  }
0x70: {  	[tilespmem:s10], [sflag:$0x1] =	stream.linear.gather [hbm4b:s0+s4], $0x400, $0x38;
	[tilespmem:$0x10700] =	vst v63  }
0x71: {  	s31 =	sshra.s32 s30, $0x1F;
	p1 =	slt.s32 s30, $0x1;
	p0 =	por !p5, !p6  }
0x72: {  	s0 =	sadd.s32 s7, s5;
	s10 =	sand.u32 $0x7F, s30;
	p0 =	por !p0, !p0  }
0x73: {  	s0 =	sshrl.u32 s0, $0x7;
	p2 =	sne.s32 s10, $0x0;
	s3 =	simm.s32 @!p0 $0x0  }
0x74: {  	s5 =	sshrl.u32 s31, $0x19;
	p0 =	por !p1, !p2;
	s0 =	ssub.s32 s0, s3  }
0x75: {  	s3 =	sadd.s32 s5, s30;
	p0 =	por !p0, !p0;
	s30 =	simm.s32 $0x1  }
0x76: {  	s0 =	sshll.u32 s0, $0xA;
	s3 =	sshrl.u32 s3, $0x7;
	s30 =	simm.s32 @!p0 $0x0  }
0x77: {  	s31 =	sshrl.u32 s0, $0x3;
	s3 =	ssub.s32 s3, s30  }
0x78: {  	s6 =	simm.s32 $0x2500;
	s30 =	sadd.s32 s1, s31;
	s3 =	sshll.u32 s3, $0xA  }
0x79: {  	[tilespmem:s6], [sflag:$0x1] =	stream.linear.gather [hbm4b:s30+s4], $0x400, $0x38;
	[tilespmem:$0x10700] =	vst v63  }
0x7a: {  	s30 =	sshrl.u32 s3, $0x3  }
0x7b: {  	s7 =	simm.s32 $0xA500;
	s30 =	sadd.s32 s2, s30  }
0x7c: {  	(v2sf) =	vpush v34, $0x3;
	[tilespmem:s7], [sflag:$0x1] =	stream.linear.gather [hbm4b:s30+s4], $0x400, $0x38;
	[tilespmem:$0x10700] =	vst v63  }
0x7d: {  	s30 =	sadd.s32 $0x7A1400, s0  }
0x7e: {  	s30 =	sshrl.u32 s30, $0x3  }
0x7f: {  	s10 =	simm.s32 $0x2900;
	s30 =	sadd.s32 s1, s30  }
0x80: {  	[tilespmem:s10], [sflag:$0x1] =	stream.linear.gather [hbm4b:s30+s4], $0x400, $0x38;
	[tilespmem:$0x10700] =	vst v63  }
0x81: {  	(v2sf) =	vpush v33, $0x3;
	s30 =	sadd.s32 $0x7A1400, s3  }
0x82: {  	s30 =	sshrl.u32 s30, $0x3  }
0x83: {  	s6 =	simm.s32 $0xA900;
	s30 =	sadd.s32 s2, s30  }
0x84: {  	[tilespmem:s6], [sflag:$0x1] =	stream.linear.gather [hbm4b:s30+s4], $0x400, $0x38;
	[tilespmem:$0x10700] =	vst v63  }
0x85: {  	s30 =	sadd.s32 $0xF42800, s0  }
0x86: {  	s30 =	sshrl.u32 s30, $0x3  }
0x87: {  	s7 =	simm.s32 $0x2D00;
	s30 =	sadd.s32 s1, s30  }
0x88: {  	[tilespmem:s7], [sflag:$0x1] =	stream.linear.gather [hbm4b:s30+s4], $0x400, $0x38;
	[tilespmem:$0x10700] =	vst v63  }
0x89: {  	s0 =	sadd.s32 $0x16E3C00, s0;
	s30 =	sadd.s32 $0xF42800, s3  }
0x8a: {  	s10 =	simm.s32 $0xAD00;
	s0 =	sshrl.u32 s0, $0x3;
	s30 =	sshrl.u32 s30, $0x3  }
0x8b: {  	s7 =	sadd.s32 $0x16E3C00, s3;
	s3 =	spop (v2sf);
	s30 =	sadd.s32 s2, s30  }
0x8c: {  	[tilespmem:s10], [sflag:$0x1] =	stream.linear.gather [hbm4b:s30+s4], $0x400, $0x38;
	[tilespmem:$0x10700] =	vst v63  }
0x8d: {  	s6 =	simm.s32 $0x3100;
	s0 =	sadd.s32 s1, s0;
	p3 =	slt.s32 s3, $0x1  }
0x8e: {  	[tilespmem:s6], [sflag:$0x1] =	stream.linear.gather [hbm4b:s0+s4], $0x400, $0x38;
	[tilespmem:$0x10700] =	vst v63  }
0x8f: {  	s10 =	simm.s32 $0xB100;
	s30 =	sshra.s32 s3, $0x1F;
	s0 =	sshrl.u32 s7, $0x3  }
0x90: {  	s6 =	sand.u32 $0x7F, s3;
	s7 =	sshrl.u32 s30, $0x19;
	s30 =	spop (v2sf)  }
0x91: {  	s0 =	sadd.s32 s2, s0;
	p4 =	sne.s32 s6, $0x0;
	s31 =	sshra.s32 s30, $0x1F  }
0x92: {  	[tilespmem:s10], [sflag:$0x1] =	stream.linear.gather [hbm4b:s0+s4], $0x400, $0x38;
	[tilespmem:$0x10700] =	vst v63  }
0x93: {  	p5 =	slt.s32 s30, $0x1;
	p0 =	por !p3, !p4;
	s0 =	sadd.s32 s7, s3  }
0x94: {  	s3 =	simm.s32 $0x1;
	s10 =	sand.u32 $0x7F, s30;
	p0 =	por !p0, !p0  }
0x95: {  	s0 =	sshrl.u32 s0, $0x7;
	p6 =	sne.s32 s10, $0x0;
	s3 =	simm.s32 @!p0 $0x0  }
0x96: {  	s5 =	sshrl.u32 s31, $0x19;
	p0 =	por !p5, !p6;
	s0 =	ssub.s32 s0, s3  }
0x97: {  	s3 =	sadd.s32 s5, s30;
	p0 =	por !p0, !p0;
	s30 =	simm.s32 $0x1  }
0x98: {  	s0 =	sshll.u32 s0, $0xA;
	s3 =	sshrl.u32 s3, $0x7;
	s30 =	simm.s32 @!p0 $0x0  }
0x99: {  	s31 =	sshrl.u32 s0, $0x3;
	s3 =	ssub.s32 s3, s30  }
0x9a: {  	s6 =	simm.s32 $0x3500;
	s30 =	sadd.s32 s1, s31;
	s3 =	sshll.u32 s3, $0xA  }
0x9b: {  	[tilespmem:s6], [sflag:$0x1] =	stream.linear.gather [hbm4b:s30+s4], $0x400, $0x38;
	[tilespmem:$0x10700] =	vst v63  }
0x9c: {  	s30 =	sshrl.u32 s3, $0x3  }
0x9d: {  	s7 =	simm.s32 $0xB500;
	s30 =	sadd.s32 s2, s30  }
0x9e: {  	[tilespmem:s7], [sflag:$0x1] =	stream.linear.gather [hbm4b:s30+s4], $0x400, $0x38;
	[tilespmem:$0x10700] =	vst v63  }
0x9f: {  	s30 =	sadd.s32 $0x7A1400, s0  }
0xa0: {  	s30 =	sshrl.u32 s30, $0x3  }
0xa1: {  	s10 =	simm.s32 $0x3900;
	s30 =	sadd.s32 s1, s30  }
0xa2: {  	[tilespmem:s10], [sflag:$0x1] =	stream.linear.gather [hbm4b:s30+s4], $0x400, $0x38;
	[tilespmem:$0x10700] =	vst v63  }
0xa3: {  	s30 =	sadd.s32 $0x7A1400, s3  }
0xa4: {  	s30 =	sshrl.u32 s30, $0x3  }
0xa5: {  	s6 =	simm.s32 $0xB900;
	s30 =	sadd.s32 s2, s30  }
0xa6: {  	[tilespmem:s6], [sflag:$0x1] =	stream.linear.gather [hbm4b:s30+s4], $0x400, $0x38;
	[tilespmem:$0x10700] =	vst v63  }
0xa7: {  	s30 =	sadd.s32 $0xF42800, s0  }
0xa8: {  	s30 =	sshrl.u32 s30, $0x3  }
0xa9: {  	s7 =	simm.s32 $0x3D00;
	s30 =	sadd.s32 s1, s30  }
0xaa: {  	[tilespmem:s7], [sflag:$0x1] =	stream.linear.gather [hbm4b:s30+s4], $0x400, $0x38;
	[tilespmem:$0x10700] =	vst v63  }
0xab: {  	s30 =	sadd.s32 $0xF42800, s3  }
0xac: {  	s0 =	sadd.s32 $0x16E3C00, s0;
	s30 =	sshrl.u32 s30, $0x3  }
0xad: {  	s10 =	simm.s32 $0xBD00;
	s0 =	sshrl.u32 s0, $0x3;
	s30 =	sadd.s32 s2, s30  }
0xae: {  	[tilespmem:s10], [sflag:$0x1] =	stream.linear.gather [hbm4b:s30+s4], $0x400, $0x38;
	[tilespmem:$0x10700] =	vst v63  }
0xaf: {  	s6 =	simm.s32 $0x4100;
	s0 =	sadd.s32 s1, s0  }
0xb0: {  	[tilespmem:s6], [sflag:$0x1] =	stream.linear.gather [hbm4b:s0+s4], $0x400, $0x38;
	[tilespmem:$0x10700] =	vst v63  }
.Ltmp2:
0xb1: {  	s7 =	sadd.s32 $0x16E3C00, s3;
	(pc) =	sbr.rel .LBB2_2-.Ltmp2, $4  }
0xb2: {  	s0 =	sshrl.u32 s7, $0x3  }
0xb3: {  	s31 =	simm.s32 $0x284;
	s10 =	simm.s32 $0xC100;
	s0 =	sadd.s32 s2, s0  }
0xb4: {  	[tilespmem:s10], [sflag:$0x1] =	stream.linear.gather [hbm4b:s0+s4], $0x400, $0x38;
	[tilespmem:$0x10700] =	vst v63  }
0xb5: {  	s3 =	simm.s32 $0x1;
	s30 =	simm.s32 $0x4;
	s0 =	simm.s32 $0x4  }
.LBB2_4:
0xb6: {  	_ =	swait.ge [sflag:s11], $0x4000  }
0xb7: {  	[sflag:s11] =	ssyncset.done $0x0  }
0xb8: {  	[sflag:s11] =	ssyncadd.s32 $0xFFFFC000  }
0xb9: {  	_ =	swait.ge [sflag:s11], $0x4000  }
0xba: {  	[sflag:s11] =	ssyncset.done $0x0  }
0xbb: {  	[sflag:s11] =	ssyncadd.s32 $0xFFFFC000  }
0xbc: {  	v33 =	vld [tilespmem:s30+$0x0]  }
0xbd: {  	v35 =	vld [tilespmem:s31+$0x0];
	_ =	sdelay $0x3  }
0xbe: {  	v34 =	vand.u32 $0x7F, v33  }
0xbf: {  	v33 =	vand.u32 $0x7F, v35;
	v36 =	vor.u32 v1, v34  }
0xc0: {  	v35 =	vor.u32 v1, v33  }
0xc1: {  	v37 =	vor.u32 v2, v34  }
0xc2: {  	v38 =	vor.u32 v2, v33  }
0xc3: {  	v39 =	vor.u32 v3, v34  }
0xc4: {  	v40 =	vor.u32 v3, v33;
	v36 =	vld.idx.msk [tilespmem:v36+s19+$0x0], $0xffff  }
0xc5: {  	v41 =	vor.u32 v4, v34;
	v35 =	vld.idx.msk [tilespmem:v35+s20+$0x0], $0xffff  }
0xc6: {  	v42 =	vor.u32 v4, v33;
	v37 =	vld.idx.msk [tilespmem:v37+s19+$0x0], $0xffff  }
0xc7: {  	v43 =	vor.u32 v5, v34;
	v38 =	vld.idx.msk [tilespmem:v38+s20+$0x0], $0xffff  }
0xc8: {  	v44 =	vor.u32 v5, v33;
	v39 =	vld.idx.msk [tilespmem:v39+s19+$0x0], $0xffff  }
0xc9: {  	v45 =	vor.u32 v6, v34;
	v40 =	vld.idx.msk [tilespmem:v40+s20+$0x0], $0xffff  }
0xca: {  	v53 =	vor.u32 v6, v33;
	v52 =	vld.idx.msk [tilespmem:v41+s19+$0x0], $0xffff;
	v35 =	vmul.f32 v35, v36  }
0xcb: {  	v46 =	vor.u32 v7, v34;
	v42 =	vld.idx.msk [tilespmem:v42+s20+$0x0], $0xffff  }
0xcc: {  	v55 =	vor.u32 v7, v33;
	v54 =	vld.idx.msk [tilespmem:v43+s19+$0x0], $0xffff;
	v37 =	vmul.f32 v38, v37;
	v35 =	vadd.f32 $0.0e+00, v35  }
0xcd: {  	v47 =	vor.u32 v8, v34;
	v44 =	vld.idx.msk [tilespmem:v44+s20+$0x0], $0xffff  }
0xce: {  	v58 =	vor.u32 v8, v33;
	v57 =	vld.idx.msk [tilespmem:v45+s19+$0x0], $0xffff;
	v56 =	vmul.f32 v40, v39;
	v35 =	vadd.f32 v37, v35  }
0xcf: {  	v59 =	vor.u32 v9, v34;
	v41 =	vld.idx.msk [tilespmem:v53+s20+$0x0], $0xffff  }
0xd0: {  	v61 =	vor.u32 v9, v33;
	v60 =	vld.idx.msk [tilespmem:v46+s19+$0x0], $0xffff;
	v36 =	vmul.f32 v42, v52;
	v35 =	vadd.f32 v56, v35  }
0xd1: {  	v49 =	vor.u32 v10, v33;
	v43 =	vld.idx.msk [tilespmem:v55+s20+$0x0], $0xffff  }
0xd2: {  	v62 =	vor.u32 v10, v34;
	v48 =	vld.idx.msk [tilespmem:v47+s19+$0x0], $0xffff;
	v63 =	vmul.f32 v44, v54;
	v35 =	vadd.f32 v36, v35  }
0xd3: {  	v50 =	vor.u32 v11, v34;
	v40 =	vld.idx.msk [tilespmem:v58+s20+$0x0], $0xffff  }
0xd4: {  	v53 =	vor.u32 v11, v33;
	v51 =	vmul.f32 v41, v57;
	v52 =	vld.idx.msk [tilespmem:v59+s19+$0x0], $0xffff;
	v35 =	vadd.f32 v63, v35  }
0xd5: {  	v42 =	vld.idx.msk [tilespmem:v61+s20+$0x0], $0xffff;
	v54 =	vor.u32 v12, v34  }
0xd6: {  	v55 =	vmul.f32 v43, v60;
	v57 =	vor.u32 v12, v33;
	v44 =	vld.idx.msk [tilespmem:v49+s20+$0x0], $0xffff;
	v35 =	vadd.f32 v51, v35  }
0xd7: {  	v61 =	vor.u32 v13, v33;
	v56 =	vld.idx.msk [tilespmem:v62+s19+$0x0], $0xffff  }
0xd8: {  	v58 =	vor.u32 v13, v34;
	v60 =	vld.idx.msk [tilespmem:v50+s19+$0x0], $0xffff;
	v59 =	vmul.f32 v40, v48;
	v35 =	vadd.f32 v55, v35  }
0xd9: {  	v41 =	vld.idx.msk [tilespmem:v53+s20+$0x0], $0xffff;
	v49 =	vor.u32 v14, v33  }
0xda: {  	v48 =	vld.idx.msk [tilespmem:v54+s19+$0x0], $0xffff;
	v62 =	vor.u32 v14, v34;
	v63 =	vmul.f32 v42, v52;
	v35 =	vadd.f32 v59, v35  }
0xdb: {  	v53 =	vor.u32 v15, v33;
	v43 =	vld.idx.msk [tilespmem:v57+s20+$0x0], $0xffff  }
0xdc: {  	v50 =	vor.u32 v15, v34;
	v40 =	vld.idx.msk [tilespmem:v61+s20+$0x0], $0xffff;
	v51 =	vmul.f32 v44, v56;
	v35 =	vadd.f32 v63, v35  }
0xdd: {  	v57 =	vor.u32 v16, v33;
	v52 =	vld.idx.msk [tilespmem:v58+s19+$0x0], $0xffff  }
0xde: {  	v54 =	vor.u32 v16, v34;
	v42 =	vld.idx.msk [tilespmem:v49+s20+$0x0], $0xffff;
	v55 =	vmul.f32 v41, v60;
	v35 =	vadd.f32 v51, v35  }
0xdf: {  	v61 =	vor.u32 v17, v33;
	v56 =	vld.idx.msk [tilespmem:v62+s19+$0x0], $0xffff  }
0xe0: {  	v58 =	vor.u32 v17, v34;
	v44 =	vld.idx.msk [tilespmem:v53+s20+$0x0], $0xffff;
	v59 =	vmul.f32 v43, v48;
	v35 =	vadd.f32 v55, v35  }
0xe1: {  	v49 =	vor.u32 v18, v33;
	v60 =	vld.idx.msk [tilespmem:v50+s19+$0x0], $0xffff  }
0xe2: {  	v62 =	vor.u32 v18, v34;
	v41 =	vld.idx.msk [tilespmem:v57+s20+$0x0], $0xffff;
	v63 =	vmul.f32 v40, v52;
	v35 =	vadd.f32 v59, v35  }
0xe3: {  	v53 =	vor.u32 v19, v33;
	v48 =	vld.idx.msk [tilespmem:v54+s19+$0x0], $0xffff  }
0xe4: {  	v50 =	vor.u32 v19, v34;
	v43 =	vld.idx.msk [tilespmem:v61+s20+$0x0], $0xffff;
	v51 =	vmul.f32 v42, v56;
	v35 =	vadd.f32 v63, v35  }
0xe5: {  	v57 =	vor.u32 v20, v33;
	v52 =	vld.idx.msk [tilespmem:v58+s19+$0x0], $0xffff  }
0xe6: {  	v54 =	vor.u32 v20, v34;
	v40 =	vld.idx.msk [tilespmem:v49+s20+$0x0], $0xffff;
	v55 =	vmul.f32 v44, v60;
	v35 =	vadd.f32 v51, v35  }
0xe7: {  	v61 =	vor.u32 v21, v33;
	v56 =	vld.idx.msk [tilespmem:v62+s19+$0x0], $0xffff  }
0xe8: {  	v58 =	vor.u32 v21, v34;
	v42 =	vld.idx.msk [tilespmem:v53+s20+$0x0], $0xffff;
	v59 =	vmul.f32 v41, v48;
	v35 =	vadd.f32 v55, v35  }
0xe9: {  	v49 =	vor.u32 v22, v33;
	v60 =	vld.idx.msk [tilespmem:v50+s19+$0x0], $0xffff  }
0xea: {  	v62 =	vor.u32 v22, v34;
	v44 =	vld.idx.msk [tilespmem:v57+s20+$0x0], $0xffff;
	v63 =	vmul.f32 v43, v52;
	v35 =	vadd.f32 v59, v35  }
0xeb: {  	v53 =	vor.u32 v23, v33;
	v48 =	vld.idx.msk [tilespmem:v54+s19+$0x0], $0xffff  }
0xec: {  	v50 =	vor.u32 v23, v34;
	v41 =	vld.idx.msk [tilespmem:v61+s20+$0x0], $0xffff;
	v51 =	vmul.f32 v40, v56;
	v35 =	vadd.f32 v63, v35  }
0xed: {  	v57 =	vor.u32 v24, v33;
	v52 =	vld.idx.msk [tilespmem:v58+s19+$0x0], $0xffff  }
0xee: {  	v54 =	vor.u32 v24, v34;
	v43 =	vld.idx.msk [tilespmem:v49+s20+$0x0], $0xffff;
	v55 =	vmul.f32 v42, v60;
	v35 =	vadd.f32 v51, v35  }
0xef: {  	v61 =	vor.u32 v25, v33;
	v56 =	vld.idx.msk [tilespmem:v62+s19+$0x0], $0xffff  }
0xf0: {  	v58 =	vor.u32 v25, v34;
	v40 =	vld.idx.msk [tilespmem:v53+s20+$0x0], $0xffff;
	v59 =	vmul.f32 v44, v48;
	v35 =	vadd.f32 v55, v35  }
0xf1: {  	v49 =	vor.u32 v26, v33;
	v60 =	vld.idx.msk [tilespmem:v50+s19+$0x0], $0xffff  }
0xf2: {  	v62 =	vor.u32 v26, v34;
	v42 =	vld.idx.msk [tilespmem:v57+s20+$0x0], $0xffff;
	v63 =	vmul.f32 v41, v52;
	v35 =	vadd.f32 v59, v35  }
0xf3: {  	v53 =	vor.u32 v27, v33;
	v48 =	vld.idx.msk [tilespmem:v54+s19+$0x0], $0xffff  }
0xf4: {  	v50 =	vor.u32 v27, v34;
	v44 =	vld.idx.msk [tilespmem:v61+s20+$0x0], $0xffff;
	v51 =	vmul.f32 v43, v56;
	v35 =	vadd.f32 v63, v35  }
0xf5: {  	v57 =	vor.u32 v28, v33;
	v52 =	vld.idx.msk [tilespmem:v58+s19+$0x0], $0xffff  }
0xf6: {  	v54 =	vor.u32 v28, v34;
	v41 =	vld.idx.msk [tilespmem:v49+s20+$0x0], $0xffff;
	v55 =	vmul.f32 v40, v60;
	v35 =	vadd.f32 v51, v35  }
0xf7: {  	v61 =	vor.u32 v29, v33;
	v56 =	vld.idx.msk [tilespmem:v62+s19+$0x0], $0xffff  }
0xf8: {  	v58 =	vor.u32 v29, v34;
	v43 =	vld.idx.msk [tilespmem:v53+s20+$0x0], $0xffff;
	v59 =	vmul.f32 v42, v48;
	v35 =	vadd.f32 v55, v35  }
0xf9: {  	v49 =	vor.u32 v30, v33;
	v60 =	vld.idx.msk [tilespmem:v50+s19+$0x0], $0xffff  }
0xfa: {  	v62 =	vor.u32 v30, v34;
	v40 =	vld.idx.msk [tilespmem:v57+s20+$0x0], $0xffff;
	v63 =	vmul.f32 v44, v52;
	v35 =	vadd.f32 v59, v35  }
0xfb: {  	v50 =	vor.u32 v31, v34;
	v48 =	vld.idx.msk [tilespmem:v54+s19+$0x0], $0xffff  }
0xfc: {  	v53 =	vor.u32 v31, v33;
	v42 =	vld.idx.msk [tilespmem:v61+s20+$0x0], $0xffff;
	v51 =	vmul.f32 v41, v56;
	v35 =	vadd.f32 v63, v35  }
0xfd: {  	v33 =	vor.u32 v32, v33;
	v52 =	vld.idx.msk [tilespmem:v58+s19+$0x0], $0xffff  }
0xfe: {  	v34 =	vor.u32 v32, v34;
	v54 =	vmul.f32 v43, v60;
	v56 =	vld.idx.msk [tilespmem:v49+s20+$0x0], $0xffff;
	v35 =	vadd.f32 v51, v35  }
0xff: {  	v55 =	vld.idx.msk [tilespmem:v62+s19+$0x0], $0xffff  }
0x100: {  	v58 =	vld.idx.msk [tilespmem:v50+s19+$0x0], $0xffff;
	v57 =	vmul.f32 v40, v48;
	v35 =	vadd.f32 v54, v35  }
0x101: {  	v59 =	vld.idx.msk [tilespmem:v53+s20+$0x0], $0xffff  }
0x102: {  	v33 =	vld.idx.msk [tilespmem:v33+s20+$0x0], $0xffff;
	v60 =	vmul.f32 v42, v52;
	v35 =	vadd.f32 v57, v35  }
0x103: {  	v34 =	vld.idx.msk [tilespmem:v34+s19+$0x0], $0xffff  }
0x104: {  	v61 =	vmul.f32 v56, v55;
	v35 =	vadd.f32 v60, v35;
	_ =	sdelay $0x1  }
0x105: {  	s3 =	sadd.s32 $0x2, s3;
	v62 =	vmul.f32 v59, v58;
	v35 =	vadd.f32 v61, v35  }
0x106: {  	p0 =	sne.s32 s3, $0x81;
	v63 =	vadd.s32 s0, v0  }
.Ltmp3:
0x107: {  	v33 =	vmul.f32 v33, v34;
	v35 =	vadd.f32 v62, v35;
	(pc) =	sbr.rel @!p0 .LBB2_5-.Ltmp3, $3  }
0x108: {  	_ = 	snop  }
0x109: {  	v33 =	vadd.f32 v33, v35;
	_ =	sdelay $0x1  }
0x10a: {  	s31 =	sadd.s32 $0x8, s31;
	s30 =	sadd.s32 $0x8, s30;
	s0 =	sadd.s32 $0x8, s0;
	[tilespmem:v63+s29+$0x0] =	vst.idx.msk $0xf, v33  }
.LBB2_2:
0x10b: {  	v34 =	vld [tilespmem:s30+$0x0];
	_ =	sdelay $0x4  }
0x10c: {  	v33 =	vld [tilespmem:s31+$0x0];
	(v2sf) =	vpush v34, $0x0;
	_ =	sdelay $0x4  }
0x10d: {  	(v2sf) =	vpush v33, $0x0;
	_ =	sdelay $0x9  }
0x10e: {  	s10 =	spop (v2sf)  }
0x10f: {  	s5 =	sand.u32 $0x7F, s10  }
0x110: {  	s6 =	sshra.s32 s10, $0x1F;
	p0 =	slt.s32 s10, $0x1;
	p1 =	sne.s32 s5, $0x0  }
0x111: {  	s6 =	sshrl.u32 s6, $0x19;
	p0 =	por !p0, !p1  }
0x112: {  	s5 =	sadd.s32 s6, s10;
	s6 =	simm.s32 $0x1;
	p0 =	por !p0, !p0  }
0x113: {  	s10 =	spop (v2sf);
	s5 =	sshrl.u32 s5, $0x7;
	s6 =	simm.s32 @!p0 $0x0  }
0x114: {  	s7 =	sshra.s32 s10, $0x1F;
	s5 =	ssub.s32 s5, s6;
	s6 =	sand.u32 $0x7F, s10  }
0x115: {  	p5 =	slt.s32 s10, $0x1;
	s7 =	sshrl.u32 s7, $0x19;
	p6 =	sne.s32 s6, $0x0  }
0x116: {  	s5 =	sshll.u32 s5, $0xA;
	s6 =	sadd.s32 s7, s10;
	p0 =	por !p5, !p6  }
0x117: {  	s7 =	simm.s32 $0x1;
	s10 =	sshrl.u32 s5, $0x3;
	p0 =	por !p0, !p0  }
0x118: {  	s6 =	sshrl.u32 s6, $0x7;
	s10 =	sadd.s32 s1, s10;
	s7 =	simm.s32 @!p0 $0x0  }
0x119: {  	[tilespmem:s19], [sflag:$0x1] =	stream.linear.gather [hbm4b:s10+s4], $0x400, $0x38;
	[tilespmem:$0x10700] =	vst v63  }
0x11a: {  	s6 =	ssub.s32 s6, s7  }
0x11b: {  	s6 =	sshll.u32 s6, $0xA  }
0x11c: {  	s10 =	sshrl.u32 s6, $0x3  }
0x11d: {  	s7 =	sadd.s32 s2, s10;
	s10 =	sadd.s32 $0x7A1400, s5  }
0x11e: {  	[tilespmem:s20], [sflag:$0x1] =	stream.linear.gather [hbm4b:s7+s4], $0x400, $0x38;
	[tilespmem:$0x10700] =	vst v63  }
0x11f: {  	s7 =	sshrl.u32 s10, $0x3  }
0x120: {  	s10 =	simm.s32 $0x4900;
	s7 =	sadd.s32 s1, s7  }
0x121: {  	[tilespmem:s10], [sflag:$0x1] =	stream.linear.gather [hbm4b:s7+s4], $0x400, $0x38;
	[tilespmem:$0x10700] =	vst v63  }
0x122: {  	s10 =	sadd.s32 $0x7A1400, s6  }
0x123: {  	s7 =	sshrl.u32 s10, $0x3  }
0x124: {  	(v2sf) =	vpush v34, $0x1;
	s10 =	simm.s32 $0xC900;
	s7 =	sadd.s32 s2, s7  }
0x125: {  	[tilespmem:s10], [sflag:$0x1] =	stream.linear.gather [hbm4b:s7+s4], $0x400, $0x38;
	[tilespmem:$0x10700] =	vst v63  }
0x126: {  	s10 =	sadd.s32 $0xF42800, s5  }
0x127: {  	s7 =	sshrl.u32 s10, $0x3  }
0x128: {  	s10 =	simm.s32 $0x4D00;
	s7 =	sadd.s32 s1, s7  }
0x129: {  	(v2sf) =	vpush v33, $0x1;
	[tilespmem:s10], [sflag:$0x1] =	stream.linear.gather [hbm4b:s7+s4], $0x400, $0x38;
	[tilespmem:$0x10700] =	vst v63  }
0x12a: {  	s10 =	sadd.s32 $0xF42800, s6  }
0x12b: {  	s5 =	sadd.s32 $0x16E3C00, s5;
	s7 =	sshrl.u32 s10, $0x3  }
0x12c: {  	s5 =	sshrl.u32 s5, $0x3;
	s10 =	simm.s32 $0xCD00;
	s7 =	sadd.s32 s2, s7  }
0x12d: {  	[tilespmem:s10], [sflag:$0x1] =	stream.linear.gather [hbm4b:s7+s4], $0x400, $0x38;
	[tilespmem:$0x10700] =	vst v63  }
0x12e: {  	s5 =	sadd.s32 s1, s5;
	s10 =	simm.s32 $0x5100;
	s7 =	sadd.s32 $0x16E3C00, s6  }
0x12f: {  	[tilespmem:s10], [sflag:$0x1] =	stream.linear.gather [hbm4b:s5+s4], $0x400, $0x38;
	[tilespmem:$0x10700] =	vst v63  }
0x130: {  	s5 =	sshrl.u32 s7, $0x3  }
0x131: {  	s10 =	simm.s32 $0xD100;
	s5 =	sadd.s32 s2, s5  }
0x132: {  	[tilespmem:s10], [sflag:$0x1] =	stream.linear.gather [hbm4b:s5+s4], $0x400, $0x38;
	[tilespmem:$0x10700] =	vst v63  }
0x133: {  	s5 =	spop (v2sf)  }
0x134: {  	s7 =	sand.u32 $0x7F, s5  }
0x135: {  	s10 =	sshra.s32 s5, $0x1F;
	p1 =	slt.s32 s5, $0x1;
	p2 =	sne.s32 s7, $0x0  }
0x136: {  	s7 =	sshrl.u32 s10, $0x19;
	p0 =	por !p1, !p2  }
0x137: {  	s6 =	simm.s32 $0x1;
	s5 =	sadd.s32 s7, s5;
	p0 =	por !p0, !p0  }
0x138: {  	s7 =	spop (v2sf);
	s5 =	sshrl.u32 s5, $0x7;
	s6 =	simm.s32 @!p0 $0x0  }
0x139: {  	s5 =	ssub.s32 s5, s6;
	s6 =	sand.u32 $0x7F, s7  }
0x13a: {  	s10 =	sshra.s32 s7, $0x1F;
	p3 =	slt.s32 s7, $0x1;
	p4 =	sne.s32 s6, $0x0  }
0x13b: {  	s10 =	sshrl.u32 s10, $0x19;
	s5 =	sshll.u32 s5, $0xA;
	p0 =	por !p3, !p4  }
0x13c: {  	s6 =	sadd.s32 s10, s7;
	s7 =	simm.s32 $0x1;
	p0 =	por !p0, !p0  }
0x13d: {  	s6 =	sshrl.u32 s6, $0x7;
	s10 =	sshrl.u32 s5, $0x3;
	s7 =	simm.s32 @!p0 $0x0  }
0x13e: {  	s6 =	ssub.s32 s6, s7;
	s7 =	sadd.s32 s1, s10;
	s10 =	simm.s32 $0x5500  }
0x13f: {  	[tilespmem:s10], [sflag:$0x1] =	stream.linear.gather [hbm4b:s7+s4], $0x400, $0x38;
	[tilespmem:$0x10700] =	vst v63  }
0x140: {  	s6 =	sshll.u32 s6, $0xA  }
0x141: {  	s10 =	sshrl.u32 s6, $0x3  }
0x142: {  	s7 =	sadd.s32 s2, s10;
	s10 =	simm.s32 $0xD500  }
0x143: {  	[tilespmem:s10], [sflag:$0x1] =	stream.linear.gather [hbm4b:s7+s4], $0x400, $0x38;
	[tilespmem:$0x10700] =	vst v63  }
0x144: {  	s10 =	sadd.s32 $0x7A1400, s5  }
0x145: {  	s7 =	sshrl.u32 s10, $0x3  }
0x146: {  	s10 =	simm.s32 $0x5900;
	s7 =	sadd.s32 s1, s7  }
0x147: {  	[tilespmem:s10], [sflag:$0x1] =	stream.linear.gather [hbm4b:s7+s4], $0x400, $0x38;
	[tilespmem:$0x10700] =	vst v63  }
0x148: {  	s10 =	sadd.s32 $0x7A1400, s6  }
0x149: {  	s7 =	sshrl.u32 s10, $0x3  }
0x14a: {  	(v2sf) =	vpush v34, $0x2;
	s10 =	simm.s32 $0xD900;
	s7 =	sadd.s32 s2, s7  }
0x14b: {  	[tilespmem:s10], [sflag:$0x1] =	stream.linear.gather [hbm4b:s7+s4], $0x400, $0x38;
	[tilespmem:$0x10700] =	vst v63  }
0x14c: {  	s10 =	sadd.s32 $0xF42800, s5  }
0x14d: {  	s7 =	sshrl.u32 s10, $0x3  }
0x14e: {  	s10 =	simm.s32 $0x5D00;
	s7 =	sadd.s32 s1, s7  }
0x14f: {  	(v2sf) =	vpush v33, $0x2;
	[tilespmem:s10], [sflag:$0x1] =	stream.linear.gather [hbm4b:s7+s4], $0x400, $0x38;
	[tilespmem:$0x10700] =	vst v63  }
0x150: {  	s10 =	sadd.s32 $0xF42800, s6  }
0x151: {  	s5 =	sadd.s32 $0x16E3C00, s5;
	s7 =	sshrl.u32 s10, $0x3  }
0x152: {  	s5 =	sshrl.u32 s5, $0x3;
	s10 =	simm.s32 $0xDD00;
	s7 =	sadd.s32 s2, s7  }
0x153: {  	[tilespmem:s10], [sflag:$0x1] =	stream.linear.gather [hbm4b:s7+s4], $0x400, $0x38;
	[tilespmem:$0x10700] =	vst v63  }
0x154: {  	s5 =	sadd.s32 s1, s5;
	s10 =	simm.s32 $0x6100;
	s7 =	sadd.s32 $0x16E3C00, s6  }
0x155: {  	[tilespmem:s10], [sflag:$0x1] =	stream.linear.gather [hbm4b:s5+s4], $0x400, $0x38;
	[tilespmem:$0x10700] =	vst v63  }
0x156: {  	s5 =	sshrl.u32 s7, $0x3  }
0x157: {  	s10 =	simm.s32 $0xE100;
	s5 =	sadd.s32 s2, s5  }
0x158: {  	[tilespmem:s10], [sflag:$0x1] =	stream.linear.gather [hbm4b:s5+s4], $0x400, $0x38;
	[tilespmem:$0x10700] =	vst v63  }
0x159: {  	s5 =	spop (v2sf)  }
0x15a: {  	s7 =	sand.u32 $0x7F, s5  }
0x15b: {  	s10 =	sshra.s32 s5, $0x1F;
	p5 =	slt.s32 s5, $0x1;
	p6 =	sne.s32 s7, $0x0  }
0x15c: {  	s7 =	sshrl.u32 s10, $0x19;
	p0 =	por !p5, !p6  }
0x15d: {  	s6 =	simm.s32 $0x1;
	s5 =	sadd.s32 s7, s5;
	p0 =	por !p0, !p0  }
0x15e: {  	s7 =	spop (v2sf);
	s5 =	sshrl.u32 s5, $0x7;
	s6 =	simm.s32 @!p0 $0x0  }
0x15f: {  	s5 =	ssub.s32 s5, s6;
	s6 =	sand.u32 $0x7F, s7  }
0x160: {  	s10 =	sshra.s32 s7, $0x1F;
	p1 =	slt.s32 s7, $0x1;
	p2 =	sne.s32 s6, $0x0  }
0x161: {  	s10 =	sshrl.u32 s10, $0x19;
	s5 =	sshll.u32 s5, $0xA;
	p0 =	por !p1, !p2  }
0x162: {  	s6 =	sadd.s32 s10, s7;
	s7 =	simm.s32 $0x1;
	p0 =	por !p0, !p0  }
0x163: {  	s6 =	sshrl.u32 s6, $0x7;
	s10 =	sshrl.u32 s5, $0x3;
	s7 =	simm.s32 @!p0 $0x0  }
0x164: {  	s6 =	ssub.s32 s6, s7;
	s7 =	sadd.s32 s1, s10;
	s10 =	simm.s32 $0x6500  }
0x165: {  	[tilespmem:s10], [sflag:$0x1] =	stream.linear.gather [hbm4b:s7+s4], $0x400, $0x38;
	[tilespmem:$0x10700] =	vst v63  }
0x166: {  	s6 =	sshll.u32 s6, $0xA  }
0x167: {  	s10 =	sshrl.u32 s6, $0x3  }
0x168: {  	s7 =	sadd.s32 s2, s10;
	s10 =	simm.s32 $0xE500  }
0x169: {  	[tilespmem:s10], [sflag:$0x1] =	stream.linear.gather [hbm4b:s7+s4], $0x400, $0x38;
	[tilespmem:$0x10700] =	vst v63  }
0x16a: {  	(v2sf) =	vpush v34, $0x3;
	s10 =	sadd.s32 $0x7A1400, s5  }
0x16b: {  	s7 =	sshrl.u32 s10, $0x3  }
0x16c: {  	s10 =	sadd.s32 $0x7A1400, s6;
	s7 =	sadd.s32 s1, s7  }
0x16d: {  	[tilespmem:s8], [sflag:$0x1] =	stream.linear.gather [hbm4b:s7+s4], $0x400, $0x38;
	[tilespmem:$0x10700] =	vst v63  }
0x16e: {  	s7 =	sshrl.u32 s10, $0x3  }
0x16f: {  	s10 =	sadd.s32 $0xF42800, s5;
	s7 =	sadd.s32 s2, s7  }
0x170: {  	(v2sf) =	vpush v33, $0x3;
	[tilespmem:s9], [sflag:$0x1] =	stream.linear.gather [hbm4b:s7+s4], $0x400, $0x38;
	[tilespmem:$0x10700] =	vst v63  }
0x171: {  	s7 =	sshrl.u32 s10, $0x3  }
0x172: {  	s10 =	sadd.s32 $0xF42800, s6;
	s7 =	sadd.s32 s1, s7  }
0x173: {  	[tilespmem:s14], [sflag:$0x1] =	stream.linear.gather [hbm4b:s7+s4], $0x400, $0x38;
	[tilespmem:$0x10700] =	vst v63  }
0x174: {  	s5 =	sadd.s32 $0x16E3C00, s5;
	s7 =	sshrl.u32 s10, $0x3  }
0x175: {  	s5 =	sshrl.u32 s5, $0x3;
	s7 =	sadd.s32 s2, s7  }
0x176: {  	[tilespmem:s15], [sflag:$0x1] =	stream.linear.gather [hbm4b:s7+s4], $0x400, $0x38;
	[tilespmem:$0x10700] =	vst v63  }
0x177: {  	s5 =	sadd.s32 s1, s5;
	s6 =	sadd.s32 $0x16E3C00, s6  }
0x178: {  	[tilespmem:s16], [sflag:$0x1] =	stream.linear.gather [hbm4b:s5+s4], $0x400, $0x38;
	[tilespmem:$0x10700] =	vst v63  }
0x179: {  	s5 =	sshrl.u32 s6, $0x3;
	s6 =	spop (v2sf)  }
0x17a: {  	s5 =	sadd.s32 s2, s5;
	s7 =	sand.u32 $0x7F, s6  }
0x17b: {  	[tilespmem:s17], [sflag:$0x1] =	stream.linear.gather [hbm4b:s5+s4], $0x400, $0x38;
	[tilespmem:$0x10700] =	vst v63  }
0x17c: {  	s10 =	sshra.s32 s6, $0x1F;
	p3 =	slt.s32 s6, $0x1;
	p4 =	sne.s32 s7, $0x0  }
0x17d: {  	s7 =	sshrl.u32 s10, $0x19;
	p0 =	por !p3, !p4  }
0x17e: {  	s5 =	sadd.s32 s7, s6;
	s6 =	simm.s32 $0x1;
	p0 =	por !p0, !p0  }
0x17f: {  	s7 =	spop (v2sf);
	s5 =	sshrl.u32 s5, $0x7;
	s6 =	simm.s32 @!p0 $0x0  }
0x180: {  	s10 =	sshra.s32 s7, $0x1F;
	s5 =	ssub.s32 s5, s6;
	s6 =	sand.u32 $0x7F, s7  }
0x181: {  	p5 =	slt.s32 s7, $0x1;
	s10 =	sshrl.u32 s10, $0x19;
	p6 =	sne.s32 s6, $0x0  }
0x182: {  	s5 =	sshll.u32 s5, $0xA;
	s6 =	sadd.s32 s10, s7;
	p0 =	por !p5, !p6  }
0x183: {  	s7 =	simm.s32 $0x1;
	s10 =	sshrl.u32 s5, $0x3;
	p0 =	por !p0, !p0  }
0x184: {  	s6 =	sshrl.u32 s6, $0x7;
	s10 =	sadd.s32 s1, s10;
	s7 =	simm.s32 @!p0 $0x0  }
0x185: {  	[tilespmem:s18], [sflag:$0x1] =	stream.linear.gather [hbm4b:s10+s4], $0x400, $0x38;
	[tilespmem:$0x10700] =	vst v63  }
0x186: {  	s6 =	ssub.s32 s6, s7  }
0x187: {  	s6 =	sshll.u32 s6, $0xA  }
0x188: {  	s10 =	sshrl.u32 s6, $0x3  }
0x189: {  	s7 =	sadd.s32 s2, s10;
	s10 =	sadd.s32 $0x7A1400, s5  }
0x18a: {  	[tilespmem:s21], [sflag:$0x1] =	stream.linear.gather [hbm4b:s7+s4], $0x400, $0x38;
	[tilespmem:$0x10700] =	vst v63  }
0x18b: {  	s7 =	sshrl.u32 s10, $0x3  }
0x18c: {  	s10 =	sadd.s32 $0x7A1400, s6;
	s7 =	sadd.s32 s1, s7  }
0x18d: {  	[tilespmem:s22], [sflag:$0x1] =	stream.linear.gather [hbm4b:s7+s4], $0x400, $0x38;
	[tilespmem:$0x10700] =	vst v63  }
0x18e: {  	s7 =	sshrl.u32 s10, $0x3  }
0x18f: {  	s10 =	sadd.s32 $0xF42800, s5;
	s7 =	sadd.s32 s2, s7  }
0x190: {  	[tilespmem:s23], [sflag:$0x1] =	stream.linear.gather [hbm4b:s7+s4], $0x400, $0x38;
	[tilespmem:$0x10700] =	vst v63  }
0x191: {  	s7 =	sshrl.u32 s10, $0x3  }
0x192: {  	s10 =	sadd.s32 $0xF42800, s6;
	s7 =	sadd.s32 s1, s7  }
0x193: {  	[tilespmem:s24], [sflag:$0x1] =	stream.linear.gather [hbm4b:s7+s4], $0x400, $0x38;
	[tilespmem:$0x10700] =	vst v63  }
0x194: {  	s5 =	sadd.s32 $0x16E3C00, s5;
	s7 =	sshrl.u32 s10, $0x3  }
0x195: {  	s5 =	sshrl.u32 s5, $0x3;
	s7 =	sadd.s32 s2, s7  }
0x196: {  	[tilespmem:s25], [sflag:$0x1] =	stream.linear.gather [hbm4b:s7+s4], $0x400, $0x38;
	[tilespmem:$0x10700] =	vst v63  }
0x197: {  	s5 =	sadd.s32 s1, s5;
	s7 =	sadd.s32 $0x16E3C00, s6  }
0x198: {  	[tilespmem:s26], [sflag:$0x1] =	stream.linear.gather [hbm4b:s5+s4], $0x400, $0x38;
	[tilespmem:$0x10700] =	vst v63  }
0x199: {  	s5 =	sshrl.u32 s7, $0x3  }
0x19a: {  	s5 =	sadd.s32 s2, s5  }
0x19b: {  	[tilespmem:s28], [sflag:$0x1] =	stream.linear.gather [hbm4b:s5+s4], $0x400, $0x38;
	[tilespmem:$0x10700] =	vst v63  }
0x19c: {  	_ =	swait.ge [sflag:s11], $0x4000  }
0x19d: {  	[sflag:s11] =	ssyncset.done $0x0  }
0x19e: {  	[sflag:s11] =	ssyncadd.s32 $0xFFFFC000  }
0x19f: {  	_ =	swait.ge [sflag:s11], $0x4000  }
0x1a0: {  	[sflag:s11] =	ssyncset.done $0x0  }
0x1a1: {  	[sflag:s11] =	ssyncadd.s32 $0xFFFFC000  }
0x1a2: {  	v51 =	vld [tilespmem:s30+$0xFFFFFFFC]  }
0x1a3: {  	v35 =	vld [tilespmem:s31+$0xFFFFFFFC];
	_ =	sdelay $0x3  }
0x1a4: {  	v34 =	vand.u32 $0x7F, v51  }
0x1a5: {  	v33 =	vand.u32 $0x7F, v35;
	v36 =	vor.u32 v1, v34  }
0x1a6: {  	v35 =	vor.u32 v1, v33  }
0x1a7: {  	v37 =	vor.u32 v2, v34  }
0x1a8: {  	v38 =	vor.u32 v2, v33  }
0x1a9: {  	v39 =	vor.u32 v3, v34  }
0x1aa: {  	v40 =	vor.u32 v3, v33;
	v36 =	vld.idx.msk [tilespmem:v36+s12+$0x0], $0xffff  }
0x1ab: {  	v41 =	vor.u32 v4, v34;
	v35 =	vld.idx.msk [tilespmem:v35+s13+$0x0], $0xffff  }
0x1ac: {  	v42 =	vor.u32 v4, v33;
	v37 =	vld.idx.msk [tilespmem:v37+s12+$0x0], $0xffff  }
0x1ad: {  	v43 =	vor.u32 v5, v34;
	v38 =	vld.idx.msk [tilespmem:v38+s13+$0x0], $0xffff  }
0x1ae: {  	v44 =	vor.u32 v5, v33;
	v39 =	vld.idx.msk [tilespmem:v39+s12+$0x0], $0xffff  }
0x1af: {  	v45 =	vor.u32 v6, v34;
	v40 =	vld.idx.msk [tilespmem:v40+s13+$0x0], $0xffff  }
0x1b0: {  	v53 =	vor.u32 v6, v33;
	v52 =	vld.idx.msk [tilespmem:v41+s12+$0x0], $0xffff;
	v35 =	vmul.f32 v35, v36  }
0x1b1: {  	v46 =	vor.u32 v7, v34;
	v42 =	vld.idx.msk [tilespmem:v42+s13+$0x0], $0xffff  }
0x1b2: {  	v55 =	vor.u32 v7, v33;
	v54 =	vld.idx.msk [tilespmem:v43+s12+$0x0], $0xffff;
	v37 =	vmul.f32 v38, v37;
	v35 =	vadd.f32 $0.0e+00, v35  }
0x1b3: {  	v47 =	vor.u32 v8, v34;
	v44 =	vld.idx.msk [tilespmem:v44+s13+$0x0], $0xffff  }
0x1b4: {  	v58 =	vor.u32 v8, v33;
	v57 =	vld.idx.msk [tilespmem:v45+s12+$0x0], $0xffff;
	v56 =	vmul.f32 v40, v39;
	v35 =	vadd.f32 v37, v35  }
0x1b5: {  	v59 =	vor.u32 v9, v34;
	v41 =	vld.idx.msk [tilespmem:v53+s13+$0x0], $0xffff  }
0x1b6: {  	v61 =	vor.u32 v9, v33;
	v60 =	vld.idx.msk [tilespmem:v46+s12+$0x0], $0xffff;
	v36 =	vmul.f32 v42, v52;
	v35 =	vadd.f32 v56, v35  }
0x1b7: {  	v49 =	vor.u32 v10, v33;
	v43 =	vld.idx.msk [tilespmem:v55+s13+$0x0], $0xffff  }
0x1b8: {  	v62 =	vor.u32 v10, v34;
	v48 =	vld.idx.msk [tilespmem:v47+s12+$0x0], $0xffff;
	v63 =	vmul.f32 v44, v54;
	v35 =	vadd.f32 v36, v35  }
0x1b9: {  	v50 =	vor.u32 v11, v34;
	v40 =	vld.idx.msk [tilespmem:v58+s13+$0x0], $0xffff  }
0x1ba: {  	v53 =	vor.u32 v11, v33;
	v51 =	vmul.f32 v41, v57;
	v52 =	vld.idx.msk [tilespmem:v59+s12+$0x0], $0xffff;
	v35 =	vadd.f32 v63, v35  }
0x1bb: {  	v42 =	vld.idx.msk [tilespmem:v61+s13+$0x0], $0xffff;
	v54 =	vor.u32 v12, v34  }
0x1bc: {  	v55 =	vmul.f32 v43, v60;
	v57 =	vor.u32 v12, v33;
	v44 =	vld.idx.msk [tilespmem:v49+s13+$0x0], $0xffff;
	v35 =	vadd.f32 v51, v35  }
0x1bd: {  	v61 =	vor.u32 v13, v33;
	v56 =	vld.idx.msk [tilespmem:v62+s12+$0x0], $0xffff  }
0x1be: {  	v58 =	vor.u32 v13, v34;
	v60 =	vld.idx.msk [tilespmem:v50+s12+$0x0], $0xffff;
	v59 =	vmul.f32 v40, v48;
	v35 =	vadd.f32 v55, v35  }
0x1bf: {  	v41 =	vld.idx.msk [tilespmem:v53+s13+$0x0], $0xffff;
	v49 =	vor.u32 v14, v33  }
0x1c0: {  	v48 =	vld.idx.msk [tilespmem:v54+s12+$0x0], $0xffff;
	v62 =	vor.u32 v14, v34;
	v63 =	vmul.f32 v42, v52;
	v35 =	vadd.f32 v59, v35  }
0x1c1: {  	v53 =	vor.u32 v15, v33;
	v43 =	vld.idx.msk [tilespmem:v57+s13+$0x0], $0xffff  }
0x1c2: {  	v50 =	vor.u32 v15, v34;
	v40 =	vld.idx.msk [tilespmem:v61+s13+$0x0], $0xffff;
	v51 =	vmul.f32 v44, v56;
	v35 =	vadd.f32 v63, v35  }
0x1c3: {  	v57 =	vor.u32 v16, v33;
	v52 =	vld.idx.msk [tilespmem:v58+s12+$0x0], $0xffff  }
0x1c4: {  	v54 =	vor.u32 v16, v34;
	v42 =	vld.idx.msk [tilespmem:v49+s13+$0x0], $0xffff;
	v55 =	vmul.f32 v41, v60;
	v35 =	vadd.f32 v51, v35  }
0x1c5: {  	v61 =	vor.u32 v17, v33;
	v56 =	vld.idx.msk [tilespmem:v62+s12+$0x0], $0xffff  }
0x1c6: {  	v58 =	vor.u32 v17, v34;
	v44 =	vld.idx.msk [tilespmem:v53+s13+$0x0], $0xffff;
	v59 =	vmul.f32 v43, v48;
	v35 =	vadd.f32 v55, v35  }
0x1c7: {  	v49 =	vor.u32 v18, v33;
	v60 =	vld.idx.msk [tilespmem:v50+s12+$0x0], $0xffff  }
0x1c8: {  	v62 =	vor.u32 v18, v34;
	v41 =	vld.idx.msk [tilespmem:v57+s13+$0x0], $0xffff;
	v63 =	vmul.f32 v40, v52;
	v35 =	vadd.f32 v59, v35  }
0x1c9: {  	v53 =	vor.u32 v19, v33;
	v48 =	vld.idx.msk [tilespmem:v54+s12+$0x0], $0xffff  }
0x1ca: {  	v50 =	vor.u32 v19, v34;
	v43 =	vld.idx.msk [tilespmem:v61+s13+$0x0], $0xffff;
	v51 =	vmul.f32 v42, v56;
	v35 =	vadd.f32 v63, v35  }
0x1cb: {  	v57 =	vor.u32 v20, v33;
	v52 =	vld.idx.msk [tilespmem:v58+s12+$0x0], $0xffff  }
0x1cc: {  	v54 =	vor.u32 v20, v34;
	v40 =	vld.idx.msk [tilespmem:v49+s13+$0x0], $0xffff;
	v55 =	vmul.f32 v44, v60;
	v35 =	vadd.f32 v51, v35  }
0x1cd: {  	v61 =	vor.u32 v21, v33;
	v56 =	vld.idx.msk [tilespmem:v62+s12+$0x0], $0xffff  }
0x1ce: {  	v58 =	vor.u32 v21, v34;
	v42 =	vld.idx.msk [tilespmem:v53+s13+$0x0], $0xffff;
	v59 =	vmul.f32 v41, v48;
	v35 =	vadd.f32 v55, v35  }
0x1cf: {  	v49 =	vor.u32 v22, v33;
	v60 =	vld.idx.msk [tilespmem:v50+s12+$0x0], $0xffff  }
0x1d0: {  	v62 =	vor.u32 v22, v34;
	v44 =	vld.idx.msk [tilespmem:v57+s13+$0x0], $0xffff;
	v63 =	vmul.f32 v43, v52;
	v35 =	vadd.f32 v59, v35  }
0x1d1: {  	v53 =	vor.u32 v23, v33;
	v48 =	vld.idx.msk [tilespmem:v54+s12+$0x0], $0xffff  }
0x1d2: {  	v50 =	vor.u32 v23, v34;
	v41 =	vld.idx.msk [tilespmem:v61+s13+$0x0], $0xffff;
	v51 =	vmul.f32 v40, v56;
	v35 =	vadd.f32 v63, v35  }
0x1d3: {  	v57 =	vor.u32 v24, v33;
	v52 =	vld.idx.msk [tilespmem:v58+s12+$0x0], $0xffff  }
0x1d4: {  	v54 =	vor.u32 v24, v34;
	v43 =	vld.idx.msk [tilespmem:v49+s13+$0x0], $0xffff;
	v55 =	vmul.f32 v42, v60;
	v35 =	vadd.f32 v51, v35  }
0x1d5: {  	v61 =	vor.u32 v25, v33;
	v56 =	vld.idx.msk [tilespmem:v62+s12+$0x0], $0xffff  }
0x1d6: {  	v58 =	vor.u32 v25, v34;
	v40 =	vld.idx.msk [tilespmem:v53+s13+$0x0], $0xffff;
	v59 =	vmul.f32 v44, v48;
	v35 =	vadd.f32 v55, v35  }
0x1d7: {  	v49 =	vor.u32 v26, v33;
	v60 =	vld.idx.msk [tilespmem:v50+s12+$0x0], $0xffff  }
0x1d8: {  	v62 =	vor.u32 v26, v34;
	v42 =	vld.idx.msk [tilespmem:v57+s13+$0x0], $0xffff;
	v63 =	vmul.f32 v41, v52;
	v35 =	vadd.f32 v59, v35  }
0x1d9: {  	v53 =	vor.u32 v27, v33;
	v48 =	vld.idx.msk [tilespmem:v54+s12+$0x0], $0xffff  }
0x1da: {  	v50 =	vor.u32 v27, v34;
	v44 =	vld.idx.msk [tilespmem:v61+s13+$0x0], $0xffff;
	v51 =	vmul.f32 v43, v56;
	v35 =	vadd.f32 v63, v35  }
0x1db: {  	v57 =	vor.u32 v28, v33;
	v52 =	vld.idx.msk [tilespmem:v58+s12+$0x0], $0xffff  }
0x1dc: {  	v54 =	vor.u32 v28, v34;
	v41 =	vld.idx.msk [tilespmem:v49+s13+$0x0], $0xffff;
	v55 =	vmul.f32 v40, v60;
	v35 =	vadd.f32 v51, v35  }
0x1dd: {  	v61 =	vor.u32 v29, v33;
	v56 =	vld.idx.msk [tilespmem:v62+s12+$0x0], $0xffff  }
0x1de: {  	v58 =	vor.u32 v29, v34;
	v43 =	vld.idx.msk [tilespmem:v53+s13+$0x0], $0xffff;
	v59 =	vmul.f32 v42, v48;
	v35 =	vadd.f32 v55, v35  }
0x1df: {  	v49 =	vor.u32 v30, v33;
	v60 =	vld.idx.msk [tilespmem:v50+s12+$0x0], $0xffff  }
0x1e0: {  	v62 =	vor.u32 v30, v34;
	v40 =	vld.idx.msk [tilespmem:v57+s13+$0x0], $0xffff;
	v63 =	vmul.f32 v44, v52;
	v35 =	vadd.f32 v59, v35  }
0x1e1: {  	v50 =	vor.u32 v31, v34;
	v48 =	vld.idx.msk [tilespmem:v54+s12+$0x0], $0xffff  }
0x1e2: {  	v53 =	vor.u32 v31, v33;
	v42 =	vld.idx.msk [tilespmem:v61+s13+$0x0], $0xffff;
	v51 =	vmul.f32 v41, v56;
	v35 =	vadd.f32 v63, v35  }
0x1e3: {  	v33 =	vor.u32 v32, v33;
	v52 =	vld.idx.msk [tilespmem:v58+s12+$0x0], $0xffff  }
0x1e4: {  	v34 =	vor.u32 v32, v34;
	v54 =	vmul.f32 v43, v60;
	v56 =	vld.idx.msk [tilespmem:v49+s13+$0x0], $0xffff;
	v35 =	vadd.f32 v51, v35  }
0x1e5: {  	v55 =	vld.idx.msk [tilespmem:v62+s12+$0x0], $0xffff  }
0x1e6: {  	v58 =	vld.idx.msk [tilespmem:v50+s12+$0x0], $0xffff;
	v57 =	vmul.f32 v40, v48;
	v35 =	vadd.f32 v54, v35  }
0x1e7: {  	v59 =	vld.idx.msk [tilespmem:v53+s13+$0x0], $0xffff  }
0x1e8: {  	v33 =	vld.idx.msk [tilespmem:v33+s13+$0x0], $0xffff;
	v60 =	vmul.f32 v42, v52;
	v35 =	vadd.f32 v57, v35  }
0x1e9: {  	v34 =	vld.idx.msk [tilespmem:v34+s12+$0x0], $0xffff  }
0x1ea: {  	v61 =	vmul.f32 v56, v55;
	v35 =	vadd.f32 v60, v35;
	_ =	sdelay $0x1  }
0x1eb: {  	s10 =	sadd.s32 $0xFFFFFFFC, s0;
	v62 =	vmul.f32 v59, v58;
	v35 =	vadd.f32 v61, v35  }
0x1ec: {  	p0 =	sgt.u32 s3, $0x7E;
	v63 =	vadd.s32 s10, v0  }
.Ltmp4:
0x1ed: {  	v33 =	vmul.f32 v33, v34;
	v35 =	vadd.f32 v62, v35;
	(pc) =	sbr.rel @p0 .LBB2_4-.Ltmp4, $3  }
0x1ee: {  	_ = 	snop  }
0x1ef: {  	v33 =	vadd.f32 v33, v35;
	_ =	sdelay $0x1  }
0x1f0: {  	[tilespmem:v63+s29+$0x0] =	vst.idx.msk $0xf, v33  }
0x1f1: {  	v34 =	vld [tilespmem:s30+$0x4];
	_ =	sdelay $0x4  }
0x1f2: {  	v33 =	vld [tilespmem:s31+$0x4];
	(v2sf) =	vpush v34, $0x0;
	_ =	sdelay $0x4  }
0x1f3: {  	(v2sf) =	vpush v33, $0x0;
	_ =	sdelay $0x9  }
0x1f4: {  	s5 =	spop (v2sf)  }
0x1f5: {  	s6 =	sand.u32 $0x7F, s5  }
0x1f6: {  	s7 =	sshra.s32 s5, $0x1F;
	p0 =	slt.s32 s5, $0x1;
	p1 =	sne.s32 s6, $0x0  }
0x1f7: {  	s7 =	sshrl.u32 s7, $0x19;
	p0 =	por !p0, !p1  }
0x1f8: {  	s6 =	simm.s32 $0x1;
	s5 =	sadd.s32 s7, s5;
	p0 =	por !p0, !p0  }
0x1f9: {  	s7 =	spop (v2sf);
	s5 =	sshrl.u32 s5, $0x7;
	s6 =	simm.s32 @!p0 $0x0  }
0x1fa: {  	s10 =	sshra.s32 s7, $0x1F;
	s5 =	ssub.s32 s5, s6;
	s6 =	sand.u32 $0x7F, s7  }
0x1fb: {  	p5 =	slt.s32 s7, $0x1;
	s10 =	sshrl.u32 s10, $0x19;
	p6 =	sne.s32 s6, $0x0  }
0x1fc: {  	s5 =	sshll.u32 s5, $0xA;
	s6 =	sadd.s32 s10, s7;
	p0 =	por !p5, !p6  }
0x1fd: {  	s7 =	simm.s32 $0x1;
	s10 =	sshrl.u32 s5, $0x3;
	p0 =	por !p0, !p0  }
0x1fe: {  	s6 =	sshrl.u32 s6, $0x7;
	s10 =	sadd.s32 s1, s10;
	s7 =	simm.s32 @!p0 $0x0  }
0x1ff: {  	[tilespmem:s12], [sflag:$0x1] =	stream.linear.gather [hbm4b:s10+s4], $0x400, $0x38;
	[tilespmem:$0x10700] =	vst v63  }
0x200: {  	s6 =	ssub.s32 s6, s7  }
0x201: {  	s6 =	sshll.u32 s6, $0xA  }
0x202: {  	s10 =	sshrl.u32 s6, $0x3  }
0x203: {  	s7 =	sadd.s32 s2, s10;
	s10 =	sadd.s32 $0x7A1400, s5  }
0x204: {  	[tilespmem:s13], [sflag:$0x1] =	stream.linear.gather [hbm4b:s7+s4], $0x400, $0x38;
	[tilespmem:$0x10700] =	vst v63  }
0x205: {  	s7 =	sshrl.u32 s10, $0x3  }
0x206: {  	s10 =	simm.s32 $0x900;
	s7 =	sadd.s32 s1, s7  }
0x207: {  	[tilespmem:s10], [sflag:$0x1] =	stream.linear.gather [hbm4b:s7+s4], $0x400, $0x38;
	[tilespmem:$0x10700] =	vst v63  }
0x208: {  	s10 =	sadd.s32 $0x7A1400, s6  }
0x209: {  	s7 =	sshrl.u32 s10, $0x3  }
0x20a: {  	(v2sf) =	vpush v34, $0x1;
	s10 =	simm.s32 $0x8900;
	s7 =	sadd.s32 s2, s7  }
0x20b: {  	[tilespmem:s10], [sflag:$0x1] =	stream.linear.gather [hbm4b:s7+s4], $0x400, $0x38;
	[tilespmem:$0x10700] =	vst v63  }
0x20c: {  	s10 =	sadd.s32 $0xF42800, s5  }
0x20d: {  	s7 =	sshrl.u32 s10, $0x3  }
0x20e: {  	s10 =	simm.s32 $0xD00;
	s7 =	sadd.s32 s1, s7  }
0x20f: {  	(v2sf) =	vpush v33, $0x1;
	[tilespmem:s10], [sflag:$0x1] =	stream.linear.gather [hbm4b:s7+s4], $0x400, $0x38;
	[tilespmem:$0x10700] =	vst v63  }
0x210: {  	s10 =	sadd.s32 $0xF42800, s6  }
0x211: {  	s5 =	sadd.s32 $0x16E3C00, s5;
	s7 =	sshrl.u32 s10, $0x3  }
0x212: {  	s5 =	sshrl.u32 s5, $0x3;
	s10 =	simm.s32 $0x8D00;
	s7 =	sadd.s32 s2, s7  }
0x213: {  	[tilespmem:s10], [sflag:$0x1] =	stream.linear.gather [hbm4b:s7+s4], $0x400, $0x38;
	[tilespmem:$0x10700] =	vst v63  }
0x214: {  	s5 =	sadd.s32 s1, s5;
	s10 =	simm.s32 $0x1100;
	s7 =	sadd.s32 $0x16E3C00, s6  }
0x215: {  	[tilespmem:s10], [sflag:$0x1] =	stream.linear.gather [hbm4b:s5+s4], $0x400, $0x38;
	[tilespmem:$0x10700] =	vst v63  }
0x216: {  	s5 =	sshrl.u32 s7, $0x3  }
0x217: {  	s10 =	simm.s32 $0x9100;
	s5 =	sadd.s32 s2, s5  }
0x218: {  	[tilespmem:s10], [sflag:$0x1] =	stream.linear.gather [hbm4b:s5+s4], $0x400, $0x38;
	[tilespmem:$0x10700] =	vst v63  }
0x219: {  	s5 =	spop (v2sf)  }
0x21a: {  	s7 =	sand.u32 $0x7F, s5  }
0x21b: {  	s10 =	sshra.s32 s5, $0x1F;
	p1 =	slt.s32 s5, $0x1;
	p2 =	sne.s32 s7, $0x0  }
0x21c: {  	s7 =	sshrl.u32 s10, $0x19;
	p0 =	por !p1, !p2  }
0x21d: {  	s6 =	simm.s32 $0x1;
	s5 =	sadd.s32 s7, s5;
	p0 =	por !p0, !p0  }
0x21e: {  	s7 =	spop (v2sf);
	s5 =	sshrl.u32 s5, $0x7;
	s6 =	simm.s32 @!p0 $0x0  }
0x21f: {  	s5 =	ssub.s32 s5, s6;
	s6 =	sand.u32 $0x7F, s7  }
0x220: {  	s10 =	sshra.s32 s7, $0x1F;
	p3 =	slt.s32 s7, $0x1;
	p4 =	sne.s32 s6, $0x0  }
0x221: {  	s10 =	sshrl.u32 s10, $0x19;
	s5 =	sshll.u32 s5, $0xA;
	p0 =	por !p3, !p4  }
0x222: {  	s6 =	sadd.s32 s10, s7;
	s7 =	simm.s32 $0x1;
	p0 =	por !p0, !p0  }
0x223: {  	s6 =	sshrl.u32 s6, $0x7;
	s10 =	sshrl.u32 s5, $0x3;
	s7 =	simm.s32 @!p0 $0x0  }
0x224: {  	s6 =	ssub.s32 s6, s7;
	s7 =	sadd.s32 s1, s10;
	s10 =	simm.s32 $0x1500  }
0x225: {  	[tilespmem:s10], [sflag:$0x1] =	stream.linear.gather [hbm4b:s7+s4], $0x400, $0x38;
	[tilespmem:$0x10700] =	vst v63  }
0x226: {  	s6 =	sshll.u32 s6, $0xA  }
0x227: {  	s10 =	sshrl.u32 s6, $0x3  }
0x228: {  	s7 =	sadd.s32 s2, s10;
	s10 =	simm.s32 $0x9500  }
0x229: {  	[tilespmem:s10], [sflag:$0x1] =	stream.linear.gather [hbm4b:s7+s4], $0x400, $0x38;
	[tilespmem:$0x10700] =	vst v63  }
0x22a: {  	s10 =	sadd.s32 $0x7A1400, s5  }
0x22b: {  	s7 =	sshrl.u32 s10, $0x3  }
0x22c: {  	s10 =	simm.s32 $0x1900;
	s7 =	sadd.s32 s1, s7  }
0x22d: {  	[tilespmem:s10], [sflag:$0x1] =	stream.linear.gather [hbm4b:s7+s4], $0x400, $0x38;
	[tilespmem:$0x10700] =	vst v63  }
0x22e: {  	s10 =	sadd.s32 $0x7A1400, s6  }
0x22f: {  	s7 =	sshrl.u32 s10, $0x3  }
0x230: {  	(v2sf) =	vpush v34, $0x2;
	s10 =	simm.s32 $0x9900;
	s7 =	sadd.s32 s2, s7  }
0x231: {  	[tilespmem:s10], [sflag:$0x1] =	stream.linear.gather [hbm4b:s7+s4], $0x400, $0x38;
	[tilespmem:$0x10700] =	vst v63  }
0x232: {  	s10 =	sadd.s32 $0xF42800, s5  }
0x233: {  	s7 =	sshrl.u32 s10, $0x3  }
0x234: {  	s10 =	simm.s32 $0x1D00;
	s7 =	sadd.s32 s1, s7  }
0x235: {  	(v2sf) =	vpush v33, $0x2;
	[tilespmem:s10], [sflag:$0x1] =	stream.linear.gather [hbm4b:s7+s4], $0x400, $0x38;
	[tilespmem:$0x10700] =	vst v63  }
0x236: {  	s10 =	sadd.s32 $0xF42800, s6  }
0x237: {  	s5 =	sadd.s32 $0x16E3C00, s5;
	s7 =	sshrl.u32 s10, $0x3  }
0x238: {  	s5 =	sshrl.u32 s5, $0x3;
	s10 =	simm.s32 $0x9D00;
	s7 =	sadd.s32 s2, s7  }
0x239: {  	[tilespmem:s10], [sflag:$0x1] =	stream.linear.gather [hbm4b:s7+s4], $0x400, $0x38;
	[tilespmem:$0x10700] =	vst v63  }
0x23a: {  	s5 =	sadd.s32 s1, s5;
	s10 =	simm.s32 $0x2100;
	s7 =	sadd.s32 $0x16E3C00, s6  }
0x23b: {  	[tilespmem:s10], [sflag:$0x1] =	stream.linear.gather [hbm4b:s5+s4], $0x400, $0x38;
	[tilespmem:$0x10700] =	vst v63  }
0x23c: {  	s5 =	sshrl.u32 s7, $0x3  }
0x23d: {  	s10 =	simm.s32 $0xA100;
	s5 =	sadd.s32 s2, s5  }
0x23e: {  	[tilespmem:s10], [sflag:$0x1] =	stream.linear.gather [hbm4b:s5+s4], $0x400, $0x38;
	[tilespmem:$0x10700] =	vst v63  }
0x23f: {  	s5 =	spop (v2sf)  }
0x240: {  	s7 =	sand.u32 $0x7F, s5  }
0x241: {  	s10 =	sshra.s32 s5, $0x1F;
	p5 =	slt.s32 s5, $0x1;
	p6 =	sne.s32 s7, $0x0  }
0x242: {  	s7 =	sshrl.u32 s10, $0x19;
	p0 =	por !p5, !p6  }
0x243: {  	s6 =	simm.s32 $0x1;
	s5 =	sadd.s32 s7, s5;
	p0 =	por !p0, !p0  }
0x244: {  	s7 =	spop (v2sf);
	s5 =	sshrl.u32 s5, $0x7;
	s6 =	simm.s32 @!p0 $0x0  }
0x245: {  	s5 =	ssub.s32 s5, s6;
	s6 =	sand.u32 $0x7F, s7  }
0x246: {  	s10 =	sshra.s32 s7, $0x1F;
	p1 =	slt.s32 s7, $0x1;
	p2 =	sne.s32 s6, $0x0  }
0x247: {  	s10 =	sshrl.u32 s10, $0x19;
	s5 =	sshll.u32 s5, $0xA;
	p0 =	por !p1, !p2  }
0x248: {  	s6 =	sadd.s32 s10, s7;
	s7 =	simm.s32 $0x1;
	p0 =	por !p0, !p0  }
0x249: {  	s6 =	sshrl.u32 s6, $0x7;
	s10 =	sshrl.u32 s5, $0x3;
	s7 =	simm.s32 @!p0 $0x0  }
0x24a: {  	s6 =	ssub.s32 s6, s7;
	s7 =	sadd.s32 s1, s10;
	s10 =	simm.s32 $0x2500  }
0x24b: {  	[tilespmem:s10], [sflag:$0x1] =	stream.linear.gather [hbm4b:s7+s4], $0x400, $0x38;
	[tilespmem:$0x10700] =	vst v63  }
0x24c: {  	s6 =	sshll.u32 s6, $0xA  }
0x24d: {  	s10 =	sshrl.u32 s6, $0x3  }
0x24e: {  	s7 =	sadd.s32 s2, s10;
	s10 =	simm.s32 $0xA500  }
0x24f: {  	[tilespmem:s10], [sflag:$0x1] =	stream.linear.gather [hbm4b:s7+s4], $0x400, $0x38;
	[tilespmem:$0x10700] =	vst v63  }
0x250: {  	s10 =	sadd.s32 $0x7A1400, s5  }
0x251: {  	s7 =	sshrl.u32 s10, $0x3  }
0x252: {  	s10 =	simm.s32 $0x2900;
	s7 =	sadd.s32 s1, s7  }
0x253: {  	(v2sf) =	vpush v34, $0x3;
	[tilespmem:s10], [sflag:$0x1] =	stream.linear.gather [hbm4b:s7+s4], $0x400, $0x38;
	[tilespmem:$0x10700] =	vst v63  }
0x254: {  	s10 =	sadd.s32 $0x7A1400, s6  }
0x255: {  	s7 =	sshrl.u32 s10, $0x3  }
0x256: {  	s10 =	simm.s32 $0xA900;
	s7 =	sadd.s32 s2, s7  }
0x257: {  	[tilespmem:s10], [sflag:$0x1] =	stream.linear.gather [hbm4b:s7+s4], $0x400, $0x38;
	[tilespmem:$0x10700] =	vst v63  }
0x258: {  	s10 =	sadd.s32 $0xF42800, s5  }
0x259: {  	(v2sf) =	vpush v33, $0x3;
	s7 =	sshrl.u32 s10, $0x3  }
0x25a: {  	s10 =	simm.s32 $0x2D00;
	s7 =	sadd.s32 s1, s7  }
0x25b: {  	[tilespmem:s10], [sflag:$0x1] =	stream.linear.gather [hbm4b:s7+s4], $0x400, $0x38;
	[tilespmem:$0x10700] =	vst v63  }
0x25c: {  	s10 =	sadd.s32 $0xF42800, s6  }
0x25d: {  	s5 =	sadd.s32 $0x16E3C00, s5;
	s7 =	sshrl.u32 s10, $0x3  }
0x25e: {  	s5 =	sshrl.u32 s5, $0x3;
	s10 =	simm.s32 $0xAD00;
	s7 =	sadd.s32 s2, s7  }
0x25f: {  	[tilespmem:s10], [sflag:$0x1] =	stream.linear.gather [hbm4b:s7+s4], $0x400, $0x38;
	[tilespmem:$0x10700] =	vst v63  }
0x260: {  	s5 =	sadd.s32 s1, s5;
	s10 =	simm.s32 $0x3100;
	s7 =	sadd.s32 $0x16E3C00, s6  }
0x261: {  	[tilespmem:s10], [sflag:$0x1] =	stream.linear.gather [hbm4b:s5+s4], $0x400, $0x38;
	[tilespmem:$0x10700] =	vst v63  }
0x262: {  	s6 =	spop (v2sf);
	s5 =	sshrl.u32 s7, $0x3  }
0x263: {  	s10 =	simm.s32 $0xB100;
	s7 =	sand.u32 $0x7F, s6;
	s5 =	sadd.s32 s2, s5  }
0x264: {  	[tilespmem:s10], [sflag:$0x1] =	stream.linear.gather [hbm4b:s5+s4], $0x400, $0x38;
	[tilespmem:$0x10700] =	vst v63  }
0x265: {  	p3 =	slt.s32 s6, $0x1;
	p4 =	sne.s32 s7, $0x0;
	s10 =	sshra.s32 s6, $0x1F  }
0x266: {  	p0 =	por !p3, !p4;
	s7 =	sshrl.u32 s10, $0x19  }
0x267: {  	p0 =	por !p0, !p0;
	s5 =	sadd.s32 s7, s6;
	s6 =	simm.s32 $0x1  }
0x268: {  	s7 =	spop (v2sf);
	s5 =	sshrl.u32 s5, $0x7;
	s6 =	simm.s32 @!p0 $0x0  }
0x269: {  	s5 =	ssub.s32 s5, s6;
	s6 =	sand.u32 $0x7F, s7  }
0x26a: {  	s10 =	sshra.s32 s7, $0x1F;
	p5 =	slt.s32 s7, $0x1;
	p6 =	sne.s32 s6, $0x0  }
0x26b: {  	s10 =	sshrl.u32 s10, $0x19;
	s5 =	sshll.u32 s5, $0xA;
	p0 =	por !p5, !p6  }
0x26c: {  	s6 =	sadd.s32 s10, s7;
	s7 =	simm.s32 $0x1;
	p0 =	por !p0, !p0  }
0x26d: {  	s6 =	sshrl.u32 s6, $0x7;
	s10 =	sshrl.u32 s5, $0x3;
	s7 =	simm.s32 @!p0 $0x0  }
0x26e: {  	s6 =	ssub.s32 s6, s7;
	s7 =	sadd.s32 s1, s10;
	s10 =	simm.s32 $0x3500  }
0x26f: {  	[tilespmem:s10], [sflag:$0x1] =	stream.linear.gather [hbm4b:s7+s4], $0x400, $0x38;
	[tilespmem:$0x10700] =	vst v63  }
0x270: {  	s6 =	sshll.u32 s6, $0xA  }
0x271: {  	s10 =	sshrl.u32 s6, $0x3  }
0x272: {  	s7 =	sadd.s32 s2, s10;
	s10 =	simm.s32 $0xB500  }
0x273: {  	[tilespmem:s10], [sflag:$0x1] =	stream.linear.gather [hbm4b:s7+s4], $0x400, $0x38;
	[tilespmem:$0x10700] =	vst v63  }
0x274: {  	s10 =	sadd.s32 $0x7A1400, s5  }
0x275: {  	s7 =	sshrl.u32 s10, $0x3  }
0x276: {  	s10 =	simm.s32 $0x3900;
	s7 =	sadd.s32 s1, s7  }
0x277: {  	[tilespmem:s10], [sflag:$0x1] =	stream.linear.gather [hbm4b:s7+s4], $0x400, $0x38;
	[tilespmem:$0x10700] =	vst v63  }
0x278: {  	s10 =	sadd.s32 $0x7A1400, s6  }
0x279: {  	s7 =	sshrl.u32 s10, $0x3  }
0x27a: {  	s10 =	simm.s32 $0xB900;
	s7 =	sadd.s32 s2, s7  }
0x27b: {  	[tilespmem:s10], [sflag:$0x1] =	stream.linear.gather [hbm4b:s7+s4], $0x400, $0x38;
	[tilespmem:$0x10700] =	vst v63  }
0x27c: {  	s10 =	sadd.s32 $0xF42800, s5  }
0x27d: {  	s7 =	sshrl.u32 s10, $0x3  }
0x27e: {  	s10 =	simm.s32 $0x3D00;
	s7 =	sadd.s32 s1, s7  }
0x27f: {  	[tilespmem:s10], [sflag:$0x1] =	stream.linear.gather [hbm4b:s7+s4], $0x400, $0x38;
	[tilespmem:$0x10700] =	vst v63  }
0x280: {  	s5 =	sadd.s32 $0x16E3C00, s5;
	s10 =	sadd.s32 $0xF42800, s6  }
0x281: {  	s5 =	sshrl.u32 s5, $0x3;
	s7 =	sshrl.u32 s10, $0x3  }
0x282: {  	s5 =	sadd.s32 s1, s5;
	s10 =	simm.s32 $0xBD00;
	s7 =	sadd.s32 s2, s7  }
0x283: {  	[tilespmem:s10], [sflag:$0x1] =	stream.linear.gather [hbm4b:s7+s4], $0x400, $0x38;
	[tilespmem:$0x10700] =	vst v63  }
.Ltmp5:
0x284: {  	s10 =	simm.s32 $0x4100;
	s7 =	sadd.s32 $0x16E3C00, s6;
	(pc) =	sbr.rel .LBB2_4-.Ltmp5, $4  }
0x285: {  	[tilespmem:s10], [sflag:$0x1] =	stream.linear.gather [hbm4b:s5+s4], $0x400, $0x38;
	[tilespmem:$0x10700] =	vst v63  }
0x286: {  	s5 =	sshrl.u32 s7, $0x3  }
0x287: {  	s10 =	simm.s32 $0xC100;
	s5 =	sadd.s32 s2, s5  }
0x288: {  	[tilespmem:s10], [sflag:$0x1] =	stream.linear.gather [hbm4b:s5+s4], $0x400, $0x38;
	[tilespmem:$0x10700] =	vst v63  }
.LBB2_6:
0x289: {  	_ =	sfence.sel $0x180000  }
0x28a: {  	[bflag:$0x0] =	sbarrier.arrive $0xFFFF  }
0x28b: {  	_ =	strace $0x90000047  }
0x28c: {  	s0 =	stileid.u32;
	[bflag:$0x2] =	sbarrier.arrive $0xFFFF  }
0x28d: {  	p0 =	sne.s32 s0, $0x0;
	s0 =	rddreg [dreg:$0x5]  }
0x28e: {  	s0 =	sadd.s32 @!p0 $0x100000, s0  }
0x28f: {  	[sflag:s0] =	ssyncadd.tile.s32 @!p0 $0x1;
	_ =	shalt  }
.Lfunc_end2:
_tile_overlayer_lowered:
.L_overlay_start_2:
0x290: {  	(tag) =	ssettag $0x2  }
0x291: {  	s0 =	rddreg [dreg:$0x0];
	s2 =	stileid.u32  }
0x292: {  	s1 =	rddreg [dreg:$0x1];
	p0 =	sne.s32 s2, $0x0  }
0x293: {  	s3 =	rddreg [dreg:$0x2];
	[bflag:$0x3] =	sbarrier.arrive $0xFFFF;
	s2 =	simm.s32 @!p0 $0x1C02  }
0x294: {  	[timem:s3], [sflag:s2] =	dma.local @!p0 [hbm:s0], s1  }
0x295: {  	s0 =	simm.s32 @!p0 $0x2  }
0x296: {  	_ =	swait.ge @!p0 [sflag:s0], s1  }
0x297: {  	s1 =	ssub.s32 @!p0 $0x0, s1;
	[sflag:s0] =	ssyncset.done @!p0 $0x0  }
0x298: {  	[sflag:s0] =	ssyncadd.s32 @!p0 s1  }
0x299: {  	[bflag:$0x3] =	sbarrier.arrive $0xFFFF  }
0x29a: {  	_ =	shalt  }

</sc_bundles>
